<compile_context>
chip_gen: v7x
topology: tpu7x:2x2x1
jax: 0.10.2.dev20260603
libtpu: 0.0.44.dev20260713+nightly
codegen_flags: <defaults>
</compile_context>

<pallas_src>
import functools

import jax
import jax.numpy as jnp
from jax import lax
from jax.experimental import pallas as pl
from jax.experimental.pallas import tpu as pltpu
from jax.experimental.pallas import tpu_sc as plsc

DIM = 33
NLUT = 3 * DIM * DIM * DIM
L = 16

_CORNER_OFF = (0, 1, DIM, DIM + 1, DIM * DIM, DIM * DIM + 1,
               DIM * DIM + DIM, DIM * DIM + DIM + 1)


@functools.lru_cache(maxsize=None)
def _build(B, H, W):
    NC, NS = 2, 16
    NW = NC * NS
    rows_per_w = (B * H) // NW
    R = 2
    n_chunks = rows_per_w // R
    n_half = n_chunks // 2
    n_vec = W // L
    workers_per_batch = NW // B

    mesh = plsc.VectorSubcoreMesh(core_axis_name="c", subcore_axis_name="s")

    @functools.partial(
        pl.kernel,
        mesh=mesh,
        out_type=jax.ShapeDtypeStruct((B * 3, H, W), jnp.float32),
        compiler_params=pltpu.CompilerParams(needs_layout_passes=False),
        scratch_types=[
            pltpu.VMEM((NLUT,), jnp.float32),
            pltpu.VMEM((3, R, W), jnp.float32),
            pltpu.VMEM((3, R, W), jnp.float32),
            pltpu.VMEM((3, R, W), jnp.float32),
            pltpu.VMEM((3, R, W), jnp.float32),
            pltpu.SemaphoreType.DMA,
            pltpu.SemaphoreType.DMA,
            pltpu.SemaphoreType.DMA,
            pltpu.SemaphoreType.DMA,
        ],
    )
    def lut3d(x_hbm, lut_hbm, out_hbm, lut_v, in0, in1, out0, out1,
              sem_i0, sem_i1, sem_o0, sem_o1):
        wid = lax.axis_index("s") * NC + lax.axis_index("c")
        pltpu.sync_copy(lut_hbm, lut_v)
        b = wid // workers_per_batch
        row_base = (wid % workers_per_batch) * rows_per_w
        plane0 = b * 3

        def start_in(ch, buf, sem):
            r0 = row_base + ch * R
            for c in range(3):
                pltpu.async_copy(x_hbm.at[plane0 + c, pl.ds(r0, R), :],
                                 buf.at[c], sem)

        def wait_in(ch, buf, sem):
            r0 = row_base + ch * R
            for c in range(3):
                pltpu.make_async_copy(
                    x_hbm.at[plane0 + c, pl.ds(r0, R), :],
                    buf.at[c], sem).wait()

        def start_out(ch, buf, sem):
            r0 = row_base + ch * R
            for c in range(3):
                pltpu.async_copy(buf.at[c],
                                 out_hbm.at[plane0 + c, pl.ds(r0, R), :], sem)

        def drain_out(ch, buf, sem):
            r0 = row_base + ch * R
            for c in range(3):
                pltpu.make_async_copy(
                    buf.at[c],
                    out_hbm.at[plane0 + c, pl.ds(r0, R), :], sem).wait()

        def compute(in_buf, out_buf):
            @plsc.parallel_loop(0, n_vec, unroll=8)
            def vec_body(i):
                s = i * L
                for row in range(R):
                    sr = in_buf[0, row, pl.ds(s, L)] * float(DIM - 1)
                    sg = in_buf[1, row, pl.ds(s, L)] * float(DIM - 1)
                    sb = in_buf[2, row, pl.ds(s, L)] * float(DIM - 1)
                    ir = jnp.minimum(sr.astype(jnp.int32), DIM - 2)
                    ig = jnp.minimum(sg.astype(jnp.int32), DIM - 2)
                    ib = jnp.minimum(sb.astype(jnp.int32), DIM - 2)
                    fr = sr - ir.astype(jnp.float32)
                    fg = sg - ig.astype(jnp.float32)
                    fb = sb - ib.astype(jnp.float32)
                    gr0 = 1.0 - fr
                    gg0 = 1.0 - fg
                    gb0 = 1.0 - fb
                    pg0b0 = gg0 * gb0
                    pg1b0 = fg * gb0
                    pg0b1 = gg0 * fb
                    pg1b1 = fg * fb
                    ws = (gr0 * pg0b0, fr * pg0b0, gr0 * pg1b0, fr * pg1b0,
                          gr0 * pg0b1, fr * pg0b1, gr0 * pg1b1, fr * pg1b1)
                    base_i = ib * (DIM * DIM) + ig * DIM + ir
                    for c in range(3):
                        cb = base_i if c == 0 else base_i + c * (DIM ** 3)
                        v = [plsc.load_gather(lut_v, [cb + off]) if off else
                             plsc.load_gather(lut_v, [cb])
                             for off in _CORNER_OFF]
                        t0 = ws[0] * v[0] + ws[1] * v[1]
                        t1 = ws[2] * v[2] + ws[3] * v[3]
                        t2 = ws[4] * v[4] + ws[5] * v[5]
                        t3 = ws[6] * v[6] + ws[7] * v[7]
                        out_buf[c, row, pl.ds(s, L)] = (t0 + t1) + (t2 + t3)

        start_in(0, in0, sem_i0)

        def half_body(h, carry):
            a = 2 * h
            start_in(a + 1, in1, sem_i1)
            wait_in(a, in0, sem_i0)

            @pl.when(h > 0)
            def _():
                drain_out(a - 2, out0, sem_o0)

            compute(in0, out0)
            start_out(a, out0, sem_o0)

            @pl.when(h + 1 < n_half)
            def _():
                start_in(a + 2, in0, sem_i0)

            wait_in(a + 1, in1, sem_i1)

            @pl.when(h > 0)
            def _():
                drain_out(a - 1, out1, sem_o1)

            compute(in1, out1)
            start_out(a + 1, out1, sem_o1)
            return carry

        lax.fori_loop(0, n_half, half_body, 0)
        drain_out(n_chunks - 2, out0, sem_o0)
        drain_out(n_chunks - 1, out1, sem_o1)

    return lut3d


def kernel(x, lut):
    B, C, H, W = x.shape
    out = _build(B, H, W)(x.reshape(B * C, H, W), lut.reshape(-1))
    return out.reshape(B, C, H, W)

# --- scband reference (transcript-rebuilt; emitter-appended) ---
"""Pipeline reference for scband-look-up-table3-d-7851200217541 (READ-ONLY COPY).

The authoritative reference and input builder live on the scoring server;
editing this copy changes nothing except your own understanding.
"""

import jax, jax.numpy as jnp
import numpy as np

DIM = 33

def setup_inputs(seed: int = 0) -> dict:
    key = jax.random.key(seed)
    kx, kl = jax.random.split(key)
    # Input image in [0, 1], shape [B, 3, H, W]
    x = jax.random.uniform(kx, (8, 3, 512, 512), dtype=jnp.float32)
    # Learned/loaded 3D LUT buffer, shape [3, DIM, DIM, DIM] (stands in for np.load(lut_path))
    lut = jax.random.normal(kl, (3, DIM, DIM, DIM), dtype=jnp.float32)
    return {"x": x, "lut": lut}

def reference(x, lut):
    # Trilinear interpolation of a 3D color LUT, faithful to the CUDA
    # TrilinearInterpolation kernel used by LookUpTable3D:
    #   flat index = b_id*dim*dim + g_id*dim + r_id  => lut layout [c, b, g, r]
    dim = lut.shape[1]
    scaled = x * (dim - 1)
    idx0 = jnp.clip(jnp.floor(scaled), 0, dim - 2).astype(jnp.int32)
    frac = scaled - idx0.astype(jnp.float32)
    r0 = idx0[:, 0]; g0 = idx0[:, 1]; b0 = idx0[:, 2]
    fr = frac[:, 0]; fg = frac[:, 1]; fb = frac[:, 2]
    r1 = r0 + 1; g1 = g0 + 1; b1 = b0 + 1

    def corner(bi, gi, ri):
        # gather 8 LUT corners for all 3 output channels -> [3, B, H, W]
        return lut[:, bi, gi, ri]

    c000 = corner(b0, g0, r0)
    c100 = corner(b0, g0, r1)
    c010 = corner(b0, g1, r0)
    c001 = corner(b1, g0, r0)
    c110 = corner(b0, g1, r1)
    c101 = corner(b1, g0, r1)
    c011 = corner(b1, g1, r0)
    c111 = corner(b1, g1, r1)

    w000 = (1 - fr) * (1 - fg) * (1 - fb)
    w100 = fr * (1 - fg) * (1 - fb)
    w010 = (1 - fr) * fg * (1 - fb)
    w001 = (1 - fr) * (1 - fg) * fb
    w110 = fr * fg * (1 - fb)
    w101 = fr * (1 - fg) * fb
    w011 = (1 - fr) * fg * fb
    w111 = fr * fg * fb

    out = (c000 * w000 + c100 * w100 + c010 * w010 + c001 * w001 +
           c110 * w110 + c101 * w101 + c011 * w011 + c111 * w111)
    # [3, B, H, W] -> [B, 3, H, W]
    return jnp.swapaxes(out, 0, 1)

if __name__ == "__main__":
    import jax
    _d = setup_inputs()
    print(jax.jit(kernel)(*tuple(_d.values())))

</pallas_src>

<mosaic_0001>
#map = affine_map<(d0, d1) -> (0, 0, 0)>
#map1 = affine_map<(d0, d1) -> (0)>
module attributes {stable_mosaic.version = 14 : i64} {
  func.func @lut3d(%arg0: i32, %arg1: i32, %arg2: memref<24x512x512xf32, #tpu.memory_space<hbm>>, %arg3: memref<107811xf32, #tpu.memory_space<hbm>>, %arg4: memref<24x512x512xf32, #tpu.memory_space<hbm>>, %arg5: memref<107811xf32, #tpu.memory_space<vmem>>, %arg6: memref<3x2x512xf32, #tpu.memory_space<vmem>>, %arg7: memref<3x2x512xf32, #tpu.memory_space<vmem>>, %arg8: memref<3x2x512xf32, #tpu.memory_space<vmem>>, %arg9: memref<3x2x512xf32, #tpu.memory_space<vmem>>, %arg10: memref<!tpu.dma_semaphore, #tpu.memory_space<semaphore_mem>>, %arg11: memref<!tpu.dma_semaphore, #tpu.memory_space<semaphore_mem>>, %arg12: memref<!tpu.dma_semaphore, #tpu.memory_space<semaphore_mem>>, %arg13: memref<!tpu.dma_semaphore, #tpu.memory_space<semaphore_mem>>) attributes {dimension_semantics = [#tpu.dimension_semantics<core_parallel>, #tpu.dimension_semantics<subcore_parallel>], iteration_bounds = array<i64: 2, 16>, scalar_prefetch = 0 : i64, scratch_operands = 9 : i64, tpu.core_type = #tpu.core_type<sc_vector_subcore>, window_params = [{transform_indices = #map}, {transform_indices = #map1}, {transform_indices = #map}]} {
    %mul3A = arith.constant 2 : i32
    %mul3A_0 = arith.muli %arg1, %mul3A : i32
    %add3A = arith.addi %mul3A_0, %arg0 : i32
    "tpu.region"() ({
      %run_scoped3A = tpu.sem_alloc : memref<!tpu.dma_semaphore, #tpu.memory_space<semaphore_mem>>
      tpu.enqueue_dma source(%arg3 : memref<107811xf32, #tpu.memory_space<hbm>>) target(%arg5 : memref<107811xf32, #tpu.memory_space<vmem>>) target_semaphore(%run_scoped3A : memref<!tpu.dma_semaphore, #tpu.memory_space<semaphore_mem>>)
      tpu.wait_dma2 semaphore(%run_scoped3A : memref<!tpu.dma_semaphore, #tpu.memory_space<semaphore_mem>>) src(%arg3 : memref<107811xf32, #tpu.memory_space<hbm>>) dst(%arg5 : memref<107811xf32, #tpu.memory_space<vmem>>)
      tpu.yield
    }) : () -> ()
    %jit3A = arith.constant 4 : i32
    %div3A = arith.divsi %add3A, %jit3A : i32
    %sign3A = arith.constant 0 : i32
    %sign3A_1 = arith.cmpi sgt, %add3A, %sign3A : i32
    %sign3A_2 = arith.extui %sign3A_1 : i1 to i32
    %sign3A_3 = arith.constant 0 : i32
    %sign3A_4 = arith.cmpi slt, %add3A, %sign3A_3 : i32
    %sign3A_5 = arith.extui %sign3A_4 : i1 to i32
    %sign3A_6 = arith.subi %sign3A_2, %sign3A_5 : i32
    %sign3A_7 = arith.constant 0 : i32
    %sign3A_8 = arith.cmpi sgt, %jit3A, %sign3A_7 : i32
    %sign3A_9 = arith.extui %sign3A_8 : i1 to i32
    %sign3A_10 = arith.constant 0 : i32
    %sign3A_11 = arith.cmpi slt, %jit3A, %sign3A_10 : i32
    %sign3A_12 = arith.extui %sign3A_11 : i1 to i32
    %sign3A_13 = arith.subi %sign3A_9, %sign3A_12 : i32
    %ne3A = arith.cmpi ne, %sign3A_6, %sign3A_13 : i32
    %rem3A = arith.remsi %add3A, %jit3A : i32
    %ne3A_14 = arith.constant 0 : i32
    %ne3A_15 = arith.cmpi ne, %rem3A, %ne3A_14 : i32
    %and3A = arith.andi %ne3A, %ne3A_15 : i1
    %sub3A = arith.constant 1 : i32
    %sub3A_16 = arith.subi %div3A, %sub3A : i32
    %select_n3A = arith.select %and3A, %sub3A_16, %div3A : i32
    %jit3A_17 = arith.constant 4 : i32
    %eq3A = arith.constant 0 : i32
    %eq3A_18 = arith.cmpi eq, %jit3A_17, %eq3A : i32
    %jit3A_19 = arith.constant 1 : i32
    %select_n3A_20 = arith.select %eq3A_18, %jit3A_19, %jit3A_17 : i32
    %rem3A_21 = arith.remsi %add3A, %select_n3A_20 : i32
    %ne3A_22 = arith.constant 0 : i32
    %ne3A_23 = arith.cmpi ne, %rem3A_21, %ne3A_22 : i32
    %lt3A = arith.constant 0 : i32
    %lt3A_24 = arith.cmpi slt, %rem3A_21, %lt3A : i32
    %lt3A_25 = arith.constant 0 : i32
    %lt3A_26 = arith.cmpi slt, %select_n3A_20, %lt3A_25 : i32
    %ne3A_27 = arith.xori %lt3A_24, %lt3A_26 : i1
    %and3A_28 = arith.andi %ne3A_27, %ne3A_23 : i1
    %add3A_29 = arith.addi %rem3A_21, %select_n3A_20 : i32
    %select_n3A_30 = arith.select %and3A_28, %add3A_29, %rem3A_21 : i32
    %mul3A_31 = arith.constant 128 : i32
    %mul3A_32 = arith.muli %select_n3A_30, %mul3A_31 : i32
    %mul3A_33 = arith.constant 3 : i32
    %mul3A_34 = arith.muli %select_n3A, %mul3A_33 : i32
    %add3A_35 = arith.constant 0 : i32
    %add3A_36 = arith.addi %mul3A_32, %add3A_35 : i32
    %add3A_37 = arith.constant 0 : i32
    %add3A_38 = arith.addi %mul3A_34, %add3A_37 : i32
    %dma_start3A = arith.constant 0 : i32
    %dma_start3A_39 = arith.constant 0 : i32
    %dma_start3A_40 = arith.constant 0 : i32
    %dma_start3A_41 = tpu.memref_slice %arg6[%dma_start3A, %dma_start3A_39, %dma_start3A_40] : memref<3x2x512xf32, #tpu.memory_space<vmem>> -> memref<1x2x512xf32, #tpu.memory_space<vmem>>
    %dma_start3A_42 = tpu.memref_squeeze %dma_start3A_41 : memref<1x2x512xf32, #tpu.memory_space<vmem>> -> memref<2x512xf32, #tpu.memory_space<vmem>>
    %dma_start3A_43 = arith.constant 0 : i32
    %dma_start3A_44 = tpu.memref_slice %arg2[%add3A_38, %add3A_36, %dma_start3A_43] : memref<24x512x512xf32, #tpu.memory_space<hbm>> -> memref<1x2x512xf32, #tpu.memory_space<hbm>>
    %dma_start3A_45 = tpu.memref_squeeze %dma_start3A_44 : memref<1x2x512xf32, #tpu.memory_space<hbm>> -> memref<2x512xf32, #tpu.memory_space<hbm>>
    %dma_start3A_46 = arith.constant 0 : i32
    %dma_start3A_47 = arith.constant 0 : i32
    %dma_start3A_48 = tpu.memref_slice %arg6[%dma_start3A, %dma_start3A_46, %dma_start3A_47] : memref<3x2x512xf32, #tpu.memory_space<vmem>> -> memref<1x2x512xf32, #tpu.memory_space<vmem>>
    %dma_start3A_49 = tpu.memref_squeeze %dma_start3A_48 : memref<1x2x512xf32, #tpu.memory_space<vmem>> -> memref<2x512xf32, #tpu.memory_space<vmem>>
    %dma_start3A_50 = arith.constant 0 : i32
    %dma_start3A_51 = tpu.memref_slice %arg2[%add3A_38, %add3A_36, %dma_start3A_50] : memref<24x512x512xf32, #tpu.memory_space<hbm>> -> memref<1x2x512xf32, #tpu.memory_space<hbm>>
    %dma_start3A_52 = tpu.memref_squeeze %dma_start3A_51 : memref<1x2x512xf32, #tpu.memory_space<hbm>> -> memref<2x512xf32, #tpu.memory_space<hbm>>
    tpu.enqueue_dma source(%dma_start3A_52 : memref<2x512xf32, #tpu.memory_space<hbm>>) target(%dma_start3A_49 : memref<2x512xf32, #tpu.memory_space<vmem>>) target_semaphore(%arg10 : memref<!tpu.dma_semaphore, #tpu.memory_space<semaphore_mem>>)
    %add3A_53 = arith.constant 1 : i32
    %add3A_54 = arith.addi %mul3A_34, %add3A_53 : i32
    %dma_start3A_55 = arith.constant 1 : i32
    %dma_start3A_56 = arith.constant 0 : i32
    %dma_start3A_57 = arith.constant 0 : i32
    %dma_start3A_58 = tpu.memref_slice %arg6[%dma_start3A_55, %dma_start3A_56, %dma_start3A_57] : memref<3x2x512xf32, #tpu.memory_space<vmem>> -> memref<1x2x512xf32, #tpu.memory_space<vmem>>
    %dma_start3A_59 = tpu.memref_squeeze %dma_start3A_58 : memref<1x2x512xf32, #tpu.memory_space<vmem>> -> memref<2x512xf32, #tpu.memory_space<vmem>>
    %dma_start3A_60 = arith.constant 0 : i32
    %dma_start3A_61 = tpu.memref_slice %arg2[%add3A_54, %add3A_36, %dma_start3A_60] : memref<24x512x512xf32, #tpu.memory_space<hbm>> -> memref<1x2x512xf32, #tpu.memory_space<hbm>>
    %dma_start3A_62 = tpu.memref_squeeze %dma_start3A_61 : memref<1x2x512xf32, #tpu.memory_space<hbm>> -> memref<2x512xf32, #tpu.memory_space<hbm>>
    %dma_start3A_63 = arith.constant 0 : i32
    %dma_start3A_64 = arith.constant 0 : i32
    %dma_start3A_65 = tpu.memref_slice %arg6[%dma_start3A_55, %dma_start3A_63, %dma_start3A_64] : memref<3x2x512xf32, #tpu.memory_space<vmem>> -> memref<1x2x512xf32, #tpu.memory_space<vmem>>
    %dma_start3A_66 = tpu.memref_squeeze %dma_start3A_65 : memref<1x2x512xf32, #tpu.memory_space<vmem>> -> memref<2x512xf32, #tpu.memory_space<vmem>>
    %dma_start3A_67 = arith.constant 0 : i32
    %dma_start3A_68 = tpu.memref_slice %arg2[%add3A_54, %add3A_36, %dma_start3A_67] : memref<24x512x512xf32, #tpu.memory_space<hbm>> -> memref<1x2x512xf32, #tpu.memory_space<hbm>>
    %dma_start3A_69 = tpu.memref_squeeze %dma_start3A_68 : memref<1x2x512xf32, #tpu.memory_space<hbm>> -> memref<2x512xf32, #tpu.memory_space<hbm>>
    tpu.enqueue_dma source(%dma_start3A_69 : memref<2x512xf32, #tpu.memory_space<hbm>>) target(%dma_start3A_66 : memref<2x512xf32, #tpu.memory_space<vmem>>) target_semaphore(%arg10 : memref<!tpu.dma_semaphore, #tpu.memory_space<semaphore_mem>>)
    %add3A_70 = arith.constant 2 : i32
    %add3A_71 = arith.addi %mul3A_34, %add3A_70 : i32
    %dma_start3A_72 = arith.constant 2 : i32
    %dma_start3A_73 = arith.constant 0 : i32
    %dma_start3A_74 = arith.constant 0 : i32
    %dma_start3A_75 = tpu.memref_slice %arg6[%dma_start3A_72, %dma_start3A_73, %dma_start3A_74] : memref<3x2x512xf32, #tpu.memory_space<vmem>> -> memref<1x2x512xf32, #tpu.memory_space<vmem>>
    %dma_start3A_76 = tpu.memref_squeeze %dma_start3A_75 : memref<1x2x512xf32, #tpu.memory_space<vmem>> -> memref<2x512xf32, #tpu.memory_space<vmem>>
    %dma_start3A_77 = arith.constant 0 : i32
    %dma_start3A_78 = tpu.memref_slice %arg2[%add3A_71, %add3A_36, %dma_start3A_77] : memref<24x512x512xf32, #tpu.memory_space<hbm>> -> memref<1x2x512xf32, #tpu.memory_space<hbm>>
    %dma_start3A_79 = tpu.memref_squeeze %dma_start3A_78 : memref<1x2x512xf32, #tpu.memory_space<hbm>> -> memref<2x512xf32, #tpu.memory_space<hbm>>
    %dma_start3A_80 = arith.constant 0 : i32
    %dma_start3A_81 = arith.constant 0 : i32
    %dma_start3A_82 = tpu.memref_slice %arg6[%dma_start3A_72, %dma_start3A_80, %dma_start3A_81] : memref<3x2x512xf32, #tpu.memory_space<vmem>> -> memref<1x2x512xf32, #tpu.memory_space<vmem>>
    %dma_start3A_83 = tpu.memref_squeeze %dma_start3A_82 : memref<1x2x512xf32, #tpu.memory_space<vmem>> -> memref<2x512xf32, #tpu.memory_space<vmem>>
    %dma_start3A_84 = arith.constant 0 : i32
    %dma_start3A_85 = tpu.memref_slice %arg2[%add3A_71, %add3A_36, %dma_start3A_84] : memref<24x512x512xf32, #tpu.memory_space<hbm>> -> memref<1x2x512xf32, #tpu.memory_space<hbm>>
    %dma_start3A_86 = tpu.memref_squeeze %dma_start3A_85 : memref<1x2x512xf32, #tpu.memory_space<hbm>> -> memref<2x512xf32, #tpu.memory_space<hbm>>
    tpu.enqueue_dma source(%dma_start3A_86 : memref<2x512xf32, #tpu.memory_space<hbm>>) target(%dma_start3A_83 : memref<2x512xf32, #tpu.memory_space<vmem>>) target_semaphore(%arg10 : memref<!tpu.dma_semaphore, #tpu.memory_space<semaphore_mem>>)
    %scan3A = arith.constant 0 : i32
    %scan3A_87 = arith.constant 0 : i32
    %scan3A_88 = arith.constant 32 : i32
    %scan3A_89 = arith.addi %scan3A_87, %scan3A_88 : i32
    %scan3A_90 = arith.constant 1 : i32
    scf.for %scan3A_197 = %scan3A_87 to %scan3A_89 step %scan3A_90  : i32 {
      %mul3A_198 = arith.constant 2 : i32
      %mul3A_199 = arith.muli %mul3A_198, %scan3A_197 : i32
      %add3A_200 = arith.constant 1 : i32
      %add3A_201 = arith.addi %mul3A_199, %add3A_200 : i32
      %mul3A_202 = arith.constant 2 : i32
      %mul3A_203 = arith.muli %add3A_201, %mul3A_202 : i32
      %add3A_204 = arith.addi %mul3A_32, %mul3A_203 : i32
      %add3A_205 = arith.constant 0 : i32
      %add3A_206 = arith.addi %mul3A_34, %add3A_205 : i32
      %dma_start3A_207 = arith.constant 0 : i32
      %dma_start3A_208 = arith.constant 0 : i32
      %dma_start3A_209 = arith.constant 0 : i32
      %dma_start3A_210 = tpu.memref_slice %arg7[%dma_start3A_207, %dma_start3A_208, %dma_start3A_209] : memref<3x2x512xf32, #tpu.memory_space<vmem>> -> memref<1x2x512xf32, #tpu.memory_space<vmem>>
      %dma_start3A_211 = tpu.memref_squeeze %dma_start3A_210 : memref<1x2x512xf32, #tpu.memory_space<vmem>> -> memref<2x512xf32, #tpu.memory_space<vmem>>
      %dma_start3A_212 = arith.constant 0 : i32
      %dma_start3A_213 = tpu.memref_slice %arg2[%add3A_206, %add3A_204, %dma_start3A_212] : memref<24x512x512xf32, #tpu.memory_space<hbm>> -> memref<1x2x512xf32, #tpu.memory_space<hbm>>
      %dma_start3A_214 = tpu.memref_squeeze %dma_start3A_213 : memref<1x2x512xf32, #tpu.memory_space<hbm>> -> memref<2x512xf32, #tpu.memory_space<hbm>>
      %dma_start3A_215 = arith.constant 0 : i32
      %dma_start3A_216 = arith.constant 0 : i32
      %dma_start3A_217 = tpu.memref_slice %arg7[%dma_start3A_207, %dma_start3A_215, %dma_start3A_216] : memref<3x2x512xf32, #tpu.memory_space<vmem>> -> memref<1x2x512xf32, #tpu.memory_space<vmem>>
      %dma_start3A_218 = tpu.memref_squeeze %dma_start3A_217 : memref<1x2x512xf32, #tpu.memory_space<vmem>> -> memref<2x512xf32, #tpu.memory_space<vmem>>
      %dma_start3A_219 = arith.constant 0 : i32
      %dma_start3A_220 = tpu.memref_slice %arg2[%add3A_206, %add3A_204, %dma_start3A_219] : memref<24x512x512xf32, #tpu.memory_space<hbm>> -> memref<1x2x512xf32, #tpu.memory_space<hbm>>
      %dma_start3A_221 = tpu.memref_squeeze %dma_start3A_220 : memref<1x2x512xf32, #tpu.memory_space<hbm>> -> memref<2x512xf32, #tpu.memory_space<hbm>>
      tpu.enqueue_dma source(%dma_start3A_221 : memref<2x512xf32, #tpu.memory_space<hbm>>) target(%dma_start3A_218 : memref<2x512xf32, #tpu.memory_space<vmem>>) target_semaphore(%arg11 : memref<!tpu.dma_semaphore, #tpu.memory_space<semaphore_mem>>)
      %add3A_222 = arith.constant 1 : i32
      %add3A_223 = arith.addi %mul3A_34, %add3A_222 : i32
      %dma_start3A_224 = arith.constant 1 : i32
      %dma_start3A_225 = arith.constant 0 : i32
      %dma_start3A_226 = arith.constant 0 : i32
      %dma_start3A_227 = tpu.memref_slice %arg7[%dma_start3A_224, %dma_start3A_225, %dma_start3A_226] : memref<3x2x512xf32, #tpu.memory_space<vmem>> -> memref<1x2x512xf32, #tpu.memory_space<vmem>>
      %dma_start3A_228 = tpu.memref_squeeze %dma_start3A_227 : memref<1x2x512xf32, #tpu.memory_space<vmem>> -> memref<2x512xf32, #tpu.memory_space<vmem>>
      %dma_start3A_229 = arith.constant 0 : i32
      %dma_start3A_230 = tpu.memref_slice %arg2[%add3A_223, %add3A_204, %dma_start3A_229] : memref<24x512x512xf32, #tpu.memory_space<hbm>> -> memref<1x2x512xf32, #tpu.memory_space<hbm>>
      %dma_start3A_231 = tpu.memref_squeeze %dma_start3A_230 : memref<1x2x512xf32, #tpu.memory_space<hbm>> -> memref<2x512xf32, #tpu.memory_space<hbm>>
      %dma_start3A_232 = arith.constant 0 : i32
      %dma_start3A_233 = arith.constant 0 : i32
      %dma_start3A_234 = tpu.memref_slice %arg7[%dma_start3A_224, %dma_start3A_232, %dma_start3A_233] : memref<3x2x512xf32, #tpu.memory_space<vmem>> -> memref<1x2x512xf32, #tpu.memory_space<vmem>>
      %dma_start3A_235 = tpu.memref_squeeze %dma_start3A_234 : memref<1x2x512xf32, #tpu.memory_space<vmem>> -> memref<2x512xf32, #tpu.memory_space<vmem>>
      %dma_start3A_236 = arith.constant 0 : i32
      %dma_start3A_237 = tpu.memref_slice %arg2[%add3A_223, %add3A_204, %dma_start3A_236] : memref<24x512x512xf32, #tpu.memory_space<hbm>> -> memref<1x2x512xf32, #tpu.memory_space<hbm>>
      %dma_start3A_238 = tpu.memref_squeeze %dma_start3A_237 : memref<1x2x512xf32, #tpu.memory_space<hbm>> -> memref<2x512xf32, #tpu.memory_space<hbm>>
      tpu.enqueue_dma source(%dma_start3A_238 : memref<2x512xf32, #tpu.memory_space<hbm>>) target(%dma_start3A_235 : memref<2x512xf32, #tpu.memory_space<vmem>>) target_semaphore(%arg11 : memref<!tpu.dma_semaphore, #tpu.memory_space<semaphore_mem>>)
      %add3A_239 = arith.constant 2 : i32
      %add3A_240 = arith.addi %mul3A_34, %add3A_239 : i32
      %dma_start3A_241 = arith.constant 2 : i32
      %dma_start3A_242 = arith.constant 0 : i32
      %dma_start3A_243 = arith.constant 0 : i32
      %dma_start3A_244 = tpu.memref_slice %arg7[%dma_start3A_241, %dma_start3A_242, %dma_start3A_243] : memref<3x2x512xf32, #tpu.memory_space<vmem>> -> memref<1x2x512xf32, #tpu.memory_space<vmem>>
      %dma_start3A_245 = tpu.memref_squeeze %dma_start3A_244 : memref<1x2x512xf32, #tpu.memory_space<vmem>> -> memref<2x512xf32, #tpu.memory_space<vmem>>
      %dma_start3A_246 = arith.constant 0 : i32
      %dma_start3A_247 = tpu.memref_slice %arg2[%add3A_240, %add3A_204, %dma_start3A_246] : memref<24x512x512xf32, #tpu.memory_space<hbm>> -> memref<1x2x512xf32, #tpu.memory_space<hbm>>
      %dma_start3A_248 = tpu.memref_squeeze %dma_start3A_247 : memref<1x2x512xf32, #tpu.memory_space<hbm>> -> memref<2x512xf32, #tpu.memory_space<hbm>>
      %dma_start3A_249 = arith.constant 0 : i32
      %dma_start3A_250 = arith.constant 0 : i32
      %dma_start3A_251 = tpu.memref_slice %arg7[%dma_start3A_241, %dma_start3A_249, %dma_start3A_250] : memref<3x2x512xf32, #tpu.memory_space<vmem>> -> memref<1x2x512xf32, #tpu.memory_space<vmem>>
      %dma_start3A_252 = tpu.memref_squeeze %dma_start3A_251 : memref<1x2x512xf32, #tpu.memory_space<vmem>> -> memref<2x512xf32, #tpu.memory_space<vmem>>
      %dma_start3A_253 = arith.constant 0 : i32
      %dma_start3A_254 = tpu.memref_slice %arg2[%add3A_240, %add3A_204, %dma_start3A_253] : memref<24x512x512xf32, #tpu.memory_space<hbm>> -> memref<1x2x512xf32, #tpu.memory_space<hbm>>
      %dma_start3A_255 = tpu.memref_squeeze %dma_start3A_254 : memref<1x2x512xf32, #tpu.memory_space<hbm>> -> memref<2x512xf32, #tpu.memory_space<hbm>>
      tpu.enqueue_dma source(%dma_start3A_255 : memref<2x512xf32, #tpu.memory_space<hbm>>) target(%dma_start3A_252 : memref<2x512xf32, #tpu.memory_space<vmem>>) target_semaphore(%arg11 : memref<!tpu.dma_semaphore, #tpu.memory_space<semaphore_mem>>)
      %mul3A_256 = arith.constant 2 : i32
      %mul3A_257 = arith.muli %mul3A_199, %mul3A_256 : i32
      %add3A_258 = arith.addi %mul3A_32, %mul3A_257 : i32
      %add3A_259 = arith.constant 0 : i32
      %add3A_260 = arith.addi %mul3A_34, %add3A_259 : i32
      %dma_wait3A_261 = arith.constant 0 : i32
      %dma_wait3A_262 = arith.constant 0 : i32
      %dma_wait3A_263 = arith.constant 0 : i32
      %dma_wait3A_264 = tpu.memref_slice %arg6[%dma_wait3A_261, %dma_wait3A_262, %dma_wait3A_263] : memref<3x2x512xf32, #tpu.memory_space<vmem>> -> memref<1x2x512xf32, #tpu.memory_space<vmem>>
      %dma_wait3A_265 = tpu.memref_squeeze %dma_wait3A_264 : memref<1x2x512xf32, #tpu.memory_space<vmem>> -> memref<2x512xf32, #tpu.memory_space<vmem>>
      %dma_wait3A_266 = arith.constant 0 : i32
      %dma_wait3A_267 = tpu.memref_slice %arg2[%add3A_260, %add3A_258, %dma_wait3A_266] : memref<24x512x512xf32, #tpu.memory_space<hbm>> -> memref<1x2x512xf32, #tpu.memory_space<hbm>>
      %dma_wait3A_268 = tpu.memref_squeeze %dma_wait3A_267 : memref<1x2x512xf32, #tpu.memory_space<hbm>> -> memref<2x512xf32, #tpu.memory_space<hbm>>
      %dma_wait3A_269 = arith.constant 0 : i32
      %dma_wait3A_270 = arith.constant 0 : i32
      %dma_wait3A_271 = tpu.memref_slice %arg6[%dma_wait3A_261, %dma_wait3A_269, %dma_wait3A_270] : memref<3x2x512xf32, #tpu.memory_space<vmem>> -> memref<1x2x512xf32, #tpu.memory_space<vmem>>
      %dma_wait3A_272 = tpu.memref_squeeze %dma_wait3A_271 : memref<1x2x512xf32, #tpu.memory_space<vmem>> -> memref<2x512xf32, #tpu.memory_space<vmem>>
      %dma_wait3A_273 = arith.constant 0 : i32
      %dma_wait3A_274 = tpu.memref_slice %arg2[%add3A_260, %add3A_258, %dma_wait3A_273] : memref<24x512x512xf32, #tpu.memory_space<hbm>> -> memref<1x2x512xf32, #tpu.memory_space<hbm>>
      %dma_wait3A_275 = tpu.memref_squeeze %dma_wait3A_274 : memref<1x2x512xf32, #tpu.memory_space<hbm>> -> memref<2x512xf32, #tpu.memory_space<hbm>>
      tpu.wait_dma2 semaphore(%arg10 : memref<!tpu.dma_semaphore, #tpu.memory_space<semaphore_mem>>) src(%dma_wait3A_275 : memref<2x512xf32, #tpu.memory_space<hbm>>) dst(%dma_wait3A_272 : memref<2x512xf32, #tpu.memory_space<vmem>>)
      %add3A_276 = arith.constant 1 : i32
      %add3A_277 = arith.addi %mul3A_34, %add3A_276 : i32
      %dma_wait3A_278 = arith.constant 1 : i32
      %dma_wait3A_279 = arith.constant 0 : i32
      %dma_wait3A_280 = arith.constant 0 : i32
      %dma_wait3A_281 = tpu.memref_slice %arg6[%dma_wait3A_278, %dma_wait3A_279, %dma_wait3A_280] : memref<3x2x512xf32, #tpu.memory_space<vmem>> -> memref<1x2x512xf32, #tpu.memory_space<vmem>>
      %dma_wait3A_282 = tpu.memref_squeeze %dma_wait3A_281 : memref<1x2x512xf32, #tpu.memory_space<vmem>> -> memref<2x512xf32, #tpu.memory_space<vmem>>
      %dma_wait3A_283 = arith.constant 0 : i32
      %dma_wait3A_284 = tpu.memref_slice %arg2[%add3A_277, %add3A_258, %dma_wait3A_283] : memref<24x512x512xf32, #tpu.memory_space<hbm>> -> memref<1x2x512xf32, #tpu.memory_space<hbm>>
      %dma_wait3A_285 = tpu.memref_squeeze %dma_wait3A_284 : memref<1x2x512xf32, #tpu.memory_space<hbm>> -> memref<2x512xf32, #tpu.memory_space<hbm>>
      %dma_wait3A_286 = arith.constant 0 : i32
      %dma_wait3A_287 = arith.constant 0 : i32
      %dma_wait3A_288 = tpu.memref_slice %arg6[%dma_wait3A_278, %dma_wait3A_286, %dma_wait3A_287] : memref<3x2x512xf32, #tpu.memory_space<vmem>> -> memref<1x2x512xf32, #tpu.memory_space<vmem>>
      %dma_wait3A_289 = tpu.memref_squeeze %dma_wait3A_288 : memref<1x2x512xf32, #tpu.memory_space<vmem>> -> memref<2x512xf32, #tpu.memory_space<vmem>>
      %dma_wait3A_290 = arith.constant 0 : i32
      %dma_wait3A_291 = tpu.memref_slice %arg2[%add3A_277, %add3A_258, %dma_wait3A_290] : memref<24x512x512xf32, #tpu.memory_space<hbm>> -> memref<1x2x512xf32, #tpu.memory_space<hbm>>
      %dma_wait3A_292 = tpu.memref_squeeze %dma_wait3A_291 : memref<1x2x512xf32, #tpu.memory_space<hbm>> -> memref<2x512xf32, #tpu.memory_space<hbm>>
      tpu.wait_dma2 semaphore(%arg10 : memref<!tpu.dma_semaphore, #tpu.memory_space<semaphore_mem>>) src(%dma_wait3A_292 : memref<2x512xf32, #tpu.memory_space<hbm>>) dst(%dma_wait3A_289 : memref<2x512xf32, #tpu.memory_space<vmem>>)
      %add3A_293 = arith.constant 2 : i32
      %add3A_294 = arith.addi %mul3A_34, %add3A_293 : i32
      %dma_wait3A_295 = arith.constant 2 : i32
      %dma_wait3A_296 = arith.constant 0 : i32
      %dma_wait3A_297 = arith.constant 0 : i32
      %dma_wait3A_298 = tpu.memref_slice %arg6[%dma_wait3A_295, %dma_wait3A_296, %dma_wait3A_297] : memref<3x2x512xf32, #tpu.memory_space<vmem>> -> memref<1x2x512xf32, #tpu.memory_space<vmem>>
      %dma_wait3A_299 = tpu.memref_squeeze %dma_wait3A_298 : memref<1x2x512xf32, #tpu.memory_space<vmem>> -> memref<2x512xf32, #tpu.memory_space<vmem>>
      %dma_wait3A_300 = arith.constant 0 : i32
      %dma_wait3A_301 = tpu.memref_slice %arg2[%add3A_294, %add3A_258, %dma_wait3A_300] : memref<24x512x512xf32, #tpu.memory_space<hbm>> -> memref<1x2x512xf32, #tpu.memory_space<hbm>>
      %dma_wait3A_302 = tpu.memref_squeeze %dma_wait3A_301 : memref<1x2x512xf32, #tpu.memory_space<hbm>> -> memref<2x512xf32, #tpu.memory_space<hbm>>
      %dma_wait3A_303 = arith.constant 0 : i32
      %dma_wait3A_304 = arith.constant 0 : i32
      %dma_wait3A_305 = tpu.memref_slice %arg6[%dma_wait3A_295, %dma_wait3A_303, %dma_wait3A_304] : memref<3x2x512xf32, #tpu.memory_space<vmem>> -> memref<1x2x512xf32, #tpu.memory_space<vmem>>
      %dma_wait3A_306 = tpu.memref_squeeze %dma_wait3A_305 : memref<1x2x512xf32, #tpu.memory_space<vmem>> -> memref<2x512xf32, #tpu.memory_space<vmem>>
      %dma_wait3A_307 = arith.constant 0 : i32
      %dma_wait3A_308 = tpu.memref_slice %arg2[%add3A_294, %add3A_258, %dma_wait3A_307] : memref<24x512x512xf32, #tpu.memory_space<hbm>> -> memref<1x2x512xf32, #tpu.memory_space<hbm>>
      %dma_wait3A_309 = tpu.memref_squeeze %dma_wait3A_308 : memref<1x2x512xf32, #tpu.memory_space<hbm>> -> memref<2x512xf32, #tpu.memory_space<hbm>>
      tpu.wait_dma2 semaphore(%arg10 : memref<!tpu.dma_semaphore, #tpu.memory_space<semaphore_mem>>) src(%dma_wait3A_309 : memref<2x512xf32, #tpu.memory_space<hbm>>) dst(%dma_wait3A_306 : memref<2x512xf32, #tpu.memory_space<vmem>>)
      %gt3A = arith.constant 0 : i32
      %gt3A_310 = arith.cmpi sgt, %scan3A_197, %gt3A : i32
      %convert_element_type3A = arith.extui %gt3A_310 : i1 to i32
      %cond3A = arith.constant 0 : i32
      %cond3A_311 = arith.cmpi ne, %convert_element_type3A, %cond3A : i32
      scf.if %cond3A_311 {
        %sub3A_495 = arith.constant 2 : i32
        %sub3A_496 = arith.subi %mul3A_199, %sub3A_495 : i32
        %mul3A_497 = arith.constant 2 : i32
        %mul3A_498 = arith.muli %sub3A_496, %mul3A_497 : i32
        %add3A_499 = arith.addi %mul3A_32, %mul3A_498 : i32
        %add3A_500 = arith.constant 0 : i32
        %add3A_501 = arith.addi %mul3A_34, %add3A_500 : i32
        %dma_wait3A_502 = arith.constant 0 : i32
        %dma_wait3A_503 = arith.constant 0 : i32
        %dma_wait3A_504 = arith.constant 0 : i32
        %dma_wait3A_505 = tpu.memref_slice %arg8[%dma_wait3A_502, %dma_wait3A_503, %dma_wait3A_504] : memref<3x2x512xf32, #tpu.memory_space<vmem>> -> memref<1x2x512xf32, #tpu.memory_space<vmem>>
        %dma_wait3A_506 = tpu.memref_squeeze %dma_wait3A_505 : memref<1x2x512xf32, #tpu.memory_space<vmem>> -> memref<2x512xf32, #tpu.memory_space<vmem>>
        %dma_wait3A_507 = arith.constant 0 : i32
        %dma_wait3A_508 = tpu.memref_slice %arg4[%add3A_501, %add3A_499, %dma_wait3A_507] : memref<24x512x512xf32, #tpu.memory_space<hbm>> -> memref<1x2x512xf32, #tpu.memory_space<hbm>>
        %dma_wait3A_509 = tpu.memref_squeeze %dma_wait3A_508 : memref<1x2x512xf32, #tpu.memory_space<hbm>> -> memref<2x512xf32, #tpu.memory_space<hbm>>
        %dma_wait3A_510 = arith.constant 0 : i32
        %dma_wait3A_511 = tpu.memref_slice %arg4[%add3A_501, %add3A_499, %dma_wait3A_510] : memref<24x512x512xf32, #tpu.memory_space<hbm>> -> memref<1x2x512xf32, #tpu.memory_space<hbm>>
        %dma_wait3A_512 = tpu.memref_squeeze %dma_wait3A_511 : memref<1x2x512xf32, #tpu.memory_space<hbm>> -> memref<2x512xf32, #tpu.memory_space<hbm>>
        %dma_wait3A_513 = arith.constant 0 : i32
        %dma_wait3A_514 = arith.constant 0 : i32
        %dma_wait3A_515 = tpu.memref_slice %arg8[%dma_wait3A_502, %dma_wait3A_513, %dma_wait3A_514] : memref<3x2x512xf32, #tpu.memory_space<vmem>> -> memref<1x2x512xf32, #tpu.memory_space<vmem>>
        %dma_wait3A_516 = tpu.memref_squeeze %dma_wait3A_515 : memref<1x2x512xf32, #tpu.memory_space<vmem>> -> memref<2x512xf32, #tpu.memory_space<vmem>>
        tpu.wait_dma2 semaphore(%arg12 : memref<!tpu.dma_semaphore, #tpu.memory_space<semaphore_mem>>) src(%dma_wait3A_516 : memref<2x512xf32, #tpu.memory_space<vmem>>) dst(%dma_wait3A_512 : memref<2x512xf32, #tpu.memory_space<hbm>>)
        %add3A_517 = arith.constant 1 : i32
        %add3A_518 = arith.addi %mul3A_34, %add3A_517 : i32
        %dma_wait3A_519 = arith.constant 1 : i32
        %dma_wait3A_520 = arith.constant 0 : i32
        %dma_wait3A_521 = arith.constant 0 : i32
        %dma_wait3A_522 = tpu.memref_slice %arg8[%dma_wait3A_519, %dma_wait3A_520, %dma_wait3A_521] : memref<3x2x512xf32, #tpu.memory_space<vmem>> -> memref<1x2x512xf32, #tpu.memory_space<vmem>>
        %dma_wait3A_523 = tpu.memref_squeeze %dma_wait3A_522 : memref<1x2x512xf32, #tpu.memory_space<vmem>> -> memref<2x512xf32, #tpu.memory_space<vmem>>
        %dma_wait3A_524 = arith.constant 0 : i32
        %dma_wait3A_525 = tpu.memref_slice %arg4[%add3A_518, %add3A_499, %dma_wait3A_524] : memref<24x512x512xf32, #tpu.memory_space<hbm>> -> memref<1x2x512xf32, #tpu.memory_space<hbm>>
        %dma_wait3A_526 = tpu.memref_squeeze %dma_wait3A_525 : memref<1x2x512xf32, #tpu.memory_space<hbm>> -> memref<2x512xf32, #tpu.memory_space<hbm>>
        %dma_wait3A_527 = arith.constant 0 : i32
        %dma_wait3A_528 = tpu.memref_slice %arg4[%add3A_518, %add3A_499, %dma_wait3A_527] : memref<24x512x512xf32, #tpu.memory_space<hbm>> -> memref<1x2x512xf32, #tpu.memory_space<hbm>>
        %dma_wait3A_529 = tpu.memref_squeeze %dma_wait3A_528 : memref<1x2x512xf32, #tpu.memory_space<hbm>> -> memref<2x512xf32, #tpu.memory_space<hbm>>
        %dma_wait3A_530 = arith.constant 0 : i32
        %dma_wait3A_531 = arith.constant 0 : i32
        %dma_wait3A_532 = tpu.memref_slice %arg8[%dma_wait3A_519, %dma_wait3A_530, %dma_wait3A_531] : memref<3x2x512xf32, #tpu.memory_space<vmem>> -> memref<1x2x512xf32, #tpu.memory_space<vmem>>
        %dma_wait3A_533 = tpu.memref_squeeze %dma_wait3A_532 : memref<1x2x512xf32, #tpu.memory_space<vmem>> -> memref<2x512xf32, #tpu.memory_space<vmem>>
        tpu.wait_dma2 semaphore(%arg12 : memref<!tpu.dma_semaphore, #tpu.memory_space<semaphore_mem>>) src(%dma_wait3A_533 : memref<2x512xf32, #tpu.memory_space<vmem>>) dst(%dma_wait3A_529 : memref<2x512xf32, #tpu.memory_space<hbm>>)
        %add3A_534 = arith.constant 2 : i32
        %add3A_535 = arith.addi %mul3A_34, %add3A_534 : i32
        %dma_wait3A_536 = arith.constant 2 : i32
        %dma_wait3A_537 = arith.constant 0 : i32
        %dma_wait3A_538 = arith.constant 0 : i32
        %dma_wait3A_539 = tpu.memref_slice %arg8[%dma_wait3A_536, %dma_wait3A_537, %dma_wait3A_538] : memref<3x2x512xf32, #tpu.memory_space<vmem>> -> memref<1x2x512xf32, #tpu.memory_space<vmem>>
        %dma_wait3A_540 = tpu.memref_squeeze %dma_wait3A_539 : memref<1x2x512xf32, #tpu.memory_space<vmem>> -> memref<2x512xf32, #tpu.memory_space<vmem>>
        %dma_wait3A_541 = arith.constant 0 : i32
        %dma_wait3A_542 = tpu.memref_slice %arg4[%add3A_535, %add3A_499, %dma_wait3A_541] : memref<24x512x512xf32, #tpu.memory_space<hbm>> -> memref<1x2x512xf32, #tpu.memory_space<hbm>>
        %dma_wait3A_543 = tpu.memref_squeeze %dma_wait3A_542 : memref<1x2x512xf32, #tpu.memory_space<hbm>> -> memref<2x512xf32, #tpu.memory_space<hbm>>
        %dma_wait3A_544 = arith.constant 0 : i32
        %dma_wait3A_545 = tpu.memref_slice %arg4[%add3A_535, %add3A_499, %dma_wait3A_544] : memref<24x512x512xf32, #tpu.memory_space<hbm>> -> memref<1x2x512xf32, #tpu.memory_space<hbm>>
        %dma_wait3A_546 = tpu.memref_squeeze %dma_wait3A_545 : memref<1x2x512xf32, #tpu.memory_space<hbm>> -> memref<2x512xf32, #tpu.memory_space<hbm>>
        %dma_wait3A_547 = arith.constant 0 : i32
        %dma_wait3A_548 = arith.constant 0 : i32
        %dma_wait3A_549 = tpu.memref_slice %arg8[%dma_wait3A_536, %dma_wait3A_547, %dma_wait3A_548] : memref<3x2x512xf32, #tpu.memory_space<vmem>> -> memref<1x2x512xf32, #tpu.memory_space<vmem>>
        %dma_wait3A_550 = tpu.memref_squeeze %dma_wait3A_549 : memref<1x2x512xf32, #tpu.memory_space<vmem>> -> memref<2x512xf32, #tpu.memory_space<vmem>>
        tpu.wait_dma2 semaphore(%arg12 : memref<!tpu.dma_semaphore, #tpu.memory_space<semaphore_mem>>) src(%dma_wait3A_550 : memref<2x512xf32, #tpu.memory_space<vmem>>) dst(%dma_wait3A_546 : memref<2x512xf32, #tpu.memory_space<hbm>>)
      } else {
      }
      %parallel_loop3A = arith.constant 0 : i32
      %parallel_loop3A_312 = arith.constant 32 : i32
      %parallel_loop3A_313 = arith.constant 1 : i32
      scf.for %parallel_loop3A_495 = %parallel_loop3A to %parallel_loop3A_312 step %parallel_loop3A_313  : i32 {
        %parallel_loop3A_496 = arith.constant 16 : i32
        %parallel_loop3A_497 = arith.muli %parallel_loop3A_495, %parallel_loop3A_496 : i32
        %parallel_loop3A_498 = arith.constant 0 : i32
        %parallel_loop3A_499 = arith.constant 0 : i32
        %parallel_loop3A_500 = arith.index_cast %parallel_loop3A_498 : i32 to index
        %parallel_loop3A_501 = arith.index_cast %parallel_loop3A_499 : i32 to index
        %parallel_loop3A_502 = arith.index_cast %parallel_loop3A_497 : i32 to index
        %parallel_loop3A_503 = tpu.vector_load %arg6[%parallel_loop3A_500, %parallel_loop3A_501, %parallel_loop3A_502] {strides = array<i32>} : memref<3x2x512xf32, #tpu.memory_space<vmem>>, vector<16xf32>,
        %parallel_loop3A_504 = arith.constant 3.200000e+01 : f32
        %parallel_loop3A_505 = vector.broadcast %parallel_loop3A_504 : f32 to vector<16xf32>
        %parallel_loop3A_506 = arith.mulf %parallel_loop3A_503, %parallel_loop3A_505 : vector<16xf32>
        %parallel_loop3A_507 = arith.constant 1 : i32
        %parallel_loop3A_508 = arith.constant 0 : i32
        %parallel_loop3A_509 = arith.index_cast %parallel_loop3A_507 : i32 to index
        %parallel_loop3A_510 = arith.index_cast %parallel_loop3A_508 : i32 to index
        %parallel_loop3A_511 = arith.index_cast %parallel_loop3A_497 : i32 to index
        %parallel_loop3A_512 = tpu.vector_load %arg6[%parallel_loop3A_509, %parallel_loop3A_510, %parallel_loop3A_511] {strides = array<i32>} : memref<3x2x512xf32, #tpu.memory_space<vmem>>, vector<16xf32>,
        %parallel_loop3A_513 = arith.constant 3.200000e+01 : f32
        %parallel_loop3A_514 = vector.broadcast %parallel_loop3A_513 : f32 to vector<16xf32>
        %parallel_loop3A_515 = arith.mulf %parallel_loop3A_512, %parallel_loop3A_514 : vector<16xf32>
        %parallel_loop3A_516 = arith.constant 2 : i32
        %parallel_loop3A_517 = arith.constant 0 : i32
        %parallel_loop3A_518 = arith.index_cast %parallel_loop3A_516 : i32 to index
        %parallel_loop3A_519 = arith.index_cast %parallel_loop3A_517 : i32 to index
        %parallel_loop3A_520 = arith.index_cast %parallel_loop3A_497 : i32 to index
        %parallel_loop3A_521 = tpu.vector_load %arg6[%parallel_loop3A_518, %parallel_loop3A_519, %parallel_loop3A_520] {strides = array<i32>} : memref<3x2x512xf32, #tpu.memory_space<vmem>>, vector<16xf32>,
        %parallel_loop3A_522 = arith.constant 3.200000e+01 : f32
        %parallel_loop3A_523 = vector.broadcast %parallel_loop3A_522 : f32 to vector<16xf32>
        %parallel_loop3A_524 = arith.mulf %parallel_loop3A_521, %parallel_loop3A_523 : vector<16xf32>
        %parallel_loop3A_525 = arith.fptosi %parallel_loop3A_506 : vector<16xf32> to vector<16xi32>
        %parallel_loop3A_526 = arith.constant 31 : i32
        %parallel_loop3A_527 = vector.broadcast %parallel_loop3A_526 : i32 to vector<16xi32>
        %parallel_loop3A_528 = arith.minsi %parallel_loop3A_525, %parallel_loop3A_527 : vector<16xi32>
        %parallel_loop3A_529 = arith.fptosi %parallel_loop3A_515 : vector<16xf32> to vector<16xi32>
        %parallel_loop3A_530 = arith.constant 31 : i32
        %parallel_loop3A_531 = vector.broadcast %parallel_loop3A_530 : i32 to vector<16xi32>
        %parallel_loop3A_532 = arith.minsi %parallel_loop3A_529, %parallel_loop3A_531 : vector<16xi32>
        %parallel_loop3A_533 = arith.fptosi %parallel_loop3A_524 : vector<16xf32> to vector<16xi32>
        %parallel_loop3A_534 = arith.constant 31 : i32
        %parallel_loop3A_535 = vector.broadcast %parallel_loop3A_534 : i32 to vector<16xi32>
        %parallel_loop3A_536 = arith.minsi %parallel_loop3A_533, %parallel_loop3A_535 : vector<16xi32>
        %parallel_loop3A_537 = arith.sitofp %parallel_loop3A_528 : vector<16xi32> to vector<16xf32>
        %parallel_loop3A_538 = arith.subf %parallel_loop3A_506, %parallel_loop3A_537 : vector<16xf32>
        %parallel_loop3A_539 = arith.sitofp %parallel_loop3A_532 : vector<16xi32> to vector<16xf32>
        %parallel_loop3A_540 = arith.subf %parallel_loop3A_515, %parallel_loop3A_539 : vector<16xf32>
        %parallel_loop3A_541 = arith.sitofp %parallel_loop3A_536 : vector<16xi32> to vector<16xf32>
        %parallel_loop3A_542 = arith.subf %parallel_loop3A_524, %parallel_loop3A_541 : vector<16xf32>
        %parallel_loop3A_543 = arith.constant 1.000000e+00 : f32
        %parallel_loop3A_544 = vector.broadcast %parallel_loop3A_543 : f32 to vector<16xf32>
        %parallel_loop3A_545 = arith.subf %parallel_loop3A_544, %parallel_loop3A_538 : vector<16xf32>
        %parallel_loop3A_546 = arith.constant 1.000000e+00 : f32
        %parallel_loop3A_547 = vector.broadcast %parallel_loop3A_546 : f32 to vector<16xf32>
        %parallel_loop3A_548 = arith.subf %parallel_loop3A_547, %parallel_loop3A_540 : vector<16xf32>
        %parallel_loop3A_549 = arith.constant 1.000000e+00 : f32
        %parallel_loop3A_550 = vector.broadcast %parallel_loop3A_549 : f32 to vector<16xf32>
        %parallel_loop3A_551 = arith.subf %parallel_loop3A_550, %parallel_loop3A_542 : vector<16xf32>
        %parallel_loop3A_552 = arith.mulf %parallel_loop3A_548, %parallel_loop3A_551 : vector<16xf32>
        %parallel_loop3A_553 = arith.mulf %parallel_loop3A_540, %parallel_loop3A_551 : vector<16xf32>
        %parallel_loop3A_554 = arith.mulf %parallel_loop3A_548, %parallel_loop3A_542 : vector<16xf32>
        %parallel_loop3A_555 = arith.mulf %parallel_loop3A_540, %parallel_loop3A_542 : vector<16xf32>
        %parallel_loop3A_556 = arith.mulf %parallel_loop3A_545, %parallel_loop3A_552 : vector<16xf32>
        %parallel_loop3A_557 = arith.mulf %parallel_loop3A_538, %parallel_loop3A_552 : vector<16xf32>
        %parallel_loop3A_558 = arith.mulf %parallel_loop3A_545, %parallel_loop3A_553 : vector<16xf32>
        %parallel_loop3A_559 = arith.mulf %parallel_loop3A_538, %parallel_loop3A_553 : vector<16xf32>
        %parallel_loop3A_560 = arith.mulf %parallel_loop3A_545, %parallel_loop3A_554 : vector<16xf32>
        %parallel_loop3A_561 = arith.mulf %parallel_loop3A_538, %parallel_loop3A_554 : vector<16xf32>
        %parallel_loop3A_562 = arith.mulf %parallel_loop3A_545, %parallel_loop3A_555 : vector<16xf32>
        %parallel_loop3A_563 = arith.mulf %parallel_loop3A_538, %parallel_loop3A_555 : vector<16xf32>
        %parallel_loop3A_564 = arith.constant 1089 : i32
        %parallel_loop3A_565 = vector.broadcast %parallel_loop3A_564 : i32 to vector<16xi32>
        %parallel_loop3A_566 = arith.muli %parallel_loop3A_536, %parallel_loop3A_565 : vector<16xi32>
        %parallel_loop3A_567 = arith.constant 33 : i32
        %parallel_loop3A_568 = vector.broadcast %parallel_loop3A_567 : i32 to vector<16xi32>
        %parallel_loop3A_569 = arith.muli %parallel_loop3A_532, %parallel_loop3A_568 : vector<16xi32>
        %parallel_loop3A_570 = arith.addi %parallel_loop3A_566, %parallel_loop3A_569 : vector<16xi32>
        %parallel_loop3A_571 = arith.addi %parallel_loop3A_570, %parallel_loop3A_528 : vector<16xi32>
        %parallel_loop3A_572 = tpu.vector_load_idx %arg5[%parallel_loop3A_571] : memref<107811xf32, #tpu.memory_space<vmem>>[vector<16xi32>], vector<16xf32>,
        %parallel_loop3A_573 = arith.constant 1 : i32
        %parallel_loop3A_574 = vector.broadcast %parallel_loop3A_573 : i32 to vector<16xi32>
        %parallel_loop3A_575 = arith.addi %parallel_loop3A_571, %parallel_loop3A_574 : vector<16xi32>
        %parallel_loop3A_576 = tpu.vector_load_idx %arg5[%parallel_loop3A_575] : memref<107811xf32, #tpu.memory_space<vmem>>[vector<16xi32>], vector<16xf32>,
        %parallel_loop3A_577 = arith.constant 33 : i32
        %parallel_loop3A_578 = vector.broadcast %parallel_loop3A_577 : i32 to vector<16xi32>
        %parallel_loop3A_579 = arith.addi %parallel_loop3A_571, %parallel_loop3A_578 : vector<16xi32>
        %parallel_loop3A_580 = tpu.vector_load_idx %arg5[%parallel_loop3A_579] : memref<107811xf32, #tpu.memory_space<vmem>>[vector<16xi32>], vector<16xf32>,
        %parallel_loop3A_581 = arith.constant 34 : i32
        %parallel_loop3A_582 = vector.broadcast %parallel_loop3A_581 : i32 to vector<16xi32>
        %parallel_loop3A_583 = arith.addi %parallel_loop3A_571, %parallel_loop3A_582 : vector<16xi32>
        %parallel_loop3A_584 = tpu.vector_load_idx %arg5[%parallel_loop3A_583] : memref<107811xf32, #tpu.memory_space<vmem>>[vector<16xi32>], vector<16xf32>,
        %parallel_loop3A_585 = arith.constant 1089 : i32
        %parallel_loop3A_586 = vector.broadcast %parallel_loop3A_585 : i32 to vector<16xi32>
        %parallel_loop3A_587 = arith.addi %parallel_loop3A_571, %parallel_loop3A_586 : vector<16xi32>
        %parallel_loop3A_588 = tpu.vector_load_idx %arg5[%parallel_loop3A_587] : memref<107811xf32, #tpu.memory_space<vmem>>[vector<16xi32>], vector<16xf32>,
        %parallel_loop3A_589 = arith.constant 1090 : i32
        %parallel_loop3A_590 = vector.broadcast %parallel_loop3A_589 : i32 to vector<16xi32>
        %parallel_loop3A_591 = arith.addi %parallel_loop3A_571, %parallel_loop3A_590 : vector<16xi32>
        %parallel_loop3A_592 = tpu.vector_load_idx %arg5[%parallel_loop3A_591] : memref<107811xf32, #tpu.memory_space<vmem>>[vector<16xi32>], vector<16xf32>,
        %parallel_loop3A_593 = arith.constant 1122 : i32
        %parallel_loop3A_594 = vector.broadcast %parallel_loop3A_593 : i32 to vector<16xi32>
        %parallel_loop3A_595 = arith.addi %parallel_loop3A_571, %parallel_loop3A_594 : vector<16xi32>
        %parallel_loop3A_596 = tpu.vector_load_idx %arg5[%parallel_loop3A_595] : memref<107811xf32, #tpu.memory_space<vmem>>[vector<16xi32>], vector<16xf32>,
        %parallel_loop3A_597 = arith.constant 1123 : i32
        %parallel_loop3A_598 = vector.broadcast %parallel_loop3A_597 : i32 to vector<16xi32>
        %parallel_loop3A_599 = arith.addi %parallel_loop3A_571, %parallel_loop3A_598 : vector<16xi32>
        %parallel_loop3A_600 = tpu.vector_load_idx %arg5[%parallel_loop3A_599] : memref<107811xf32, #tpu.memory_space<vmem>>[vector<16xi32>], vector<16xf32>,
        %parallel_loop3A_601 = arith.mulf %parallel_loop3A_556, %parallel_loop3A_572 : vector<16xf32>
        %parallel_loop3A_602 = arith.mulf %parallel_loop3A_557, %parallel_loop3A_576 : vector<16xf32>
        %parallel_loop3A_603 = arith.addf %parallel_loop3A_601, %parallel_loop3A_602 : vector<16xf32>
        %parallel_loop3A_604 = arith.mulf %parallel_loop3A_558, %parallel_loop3A_580 : vector<16xf32>
        %parallel_loop3A_605 = arith.mulf %parallel_loop3A_559, %parallel_loop3A_584 : vector<16xf32>
        %parallel_loop3A_606 = arith.addf %parallel_loop3A_604, %parallel_loop3A_605 : vector<16xf32>
        %parallel_loop3A_607 = arith.mulf %parallel_loop3A_560, %parallel_loop3A_588 : vector<16xf32>
        %parallel_loop3A_608 = arith.mulf %parallel_loop3A_561, %parallel_loop3A_592 : vector<16xf32>
        %parallel_loop3A_609 = arith.addf %parallel_loop3A_607, %parallel_loop3A_608 : vector<16xf32>
        %parallel_loop3A_610 = arith.mulf %parallel_loop3A_562, %parallel_loop3A_596 : vector<16xf32>
        %parallel_loop3A_611 = arith.mulf %parallel_loop3A_563, %parallel_loop3A_600 : vector<16xf32>
        %parallel_loop3A_612 = arith.addf %parallel_loop3A_610, %parallel_loop3A_611 : vector<16xf32>
        %parallel_loop3A_613 = arith.addf %parallel_loop3A_603, %parallel_loop3A_606 : vector<16xf32>
        %parallel_loop3A_614 = arith.addf %parallel_loop3A_609, %parallel_loop3A_612 : vector<16xf32>
        %parallel_loop3A_615 = arith.addf %parallel_loop3A_613, %parallel_loop3A_614 : vector<16xf32>
        %parallel_loop3A_616 = arith.constant 0 : i32
        %parallel_loop3A_617 = arith.constant 0 : i32
        %parallel_loop3A_618 = arith.index_cast %parallel_loop3A_616 : i32 to index
        %parallel_loop3A_619 = arith.index_cast %parallel_loop3A_617 : i32 to index
        %parallel_loop3A_620 = arith.index_cast %parallel_loop3A_497 : i32 to index
        %parallel_loop3A_621 = tpu.vector_load %arg8[%parallel_loop3A_618, %parallel_loop3A_619, %parallel_loop3A_620] {strides = array<i32>} : memref<3x2x512xf32, #tpu.memory_space<vmem>>, vector<16xf32>,
        tpu.vector_store %arg8[%parallel_loop3A_618, %parallel_loop3A_619, %parallel_loop3A_620], %parallel_loop3A_615 {strides = array<i32>} : memref<3x2x512xf32, #tpu.memory_space<vmem>>, vector<16xf32>,
        %parallel_loop3A_622 = arith.constant 35937 : i32
        %parallel_loop3A_623 = vector.broadcast %parallel_loop3A_622 : i32 to vector<16xi32>
        %parallel_loop3A_624 = arith.addi %parallel_loop3A_571, %parallel_loop3A_623 : vector<16xi32>
        %parallel_loop3A_625 = tpu.vector_load_idx %arg5[%parallel_loop3A_624] : memref<107811xf32, #tpu.memory_space<vmem>>[vector<16xi32>], vector<16xf32>,
        %parallel_loop3A_626 = arith.constant 1 : i32
        %parallel_loop3A_627 = vector.broadcast %parallel_loop3A_626 : i32 to vector<16xi32>
        %parallel_loop3A_628 = arith.addi %parallel_loop3A_624, %parallel_loop3A_627 : vector<16xi32>
        %parallel_loop3A_629 = tpu.vector_load_idx %arg5[%parallel_loop3A_628] : memref<107811xf32, #tpu.memory_space<vmem>>[vector<16xi32>], vector<16xf32>,
        %parallel_loop3A_630 = arith.constant 33 : i32
        %parallel_loop3A_631 = vector.broadcast %parallel_loop3A_630 : i32 to vector<16xi32>
        %parallel_loop3A_632 = arith.addi %parallel_loop3A_624, %parallel_loop3A_631 : vector<16xi32>
        %parallel_loop3A_633 = tpu.vector_load_idx %arg5[%parallel_loop3A_632] : memref<107811xf32, #tpu.memory_space<vmem>>[vector<16xi32>], vector<16xf32>,
        %parallel_loop3A_634 = arith.constant 34 : i32
        %parallel_loop3A_635 = vector.broadcast %parallel_loop3A_634 : i32 to vector<16xi32>
        %parallel_loop3A_636 = arith.addi %parallel_loop3A_624, %parallel_loop3A_635 : vector<16xi32>
        %parallel_loop3A_637 = tpu.vector_load_idx %arg5[%parallel_loop3A_636] : memref<107811xf32, #tpu.memory_space<vmem>>[vector<16xi32>], vector<16xf32>,
        %parallel_loop3A_638 = arith.constant 1089 : i32
        %parallel_loop3A_639 = vector.broadcast %parallel_loop3A_638 : i32 to vector<16xi32>
        %parallel_loop3A_640 = arith.addi %parallel_loop3A_624, %parallel_loop3A_639 : vector<16xi32>
        %parallel_loop3A_641 = tpu.vector_load_idx %arg5[%parallel_loop3A_640] : memref<107811xf32, #tpu.memory_space<vmem>>[vector<16xi32>], vector<16xf32>,
        %parallel_loop3A_642 = arith.constant 1090 : i32
        %parallel_loop3A_643 = vector.broadcast %parallel_loop3A_642 : i32 to vector<16xi32>
        %parallel_loop3A_644 = arith.addi %parallel_loop3A_624, %parallel_loop3A_643 : vector<16xi32>
        %parallel_loop3A_645 = tpu.vector_load_idx %arg5[%parallel_loop3A_644] : memref<107811xf32, #tpu.memory_space<vmem>>[vector<16xi32>], vector<16xf32>,
        %parallel_loop3A_646 = arith.constant 1122 : i32
        %parallel_loop3A_647 = vector.broadcast %parallel_loop3A_646 : i32 to vector<16xi32>
        %parallel_loop3A_648 = arith.addi %parallel_loop3A_624, %parallel_loop3A_647 : vector<16xi32>
        %parallel_loop3A_649 = tpu.vector_load_idx %arg5[%parallel_loop3A_648] : memref<107811xf32, #tpu.memory_space<vmem>>[vector<16xi32>], vector<16xf32>,
        %parallel_loop3A_650 = arith.constant 1123 : i32
        %parallel_loop3A_651 = vector.broadcast %parallel_loop3A_650 : i32 to vector<16xi32>
        %parallel_loop3A_652 = arith.addi %parallel_loop3A_624, %parallel_loop3A_651 : vector<16xi32>
        %parallel_loop3A_653 = tpu.vector_load_idx %arg5[%parallel_loop3A_652] : memref<107811xf32, #tpu.memory_space<vmem>>[vector<16xi32>], vector<16xf32>,
        %parallel_loop3A_654 = arith.mulf %parallel_loop3A_556, %parallel_loop3A_625 : vector<16xf32>
        %parallel_loop3A_655 = arith.mulf %parallel_loop3A_557, %parallel_loop3A_629 : vector<16xf32>
        %parallel_loop3A_656 = arith.addf %parallel_loop3A_654, %parallel_loop3A_655 : vector<16xf32>
        %parallel_loop3A_657 = arith.mulf %parallel_loop3A_558, %parallel_loop3A_633 : vector<16xf32>
        %parallel_loop3A_658 = arith.mulf %parallel_loop3A_559, %parallel_loop3A_637 : vector<16xf32>
        %parallel_loop3A_659 = arith.addf %parallel_loop3A_657, %parallel_loop3A_658 : vector<16xf32>
        %parallel_loop3A_660 = arith.mulf %parallel_loop3A_560, %parallel_loop3A_641 : vector<16xf32>
        %parallel_loop3A_661 = arith.mulf %parallel_loop3A_561, %parallel_loop3A_645 : vector<16xf32>
        %parallel_loop3A_662 = arith.addf %parallel_loop3A_660, %parallel_loop3A_661 : vector<16xf32>
        %parallel_loop3A_663 = arith.mulf %parallel_loop3A_562, %parallel_loop3A_649 : vector<16xf32>
        %parallel_loop3A_664 = arith.mulf %parallel_loop3A_563, %parallel_loop3A_653 : vector<16xf32>
        %parallel_loop3A_665 = arith.addf %parallel_loop3A_663, %parallel_loop3A_664 : vector<16xf32>
        %parallel_loop3A_666 = arith.addf %parallel_loop3A_656, %parallel_loop3A_659 : vector<16xf32>
        %parallel_loop3A_667 = arith.addf %parallel_loop3A_662, %parallel_loop3A_665 : vector<16xf32>
        %parallel_loop3A_668 = arith.addf %parallel_loop3A_666, %parallel_loop3A_667 : vector<16xf32>
        %parallel_loop3A_669 = arith.constant 1 : i32
        %parallel_loop3A_670 = arith.constant 0 : i32
        %parallel_loop3A_671 = arith.index_cast %parallel_loop3A_669 : i32 to index
        %parallel_loop3A_672 = arith.index_cast %parallel_loop3A_670 : i32 to index
        %parallel_loop3A_673 = arith.index_cast %parallel_loop3A_497 : i32 to index
        %parallel_loop3A_674 = tpu.vector_load %arg8[%parallel_loop3A_671, %parallel_loop3A_672, %parallel_loop3A_673] {strides = array<i32>} : memref<3x2x512xf32, #tpu.memory_space<vmem>>, vector<16xf32>,
        tpu.vector_store %arg8[%parallel_loop3A_671, %parallel_loop3A_672, %parallel_loop3A_673], %parallel_loop3A_668 {strides = array<i32>} : memref<3x2x512xf32, #tpu.memory_space<vmem>>, vector<16xf32>,
        %parallel_loop3A_675 = arith.constant 71874 : i32
        %parallel_loop3A_676 = vector.broadcast %parallel_loop3A_675 : i32 to vector<16xi32>
        %parallel_loop3A_677 = arith.addi %parallel_loop3A_571, %parallel_loop3A_676 : vector<16xi32>
        %parallel_loop3A_678 = tpu.vector_load_idx %arg5[%parallel_loop3A_677] : memref<107811xf32, #tpu.memory_space<vmem>>[vector<16xi32>], vector<16xf32>,
        %parallel_loop3A_679 = arith.constant 1 : i32
        %parallel_loop3A_680 = vector.broadcast %parallel_loop3A_679 : i32 to vector<16xi32>
        %parallel_loop3A_681 = arith.addi %parallel_loop3A_677, %parallel_loop3A_680 : vector<16xi32>
        %parallel_loop3A_682 = tpu.vector_load_idx %arg5[%parallel_loop3A_681] : memref<107811xf32, #tpu.memory_space<vmem>>[vector<16xi32>], vector<16xf32>,
        %parallel_loop3A_683 = arith.constant 33 : i32
        %parallel_loop3A_684 = vector.broadcast %parallel_loop3A_683 : i32 to vector<16xi32>
        %parallel_loop3A_685 = arith.addi %parallel_loop3A_677, %parallel_loop3A_684 : vector<16xi32>
        %parallel_loop3A_686 = tpu.vector_load_idx %arg5[%parallel_loop3A_685] : memref<107811xf32, #tpu.memory_space<vmem>>[vector<16xi32>], vector<16xf32>,
        %parallel_loop3A_687 = arith.constant 34 : i32
        %parallel_loop3A_688 = vector.broadcast %parallel_loop3A_687 : i32 to vector<16xi32>
        %parallel_loop3A_689 = arith.addi %parallel_loop3A_677, %parallel_loop3A_688 : vector<16xi32>
        %parallel_loop3A_690 = tpu.vector_load_idx %arg5[%parallel_loop3A_689] : memref<107811xf32, #tpu.memory_space<vmem>>[vector<16xi32>], vector<16xf32>,
        %parallel_loop3A_691 = arith.constant 1089 : i32
        %parallel_loop3A_692 = vector.broadcast %parallel_loop3A_691 : i32 to vector<16xi32>
        %parallel_loop3A_693 = arith.addi %parallel_loop3A_677, %parallel_loop3A_692 : vector<16xi32>
        %parallel_loop3A_694 = tpu.vector_load_idx %arg5[%parallel_loop3A_693] : memref<107811xf32, #tpu.memory_space<vmem>>[vector<16xi32>], vector<16xf32>,
        %parallel_loop3A_695 = arith.constant 1090 : i32
        %parallel_loop3A_696 = vector.broadcast %parallel_loop3A_695 : i32 to vector<16xi32>
        %parallel_loop3A_697 = arith.addi %parallel_loop3A_677, %parallel_loop3A_696 : vector<16xi32>
        %parallel_loop3A_698 = tpu.vector_load_idx %arg5[%parallel_loop3A_697] : memref<107811xf32, #tpu.memory_space<vmem>>[vector<16xi32>], vector<16xf32>,
        %parallel_loop3A_699 = arith.constant 1122 : i32
        %parallel_loop3A_700 = vector.broadcast %parallel_loop3A_699 : i32 to vector<16xi32>
        %parallel_loop3A_701 = arith.addi %parallel_loop3A_677, %parallel_loop3A_700 : vector<16xi32>
        %parallel_loop3A_702 = tpu.vector_load_idx %arg5[%parallel_loop3A_701] : memref<107811xf32, #tpu.memory_space<vmem>>[vector<16xi32>], vector<16xf32>,
        %parallel_loop3A_703 = arith.constant 1123 : i32
        %parallel_loop3A_704 = vector.broadcast %parallel_loop3A_703 : i32 to vector<16xi32>
        %parallel_loop3A_705 = arith.addi %parallel_loop3A_677, %parallel_loop3A_704 : vector<16xi32>
        %parallel_loop3A_706 = tpu.vector_load_idx %arg5[%parallel_loop3A_705] : memref<107811xf32, #tpu.memory_space<vmem>>[vector<16xi32>], vector<16xf32>,
        %parallel_loop3A_707 = arith.mulf %parallel_loop3A_556, %parallel_loop3A_678 : vector<16xf32>
        %parallel_loop3A_708 = arith.mulf %parallel_loop3A_557, %parallel_loop3A_682 : vector<16xf32>
        %parallel_loop3A_709 = arith.addf %parallel_loop3A_707, %parallel_loop3A_708 : vector<16xf32>
        %parallel_loop3A_710 = arith.mulf %parallel_loop3A_558, %parallel_loop3A_686 : vector<16xf32>
        %parallel_loop3A_711 = arith.mulf %parallel_loop3A_559, %parallel_loop3A_690 : vector<16xf32>
        %parallel_loop3A_712 = arith.addf %parallel_loop3A_710, %parallel_loop3A_711 : vector<16xf32>
        %parallel_loop3A_713 = arith.mulf %parallel_loop3A_560, %parallel_loop3A_694 : vector<16xf32>
        %parallel_loop3A_714 = arith.mulf %parallel_loop3A_561, %parallel_loop3A_698 : vector<16xf32>
        %parallel_loop3A_715 = arith.addf %parallel_loop3A_713, %parallel_loop3A_714 : vector<16xf32>
        %parallel_loop3A_716 = arith.mulf %parallel_loop3A_562, %parallel_loop3A_702 : vector<16xf32>
        %parallel_loop3A_717 = arith.mulf %parallel_loop3A_563, %parallel_loop3A_706 : vector<16xf32>
        %parallel_loop3A_718 = arith.addf %parallel_loop3A_716, %parallel_loop3A_717 : vector<16xf32>
        %parallel_loop3A_719 = arith.addf %parallel_loop3A_709, %parallel_loop3A_712 : vector<16xf32>
        %parallel_loop3A_720 = arith.addf %parallel_loop3A_715, %parallel_loop3A_718 : vector<16xf32>
        %parallel_loop3A_721 = arith.addf %parallel_loop3A_719, %parallel_loop3A_720 : vector<16xf32>
        %parallel_loop3A_722 = arith.constant 2 : i32
        %parallel_loop3A_723 = arith.constant 0 : i32
        %parallel_loop3A_724 = arith.index_cast %parallel_loop3A_722 : i32 to index
        %parallel_loop3A_725 = arith.index_cast %parallel_loop3A_723 : i32 to index
        %parallel_loop3A_726 = arith.index_cast %parallel_loop3A_497 : i32 to index
        %parallel_loop3A_727 = tpu.vector_load %arg8[%parallel_loop3A_724, %parallel_loop3A_725, %parallel_loop3A_726] {strides = array<i32>} : memref<3x2x512xf32, #tpu.memory_space<vmem>>, vector<16xf32>,
        tpu.vector_store %arg8[%parallel_loop3A_724, %parallel_loop3A_725, %parallel_loop3A_726], %parallel_loop3A_721 {strides = array<i32>} : memref<3x2x512xf32, #tpu.memory_space<vmem>>, vector<16xf32>,
        %parallel_loop3A_728 = arith.constant 0 : i32
        %parallel_loop3A_729 = arith.constant 1 : i32
        %parallel_loop3A_730 = arith.index_cast %parallel_loop3A_728 : i32 to index
        %parallel_loop3A_731 = arith.index_cast %parallel_loop3A_729 : i32 to index
        %parallel_loop3A_732 = arith.index_cast %parallel_loop3A_497 : i32 to index
        %parallel_loop3A_733 = tpu.vector_load %arg6[%parallel_loop3A_730, %parallel_loop3A_731, %parallel_loop3A_732] {strides = array<i32>} : memref<3x2x512xf32, #tpu.memory_space<vmem>>, vector<16xf32>,
        %parallel_loop3A_734 = arith.constant 3.200000e+01 : f32
        %parallel_loop3A_735 = vector.broadcast %parallel_loop3A_734 : f32 to vector<16xf32>
        %parallel_loop3A_736 = arith.mulf %parallel_loop3A_733, %parallel_loop3A_735 : vector<16xf32>
        %parallel_loop3A_737 = arith.constant 1 : i32
        %parallel_loop3A_738 = arith.constant 1 : i32
        %parallel_loop3A_739 = arith.index_cast %parallel_loop3A_737 : i32 to index
        %parallel_loop3A_740 = arith.index_cast %parallel_loop3A_738 : i32 to index
        %parallel_loop3A_741 = arith.index_cast %parallel_loop3A_497 : i32 to index
        %parallel_loop3A_742 = tpu.vector_load %arg6[%parallel_loop3A_739, %parallel_loop3A_740, %parallel_loop3A_741] {strides = array<i32>} : memref<3x2x512xf32, #tpu.memory_space<vmem>>, vector<16xf32>,
        %parallel_loop3A_743 = arith.constant 3.200000e+01 : f32
        %parallel_loop3A_744 = vector.broadcast %parallel_loop3A_743 : f32 to vector<16xf32>
        %parallel_loop3A_745 = arith.mulf %parallel_loop3A_742, %parallel_loop3A_744 : vector<16xf32>
        %parallel_loop3A_746 = arith.constant 2 : i32
        %parallel_loop3A_747 = arith.constant 1 : i32
        %parallel_loop3A_748 = arith.index_cast %parallel_loop3A_746 : i32 to index
        %parallel_loop3A_749 = arith.index_cast %parallel_loop3A_747 : i32 to index
        %parallel_loop3A_750 = arith.index_cast %parallel_loop3A_497 : i32 to index
        %parallel_loop3A_751 = tpu.vector_load %arg6[%parallel_loop3A_748, %parallel_loop3A_749, %parallel_loop3A_750] {strides = array<i32>} : memref<3x2x512xf32, #tpu.memory_space<vmem>>, vector<16xf32>,
        %parallel_loop3A_752 = arith.constant 3.200000e+01 : f32
        %parallel_loop3A_753 = vector.broadcast %parallel_loop3A_752 : f32 to vector<16xf32>
        %parallel_loop3A_754 = arith.mulf %parallel_loop3A_751, %parallel_loop3A_753 : vector<16xf32>
        %parallel_loop3A_755 = arith.fptosi %parallel_loop3A_736 : vector<16xf32> to vector<16xi32>
        %parallel_loop3A_756 = arith.constant 31 : i32
        %parallel_loop3A_757 = vector.broadcast %parallel_loop3A_756 : i32 to vector<16xi32>
        %parallel_loop3A_758 = arith.minsi %parallel_loop3A_755, %parallel_loop3A_757 : vector<16xi32>
        %parallel_loop3A_759 = arith.fptosi %parallel_loop3A_745 : vector<16xf32> to vector<16xi32>
        %parallel_loop3A_760 = arith.constant 31 : i32
        %parallel_loop3A_761 = vector.broadcast %parallel_loop3A_760 : i32 to vector<16xi32>
        %parallel_loop3A_762 = arith.minsi %parallel_loop3A_759, %parallel_loop3A_761 : vector<16xi32>
        %parallel_loop3A_763 = arith.fptosi %parallel_loop3A_754 : vector<16xf32> to vector<16xi32>
        %parallel_loop3A_764 = arith.constant 31 : i32
        %parallel_loop3A_765 = vector.broadcast %parallel_loop3A_764 : i32 to vector<16xi32>
        %parallel_loop3A_766 = arith.minsi %parallel_loop3A_763, %parallel_loop3A_765 : vector<16xi32>
        %parallel_loop3A_767 = arith.sitofp %parallel_loop3A_758 : vector<16xi32> to vector<16xf32>
        %parallel_loop3A_768 = arith.subf %parallel_loop3A_736, %parallel_loop3A_767 : vector<16xf32>
        %parallel_loop3A_769 = arith.sitofp %parallel_loop3A_762 : vector<16xi32> to vector<16xf32>
        %parallel_loop3A_770 = arith.subf %parallel_loop3A_745, %parallel_loop3A_769 : vector<16xf32>
        %parallel_loop3A_771 = arith.sitofp %parallel_loop3A_766 : vector<16xi32> to vector<16xf32>
        %parallel_loop3A_772 = arith.subf %parallel_loop3A_754, %parallel_loop3A_771 : vector<16xf32>
        %parallel_loop3A_773 = arith.constant 1.000000e+00 : f32
        %parallel_loop3A_774 = vector.broadcast %parallel_loop3A_773 : f32 to vector<16xf32>
        %parallel_loop3A_775 = arith.subf %parallel_loop3A_774, %parallel_loop3A_768 : vector<16xf32>
        %parallel_loop3A_776 = arith.constant 1.000000e+00 : f32
        %parallel_loop3A_777 = vector.broadcast %parallel_loop3A_776 : f32 to vector<16xf32>
        %parallel_loop3A_778 = arith.subf %parallel_loop3A_777, %parallel_loop3A_770 : vector<16xf32>
        %parallel_loop3A_779 = arith.constant 1.000000e+00 : f32
        %parallel_loop3A_780 = vector.broadcast %parallel_loop3A_779 : f32 to vector<16xf32>
        %parallel_loop3A_781 = arith.subf %parallel_loop3A_780, %parallel_loop3A_772 : vector<16xf32>
        %parallel_loop3A_782 = arith.mulf %parallel_loop3A_778, %parallel_loop3A_781 : vector<16xf32>
        %parallel_loop3A_783 = arith.mulf %parallel_loop3A_770, %parallel_loop3A_781 : vector<16xf32>
        %parallel_loop3A_784 = arith.mulf %parallel_loop3A_778, %parallel_loop3A_772 : vector<16xf32>
        %parallel_loop3A_785 = arith.mulf %parallel_loop3A_770, %parallel_loop3A_772 : vector<16xf32>
        %parallel_loop3A_786 = arith.mulf %parallel_loop3A_775, %parallel_loop3A_782 : vector<16xf32>
        %parallel_loop3A_787 = arith.mulf %parallel_loop3A_768, %parallel_loop3A_782 : vector<16xf32>
        %parallel_loop3A_788 = arith.mulf %parallel_loop3A_775, %parallel_loop3A_783 : vector<16xf32>
        %parallel_loop3A_789 = arith.mulf %parallel_loop3A_768, %parallel_loop3A_783 : vector<16xf32>
        %parallel_loop3A_790 = arith.mulf %parallel_loop3A_775, %parallel_loop3A_784 : vector<16xf32>
        %parallel_loop3A_791 = arith.mulf %parallel_loop3A_768, %parallel_loop3A_784 : vector<16xf32>
        %parallel_loop3A_792 = arith.mulf %parallel_loop3A_775, %parallel_loop3A_785 : vector<16xf32>
        %parallel_loop3A_793 = arith.mulf %parallel_loop3A_768, %parallel_loop3A_785 : vector<16xf32>
        %parallel_loop3A_794 = arith.constant 1089 : i32
        %parallel_loop3A_795 = vector.broadcast %parallel_loop3A_794 : i32 to vector<16xi32>
        %parallel_loop3A_796 = arith.muli %parallel_loop3A_766, %parallel_loop3A_795 : vector<16xi32>
        %parallel_loop3A_797 = arith.constant 33 : i32
        %parallel_loop3A_798 = vector.broadcast %parallel_loop3A_797 : i32 to vector<16xi32>
        %parallel_loop3A_799 = arith.muli %parallel_loop3A_762, %parallel_loop3A_798 : vector<16xi32>
        %parallel_loop3A_800 = arith.addi %parallel_loop3A_796, %parallel_loop3A_799 : vector<16xi32>
        %parallel_loop3A_801 = arith.addi %parallel_loop3A_800, %parallel_loop3A_758 : vector<16xi32>
        %parallel_loop3A_802 = tpu.vector_load_idx %arg5[%parallel_loop3A_801] : memref<107811xf32, #tpu.memory_space<vmem>>[vector<16xi32>], vector<16xf32>,
        %parallel_loop3A_803 = arith.constant 1 : i32
        %parallel_loop3A_804 = vector.broadcast %parallel_loop3A_803 : i32 to vector<16xi32>
        %parallel_loop3A_805 = arith.addi %parallel_loop3A_801, %parallel_loop3A_804 : vector<16xi32>
        %parallel_loop3A_806 = tpu.vector_load_idx %arg5[%parallel_loop3A_805] : memref<107811xf32, #tpu.memory_space<vmem>>[vector<16xi32>], vector<16xf32>,
        %parallel_loop3A_807 = arith.constant 33 : i32
        %parallel_loop3A_808 = vector.broadcast %parallel_loop3A_807 : i32 to vector<16xi32>
        %parallel_loop3A_809 = arith.addi %parallel_loop3A_801, %parallel_loop3A_808 : vector<16xi32>
        %parallel_loop3A_810 = tpu.vector_load_idx %arg5[%parallel_loop3A_809] : memref<107811xf32, #tpu.memory_space<vmem>>[vector<16xi32>], vector<16xf32>,
        %parallel_loop3A_811 = arith.constant 34 : i32
        %parallel_loop3A_812 = vector.broadcast %parallel_loop3A_811 : i32 to vector<16xi32>
        %parallel_loop3A_813 = arith.addi %parallel_loop3A_801, %parallel_loop3A_812 : vector<16xi32>
        %parallel_loop3A_814 = tpu.vector_load_idx %arg5[%parallel_loop3A_813] : memref<107811xf32, #tpu.memory_space<vmem>>[vector<16xi32>], vector<16xf32>,
        %parallel_loop3A_815 = arith.constant 1089 : i32
        %parallel_loop3A_816 = vector.broadcast %parallel_loop3A_815 : i32 to vector<16xi32>
        %parallel_loop3A_817 = arith.addi %parallel_loop3A_801, %parallel_loop3A_816 : vector<16xi32>
        %parallel_loop3A_818 = tpu.vector_load_idx %arg5[%parallel_loop3A_817] : memref<107811xf32, #tpu.memory_space<vmem>>[vector<16xi32>], vector<16xf32>,
        %parallel_loop3A_819 = arith.constant 1090 : i32
        %parallel_loop3A_820 = vector.broadcast %parallel_loop3A_819 : i32 to vector<16xi32>
        %parallel_loop3A_821 = arith.addi %parallel_loop3A_801, %parallel_loop3A_820 : vector<16xi32>
        %parallel_loop3A_822 = tpu.vector_load_idx %arg5[%parallel_loop3A_821] : memref<107811xf32, #tpu.memory_space<vmem>>[vector<16xi32>], vector<16xf32>,
        %parallel_loop3A_823 = arith.constant 1122 : i32
        %parallel_loop3A_824 = vector.broadcast %parallel_loop3A_823 : i32 to vector<16xi32>
        %parallel_loop3A_825 = arith.addi %parallel_loop3A_801, %parallel_loop3A_824 : vector<16xi32>
        %parallel_loop3A_826 = tpu.vector_load_idx %arg5[%parallel_loop3A_825] : memref<107811xf32, #tpu.memory_space<vmem>>[vector<16xi32>], vector<16xf32>,
        %parallel_loop3A_827 = arith.constant 1123 : i32
        %parallel_loop3A_828 = vector.broadcast %parallel_loop3A_827 : i32 to vector<16xi32>
        %parallel_loop3A_829 = arith.addi %parallel_loop3A_801, %parallel_loop3A_828 : vector<16xi32>
        %parallel_loop3A_830 = tpu.vector_load_idx %arg5[%parallel_loop3A_829] : memref<107811xf32, #tpu.memory_space<vmem>>[vector<16xi32>], vector<16xf32>,
        %parallel_loop3A_831 = arith.mulf %parallel_loop3A_786, %parallel_loop3A_802 : vector<16xf32>
        %parallel_loop3A_832 = arith.mulf %parallel_loop3A_787, %parallel_loop3A_806 : vector<16xf32>
        %parallel_loop3A_833 = arith.addf %parallel_loop3A_831, %parallel_loop3A_832 : vector<16xf32>
        %parallel_loop3A_834 = arith.mulf %parallel_loop3A_788, %parallel_loop3A_810 : vector<16xf32>
        %parallel_loop3A_835 = arith.mulf %parallel_loop3A_789, %parallel_loop3A_814 : vector<16xf32>
        %parallel_loop3A_836 = arith.addf %parallel_loop3A_834, %parallel_loop3A_835 : vector<16xf32>
        %parallel_loop3A_837 = arith.mulf %parallel_loop3A_790, %parallel_loop3A_818 : vector<16xf32>
        %parallel_loop3A_838 = arith.mulf %parallel_loop3A_791, %parallel_loop3A_822 : vector<16xf32>
        %parallel_loop3A_839 = arith.addf %parallel_loop3A_837, %parallel_loop3A_838 : vector<16xf32>
        %parallel_loop3A_840 = arith.mulf %parallel_loop3A_792, %parallel_loop3A_826 : vector<16xf32>
        %parallel_loop3A_841 = arith.mulf %parallel_loop3A_793, %parallel_loop3A_830 : vector<16xf32>
        %parallel_loop3A_842 = arith.addf %parallel_loop3A_840, %parallel_loop3A_841 : vector<16xf32>
        %parallel_loop3A_843 = arith.addf %parallel_loop3A_833, %parallel_loop3A_836 : vector<16xf32>
        %parallel_loop3A_844 = arith.addf %parallel_loop3A_839, %parallel_loop3A_842 : vector<16xf32>
        %parallel_loop3A_845 = arith.addf %parallel_loop3A_843, %parallel_loop3A_844 : vector<16xf32>
        %parallel_loop3A_846 = arith.constant 0 : i32
        %parallel_loop3A_847 = arith.constant 1 : i32
        %parallel_loop3A_848 = arith.index_cast %parallel_loop3A_846 : i32 to index
        %parallel_loop3A_849 = arith.index_cast %parallel_loop3A_847 : i32 to index
        %parallel_loop3A_850 = arith.index_cast %parallel_loop3A_497 : i32 to index
        %parallel_loop3A_851 = tpu.vector_load %arg8[%parallel_loop3A_848, %parallel_loop3A_849, %parallel_loop3A_850] {strides = array<i32>} : memref<3x2x512xf32, #tpu.memory_space<vmem>>, vector<16xf32>,
        tpu.vector_store %arg8[%parallel_loop3A_848, %parallel_loop3A_849, %parallel_loop3A_850], %parallel_loop3A_845 {strides = array<i32>} : memref<3x2x512xf32, #tpu.memory_space<vmem>>, vector<16xf32>,
        %parallel_loop3A_852 = arith.constant 35937 : i32
        %parallel_loop3A_853 = vector.broadcast %parallel_loop3A_852 : i32 to vector<16xi32>
        %parallel_loop3A_854 = arith.addi %parallel_loop3A_801, %parallel_loop3A_853 : vector<16xi32>
        %parallel_loop3A_855 = tpu.vector_load_idx %arg5[%parallel_loop3A_854] : memref<107811xf32, #tpu.memory_space<vmem>>[vector<16xi32>], vector<16xf32>,
        %parallel_loop3A_856 = arith.constant 1 : i32
        %parallel_loop3A_857 = vector.broadcast %parallel_loop3A_856 : i32 to vector<16xi32>
        %parallel_loop3A_858 = arith.addi %parallel_loop3A_854, %parallel_loop3A_857 : vector<16xi32>
        %parallel_loop3A_859 = tpu.vector_load_idx %arg5[%parallel_loop3A_858] : memref<107811xf32, #tpu.memory_space<vmem>>[vector<16xi32>], vector<16xf32>,
        %parallel_loop3A_860 = arith.constant 33 : i32
        %parallel_loop3A_861 = vector.broadcast %parallel_loop3A_860 : i32 to vector<16xi32>
        %parallel_loop3A_862 = arith.addi %parallel_loop3A_854, %parallel_loop3A_861 : vector<16xi32>
        %parallel_loop3A_863 = tpu.vector_load_idx %arg5[%parallel_loop3A_862] : memref<107811xf32, #tpu.memory_space<vmem>>[vector<16xi32>], vector<16xf32>,
        %parallel_loop3A_864 = arith.constant 34 : i32
        %parallel_loop3A_865 = vector.broadcast %parallel_loop3A_864 : i32 to vector<16xi32>
        %parallel_loop3A_866 = arith.addi %parallel_loop3A_854, %parallel_loop3A_865 : vector<16xi32>
        %parallel_loop3A_867 = tpu.vector_load_idx %arg5[%parallel_loop3A_866] : memref<107811xf32, #tpu.memory_space<vmem>>[vector<16xi32>], vector<16xf32>,
        %parallel_loop3A_868 = arith.constant 1089 : i32
        %parallel_loop3A_869 = vector.broadcast %parallel_loop3A_868 : i32 to vector<16xi32>
        %parallel_loop3A_870 = arith.addi %parallel_loop3A_854, %parallel_loop3A_869 : vector<16xi32>
        %parallel_loop3A_871 = tpu.vector_load_idx %arg5[%parallel_loop3A_870] : memref<107811xf32, #tpu.memory_space<vmem>>[vector<16xi32>], vector<16xf32>,
        %parallel_loop3A_872 = arith.constant 1090 : i32
        %parallel_loop3A_873 = vector.broadcast %parallel_loop3A_872 : i32 to vector<16xi32>
        %parallel_loop3A_874 = arith.addi %parallel_loop3A_854, %parallel_loop3A_873 : vector<16xi32>
        %parallel_loop3A_875 = tpu.vector_load_idx %arg5[%parallel_loop3A_874] : memref<107811xf32, #tpu.memory_space<vmem>>[vector<16xi32>], vector<16xf32>,
        %parallel_loop3A_876 = arith.constant 1122 : i32
        %parallel_loop3A_877 = vector.broadcast %parallel_loop3A_876 : i32 to vector<16xi32>
        %parallel_loop3A_878 = arith.addi %parallel_loop3A_854, %parallel_loop3A_877 : vector<16xi32>
        %parallel_loop3A_879 = tpu.vector_load_idx %arg5[%parallel_loop3A_878] : memref<107811xf32, #tpu.memory_space<vmem>>[vector<16xi32>], vector<16xf32>,
        %parallel_loop3A_880 = arith.constant 1123 : i32
        %parallel_loop3A_881 = vector.broadcast %parallel_loop3A_880 : i32 to vector<16xi32>
        %parallel_loop3A_882 = arith.addi %parallel_loop3A_854, %parallel_loop3A_881 : vector<16xi32>
        %parallel_loop3A_883 = tpu.vector_load_idx %arg5[%parallel_loop3A_882] : memref<107811xf32, #tpu.memory_space<vmem>>[vector<16xi32>], vector<16xf32>,
        %parallel_loop3A_884 = arith.mulf %parallel_loop3A_786, %parallel_loop3A_855 : vector<16xf32>
        %parallel_loop3A_885 = arith.mulf %parallel_loop3A_787, %parallel_loop3A_859 : vector<16xf32>
        %parallel_loop3A_886 = arith.addf %parallel_loop3A_884, %parallel_loop3A_885 : vector<16xf32>
        %parallel_loop3A_887 = arith.mulf %parallel_loop3A_788, %parallel_loop3A_863 : vector<16xf32>
        %parallel_loop3A_888 = arith.mulf %parallel_loop3A_789, %parallel_loop3A_867 : vector<16xf32>
        %parallel_loop3A_889 = arith.addf %parallel_loop3A_887, %parallel_loop3A_888 : vector<16xf32>
        %parallel_loop3A_890 = arith.mulf %parallel_loop3A_790, %parallel_loop3A_871 : vector<16xf32>
        %parallel_loop3A_891 = arith.mulf %parallel_loop3A_791, %parallel_loop3A_875 : vector<16xf32>
        %parallel_loop3A_892 = arith.addf %parallel_loop3A_890, %parallel_loop3A_891 : vector<16xf32>
        %parallel_loop3A_893 = arith.mulf %parallel_loop3A_792, %parallel_loop3A_879 : vector<16xf32>
        %parallel_loop3A_894 = arith.mulf %parallel_loop3A_793, %parallel_loop3A_883 : vector<16xf32>
        %parallel_loop3A_895 = arith.addf %parallel_loop3A_893, %parallel_loop3A_894 : vector<16xf32>
        %parallel_loop3A_896 = arith.addf %parallel_loop3A_886, %parallel_loop3A_889 : vector<16xf32>
        %parallel_loop3A_897 = arith.addf %parallel_loop3A_892, %parallel_loop3A_895 : vector<16xf32>
        %parallel_loop3A_898 = arith.addf %parallel_loop3A_896, %parallel_loop3A_897 : vector<16xf32>
        %parallel_loop3A_899 = arith.constant 1 : i32
        %parallel_loop3A_900 = arith.constant 1 : i32
        %parallel_loop3A_901 = arith.index_cast %parallel_loop3A_899 : i32 to index
        %parallel_loop3A_902 = arith.index_cast %parallel_loop3A_900 : i32 to index
        %parallel_loop3A_903 = arith.index_cast %parallel_loop3A_497 : i32 to index
        %parallel_loop3A_904 = tpu.vector_load %arg8[%parallel_loop3A_901, %parallel_loop3A_902, %parallel_loop3A_903] {strides = array<i32>} : memref<3x2x512xf32, #tpu.memory_space<vmem>>, vector<16xf32>,
        tpu.vector_store %arg8[%parallel_loop3A_901, %parallel_loop3A_902, %parallel_loop3A_903], %parallel_loop3A_898 {strides = array<i32>} : memref<3x2x512xf32, #tpu.memory_space<vmem>>, vector<16xf32>,
        %parallel_loop3A_905 = arith.constant 71874 : i32
        %parallel_loop3A_906 = vector.broadcast %parallel_loop3A_905 : i32 to vector<16xi32>
        %parallel_loop3A_907 = arith.addi %parallel_loop3A_801, %parallel_loop3A_906 : vector<16xi32>
        %parallel_loop3A_908 = tpu.vector_load_idx %arg5[%parallel_loop3A_907] : memref<107811xf32, #tpu.memory_space<vmem>>[vector<16xi32>], vector<16xf32>,
        %parallel_loop3A_909 = arith.constant 1 : i32
        %parallel_loop3A_910 = vector.broadcast %parallel_loop3A_909 : i32 to vector<16xi32>
        %parallel_loop3A_911 = arith.addi %parallel_loop3A_907, %parallel_loop3A_910 : vector<16xi32>
        %parallel_loop3A_912 = tpu.vector_load_idx %arg5[%parallel_loop3A_911] : memref<107811xf32, #tpu.memory_space<vmem>>[vector<16xi32>], vector<16xf32>,
        %parallel_loop3A_913 = arith.constant 33 : i32
        %parallel_loop3A_914 = vector.broadcast %parallel_loop3A_913 : i32 to vector<16xi32>
        %parallel_loop3A_915 = arith.addi %parallel_loop3A_907, %parallel_loop3A_914 : vector<16xi32>
        %parallel_loop3A_916 = tpu.vector_load_idx %arg5[%parallel_loop3A_915] : memref<107811xf32, #tpu.memory_space<vmem>>[vector<16xi32>], vector<16xf32>,
        %parallel_loop3A_917 = arith.constant 34 : i32
        %parallel_loop3A_918 = vector.broadcast %parallel_loop3A_917 : i32 to vector<16xi32>
        %parallel_loop3A_919 = arith.addi %parallel_loop3A_907, %parallel_loop3A_918 : vector<16xi32>
        %parallel_loop3A_920 = tpu.vector_load_idx %arg5[%parallel_loop3A_919] : memref<107811xf32, #tpu.memory_space<vmem>>[vector<16xi32>], vector<16xf32>,
        %parallel_loop3A_921 = arith.constant 1089 : i32
        %parallel_loop3A_922 = vector.broadcast %parallel_loop3A_921 : i32 to vector<16xi32>
        %parallel_loop3A_923 = arith.addi %parallel_loop3A_907, %parallel_loop3A_922 : vector<16xi32>
        %parallel_loop3A_924 = tpu.vector_load_idx %arg5[%parallel_loop3A_923] : memref<107811xf32, #tpu.memory_space<vmem>>[vector<16xi32>], vector<16xf32>,
        %parallel_loop3A_925 = arith.constant 1090 : i32
        %parallel_loop3A_926 = vector.broadcast %parallel_loop3A_925 : i32 to vector<16xi32>
        %parallel_loop3A_927 = arith.addi %parallel_loop3A_907, %parallel_loop3A_926 : vector<16xi32>
        %parallel_loop3A_928 = tpu.vector_load_idx %arg5[%parallel_loop3A_927] : memref<107811xf32, #tpu.memory_space<vmem>>[vector<16xi32>], vector<16xf32>,
        %parallel_loop3A_929 = arith.constant 1122 : i32
        %parallel_loop3A_930 = vector.broadcast %parallel_loop3A_929 : i32 to vector<16xi32>
        %parallel_loop3A_931 = arith.addi %parallel_loop3A_907, %parallel_loop3A_930 : vector<16xi32>
        %parallel_loop3A_932 = tpu.vector_load_idx %arg5[%parallel_loop3A_931] : memref<107811xf32, #tpu.memory_space<vmem>>[vector<16xi32>], vector<16xf32>,
        %parallel_loop3A_933 = arith.constant 1123 : i32
        %parallel_loop3A_934 = vector.broadcast %parallel_loop3A_933 : i32 to vector<16xi32>
        %parallel_loop3A_935 = arith.addi %parallel_loop3A_907, %parallel_loop3A_934 : vector<16xi32>
        %parallel_loop3A_936 = tpu.vector_load_idx %arg5[%parallel_loop3A_935] : memref<107811xf32, #tpu.memory_space<vmem>>[vector<16xi32>], vector<16xf32>,
        %parallel_loop3A_937 = arith.mulf %parallel_loop3A_786, %parallel_loop3A_908 : vector<16xf32>
        %parallel_loop3A_938 = arith.mulf %parallel_loop3A_787, %parallel_loop3A_912 : vector<16xf32>
        %parallel_loop3A_939 = arith.addf %parallel_loop3A_937, %parallel_loop3A_938 : vector<16xf32>
        %parallel_loop3A_940 = arith.mulf %parallel_loop3A_788, %parallel_loop3A_916 : vector<16xf32>
        %parallel_loop3A_941 = arith.mulf %parallel_loop3A_789, %parallel_loop3A_920 : vector<16xf32>
        %parallel_loop3A_942 = arith.addf %parallel_loop3A_940, %parallel_loop3A_941 : vector<16xf32>
        %parallel_loop3A_943 = arith.mulf %parallel_loop3A_790, %parallel_loop3A_924 : vector<16xf32>
        %parallel_loop3A_944 = arith.mulf %parallel_loop3A_791, %parallel_loop3A_928 : vector<16xf32>
        %parallel_loop3A_945 = arith.addf %parallel_loop3A_943, %parallel_loop3A_944 : vector<16xf32>
        %parallel_loop3A_946 = arith.mulf %parallel_loop3A_792, %parallel_loop3A_932 : vector<16xf32>
        %parallel_loop3A_947 = arith.mulf %parallel_loop3A_793, %parallel_loop3A_936 : vector<16xf32>
        %parallel_loop3A_948 = arith.addf %parallel_loop3A_946, %parallel_loop3A_947 : vector<16xf32>
        %parallel_loop3A_949 = arith.addf %parallel_loop3A_939, %parallel_loop3A_942 : vector<16xf32>
        %parallel_loop3A_950 = arith.addf %parallel_loop3A_945, %parallel_loop3A_948 : vector<16xf32>
        %parallel_loop3A_951 = arith.addf %parallel_loop3A_949, %parallel_loop3A_950 : vector<16xf32>
        %parallel_loop3A_952 = arith.constant 2 : i32
        %parallel_loop3A_953 = arith.constant 1 : i32
        %parallel_loop3A_954 = arith.index_cast %parallel_loop3A_952 : i32 to index
        %parallel_loop3A_955 = arith.index_cast %parallel_loop3A_953 : i32 to index
        %parallel_loop3A_956 = arith.index_cast %parallel_loop3A_497 : i32 to index
        %parallel_loop3A_957 = tpu.vector_load %arg8[%parallel_loop3A_954, %parallel_loop3A_955, %parallel_loop3A_956] {strides = array<i32>} : memref<3x2x512xf32, #tpu.memory_space<vmem>>, vector<16xf32>,
        tpu.vector_store %arg8[%parallel_loop3A_954, %parallel_loop3A_955, %parallel_loop3A_956], %parallel_loop3A_951 {strides = array<i32>} : memref<3x2x512xf32, #tpu.memory_space<vmem>>, vector<16xf32>,
      } {sc.loop_unroll_factor = 8 : i64, sc.parallel_access}
      %mul3A_314 = arith.constant 2 : i32
      %mul3A_315 = arith.muli %mul3A_199, %mul3A_314 : i32
      %add3A_316 = arith.addi %mul3A_32, %mul3A_315 : i32
      %add3A_317 = arith.constant 0 : i32
      %add3A_318 = arith.addi %mul3A_34, %add3A_317 : i32
      %dma_start3A_319 = arith.constant 0 : i32
      %dma_start3A_320 = arith.constant 0 : i32
      %dma_start3A_321 = arith.constant 0 : i32
      %dma_start3A_322 = tpu.memref_slice %arg8[%dma_start3A_319, %dma_start3A_320, %dma_start3A_321] : memref<3x2x512xf32, #tpu.memory_space<vmem>> -> memref<1x2x512xf32, #tpu.memory_space<vmem>>
      %dma_start3A_323 = tpu.memref_squeeze %dma_start3A_322 : memref<1x2x512xf32, #tpu.memory_space<vmem>> -> memref<2x512xf32, #tpu.memory_space<vmem>>
      %dma_start3A_324 = arith.constant 0 : i32
      %dma_start3A_325 = tpu.memref_slice %arg4[%add3A_318, %add3A_316, %dma_start3A_324] : memref<24x512x512xf32, #tpu.memory_space<hbm>> -> memref<1x2x512xf32, #tpu.memory_space<hbm>>
      %dma_start3A_326 = tpu.memref_squeeze %dma_start3A_325 : memref<1x2x512xf32, #tpu.memory_space<hbm>> -> memref<2x512xf32, #tpu.memory_space<hbm>>
      %dma_start3A_327 = arith.constant 0 : i32
      %dma_start3A_328 = tpu.memref_slice %arg4[%add3A_318, %add3A_316, %dma_start3A_327] : memref<24x512x512xf32, #tpu.memory_space<hbm>> -> memref<1x2x512xf32, #tpu.memory_space<hbm>>
      %dma_start3A_329 = tpu.memref_squeeze %dma_start3A_328 : memref<1x2x512xf32, #tpu.memory_space<hbm>> -> memref<2x512xf32, #tpu.memory_space<hbm>>
      %dma_start3A_330 = arith.constant 0 : i32
      %dma_start3A_331 = arith.constant 0 : i32
      %dma_start3A_332 = tpu.memref_slice %arg8[%dma_start3A_319, %dma_start3A_330, %dma_start3A_331] : memref<3x2x512xf32, #tpu.memory_space<vmem>> -> memref<1x2x512xf32, #tpu.memory_space<vmem>>
      %dma_start3A_333 = tpu.memref_squeeze %dma_start3A_332 : memref<1x2x512xf32, #tpu.memory_space<vmem>> -> memref<2x512xf32, #tpu.memory_space<vmem>>
      tpu.enqueue_dma source(%dma_start3A_333 : memref<2x512xf32, #tpu.memory_space<vmem>>) target(%dma_start3A_329 : memref<2x512xf32, #tpu.memory_space<hbm>>) target_semaphore(%arg12 : memref<!tpu.dma_semaphore, #tpu.memory_space<semaphore_mem>>)
      %add3A_334 = arith.constant 1 : i32
      %add3A_335 = arith.addi %mul3A_34, %add3A_334 : i32
      %dma_start3A_336 = arith.constant 1 : i32
      %dma_start3A_337 = arith.constant 0 : i32
      %dma_start3A_338 = arith.constant 0 : i32
      %dma_start3A_339 = tpu.memref_slice %arg8[%dma_start3A_336, %dma_start3A_337, %dma_start3A_338] : memref<3x2x512xf32, #tpu.memory_space<vmem>> -> memref<1x2x512xf32, #tpu.memory_space<vmem>>
      %dma_start3A_340 = tpu.memref_squeeze %dma_start3A_339 : memref<1x2x512xf32, #tpu.memory_space<vmem>> -> memref<2x512xf32, #tpu.memory_space<vmem>>
      %dma_start3A_341 = arith.constant 0 : i32
      %dma_start3A_342 = tpu.memref_slice %arg4[%add3A_335, %add3A_316, %dma_start3A_341] : memref<24x512x512xf32, #tpu.memory_space<hbm>> -> memref<1x2x512xf32, #tpu.memory_space<hbm>>
      %dma_start3A_343 = tpu.memref_squeeze %dma_start3A_342 : memref<1x2x512xf32, #tpu.memory_space<hbm>> -> memref<2x512xf32, #tpu.memory_space<hbm>>
      %dma_start3A_344 = arith.constant 0 : i32
      %dma_start3A_345 = tpu.memref_slice %arg4[%add3A_335, %add3A_316, %dma_start3A_344] : memref<24x512x512xf32, #tpu.memory_space<hbm>> -> memref<1x2x512xf32, #tpu.memory_space<hbm>>
      %dma_start3A_346 = tpu.memref_squeeze %dma_start3A_345 : memref<1x2x512xf32, #tpu.memory_space<hbm>> -> memref<2x512xf32, #tpu.memory_space<hbm>>
      %dma_start3A_347 = arith.constant 0 : i32
      %dma_start3A_348 = arith.constant 0 : i32
      %dma_start3A_349 = tpu.memref_slice %arg8[%dma_start3A_336, %dma_start3A_347, %dma_start3A_348] : memref<3x2x512xf32, #tpu.memory_space<vmem>> -> memref<1x2x512xf32, #tpu.memory_space<vmem>>
      %dma_start3A_350 = tpu.memref_squeeze %dma_start3A_349 : memref<1x2x512xf32, #tpu.memory_space<vmem>> -> memref<2x512xf32, #tpu.memory_space<vmem>>
      tpu.enqueue_dma source(%dma_start3A_350 : memref<2x512xf32, #tpu.memory_space<vmem>>) target(%dma_start3A_346 : memref<2x512xf32, #tpu.memory_space<hbm>>) target_semaphore(%arg12 : memref<!tpu.dma_semaphore, #tpu.memory_space<semaphore_mem>>)
      %add3A_351 = arith.constant 2 : i32
      %add3A_352 = arith.addi %mul3A_34, %add3A_351 : i32
      %dma_start3A_353 = arith.constant 2 : i32
      %dma_start3A_354 = arith.constant 0 : i32
      %dma_start3A_355 = arith.constant 0 : i32
      %dma_start3A_356 = tpu.memref_slice %arg8[%dma_start3A_353, %dma_start3A_354, %dma_start3A_355] : memref<3x2x512xf32, #tpu.memory_space<vmem>> -> memref<1x2x512xf32, #tpu.memory_space<vmem>>
      %dma_start3A_357 = tpu.memref_squeeze %dma_start3A_356 : memref<1x2x512xf32, #tpu.memory_space<vmem>> -> memref<2x512xf32, #tpu.memory_space<vmem>>
      %dma_start3A_358 = arith.constant 0 : i32
      %dma_start3A_359 = tpu.memref_slice %arg4[%add3A_352, %add3A_316, %dma_start3A_358] : memref<24x512x512xf32, #tpu.memory_space<hbm>> -> memref<1x2x512xf32, #tpu.memory_space<hbm>>
      %dma_start3A_360 = tpu.memref_squeeze %dma_start3A_359 : memref<1x2x512xf32, #tpu.memory_space<hbm>> -> memref<2x512xf32, #tpu.memory_space<hbm>>
      %dma_start3A_361 = arith.constant 0 : i32
      %dma_start3A_362 = tpu.memref_slice %arg4[%add3A_352, %add3A_316, %dma_start3A_361] : memref<24x512x512xf32, #tpu.memory_space<hbm>> -> memref<1x2x512xf32, #tpu.memory_space<hbm>>
      %dma_start3A_363 = tpu.memref_squeeze %dma_start3A_362 : memref<1x2x512xf32, #tpu.memory_space<hbm>> -> memref<2x512xf32, #tpu.memory_space<hbm>>
      %dma_start3A_364 = arith.constant 0 : i32
      %dma_start3A_365 = arith.constant 0 : i32
      %dma_start3A_366 = tpu.memref_slice %arg8[%dma_start3A_353, %dma_start3A_364, %dma_start3A_365] : memref<3x2x512xf32, #tpu.memory_space<vmem>> -> memref<1x2x512xf32, #tpu.memory_space<vmem>>
      %dma_start3A_367 = tpu.memref_squeeze %dma_start3A_366 : memref<1x2x512xf32, #tpu.memory_space<vmem>> -> memref<2x512xf32, #tpu.memory_space<vmem>>
      tpu.enqueue_dma source(%dma_start3A_367 : memref<2x512xf32, #tpu.memory_space<vmem>>) target(%dma_start3A_363 : memref<2x512xf32, #tpu.memory_space<hbm>>) target_semaphore(%arg12 : memref<!tpu.dma_semaphore, #tpu.memory_space<semaphore_mem>>)
      %add3A_368 = arith.constant 1 : i32
      %add3A_369 = arith.addi %scan3A_197, %add3A_368 : i32
      %lt3A_370 = arith.constant 32 : i32
      %lt3A_371 = arith.cmpi slt, %add3A_369, %lt3A_370 : i32
      %convert_element_type3A_372 = arith.extui %lt3A_371 : i1 to i32
      %cond3A_373 = arith.constant 0 : i32
      %cond3A_374 = arith.cmpi ne, %convert_element_type3A_372, %cond3A_373 : i32
      scf.if %cond3A_374 {
        %add3A_495 = arith.constant 2 : i32
        %add3A_496 = arith.addi %mul3A_199, %add3A_495 : i32
        %mul3A_497 = arith.constant 2 : i32
        %mul3A_498 = arith.muli %add3A_496, %mul3A_497 : i32
        %add3A_499 = arith.addi %mul3A_32, %mul3A_498 : i32
        %add3A_500 = arith.constant 0 : i32
        %add3A_501 = arith.addi %mul3A_34, %add3A_500 : i32
        %dma_start3A_502 = arith.constant 0 : i32
        %dma_start3A_503 = arith.constant 0 : i32
        %dma_start3A_504 = arith.constant 0 : i32
        %dma_start3A_505 = tpu.memref_slice %arg6[%dma_start3A_502, %dma_start3A_503, %dma_start3A_504] : memref<3x2x512xf32, #tpu.memory_space<vmem>> -> memref<1x2x512xf32, #tpu.memory_space<vmem>>
        %dma_start3A_506 = tpu.memref_squeeze %dma_start3A_505 : memref<1x2x512xf32, #tpu.memory_space<vmem>> -> memref<2x512xf32, #tpu.memory_space<vmem>>
        %dma_start3A_507 = arith.constant 0 : i32
        %dma_start3A_508 = tpu.memref_slice %arg2[%add3A_501, %add3A_499, %dma_start3A_507] : memref<24x512x512xf32, #tpu.memory_space<hbm>> -> memref<1x2x512xf32, #tpu.memory_space<hbm>>
        %dma_start3A_509 = tpu.memref_squeeze %dma_start3A_508 : memref<1x2x512xf32, #tpu.memory_space<hbm>> -> memref<2x512xf32, #tpu.memory_space<hbm>>
        %dma_start3A_510 = arith.constant 0 : i32
        %dma_start3A_511 = arith.constant 0 : i32
        %dma_start3A_512 = tpu.memref_slice %arg6[%dma_start3A_502, %dma_start3A_510, %dma_start3A_511] : memref<3x2x512xf32, #tpu.memory_space<vmem>> -> memref<1x2x512xf32, #tpu.memory_space<vmem>>
        %dma_start3A_513 = tpu.memref_squeeze %dma_start3A_512 : memref<1x2x512xf32, #tpu.memory_space<vmem>> -> memref<2x512xf32, #tpu.memory_space<vmem>>
        %dma_start3A_514 = arith.constant 0 : i32
        %dma_start3A_515 = tpu.memref_slice %arg2[%add3A_501, %add3A_499, %dma_start3A_514] : memref<24x512x512xf32, #tpu.memory_space<hbm>> -> memref<1x2x512xf32, #tpu.memory_space<hbm>>
        %dma_start3A_516 = tpu.memref_squeeze %dma_start3A_515 : memref<1x2x512xf32, #tpu.memory_space<hbm>> -> memref<2x512xf32, #tpu.memory_space<hbm>>
        tpu.enqueue_dma source(%dma_start3A_516 : memref<2x512xf32, #tpu.memory_space<hbm>>) target(%dma_start3A_513 : memref<2x512xf32, #tpu.memory_space<vmem>>) target_semaphore(%arg10 : memref<!tpu.dma_semaphore, #tpu.memory_space<semaphore_mem>>)
        %add3A_517 = arith.constant 1 : i32
        %add3A_518 = arith.addi %mul3A_34, %add3A_517 : i32
        %dma_start3A_519 = arith.constant 1 : i32
        %dma_start3A_520 = arith.constant 0 : i32
        %dma_start3A_521 = arith.constant 0 : i32
        %dma_start3A_522 = tpu.memref_slice %arg6[%dma_start3A_519, %dma_start3A_520, %dma_start3A_521] : memref<3x2x512xf32, #tpu.memory_space<vmem>> -> memref<1x2x512xf32, #tpu.memory_space<vmem>>
        %dma_start3A_523 = tpu.memref_squeeze %dma_start3A_522 : memref<1x2x512xf32, #tpu.memory_space<vmem>> -> memref<2x512xf32, #tpu.memory_space<vmem>>
        %dma_start3A_524 = arith.constant 0 : i32
        %dma_start3A_525 = tpu.memref_slice %arg2[%add3A_518, %add3A_499, %dma_start3A_524] : memref<24x512x512xf32, #tpu.memory_space<hbm>> -> memref<1x2x512xf32, #tpu.memory_space<hbm>>
        %dma_start3A_526 = tpu.memref_squeeze %dma_start3A_525 : memref<1x2x512xf32, #tpu.memory_space<hbm>> -> memref<2x512xf32, #tpu.memory_space<hbm>>
        %dma_start3A_527 = arith.constant 0 : i32
        %dma_start3A_528 = arith.constant 0 : i32
        %dma_start3A_529 = tpu.memref_slice %arg6[%dma_start3A_519, %dma_start3A_527, %dma_start3A_528] : memref<3x2x512xf32, #tpu.memory_space<vmem>> -> memref<1x2x512xf32, #tpu.memory_space<vmem>>
        %dma_start3A_530 = tpu.memref_squeeze %dma_start3A_529 : memref<1x2x512xf32, #tpu.memory_space<vmem>> -> memref<2x512xf32, #tpu.memory_space<vmem>>
        %dma_start3A_531 = arith.constant 0 : i32
        %dma_start3A_532 = tpu.memref_slice %arg2[%add3A_518, %add3A_499, %dma_start3A_531] : memref<24x512x512xf32, #tpu.memory_space<hbm>> -> memref<1x2x512xf32, #tpu.memory_space<hbm>>
        %dma_start3A_533 = tpu.memref_squeeze %dma_start3A_532 : memref<1x2x512xf32, #tpu.memory_space<hbm>> -> memref<2x512xf32, #tpu.memory_space<hbm>>
        tpu.enqueue_dma source(%dma_start3A_533 : memref<2x512xf32, #tpu.memory_space<hbm>>) target(%dma_start3A_530 : memref<2x512xf32, #tpu.memory_space<vmem>>) target_semaphore(%arg10 : memref<!tpu.dma_semaphore, #tpu.memory_space<semaphore_mem>>)
        %add3A_534 = arith.constant 2 : i32
        %add3A_535 = arith.addi %mul3A_34, %add3A_534 : i32
        %dma_start3A_536 = arith.constant 2 : i32
        %dma_start3A_537 = arith.constant 0 : i32
        %dma_start3A_538 = arith.constant 0 : i32
        %dma_start3A_539 = tpu.memref_slice %arg6[%dma_start3A_536, %dma_start3A_537, %dma_start3A_538] : memref<3x2x512xf32, #tpu.memory_space<vmem>> -> memref<1x2x512xf32, #tpu.memory_space<vmem>>
        %dma_start3A_540 = tpu.memref_squeeze %dma_start3A_539 : memref<1x2x512xf32, #tpu.memory_space<vmem>> -> memref<2x512xf32, #tpu.memory_space<vmem>>
        %dma_start3A_541 = arith.constant 0 : i32
        %dma_start3A_542 = tpu.memref_slice %arg2[%add3A_535, %add3A_499, %dma_start3A_541] : memref<24x512x512xf32, #tpu.memory_space<hbm>> -> memref<1x2x512xf32, #tpu.memory_space<hbm>>
        %dma_start3A_543 = tpu.memref_squeeze %dma_start3A_542 : memref<1x2x512xf32, #tpu.memory_space<hbm>> -> memref<2x512xf32, #tpu.memory_space<hbm>>
        %dma_start3A_544 = arith.constant 0 : i32
        %dma_start3A_545 = arith.constant 0 : i32
        %dma_start3A_546 = tpu.memref_slice %arg6[%dma_start3A_536, %dma_start3A_544, %dma_start3A_545] : memref<3x2x512xf32, #tpu.memory_space<vmem>> -> memref<1x2x512xf32, #tpu.memory_space<vmem>>
        %dma_start3A_547 = tpu.memref_squeeze %dma_start3A_546 : memref<1x2x512xf32, #tpu.memory_space<vmem>> -> memref<2x512xf32, #tpu.memory_space<vmem>>
        %dma_start3A_548 = arith.constant 0 : i32
        %dma_start3A_549 = tpu.memref_slice %arg2[%add3A_535, %add3A_499, %dma_start3A_548] : memref<24x512x512xf32, #tpu.memory_space<hbm>> -> memref<1x2x512xf32, #tpu.memory_space<hbm>>
        %dma_start3A_550 = tpu.memref_squeeze %dma_start3A_549 : memref<1x2x512xf32, #tpu.memory_space<hbm>> -> memref<2x512xf32, #tpu.memory_space<hbm>>
        tpu.enqueue_dma source(%dma_start3A_550 : memref<2x512xf32, #tpu.memory_space<hbm>>) target(%dma_start3A_547 : memref<2x512xf32, #tpu.memory_space<vmem>>) target_semaphore(%arg10 : memref<!tpu.dma_semaphore, #tpu.memory_space<semaphore_mem>>)
      } else {
      }
      %add3A_375 = arith.constant 1 : i32
      %add3A_376 = arith.addi %mul3A_199, %add3A_375 : i32
      %mul3A_377 = arith.constant 2 : i32
      %mul3A_378 = arith.muli %add3A_376, %mul3A_377 : i32
      %add3A_379 = arith.addi %mul3A_32, %mul3A_378 : i32
      %add3A_380 = arith.constant 0 : i32
      %add3A_381 = arith.addi %mul3A_34, %add3A_380 : i32
      %dma_wait3A_382 = arith.constant 0 : i32
      %dma_wait3A_383 = arith.constant 0 : i32
      %dma_wait3A_384 = arith.constant 0 : i32
      %dma_wait3A_385 = tpu.memref_slice %arg7[%dma_wait3A_382, %dma_wait3A_383, %dma_wait3A_384] : memref<3x2x512xf32, #tpu.memory_space<vmem>> -> memref<1x2x512xf32, #tpu.memory_space<vmem>>
      %dma_wait3A_386 = tpu.memref_squeeze %dma_wait3A_385 : memref<1x2x512xf32, #tpu.memory_space<vmem>> -> memref<2x512xf32, #tpu.memory_space<vmem>>
      %dma_wait3A_387 = arith.constant 0 : i32
      %dma_wait3A_388 = tpu.memref_slice %arg2[%add3A_381, %add3A_379, %dma_wait3A_387] : memref<24x512x512xf32, #tpu.memory_space<hbm>> -> memref<1x2x512xf32, #tpu.memory_space<hbm>>
      %dma_wait3A_389 = tpu.memref_squeeze %dma_wait3A_388 : memref<1x2x512xf32, #tpu.memory_space<hbm>> -> memref<2x512xf32, #tpu.memory_space<hbm>>
      %dma_wait3A_390 = arith.constant 0 : i32
      %dma_wait3A_391 = arith.constant 0 : i32
      %dma_wait3A_392 = tpu.memref_slice %arg7[%dma_wait3A_382, %dma_wait3A_390, %dma_wait3A_391] : memref<3x2x512xf32, #tpu.memory_space<vmem>> -> memref<1x2x512xf32, #tpu.memory_space<vmem>>
      %dma_wait3A_393 = tpu.memref_squeeze %dma_wait3A_392 : memref<1x2x512xf32, #tpu.memory_space<vmem>> -> memref<2x512xf32, #tpu.memory_space<vmem>>
      %dma_wait3A_394 = arith.constant 0 : i32
      %dma_wait3A_395 = tpu.memref_slice %arg2[%add3A_381, %add3A_379, %dma_wait3A_394] : memref<24x512x512xf32, #tpu.memory_space<hbm>> -> memref<1x2x512xf32, #tpu.memory_space<hbm>>
      %dma_wait3A_396 = tpu.memref_squeeze %dma_wait3A_395 : memref<1x2x512xf32, #tpu.memory_space<hbm>> -> memref<2x512xf32, #tpu.memory_space<hbm>>
      tpu.wait_dma2 semaphore(%arg11 : memref<!tpu.dma_semaphore, #tpu.memory_space<semaphore_mem>>) src(%dma_wait3A_396 : memref<2x512xf32, #tpu.memory_space<hbm>>) dst(%dma_wait3A_393 : memref<2x512xf32, #tpu.memory_space<vmem>>)
      %add3A_397 = arith.constant 1 : i32
      %add3A_398 = arith.addi %mul3A_34, %add3A_397 : i32
      %dma_wait3A_399 = arith.constant 1 : i32
      %dma_wait3A_400 = arith.constant 0 : i32
      %dma_wait3A_401 = arith.constant 0 : i32
      %dma_wait3A_402 = tpu.memref_slice %arg7[%dma_wait3A_399, %dma_wait3A_400, %dma_wait3A_401] : memref<3x2x512xf32, #tpu.memory_space<vmem>> -> memref<1x2x512xf32, #tpu.memory_space<vmem>>
      %dma_wait3A_403 = tpu.memref_squeeze %dma_wait3A_402 : memref<1x2x512xf32, #tpu.memory_space<vmem>> -> memref<2x512xf32, #tpu.memory_space<vmem>>
      %dma_wait3A_404 = arith.constant 0 : i32
      %dma_wait3A_405 = tpu.memref_slice %arg2[%add3A_398, %add3A_379, %dma_wait3A_404] : memref<24x512x512xf32, #tpu.memory_space<hbm>> -> memref<1x2x512xf32, #tpu.memory_space<hbm>>
      %dma_wait3A_406 = tpu.memref_squeeze %dma_wait3A_405 : memref<1x2x512xf32, #tpu.memory_space<hbm>> -> memref<2x512xf32, #tpu.memory_space<hbm>>
      %dma_wait3A_407 = arith.constant 0 : i32
      %dma_wait3A_408 = arith.constant 0 : i32
      %dma_wait3A_409 = tpu.memref_slice %arg7[%dma_wait3A_399, %dma_wait3A_407, %dma_wait3A_408] : memref<3x2x512xf32, #tpu.memory_space<vmem>> -> memref<1x2x512xf32, #tpu.memory_space<vmem>>
      %dma_wait3A_410 = tpu.memref_squeeze %dma_wait3A_409 : memref<1x2x512xf32, #tpu.memory_space<vmem>> -> memref<2x512xf32, #tpu.memory_space<vmem>>
      %dma_wait3A_411 = arith.constant 0 : i32
      %dma_wait3A_412 = tpu.memref_slice %arg2[%add3A_398, %add3A_379, %dma_wait3A_411] : memref<24x512x512xf32, #tpu.memory_space<hbm>> -> memref<1x2x512xf32, #tpu.memory_space<hbm>>
      %dma_wait3A_413 = tpu.memref_squeeze %dma_wait3A_412 : memref<1x2x512xf32, #tpu.memory_space<hbm>> -> memref<2x512xf32, #tpu.memory_space<hbm>>
      tpu.wait_dma2 semaphore(%arg11 : memref<!tpu.dma_semaphore, #tpu.memory_space<semaphore_mem>>) src(%dma_wait3A_413 : memref<2x512xf32, #tpu.memory_space<hbm>>) dst(%dma_wait3A_410 : memref<2x512xf32, #tpu.memory_space<vmem>>)
      %add3A_414 = arith.constant 2 : i32
      %add3A_415 = arith.addi %mul3A_34, %add3A_414 : i32
      %dma_wait3A_416 = arith.constant 2 : i32
      %dma_wait3A_417 = arith.constant 0 : i32
      %dma_wait3A_418 = arith.constant 0 : i32
      %dma_wait3A_419 = tpu.memref_slice %arg7[%dma_wait3A_416, %dma_wait3A_417, %dma_wait3A_418] : memref<3x2x512xf32, #tpu.memory_space<vmem>> -> memref<1x2x512xf32, #tpu.memory_space<vmem>>
      %dma_wait3A_420 = tpu.memref_squeeze %dma_wait3A_419 : memref<1x2x512xf32, #tpu.memory_space<vmem>> -> memref<2x512xf32, #tpu.memory_space<vmem>>
      %dma_wait3A_421 = arith.constant 0 : i32
      %dma_wait3A_422 = tpu.memref_slice %arg2[%add3A_415, %add3A_379, %dma_wait3A_421] : memref<24x512x512xf32, #tpu.memory_space<hbm>> -> memref<1x2x512xf32, #tpu.memory_space<hbm>>
      %dma_wait3A_423 = tpu.memref_squeeze %dma_wait3A_422 : memref<1x2x512xf32, #tpu.memory_space<hbm>> -> memref<2x512xf32, #tpu.memory_space<hbm>>
      %dma_wait3A_424 = arith.constant 0 : i32
      %dma_wait3A_425 = arith.constant 0 : i32
      %dma_wait3A_426 = tpu.memref_slice %arg7[%dma_wait3A_416, %dma_wait3A_424, %dma_wait3A_425] : memref<3x2x512xf32, #tpu.memory_space<vmem>> -> memref<1x2x512xf32, #tpu.memory_space<vmem>>
      %dma_wait3A_427 = tpu.memref_squeeze %dma_wait3A_426 : memref<1x2x512xf32, #tpu.memory_space<vmem>> -> memref<2x512xf32, #tpu.memory_space<vmem>>
      %dma_wait3A_428 = arith.constant 0 : i32
      %dma_wait3A_429 = tpu.memref_slice %arg2[%add3A_415, %add3A_379, %dma_wait3A_428] : memref<24x512x512xf32, #tpu.memory_space<hbm>> -> memref<1x2x512xf32, #tpu.memory_space<hbm>>
      %dma_wait3A_430 = tpu.memref_squeeze %dma_wait3A_429 : memref<1x2x512xf32, #tpu.memory_space<hbm>> -> memref<2x512xf32, #tpu.memory_space<hbm>>
      tpu.wait_dma2 semaphore(%arg11 : memref<!tpu.dma_semaphore, #tpu.memory_space<semaphore_mem>>) src(%dma_wait3A_430 : memref<2x512xf32, #tpu.memory_space<hbm>>) dst(%dma_wait3A_427 : memref<2x512xf32, #tpu.memory_space<vmem>>)
      %gt3A_431 = arith.constant 0 : i32
      %gt3A_432 = arith.cmpi sgt, %scan3A_197, %gt3A_431 : i32
      %convert_element_type3A_433 = arith.extui %gt3A_432 : i1 to i32
      %cond3A_434 = arith.constant 0 : i32
      %cond3A_435 = arith.cmpi ne, %convert_element_type3A_433, %cond3A_434 : i32
      scf.if %cond3A_435 {
        %sub3A_495 = arith.constant 1 : i32
        %sub3A_496 = arith.subi %mul3A_199, %sub3A_495 : i32
        %mul3A_497 = arith.constant 2 : i32
        %mul3A_498 = arith.muli %sub3A_496, %mul3A_497 : i32
        %add3A_499 = arith.addi %mul3A_32, %mul3A_498 : i32
        %add3A_500 = arith.constant 0 : i32
        %add3A_501 = arith.addi %mul3A_34, %add3A_500 : i32
        %dma_wait3A_502 = arith.constant 0 : i32
        %dma_wait3A_503 = arith.constant 0 : i32
        %dma_wait3A_504 = arith.constant 0 : i32
        %dma_wait3A_505 = tpu.memref_slice %arg9[%dma_wait3A_502, %dma_wait3A_503, %dma_wait3A_504] : memref<3x2x512xf32, #tpu.memory_space<vmem>> -> memref<1x2x512xf32, #tpu.memory_space<vmem>>
        %dma_wait3A_506 = tpu.memref_squeeze %dma_wait3A_505 : memref<1x2x512xf32, #tpu.memory_space<vmem>> -> memref<2x512xf32, #tpu.memory_space<vmem>>
        %dma_wait3A_507 = arith.constant 0 : i32
        %dma_wait3A_508 = tpu.memref_slice %arg4[%add3A_501, %add3A_499, %dma_wait3A_507] : memref<24x512x512xf32, #tpu.memory_space<hbm>> -> memref<1x2x512xf32, #tpu.memory_space<hbm>>
        %dma_wait3A_509 = tpu.memref_squeeze %dma_wait3A_508 : memref<1x2x512xf32, #tpu.memory_space<hbm>> -> memref<2x512xf32, #tpu.memory_space<hbm>>
        %dma_wait3A_510 = arith.constant 0 : i32
        %dma_wait3A_511 = tpu.memref_slice %arg4[%add3A_501, %add3A_499, %dma_wait3A_510] : memref<24x512x512xf32, #tpu.memory_space<hbm>> -> memref<1x2x512xf32, #tpu.memory_space<hbm>>
        %dma_wait3A_512 = tpu.memref_squeeze %dma_wait3A_511 : memref<1x2x512xf32, #tpu.memory_space<hbm>> -> memref<2x512xf32, #tpu.memory_space<hbm>>
        %dma_wait3A_513 = arith.constant 0 : i32
        %dma_wait3A_514 = arith.constant 0 : i32
        %dma_wait3A_515 = tpu.memref_slice %arg9[%dma_wait3A_502, %dma_wait3A_513, %dma_wait3A_514] : memref<3x2x512xf32, #tpu.memory_space<vmem>> -> memref<1x2x512xf32, #tpu.memory_space<vmem>>
        %dma_wait3A_516 = tpu.memref_squeeze %dma_wait3A_515 : memref<1x2x512xf32, #tpu.memory_space<vmem>> -> memref<2x512xf32, #tpu.memory_space<vmem>>
        tpu.wait_dma2 semaphore(%arg13 : memref<!tpu.dma_semaphore, #tpu.memory_space<semaphore_mem>>) src(%dma_wait3A_516 : memref<2x512xf32, #tpu.memory_space<vmem>>) dst(%dma_wait3A_512 : memref<2x512xf32, #tpu.memory_space<hbm>>)
        %add3A_517 = arith.constant 1 : i32
        %add3A_518 = arith.addi %mul3A_34, %add3A_517 : i32
        %dma_wait3A_519 = arith.constant 1 : i32
        %dma_wait3A_520 = arith.constant 0 : i32
        %dma_wait3A_521 = arith.constant 0 : i32
        %dma_wait3A_522 = tpu.memref_slice %arg9[%dma_wait3A_519, %dma_wait3A_520, %dma_wait3A_521] : memref<3x2x512xf32, #tpu.memory_space<vmem>> -> memref<1x2x512xf32, #tpu.memory_space<vmem>>
        %dma_wait3A_523 = tpu.memref_squeeze %dma_wait3A_522 : memref<1x2x512xf32, #tpu.memory_space<vmem>> -> memref<2x512xf32, #tpu.memory_space<vmem>>
        %dma_wait3A_524 = arith.constant 0 : i32
        %dma_wait3A_525 = tpu.memref_slice %arg4[%add3A_518, %add3A_499, %dma_wait3A_524] : memref<24x512x512xf32, #tpu.memory_space<hbm>> -> memref<1x2x512xf32, #tpu.memory_space<hbm>>
        %dma_wait3A_526 = tpu.memref_squeeze %dma_wait3A_525 : memref<1x2x512xf32, #tpu.memory_space<hbm>> -> memref<2x512xf32, #tpu.memory_space<hbm>>
        %dma_wait3A_527 = arith.constant 0 : i32
        %dma_wait3A_528 = tpu.memref_slice %arg4[%add3A_518, %add3A_499, %dma_wait3A_527] : memref<24x512x512xf32, #tpu.memory_space<hbm>> -> memref<1x2x512xf32, #tpu.memory_space<hbm>>
        %dma_wait3A_529 = tpu.memref_squeeze %dma_wait3A_528 : memref<1x2x512xf32, #tpu.memory_space<hbm>> -> memref<2x512xf32, #tpu.memory_space<hbm>>
        %dma_wait3A_530 = arith.constant 0 : i32
        %dma_wait3A_531 = arith.constant 0 : i32
        %dma_wait3A_532 = tpu.memref_slice %arg9[%dma_wait3A_519, %dma_wait3A_530, %dma_wait3A_531] : memref<3x2x512xf32, #tpu.memory_space<vmem>> -> memref<1x2x512xf32, #tpu.memory_space<vmem>>
        %dma_wait3A_533 = tpu.memref_squeeze %dma_wait3A_532 : memref<1x2x512xf32, #tpu.memory_space<vmem>> -> memref<2x512xf32, #tpu.memory_space<vmem>>
        tpu.wait_dma2 semaphore(%arg13 : memref<!tpu.dma_semaphore, #tpu.memory_space<semaphore_mem>>) src(%dma_wait3A_533 : memref<2x512xf32, #tpu.memory_space<vmem>>) dst(%dma_wait3A_529 : memref<2x512xf32, #tpu.memory_space<hbm>>)
        %add3A_534 = arith.constant 2 : i32
        %add3A_535 = arith.addi %mul3A_34, %add3A_534 : i32
        %dma_wait3A_536 = arith.constant 2 : i32
        %dma_wait3A_537 = arith.constant 0 : i32
        %dma_wait3A_538 = arith.constant 0 : i32
        %dma_wait3A_539 = tpu.memref_slice %arg9[%dma_wait3A_536, %dma_wait3A_537, %dma_wait3A_538] : memref<3x2x512xf32, #tpu.memory_space<vmem>> -> memref<1x2x512xf32, #tpu.memory_space<vmem>>
        %dma_wait3A_540 = tpu.memref_squeeze %dma_wait3A_539 : memref<1x2x512xf32, #tpu.memory_space<vmem>> -> memref<2x512xf32, #tpu.memory_space<vmem>>
        %dma_wait3A_541 = arith.constant 0 : i32
        %dma_wait3A_542 = tpu.memref_slice %arg4[%add3A_535, %add3A_499, %dma_wait3A_541] : memref<24x512x512xf32, #tpu.memory_space<hbm>> -> memref<1x2x512xf32, #tpu.memory_space<hbm>>
        %dma_wait3A_543 = tpu.memref_squeeze %dma_wait3A_542 : memref<1x2x512xf32, #tpu.memory_space<hbm>> -> memref<2x512xf32, #tpu.memory_space<hbm>>
        %dma_wait3A_544 = arith.constant 0 : i32
        %dma_wait3A_545 = tpu.memref_slice %arg4[%add3A_535, %add3A_499, %dma_wait3A_544] : memref<24x512x512xf32, #tpu.memory_space<hbm>> -> memref<1x2x512xf32, #tpu.memory_space<hbm>>
        %dma_wait3A_546 = tpu.memref_squeeze %dma_wait3A_545 : memref<1x2x512xf32, #tpu.memory_space<hbm>> -> memref<2x512xf32, #tpu.memory_space<hbm>>
        %dma_wait3A_547 = arith.constant 0 : i32
        %dma_wait3A_548 = arith.constant 0 : i32
        %dma_wait3A_549 = tpu.memref_slice %arg9[%dma_wait3A_536, %dma_wait3A_547, %dma_wait3A_548] : memref<3x2x512xf32, #tpu.memory_space<vmem>> -> memref<1x2x512xf32, #tpu.memory_space<vmem>>
        %dma_wait3A_550 = tpu.memref_squeeze %dma_wait3A_549 : memref<1x2x512xf32, #tpu.memory_space<vmem>> -> memref<2x512xf32, #tpu.memory_space<vmem>>
        tpu.wait_dma2 semaphore(%arg13 : memref<!tpu.dma_semaphore, #tpu.memory_space<semaphore_mem>>) src(%dma_wait3A_550 : memref<2x512xf32, #tpu.memory_space<vmem>>) dst(%dma_wait3A_546 : memref<2x512xf32, #tpu.memory_space<hbm>>)
      } else {
      }
      %parallel_loop3A_436 = arith.constant 0 : i32
      %parallel_loop3A_437 = arith.constant 32 : i32
      %parallel_loop3A_438 = arith.constant 1 : i32
      scf.for %parallel_loop3A_495 = %parallel_loop3A_436 to %parallel_loop3A_437 step %parallel_loop3A_438  : i32 {
        %parallel_loop3A_496 = arith.constant 16 : i32
        %parallel_loop3A_497 = arith.muli %parallel_loop3A_495, %parallel_loop3A_496 : i32
        %parallel_loop3A_498 = arith.constant 0 : i32
        %parallel_loop3A_499 = arith.constant 0 : i32
        %parallel_loop3A_500 = arith.index_cast %parallel_loop3A_498 : i32 to index
        %parallel_loop3A_501 = arith.index_cast %parallel_loop3A_499 : i32 to index
        %parallel_loop3A_502 = arith.index_cast %parallel_loop3A_497 : i32 to index
        %parallel_loop3A_503 = tpu.vector_load %arg7[%parallel_loop3A_500, %parallel_loop3A_501, %parallel_loop3A_502] {strides = array<i32>} : memref<3x2x512xf32, #tpu.memory_space<vmem>>, vector<16xf32>,
        %parallel_loop3A_504 = arith.constant 3.200000e+01 : f32
        %parallel_loop3A_505 = vector.broadcast %parallel_loop3A_504 : f32 to vector<16xf32>
        %parallel_loop3A_506 = arith.mulf %parallel_loop3A_503, %parallel_loop3A_505 : vector<16xf32>
        %parallel_loop3A_507 = arith.constant 1 : i32
        %parallel_loop3A_508 = arith.constant 0 : i32
        %parallel_loop3A_509 = arith.index_cast %parallel_loop3A_507 : i32 to index
        %parallel_loop3A_510 = arith.index_cast %parallel_loop3A_508 : i32 to index
        %parallel_loop3A_511 = arith.index_cast %parallel_loop3A_497 : i32 to index
        %parallel_loop3A_512 = tpu.vector_load %arg7[%parallel_loop3A_509, %parallel_loop3A_510, %parallel_loop3A_511] {strides = array<i32>} : memref<3x2x512xf32, #tpu.memory_space<vmem>>, vector<16xf32>,
        %parallel_loop3A_513 = arith.constant 3.200000e+01 : f32
        %parallel_loop3A_514 = vector.broadcast %parallel_loop3A_513 : f32 to vector<16xf32>
        %parallel_loop3A_515 = arith.mulf %parallel_loop3A_512, %parallel_loop3A_514 : vector<16xf32>
        %parallel_loop3A_516 = arith.constant 2 : i32
        %parallel_loop3A_517 = arith.constant 0 : i32
        %parallel_loop3A_518 = arith.index_cast %parallel_loop3A_516 : i32 to index
        %parallel_loop3A_519 = arith.index_cast %parallel_loop3A_517 : i32 to index
        %parallel_loop3A_520 = arith.index_cast %parallel_loop3A_497 : i32 to index
        %parallel_loop3A_521 = tpu.vector_load %arg7[%parallel_loop3A_518, %parallel_loop3A_519, %parallel_loop3A_520] {strides = array<i32>} : memref<3x2x512xf32, #tpu.memory_space<vmem>>, vector<16xf32>,
        %parallel_loop3A_522 = arith.constant 3.200000e+01 : f32
        %parallel_loop3A_523 = vector.broadcast %parallel_loop3A_522 : f32 to vector<16xf32>
        %parallel_loop3A_524 = arith.mulf %parallel_loop3A_521, %parallel_loop3A_523 : vector<16xf32>
        %parallel_loop3A_525 = arith.fptosi %parallel_loop3A_506 : vector<16xf32> to vector<16xi32>
        %parallel_loop3A_526 = arith.constant 31 : i32
        %parallel_loop3A_527 = vector.broadcast %parallel_loop3A_526 : i32 to vector<16xi32>
        %parallel_loop3A_528 = arith.minsi %parallel_loop3A_525, %parallel_loop3A_527 : vector<16xi32>
        %parallel_loop3A_529 = arith.fptosi %parallel_loop3A_515 : vector<16xf32> to vector<16xi32>
        %parallel_loop3A_530 = arith.constant 31 : i32
        %parallel_loop3A_531 = vector.broadcast %parallel_loop3A_530 : i32 to vector<16xi32>
        %parallel_loop3A_532 = arith.minsi %parallel_loop3A_529, %parallel_loop3A_531 : vector<16xi32>
        %parallel_loop3A_533 = arith.fptosi %parallel_loop3A_524 : vector<16xf32> to vector<16xi32>
        %parallel_loop3A_534 = arith.constant 31 : i32
        %parallel_loop3A_535 = vector.broadcast %parallel_loop3A_534 : i32 to vector<16xi32>
        %parallel_loop3A_536 = arith.minsi %parallel_loop3A_533, %parallel_loop3A_535 : vector<16xi32>
        %parallel_loop3A_537 = arith.sitofp %parallel_loop3A_528 : vector<16xi32> to vector<16xf32>
        %parallel_loop3A_538 = arith.subf %parallel_loop3A_506, %parallel_loop3A_537 : vector<16xf32>
        %parallel_loop3A_539 = arith.sitofp %parallel_loop3A_532 : vector<16xi32> to vector<16xf32>
        %parallel_loop3A_540 = arith.subf %parallel_loop3A_515, %parallel_loop3A_539 : vector<16xf32>
        %parallel_loop3A_541 = arith.sitofp %parallel_loop3A_536 : vector<16xi32> to vector<16xf32>
        %parallel_loop3A_542 = arith.subf %parallel_loop3A_524, %parallel_loop3A_541 : vector<16xf32>
        %parallel_loop3A_543 = arith.constant 1.000000e+00 : f32
        %parallel_loop3A_544 = vector.broadcast %parallel_loop3A_543 : f32 to vector<16xf32>
        %parallel_loop3A_545 = arith.subf %parallel_loop3A_544, %parallel_loop3A_538 : vector<16xf32>
        %parallel_loop3A_546 = arith.constant 1.000000e+00 : f32
        %parallel_loop3A_547 = vector.broadcast %parallel_loop3A_546 : f32 to vector<16xf32>
        %parallel_loop3A_548 = arith.subf %parallel_loop3A_547, %parallel_loop3A_540 : vector<16xf32>
        %parallel_loop3A_549 = arith.constant 1.000000e+00 : f32
        %parallel_loop3A_550 = vector.broadcast %parallel_loop3A_549 : f32 to vector<16xf32>
        %parallel_loop3A_551 = arith.subf %parallel_loop3A_550, %parallel_loop3A_542 : vector<16xf32>
        %parallel_loop3A_552 = arith.mulf %parallel_loop3A_548, %parallel_loop3A_551 : vector<16xf32>
        %parallel_loop3A_553 = arith.mulf %parallel_loop3A_540, %parallel_loop3A_551 : vector<16xf32>
        %parallel_loop3A_554 = arith.mulf %parallel_loop3A_548, %parallel_loop3A_542 : vector<16xf32>
        %parallel_loop3A_555 = arith.mulf %parallel_loop3A_540, %parallel_loop3A_542 : vector<16xf32>
        %parallel_loop3A_556 = arith.mulf %parallel_loop3A_545, %parallel_loop3A_552 : vector<16xf32>
        %parallel_loop3A_557 = arith.mulf %parallel_loop3A_538, %parallel_loop3A_552 : vector<16xf32>
        %parallel_loop3A_558 = arith.mulf %parallel_loop3A_545, %parallel_loop3A_553 : vector<16xf32>
        %parallel_loop3A_559 = arith.mulf %parallel_loop3A_538, %parallel_loop3A_553 : vector<16xf32>
        %parallel_loop3A_560 = arith.mulf %parallel_loop3A_545, %parallel_loop3A_554 : vector<16xf32>
        %parallel_loop3A_561 = arith.mulf %parallel_loop3A_538, %parallel_loop3A_554 : vector<16xf32>
        %parallel_loop3A_562 = arith.mulf %parallel_loop3A_545, %parallel_loop3A_555 : vector<16xf32>
        %parallel_loop3A_563 = arith.mulf %parallel_loop3A_538, %parallel_loop3A_555 : vector<16xf32>
        %parallel_loop3A_564 = arith.constant 1089 : i32
        %parallel_loop3A_565 = vector.broadcast %parallel_loop3A_564 : i32 to vector<16xi32>
        %parallel_loop3A_566 = arith.muli %parallel_loop3A_536, %parallel_loop3A_565 : vector<16xi32>
        %parallel_loop3A_567 = arith.constant 33 : i32
        %parallel_loop3A_568 = vector.broadcast %parallel_loop3A_567 : i32 to vector<16xi32>
        %parallel_loop3A_569 = arith.muli %parallel_loop3A_532, %parallel_loop3A_568 : vector<16xi32>
        %parallel_loop3A_570 = arith.addi %parallel_loop3A_566, %parallel_loop3A_569 : vector<16xi32>
        %parallel_loop3A_571 = arith.addi %parallel_loop3A_570, %parallel_loop3A_528 : vector<16xi32>
        %parallel_loop3A_572 = tpu.vector_load_idx %arg5[%parallel_loop3A_571] : memref<107811xf32, #tpu.memory_space<vmem>>[vector<16xi32>], vector<16xf32>,
        %parallel_loop3A_573 = arith.constant 1 : i32
        %parallel_loop3A_574 = vector.broadcast %parallel_loop3A_573 : i32 to vector<16xi32>
        %parallel_loop3A_575 = arith.addi %parallel_loop3A_571, %parallel_loop3A_574 : vector<16xi32>
        %parallel_loop3A_576 = tpu.vector_load_idx %arg5[%parallel_loop3A_575] : memref<107811xf32, #tpu.memory_space<vmem>>[vector<16xi32>], vector<16xf32>,
        %parallel_loop3A_577 = arith.constant 33 : i32
        %parallel_loop3A_578 = vector.broadcast %parallel_loop3A_577 : i32 to vector<16xi32>
        %parallel_loop3A_579 = arith.addi %parallel_loop3A_571, %parallel_loop3A_578 : vector<16xi32>
        %parallel_loop3A_580 = tpu.vector_load_idx %arg5[%parallel_loop3A_579] : memref<107811xf32, #tpu.memory_space<vmem>>[vector<16xi32>], vector<16xf32>,
        %parallel_loop3A_581 = arith.constant 34 : i32
        %parallel_loop3A_582 = vector.broadcast %parallel_loop3A_581 : i32 to vector<16xi32>
        %parallel_loop3A_583 = arith.addi %parallel_loop3A_571, %parallel_loop3A_582 : vector<16xi32>
        %parallel_loop3A_584 = tpu.vector_load_idx %arg5[%parallel_loop3A_583] : memref<107811xf32, #tpu.memory_space<vmem>>[vector<16xi32>], vector<16xf32>,
        %parallel_loop3A_585 = arith.constant 1089 : i32
        %parallel_loop3A_586 = vector.broadcast %parallel_loop3A_585 : i32 to vector<16xi32>
        %parallel_loop3A_587 = arith.addi %parallel_loop3A_571, %parallel_loop3A_586 : vector<16xi32>
        %parallel_loop3A_588 = tpu.vector_load_idx %arg5[%parallel_loop3A_587] : memref<107811xf32, #tpu.memory_space<vmem>>[vector<16xi32>], vector<16xf32>,
        %parallel_loop3A_589 = arith.constant 1090 : i32
        %parallel_loop3A_590 = vector.broadcast %parallel_loop3A_589 : i32 to vector<16xi32>
        %parallel_loop3A_591 = arith.addi %parallel_loop3A_571, %parallel_loop3A_590 : vector<16xi32>
        %parallel_loop3A_592 = tpu.vector_load_idx %arg5[%parallel_loop3A_591] : memref<107811xf32, #tpu.memory_space<vmem>>[vector<16xi32>], vector<16xf32>,
        %parallel_loop3A_593 = arith.constant 1122 : i32
        %parallel_loop3A_594 = vector.broadcast %parallel_loop3A_593 : i32 to vector<16xi32>
        %parallel_loop3A_595 = arith.addi %parallel_loop3A_571, %parallel_loop3A_594 : vector<16xi32>
        %parallel_loop3A_596 = tpu.vector_load_idx %arg5[%parallel_loop3A_595] : memref<107811xf32, #tpu.memory_space<vmem>>[vector<16xi32>], vector<16xf32>,
        %parallel_loop3A_597 = arith.constant 1123 : i32
        %parallel_loop3A_598 = vector.broadcast %parallel_loop3A_597 : i32 to vector<16xi32>
        %parallel_loop3A_599 = arith.addi %parallel_loop3A_571, %parallel_loop3A_598 : vector<16xi32>
        %parallel_loop3A_600 = tpu.vector_load_idx %arg5[%parallel_loop3A_599] : memref<107811xf32, #tpu.memory_space<vmem>>[vector<16xi32>], vector<16xf32>,
        %parallel_loop3A_601 = arith.mulf %parallel_loop3A_556, %parallel_loop3A_572 : vector<16xf32>
        %parallel_loop3A_602 = arith.mulf %parallel_loop3A_557, %parallel_loop3A_576 : vector<16xf32>
        %parallel_loop3A_603 = arith.addf %parallel_loop3A_601, %parallel_loop3A_602 : vector<16xf32>
        %parallel_loop3A_604 = arith.mulf %parallel_loop3A_558, %parallel_loop3A_580 : vector<16xf32>
        %parallel_loop3A_605 = arith.mulf %parallel_loop3A_559, %parallel_loop3A_584 : vector<16xf32>
        %parallel_loop3A_606 = arith.addf %parallel_loop3A_604, %parallel_loop3A_605 : vector<16xf32>
        %parallel_loop3A_607 = arith.mulf %parallel_loop3A_560, %parallel_loop3A_588 : vector<16xf32>
        %parallel_loop3A_608 = arith.mulf %parallel_loop3A_561, %parallel_loop3A_592 : vector<16xf32>
        %parallel_loop3A_609 = arith.addf %parallel_loop3A_607, %parallel_loop3A_608 : vector<16xf32>
        %parallel_loop3A_610 = arith.mulf %parallel_loop3A_562, %parallel_loop3A_596 : vector<16xf32>
        %parallel_loop3A_611 = arith.mulf %parallel_loop3A_563, %parallel_loop3A_600 : vector<16xf32>
        %parallel_loop3A_612 = arith.addf %parallel_loop3A_610, %parallel_loop3A_611 : vector<16xf32>
        %parallel_loop3A_613 = arith.addf %parallel_loop3A_603, %parallel_loop3A_606 : vector<16xf32>
        %parallel_loop3A_614 = arith.addf %parallel_loop3A_609, %parallel_loop3A_612 : vector<16xf32>
        %parallel_loop3A_615 = arith.addf %parallel_loop3A_613, %parallel_loop3A_614 : vector<16xf32>
        %parallel_loop3A_616 = arith.constant 0 : i32
        %parallel_loop3A_617 = arith.constant 0 : i32
        %parallel_loop3A_618 = arith.index_cast %parallel_loop3A_616 : i32 to index
        %parallel_loop3A_619 = arith.index_cast %parallel_loop3A_617 : i32 to index
        %parallel_loop3A_620 = arith.index_cast %parallel_loop3A_497 : i32 to index
        %parallel_loop3A_621 = tpu.vector_load %arg9[%parallel_loop3A_618, %parallel_loop3A_619, %parallel_loop3A_620] {strides = array<i32>} : memref<3x2x512xf32, #tpu.memory_space<vmem>>, vector<16xf32>,
        tpu.vector_store %arg9[%parallel_loop3A_618, %parallel_loop3A_619, %parallel_loop3A_620], %parallel_loop3A_615 {strides = array<i32>} : memref<3x2x512xf32, #tpu.memory_space<vmem>>, vector<16xf32>,
        %parallel_loop3A_622 = arith.constant 35937 : i32
        %parallel_loop3A_623 = vector.broadcast %parallel_loop3A_622 : i32 to vector<16xi32>
        %parallel_loop3A_624 = arith.addi %parallel_loop3A_571, %parallel_loop3A_623 : vector<16xi32>
        %parallel_loop3A_625 = tpu.vector_load_idx %arg5[%parallel_loop3A_624] : memref<107811xf32, #tpu.memory_space<vmem>>[vector<16xi32>], vector<16xf32>,
        %parallel_loop3A_626 = arith.constant 1 : i32
        %parallel_loop3A_627 = vector.broadcast %parallel_loop3A_626 : i32 to vector<16xi32>
        %parallel_loop3A_628 = arith.addi %parallel_loop3A_624, %parallel_loop3A_627 : vector<16xi32>
        %parallel_loop3A_629 = tpu.vector_load_idx %arg5[%parallel_loop3A_628] : memref<107811xf32, #tpu.memory_space<vmem>>[vector<16xi32>], vector<16xf32>,
        %parallel_loop3A_630 = arith.constant 33 : i32
        %parallel_loop3A_631 = vector.broadcast %parallel_loop3A_630 : i32 to vector<16xi32>
        %parallel_loop3A_632 = arith.addi %parallel_loop3A_624, %parallel_loop3A_631 : vector<16xi32>
        %parallel_loop3A_633 = tpu.vector_load_idx %arg5[%parallel_loop3A_632] : memref<107811xf32, #tpu.memory_space<vmem>>[vector<16xi32>], vector<16xf32>,
        %parallel_loop3A_634 = arith.constant 34 : i32
        %parallel_loop3A_635 = vector.broadcast %parallel_loop3A_634 : i32 to vector<16xi32>
        %parallel_loop3A_636 = arith.addi %parallel_loop3A_624, %parallel_loop3A_635 : vector<16xi32>
        %parallel_loop3A_637 = tpu.vector_load_idx %arg5[%parallel_loop3A_636] : memref<107811xf32, #tpu.memory_space<vmem>>[vector<16xi32>], vector<16xf32>,
        %parallel_loop3A_638 = arith.constant 1089 : i32
        %parallel_loop3A_639 = vector.broadcast %parallel_loop3A_638 : i32 to vector<16xi32>
        %parallel_loop3A_640 = arith.addi %parallel_loop3A_624, %parallel_loop3A_639 : vector<16xi32>
        %parallel_loop3A_641 = tpu.vector_load_idx %arg5[%parallel_loop3A_640] : memref<107811xf32, #tpu.memory_space<vmem>>[vector<16xi32>], vector<16xf32>,
        %parallel_loop3A_642 = arith.constant 1090 : i32
        %parallel_loop3A_643 = vector.broadcast %parallel_loop3A_642 : i32 to vector<16xi32>
        %parallel_loop3A_644 = arith.addi %parallel_loop3A_624, %parallel_loop3A_643 : vector<16xi32>
        %parallel_loop3A_645 = tpu.vector_load_idx %arg5[%parallel_loop3A_644] : memref<107811xf32, #tpu.memory_space<vmem>>[vector<16xi32>], vector<16xf32>,
        %parallel_loop3A_646 = arith.constant 1122 : i32
        %parallel_loop3A_647 = vector.broadcast %parallel_loop3A_646 : i32 to vector<16xi32>
        %parallel_loop3A_648 = arith.addi %parallel_loop3A_624, %parallel_loop3A_647 : vector<16xi32>
        %parallel_loop3A_649 = tpu.vector_load_idx %arg5[%parallel_loop3A_648] : memref<107811xf32, #tpu.memory_space<vmem>>[vector<16xi32>], vector<16xf32>,
        %parallel_loop3A_650 = arith.constant 1123 : i32
        %parallel_loop3A_651 = vector.broadcast %parallel_loop3A_650 : i32 to vector<16xi32>
        %parallel_loop3A_652 = arith.addi %parallel_loop3A_624, %parallel_loop3A_651 : vector<16xi32>
        %parallel_loop3A_653 = tpu.vector_load_idx %arg5[%parallel_loop3A_652] : memref<107811xf32, #tpu.memory_space<vmem>>[vector<16xi32>], vector<16xf32>,
        %parallel_loop3A_654 = arith.mulf %parallel_loop3A_556, %parallel_loop3A_625 : vector<16xf32>
        %parallel_loop3A_655 = arith.mulf %parallel_loop3A_557, %parallel_loop3A_629 : vector<16xf32>
        %parallel_loop3A_656 = arith.addf %parallel_loop3A_654, %parallel_loop3A_655 : vector<16xf32>
        %parallel_loop3A_657 = arith.mulf %parallel_loop3A_558, %parallel_loop3A_633 : vector<16xf32>
        %parallel_loop3A_658 = arith.mulf %parallel_loop3A_559, %parallel_loop3A_637 : vector<16xf32>
        %parallel_loop3A_659 = arith.addf %parallel_loop3A_657, %parallel_loop3A_658 : vector<16xf32>
        %parallel_loop3A_660 = arith.mulf %parallel_loop3A_560, %parallel_loop3A_641 : vector<16xf32>
        %parallel_loop3A_661 = arith.mulf %parallel_loop3A_561, %parallel_loop3A_645 : vector<16xf32>
        %parallel_loop3A_662 = arith.addf %parallel_loop3A_660, %parallel_loop3A_661 : vector<16xf32>
        %parallel_loop3A_663 = arith.mulf %parallel_loop3A_562, %parallel_loop3A_649 : vector<16xf32>
        %parallel_loop3A_664 = arith.mulf %parallel_loop3A_563, %parallel_loop3A_653 : vector<16xf32>
        %parallel_loop3A_665 = arith.addf %parallel_loop3A_663, %parallel_loop3A_664 : vector<16xf32>
        %parallel_loop3A_666 = arith.addf %parallel_loop3A_656, %parallel_loop3A_659 : vector<16xf32>
        %parallel_loop3A_667 = arith.addf %parallel_loop3A_662, %parallel_loop3A_665 : vector<16xf32>
        %parallel_loop3A_668 = arith.addf %parallel_loop3A_666, %parallel_loop3A_667 : vector<16xf32>
        %parallel_loop3A_669 = arith.constant 1 : i32
        %parallel_loop3A_670 = arith.constant 0 : i32
        %parallel_loop3A_671 = arith.index_cast %parallel_loop3A_669 : i32 to index
        %parallel_loop3A_672 = arith.index_cast %parallel_loop3A_670 : i32 to index
        %parallel_loop3A_673 = arith.index_cast %parallel_loop3A_497 : i32 to index
        %parallel_loop3A_674 = tpu.vector_load %arg9[%parallel_loop3A_671, %parallel_loop3A_672, %parallel_loop3A_673] {strides = array<i32>} : memref<3x2x512xf32, #tpu.memory_space<vmem>>, vector<16xf32>,
        tpu.vector_store %arg9[%parallel_loop3A_671, %parallel_loop3A_672, %parallel_loop3A_673], %parallel_loop3A_668 {strides = array<i32>} : memref<3x2x512xf32, #tpu.memory_space<vmem>>, vector<16xf32>,
        %parallel_loop3A_675 = arith.constant 71874 : i32
        %parallel_loop3A_676 = vector.broadcast %parallel_loop3A_675 : i32 to vector<16xi32>
        %parallel_loop3A_677 = arith.addi %parallel_loop3A_571, %parallel_loop3A_676 : vector<16xi32>
        %parallel_loop3A_678 = tpu.vector_load_idx %arg5[%parallel_loop3A_677] : memref<107811xf32, #tpu.memory_space<vmem>>[vector<16xi32>], vector<16xf32>,
        %parallel_loop3A_679 = arith.constant 1 : i32
        %parallel_loop3A_680 = vector.broadcast %parallel_loop3A_679 : i32 to vector<16xi32>
        %parallel_loop3A_681 = arith.addi %parallel_loop3A_677, %parallel_loop3A_680 : vector<16xi32>
        %parallel_loop3A_682 = tpu.vector_load_idx %arg5[%parallel_loop3A_681] : memref<107811xf32, #tpu.memory_space<vmem>>[vector<16xi32>], vector<16xf32>,
        %parallel_loop3A_683 = arith.constant 33 : i32
        %parallel_loop3A_684 = vector.broadcast %parallel_loop3A_683 : i32 to vector<16xi32>
        %parallel_loop3A_685 = arith.addi %parallel_loop3A_677, %parallel_loop3A_684 : vector<16xi32>
        %parallel_loop3A_686 = tpu.vector_load_idx %arg5[%parallel_loop3A_685] : memref<107811xf32, #tpu.memory_space<vmem>>[vector<16xi32>], vector<16xf32>,
        %parallel_loop3A_687 = arith.constant 34 : i32
        %parallel_loop3A_688 = vector.broadcast %parallel_loop3A_687 : i32 to vector<16xi32>
        %parallel_loop3A_689 = arith.addi %parallel_loop3A_677, %parallel_loop3A_688 : vector<16xi32>
        %parallel_loop3A_690 = tpu.vector_load_idx %arg5[%parallel_loop3A_689] : memref<107811xf32, #tpu.memory_space<vmem>>[vector<16xi32>], vector<16xf32>,
        %parallel_loop3A_691 = arith.constant 1089 : i32
        %parallel_loop3A_692 = vector.broadcast %parallel_loop3A_691 : i32 to vector<16xi32>
        %parallel_loop3A_693 = arith.addi %parallel_loop3A_677, %parallel_loop3A_692 : vector<16xi32>
        %parallel_loop3A_694 = tpu.vector_load_idx %arg5[%parallel_loop3A_693] : memref<107811xf32, #tpu.memory_space<vmem>>[vector<16xi32>], vector<16xf32>,
        %parallel_loop3A_695 = arith.constant 1090 : i32
        %parallel_loop3A_696 = vector.broadcast %parallel_loop3A_695 : i32 to vector<16xi32>
        %parallel_loop3A_697 = arith.addi %parallel_loop3A_677, %parallel_loop3A_696 : vector<16xi32>
        %parallel_loop3A_698 = tpu.vector_load_idx %arg5[%parallel_loop3A_697] : memref<107811xf32, #tpu.memory_space<vmem>>[vector<16xi32>], vector<16xf32>,
        %parallel_loop3A_699 = arith.constant 1122 : i32
        %parallel_loop3A_700 = vector.broadcast %parallel_loop3A_699 : i32 to vector<16xi32>
        %parallel_loop3A_701 = arith.addi %parallel_loop3A_677, %parallel_loop3A_700 : vector<16xi32>
        %parallel_loop3A_702 = tpu.vector_load_idx %arg5[%parallel_loop3A_701] : memref<107811xf32, #tpu.memory_space<vmem>>[vector<16xi32>], vector<16xf32>,
        %parallel_loop3A_703 = arith.constant 1123 : i32
        %parallel_loop3A_704 = vector.broadcast %parallel_loop3A_703 : i32 to vector<16xi32>
        %parallel_loop3A_705 = arith.addi %parallel_loop3A_677, %parallel_loop3A_704 : vector<16xi32>
        %parallel_loop3A_706 = tpu.vector_load_idx %arg5[%parallel_loop3A_705] : memref<107811xf32, #tpu.memory_space<vmem>>[vector<16xi32>], vector<16xf32>,
        %parallel_loop3A_707 = arith.mulf %parallel_loop3A_556, %parallel_loop3A_678 : vector<16xf32>
        %parallel_loop3A_708 = arith.mulf %parallel_loop3A_557, %parallel_loop3A_682 : vector<16xf32>
        %parallel_loop3A_709 = arith.addf %parallel_loop3A_707, %parallel_loop3A_708 : vector<16xf32>
        %parallel_loop3A_710 = arith.mulf %parallel_loop3A_558, %parallel_loop3A_686 : vector<16xf32>
        %parallel_loop3A_711 = arith.mulf %parallel_loop3A_559, %parallel_loop3A_690 : vector<16xf32>
        %parallel_loop3A_712 = arith.addf %parallel_loop3A_710, %parallel_loop3A_711 : vector<16xf32>
        %parallel_loop3A_713 = arith.mulf %parallel_loop3A_560, %parallel_loop3A_694 : vector<16xf32>
        %parallel_loop3A_714 = arith.mulf %parallel_loop3A_561, %parallel_loop3A_698 : vector<16xf32>
        %parallel_loop3A_715 = arith.addf %parallel_loop3A_713, %parallel_loop3A_714 : vector<16xf32>
        %parallel_loop3A_716 = arith.mulf %parallel_loop3A_562, %parallel_loop3A_702 : vector<16xf32>
        %parallel_loop3A_717 = arith.mulf %parallel_loop3A_563, %parallel_loop3A_706 : vector<16xf32>
        %parallel_loop3A_718 = arith.addf %parallel_loop3A_716, %parallel_loop3A_717 : vector<16xf32>
        %parallel_loop3A_719 = arith.addf %parallel_loop3A_709, %parallel_loop3A_712 : vector<16xf32>
        %parallel_loop3A_720 = arith.addf %parallel_loop3A_715, %parallel_loop3A_718 : vector<16xf32>
        %parallel_loop3A_721 = arith.addf %parallel_loop3A_719, %parallel_loop3A_720 : vector<16xf32>
        %parallel_loop3A_722 = arith.constant 2 : i32
        %parallel_loop3A_723 = arith.constant 0 : i32
        %parallel_loop3A_724 = arith.index_cast %parallel_loop3A_722 : i32 to index
        %parallel_loop3A_725 = arith.index_cast %parallel_loop3A_723 : i32 to index
        %parallel_loop3A_726 = arith.index_cast %parallel_loop3A_497 : i32 to index
        %parallel_loop3A_727 = tpu.vector_load %arg9[%parallel_loop3A_724, %parallel_loop3A_725, %parallel_loop3A_726] {strides = array<i32>} : memref<3x2x512xf32, #tpu.memory_space<vmem>>, vector<16xf32>,
        tpu.vector_store %arg9[%parallel_loop3A_724, %parallel_loop3A_725, %parallel_loop3A_726], %parallel_loop3A_721 {strides = array<i32>} : memref<3x2x512xf32, #tpu.memory_space<vmem>>, vector<16xf32>,
        %parallel_loop3A_728 = arith.constant 0 : i32
        %parallel_loop3A_729 = arith.constant 1 : i32
        %parallel_loop3A_730 = arith.index_cast %parallel_loop3A_728 : i32 to index
        %parallel_loop3A_731 = arith.index_cast %parallel_loop3A_729 : i32 to index
        %parallel_loop3A_732 = arith.index_cast %parallel_loop3A_497 : i32 to index
        %parallel_loop3A_733 = tpu.vector_load %arg7[%parallel_loop3A_730, %parallel_loop3A_731, %parallel_loop3A_732] {strides = array<i32>} : memref<3x2x512xf32, #tpu.memory_space<vmem>>, vector<16xf32>,
        %parallel_loop3A_734 = arith.constant 3.200000e+01 : f32
        %parallel_loop3A_735 = vector.broadcast %parallel_loop3A_734 : f32 to vector<16xf32>
        %parallel_loop3A_736 = arith.mulf %parallel_loop3A_733, %parallel_loop3A_735 : vector<16xf32>
        %parallel_loop3A_737 = arith.constant 1 : i32
        %parallel_loop3A_738 = arith.constant 1 : i32
        %parallel_loop3A_739 = arith.index_cast %parallel_loop3A_737 : i32 to index
        %parallel_loop3A_740 = arith.index_cast %parallel_loop3A_738 : i32 to index
        %parallel_loop3A_741 = arith.index_cast %parallel_loop3A_497 : i32 to index
        %parallel_loop3A_742 = tpu.vector_load %arg7[%parallel_loop3A_739, %parallel_loop3A_740, %parallel_loop3A_741] {strides = array<i32>} : memref<3x2x512xf32, #tpu.memory_space<vmem>>, vector<16xf32>,
        %parallel_loop3A_743 = arith.constant 3.200000e+01 : f32
        %parallel_loop3A_744 = vector.broadcast %parallel_loop3A_743 : f32 to vector<16xf32>
        %parallel_loop3A_745 = arith.mulf %parallel_loop3A_742, %parallel_loop3A_744 : vector<16xf32>
        %parallel_loop3A_746 = arith.constant 2 : i32
        %parallel_loop3A_747 = arith.constant 1 : i32
        %parallel_loop3A_748 = arith.index_cast %parallel_loop3A_746 : i32 to index
        %parallel_loop3A_749 = arith.index_cast %parallel_loop3A_747 : i32 to index
        %parallel_loop3A_750 = arith.index_cast %parallel_loop3A_497 : i32 to index
        %parallel_loop3A_751 = tpu.vector_load %arg7[%parallel_loop3A_748, %parallel_loop3A_749, %parallel_loop3A_750] {strides = array<i32>} : memref<3x2x512xf32, #tpu.memory_space<vmem>>, vector<16xf32>,
        %parallel_loop3A_752 = arith.constant 3.200000e+01 : f32
        %parallel_loop3A_753 = vector.broadcast %parallel_loop3A_752 : f32 to vector<16xf32>
        %parallel_loop3A_754 = arith.mulf %parallel_loop3A_751, %parallel_loop3A_753 : vector<16xf32>
        %parallel_loop3A_755 = arith.fptosi %parallel_loop3A_736 : vector<16xf32> to vector<16xi32>
        %parallel_loop3A_756 = arith.constant 31 : i32
        %parallel_loop3A_757 = vector.broadcast %parallel_loop3A_756 : i32 to vector<16xi32>
        %parallel_loop3A_758 = arith.minsi %parallel_loop3A_755, %parallel_loop3A_757 : vector<16xi32>
        %parallel_loop3A_759 = arith.fptosi %parallel_loop3A_745 : vector<16xf32> to vector<16xi32>
        %parallel_loop3A_760 = arith.constant 31 : i32
        %parallel_loop3A_761 = vector.broadcast %parallel_loop3A_760 : i32 to vector<16xi32>
        %parallel_loop3A_762 = arith.minsi %parallel_loop3A_759, %parallel_loop3A_761 : vector<16xi32>
        %parallel_loop3A_763 = arith.fptosi %parallel_loop3A_754 : vector<16xf32> to vector<16xi32>
        %parallel_loop3A_764 = arith.constant 31 : i32
        %parallel_loop3A_765 = vector.broadcast %parallel_loop3A_764 : i32 to vector<16xi32>
        %parallel_loop3A_766 = arith.minsi %parallel_loop3A_763, %parallel_loop3A_765 : vector<16xi32>
        %parallel_loop3A_767 = arith.sitofp %parallel_loop3A_758 : vector<16xi32> to vector<16xf32>
        %parallel_loop3A_768 = arith.subf %parallel_loop3A_736, %parallel_loop3A_767 : vector<16xf32>
        %parallel_loop3A_769 = arith.sitofp %parallel_loop3A_762 : vector<16xi32> to vector<16xf32>
        %parallel_loop3A_770 = arith.subf %parallel_loop3A_745, %parallel_loop3A_769 : vector<16xf32>
        %parallel_loop3A_771 = arith.sitofp %parallel_loop3A_766 : vector<16xi32> to vector<16xf32>
        %parallel_loop3A_772 = arith.subf %parallel_loop3A_754, %parallel_loop3A_771 : vector<16xf32>
        %parallel_loop3A_773 = arith.constant 1.000000e+00 : f32
        %parallel_loop3A_774 = vector.broadcast %parallel_loop3A_773 : f32 to vector<16xf32>
        %parallel_loop3A_775 = arith.subf %parallel_loop3A_774, %parallel_loop3A_768 : vector<16xf32>
        %parallel_loop3A_776 = arith.constant 1.000000e+00 : f32
        %parallel_loop3A_777 = vector.broadcast %parallel_loop3A_776 : f32 to vector<16xf32>
        %parallel_loop3A_778 = arith.subf %parallel_loop3A_777, %parallel_loop3A_770 : vector<16xf32>
        %parallel_loop3A_779 = arith.constant 1.000000e+00 : f32
        %parallel_loop3A_780 = vector.broadcast %parallel_loop3A_779 : f32 to vector<16xf32>
        %parallel_loop3A_781 = arith.subf %parallel_loop3A_780, %parallel_loop3A_772 : vector<16xf32>
        %parallel_loop3A_782 = arith.mulf %parallel_loop3A_778, %parallel_loop3A_781 : vector<16xf32>
        %parallel_loop3A_783 = arith.mulf %parallel_loop3A_770, %parallel_loop3A_781 : vector<16xf32>
        %parallel_loop3A_784 = arith.mulf %parallel_loop3A_778, %parallel_loop3A_772 : vector<16xf32>
        %parallel_loop3A_785 = arith.mulf %parallel_loop3A_770, %parallel_loop3A_772 : vector<16xf32>
        %parallel_loop3A_786 = arith.mulf %parallel_loop3A_775, %parallel_loop3A_782 : vector<16xf32>
        %parallel_loop3A_787 = arith.mulf %parallel_loop3A_768, %parallel_loop3A_782 : vector<16xf32>
        %parallel_loop3A_788 = arith.mulf %parallel_loop3A_775, %parallel_loop3A_783 : vector<16xf32>
        %parallel_loop3A_789 = arith.mulf %parallel_loop3A_768, %parallel_loop3A_783 : vector<16xf32>
        %parallel_loop3A_790 = arith.mulf %parallel_loop3A_775, %parallel_loop3A_784 : vector<16xf32>
        %parallel_loop3A_791 = arith.mulf %parallel_loop3A_768, %parallel_loop3A_784 : vector<16xf32>
        %parallel_loop3A_792 = arith.mulf %parallel_loop3A_775, %parallel_loop3A_785 : vector<16xf32>
        %parallel_loop3A_793 = arith.mulf %parallel_loop3A_768, %parallel_loop3A_785 : vector<16xf32>
        %parallel_loop3A_794 = arith.constant 1089 : i32
        %parallel_loop3A_795 = vector.broadcast %parallel_loop3A_794 : i32 to vector<16xi32>
        %parallel_loop3A_796 = arith.muli %parallel_loop3A_766, %parallel_loop3A_795 : vector<16xi32>
        %parallel_loop3A_797 = arith.constant 33 : i32
        %parallel_loop3A_798 = vector.broadcast %parallel_loop3A_797 : i32 to vector<16xi32>
        %parallel_loop3A_799 = arith.muli %parallel_loop3A_762, %parallel_loop3A_798 : vector<16xi32>
        %parallel_loop3A_800 = arith.addi %parallel_loop3A_796, %parallel_loop3A_799 : vector<16xi32>
        %parallel_loop3A_801 = arith.addi %parallel_loop3A_800, %parallel_loop3A_758 : vector<16xi32>
        %parallel_loop3A_802 = tpu.vector_load_idx %arg5[%parallel_loop3A_801] : memref<107811xf32, #tpu.memory_space<vmem>>[vector<16xi32>], vector<16xf32>,
        %parallel_loop3A_803 = arith.constant 1 : i32
        %parallel_loop3A_804 = vector.broadcast %parallel_loop3A_803 : i32 to vector<16xi32>
        %parallel_loop3A_805 = arith.addi %parallel_loop3A_801, %parallel_loop3A_804 : vector<16xi32>
        %parallel_loop3A_806 = tpu.vector_load_idx %arg5[%parallel_loop3A_805] : memref<107811xf32, #tpu.memory_space<vmem>>[vector<16xi32>], vector<16xf32>,
        %parallel_loop3A_807 = arith.constant 33 : i32
        %parallel_loop3A_808 = vector.broadcast %parallel_loop3A_807 : i32 to vector<16xi32>
        %parallel_loop3A_809 = arith.addi %parallel_loop3A_801, %parallel_loop3A_808 : vector<16xi32>
        %parallel_loop3A_810 = tpu.vector_load_idx %arg5[%parallel_loop3A_809] : memref<107811xf32, #tpu.memory_space<vmem>>[vector<16xi32>], vector<16xf32>,
        %parallel_loop3A_811 = arith.constant 34 : i32
        %parallel_loop3A_812 = vector.broadcast %parallel_loop3A_811 : i32 to vector<16xi32>
        %parallel_loop3A_813 = arith.addi %parallel_loop3A_801, %parallel_loop3A_812 : vector<16xi32>
        %parallel_loop3A_814 = tpu.vector_load_idx %arg5[%parallel_loop3A_813] : memref<107811xf32, #tpu.memory_space<vmem>>[vector<16xi32>], vector<16xf32>,
        %parallel_loop3A_815 = arith.constant 1089 : i32
        %parallel_loop3A_816 = vector.broadcast %parallel_loop3A_815 : i32 to vector<16xi32>
        %parallel_loop3A_817 = arith.addi %parallel_loop3A_801, %parallel_loop3A_816 : vector<16xi32>
        %parallel_loop3A_818 = tpu.vector_load_idx %arg5[%parallel_loop3A_817] : memref<107811xf32, #tpu.memory_space<vmem>>[vector<16xi32>], vector<16xf32>,
        %parallel_loop3A_819 = arith.constant 1090 : i32
        %parallel_loop3A_820 = vector.broadcast %parallel_loop3A_819 : i32 to vector<16xi32>
        %parallel_loop3A_821 = arith.addi %parallel_loop3A_801, %parallel_loop3A_820 : vector<16xi32>
        %parallel_loop3A_822 = tpu.vector_load_idx %arg5[%parallel_loop3A_821] : memref<107811xf32, #tpu.memory_space<vmem>>[vector<16xi32>], vector<16xf32>,
        %parallel_loop3A_823 = arith.constant 1122 : i32
        %parallel_loop3A_824 = vector.broadcast %parallel_loop3A_823 : i32 to vector<16xi32>
        %parallel_loop3A_825 = arith.addi %parallel_loop3A_801, %parallel_loop3A_824 : vector<16xi32>
        %parallel_loop3A_826 = tpu.vector_load_idx %arg5[%parallel_loop3A_825] : memref<107811xf32, #tpu.memory_space<vmem>>[vector<16xi32>], vector<16xf32>,
        %parallel_loop3A_827 = arith.constant 1123 : i32
        %parallel_loop3A_828 = vector.broadcast %parallel_loop3A_827 : i32 to vector<16xi32>
        %parallel_loop3A_829 = arith.addi %parallel_loop3A_801, %parallel_loop3A_828 : vector<16xi32>
        %parallel_loop3A_830 = tpu.vector_load_idx %arg5[%parallel_loop3A_829] : memref<107811xf32, #tpu.memory_space<vmem>>[vector<16xi32>], vector<16xf32>,
        %parallel_loop3A_831 = arith.mulf %parallel_loop3A_786, %parallel_loop3A_802 : vector<16xf32>
        %parallel_loop3A_832 = arith.mulf %parallel_loop3A_787, %parallel_loop3A_806 : vector<16xf32>
        %parallel_loop3A_833 = arith.addf %parallel_loop3A_831, %parallel_loop3A_832 : vector<16xf32>
        %parallel_loop3A_834 = arith.mulf %parallel_loop3A_788, %parallel_loop3A_810 : vector<16xf32>
        %parallel_loop3A_835 = arith.mulf %parallel_loop3A_789, %parallel_loop3A_814 : vector<16xf32>
        %parallel_loop3A_836 = arith.addf %parallel_loop3A_834, %parallel_loop3A_835 : vector<16xf32>
        %parallel_loop3A_837 = arith.mulf %parallel_loop3A_790, %parallel_loop3A_818 : vector<16xf32>
        %parallel_loop3A_838 = arith.mulf %parallel_loop3A_791, %parallel_loop3A_822 : vector<16xf32>
        %parallel_loop3A_839 = arith.addf %parallel_loop3A_837, %parallel_loop3A_838 : vector<16xf32>
        %parallel_loop3A_840 = arith.mulf %parallel_loop3A_792, %parallel_loop3A_826 : vector<16xf32>
        %parallel_loop3A_841 = arith.mulf %parallel_loop3A_793, %parallel_loop3A_830 : vector<16xf32>
        %parallel_loop3A_842 = arith.addf %parallel_loop3A_840, %parallel_loop3A_841 : vector<16xf32>
        %parallel_loop3A_843 = arith.addf %parallel_loop3A_833, %parallel_loop3A_836 : vector<16xf32>
        %parallel_loop3A_844 = arith.addf %parallel_loop3A_839, %parallel_loop3A_842 : vector<16xf32>
        %parallel_loop3A_845 = arith.addf %parallel_loop3A_843, %parallel_loop3A_844 : vector<16xf32>
        %parallel_loop3A_846 = arith.constant 0 : i32
        %parallel_loop3A_847 = arith.constant 1 : i32
        %parallel_loop3A_848 = arith.index_cast %parallel_loop3A_846 : i32 to index
        %parallel_loop3A_849 = arith.index_cast %parallel_loop3A_847 : i32 to index
        %parallel_loop3A_850 = arith.index_cast %parallel_loop3A_497 : i32 to index
        %parallel_loop3A_851 = tpu.vector_load %arg9[%parallel_loop3A_848, %parallel_loop3A_849, %parallel_loop3A_850] {strides = array<i32>} : memref<3x2x512xf32, #tpu.memory_space<vmem>>, vector<16xf32>,
        tpu.vector_store %arg9[%parallel_loop3A_848, %parallel_loop3A_849, %parallel_loop3A_850], %parallel_loop3A_845 {strides = array<i32>} : memref<3x2x512xf32, #tpu.memory_space<vmem>>, vector<16xf32>,
        %parallel_loop3A_852 = arith.constant 35937 : i32
        %parallel_loop3A_853 = vector.broadcast %parallel_loop3A_852 : i32 to vector<16xi32>
        %parallel_loop3A_854 = arith.addi %parallel_loop3A_801, %parallel_loop3A_853 : vector<16xi32>
        %parallel_loop3A_855 = tpu.vector_load_idx %arg5[%parallel_loop3A_854] : memref<107811xf32, #tpu.memory_space<vmem>>[vector<16xi32>], vector<16xf32>,
        %parallel_loop3A_856 = arith.constant 1 : i32
        %parallel_loop3A_857 = vector.broadcast %parallel_loop3A_856 : i32 to vector<16xi32>
        %parallel_loop3A_858 = arith.addi %parallel_loop3A_854, %parallel_loop3A_857 : vector<16xi32>
        %parallel_loop3A_859 = tpu.vector_load_idx %arg5[%parallel_loop3A_858] : memref<107811xf32, #tpu.memory_space<vmem>>[vector<16xi32>], vector<16xf32>,
        %parallel_loop3A_860 = arith.constant 33 : i32
        %parallel_loop3A_861 = vector.broadcast %parallel_loop3A_860 : i32 to vector<16xi32>
        %parallel_loop3A_862 = arith.addi %parallel_loop3A_854, %parallel_loop3A_861 : vector<16xi32>
        %parallel_loop3A_863 = tpu.vector_load_idx %arg5[%parallel_loop3A_862] : memref<107811xf32, #tpu.memory_space<vmem>>[vector<16xi32>], vector<16xf32>,
        %parallel_loop3A_864 = arith.constant 34 : i32
        %parallel_loop3A_865 = vector.broadcast %parallel_loop3A_864 : i32 to vector<16xi32>
        %parallel_loop3A_866 = arith.addi %parallel_loop3A_854, %parallel_loop3A_865 : vector<16xi32>
        %parallel_loop3A_867 = tpu.vector_load_idx %arg5[%parallel_loop3A_866] : memref<107811xf32, #tpu.memory_space<vmem>>[vector<16xi32>], vector<16xf32>,
        %parallel_loop3A_868 = arith.constant 1089 : i32
        %parallel_loop3A_869 = vector.broadcast %parallel_loop3A_868 : i32 to vector<16xi32>
        %parallel_loop3A_870 = arith.addi %parallel_loop3A_854, %parallel_loop3A_869 : vector<16xi32>
        %parallel_loop3A_871 = tpu.vector_load_idx %arg5[%parallel_loop3A_870] : memref<107811xf32, #tpu.memory_space<vmem>>[vector<16xi32>], vector<16xf32>,
        %parallel_loop3A_872 = arith.constant 1090 : i32
        %parallel_loop3A_873 = vector.broadcast %parallel_loop3A_872 : i32 to vector<16xi32>
        %parallel_loop3A_874 = arith.addi %parallel_loop3A_854, %parallel_loop3A_873 : vector<16xi32>
        %parallel_loop3A_875 = tpu.vector_load_idx %arg5[%parallel_loop3A_874] : memref<107811xf32, #tpu.memory_space<vmem>>[vector<16xi32>], vector<16xf32>,
        %parallel_loop3A_876 = arith.constant 1122 : i32
        %parallel_loop3A_877 = vector.broadcast %parallel_loop3A_876 : i32 to vector<16xi32>
        %parallel_loop3A_878 = arith.addi %parallel_loop3A_854, %parallel_loop3A_877 : vector<16xi32>
        %parallel_loop3A_879 = tpu.vector_load_idx %arg5[%parallel_loop3A_878] : memref<107811xf32, #tpu.memory_space<vmem>>[vector<16xi32>], vector<16xf32>,
        %parallel_loop3A_880 = arith.constant 1123 : i32
        %parallel_loop3A_881 = vector.broadcast %parallel_loop3A_880 : i32 to vector<16xi32>
        %parallel_loop3A_882 = arith.addi %parallel_loop3A_854, %parallel_loop3A_881 : vector<16xi32>
        %parallel_loop3A_883 = tpu.vector_load_idx %arg5[%parallel_loop3A_882] : memref<107811xf32, #tpu.memory_space<vmem>>[vector<16xi32>], vector<16xf32>,
        %parallel_loop3A_884 = arith.mulf %parallel_loop3A_786, %parallel_loop3A_855 : vector<16xf32>
        %parallel_loop3A_885 = arith.mulf %parallel_loop3A_787, %parallel_loop3A_859 : vector<16xf32>
        %parallel_loop3A_886 = arith.addf %parallel_loop3A_884, %parallel_loop3A_885 : vector<16xf32>
        %parallel_loop3A_887 = arith.mulf %parallel_loop3A_788, %parallel_loop3A_863 : vector<16xf32>
        %parallel_loop3A_888 = arith.mulf %parallel_loop3A_789, %parallel_loop3A_867 : vector<16xf32>
        %parallel_loop3A_889 = arith.addf %parallel_loop3A_887, %parallel_loop3A_888 : vector<16xf32>
        %parallel_loop3A_890 = arith.mulf %parallel_loop3A_790, %parallel_loop3A_871 : vector<16xf32>
        %parallel_loop3A_891 = arith.mulf %parallel_loop3A_791, %parallel_loop3A_875 : vector<16xf32>
        %parallel_loop3A_892 = arith.addf %parallel_loop3A_890, %parallel_loop3A_891 : vector<16xf32>
        %parallel_loop3A_893 = arith.mulf %parallel_loop3A_792, %parallel_loop3A_879 : vector<16xf32>
        %parallel_loop3A_894 = arith.mulf %parallel_loop3A_793, %parallel_loop3A_883 : vector<16xf32>
        %parallel_loop3A_895 = arith.addf %parallel_loop3A_893, %parallel_loop3A_894 : vector<16xf32>
        %parallel_loop3A_896 = arith.addf %parallel_loop3A_886, %parallel_loop3A_889 : vector<16xf32>
        %parallel_loop3A_897 = arith.addf %parallel_loop3A_892, %parallel_loop3A_895 : vector<16xf32>
        %parallel_loop3A_898 = arith.addf %parallel_loop3A_896, %parallel_loop3A_897 : vector<16xf32>
        %parallel_loop3A_899 = arith.constant 1 : i32
        %parallel_loop3A_900 = arith.constant 1 : i32
        %parallel_loop3A_901 = arith.index_cast %parallel_loop3A_899 : i32 to index
        %parallel_loop3A_902 = arith.index_cast %parallel_loop3A_900 : i32 to index
        %parallel_loop3A_903 = arith.index_cast %parallel_loop3A_497 : i32 to index
        %parallel_loop3A_904 = tpu.vector_load %arg9[%parallel_loop3A_901, %parallel_loop3A_902, %parallel_loop3A_903] {strides = array<i32>} : memref<3x2x512xf32, #tpu.memory_space<vmem>>, vector<16xf32>,
        tpu.vector_store %arg9[%parallel_loop3A_901, %parallel_loop3A_902, %parallel_loop3A_903], %parallel_loop3A_898 {strides = array<i32>} : memref<3x2x512xf32, #tpu.memory_space<vmem>>, vector<16xf32>,
        %parallel_loop3A_905 = arith.constant 71874 : i32
        %parallel_loop3A_906 = vector.broadcast %parallel_loop3A_905 : i32 to vector<16xi32>
        %parallel_loop3A_907 = arith.addi %parallel_loop3A_801, %parallel_loop3A_906 : vector<16xi32>
        %parallel_loop3A_908 = tpu.vector_load_idx %arg5[%parallel_loop3A_907] : memref<107811xf32, #tpu.memory_space<vmem>>[vector<16xi32>], vector<16xf32>,
        %parallel_loop3A_909 = arith.constant 1 : i32
        %parallel_loop3A_910 = vector.broadcast %parallel_loop3A_909 : i32 to vector<16xi32>
        %parallel_loop3A_911 = arith.addi %parallel_loop3A_907, %parallel_loop3A_910 : vector<16xi32>
        %parallel_loop3A_912 = tpu.vector_load_idx %arg5[%parallel_loop3A_911] : memref<107811xf32, #tpu.memory_space<vmem>>[vector<16xi32>], vector<16xf32>,
        %parallel_loop3A_913 = arith.constant 33 : i32
        %parallel_loop3A_914 = vector.broadcast %parallel_loop3A_913 : i32 to vector<16xi32>
        %parallel_loop3A_915 = arith.addi %parallel_loop3A_907, %parallel_loop3A_914 : vector<16xi32>
        %parallel_loop3A_916 = tpu.vector_load_idx %arg5[%parallel_loop3A_915] : memref<107811xf32, #tpu.memory_space<vmem>>[vector<16xi32>], vector<16xf32>,
        %parallel_loop3A_917 = arith.constant 34 : i32
        %parallel_loop3A_918 = vector.broadcast %parallel_loop3A_917 : i32 to vector<16xi32>
        %parallel_loop3A_919 = arith.addi %parallel_loop3A_907, %parallel_loop3A_918 : vector<16xi32>
        %parallel_loop3A_920 = tpu.vector_load_idx %arg5[%parallel_loop3A_919] : memref<107811xf32, #tpu.memory_space<vmem>>[vector<16xi32>], vector<16xf32>,
        %parallel_loop3A_921 = arith.constant 1089 : i32
        %parallel_loop3A_922 = vector.broadcast %parallel_loop3A_921 : i32 to vector<16xi32>
        %parallel_loop3A_923 = arith.addi %parallel_loop3A_907, %parallel_loop3A_922 : vector<16xi32>
        %parallel_loop3A_924 = tpu.vector_load_idx %arg5[%parallel_loop3A_923] : memref<107811xf32, #tpu.memory_space<vmem>>[vector<16xi32>], vector<16xf32>,
        %parallel_loop3A_925 = arith.constant 1090 : i32
        %parallel_loop3A_926 = vector.broadcast %parallel_loop3A_925 : i32 to vector<16xi32>
        %parallel_loop3A_927 = arith.addi %parallel_loop3A_907, %parallel_loop3A_926 : vector<16xi32>
        %parallel_loop3A_928 = tpu.vector_load_idx %arg5[%parallel_loop3A_927] : memref<107811xf32, #tpu.memory_space<vmem>>[vector<16xi32>], vector<16xf32>,
        %parallel_loop3A_929 = arith.constant 1122 : i32
        %parallel_loop3A_930 = vector.broadcast %parallel_loop3A_929 : i32 to vector<16xi32>
        %parallel_loop3A_931 = arith.addi %parallel_loop3A_907, %parallel_loop3A_930 : vector<16xi32>
        %parallel_loop3A_932 = tpu.vector_load_idx %arg5[%parallel_loop3A_931] : memref<107811xf32, #tpu.memory_space<vmem>>[vector<16xi32>], vector<16xf32>,
        %parallel_loop3A_933 = arith.constant 1123 : i32
        %parallel_loop3A_934 = vector.broadcast %parallel_loop3A_933 : i32 to vector<16xi32>
        %parallel_loop3A_935 = arith.addi %parallel_loop3A_907, %parallel_loop3A_934 : vector<16xi32>
        %parallel_loop3A_936 = tpu.vector_load_idx %arg5[%parallel_loop3A_935] : memref<107811xf32, #tpu.memory_space<vmem>>[vector<16xi32>], vector<16xf32>,
        %parallel_loop3A_937 = arith.mulf %parallel_loop3A_786, %parallel_loop3A_908 : vector<16xf32>
        %parallel_loop3A_938 = arith.mulf %parallel_loop3A_787, %parallel_loop3A_912 : vector<16xf32>
        %parallel_loop3A_939 = arith.addf %parallel_loop3A_937, %parallel_loop3A_938 : vector<16xf32>
        %parallel_loop3A_940 = arith.mulf %parallel_loop3A_788, %parallel_loop3A_916 : vector<16xf32>
        %parallel_loop3A_941 = arith.mulf %parallel_loop3A_789, %parallel_loop3A_920 : vector<16xf32>
        %parallel_loop3A_942 = arith.addf %parallel_loop3A_940, %parallel_loop3A_941 : vector<16xf32>
        %parallel_loop3A_943 = arith.mulf %parallel_loop3A_790, %parallel_loop3A_924 : vector<16xf32>
        %parallel_loop3A_944 = arith.mulf %parallel_loop3A_791, %parallel_loop3A_928 : vector<16xf32>
        %parallel_loop3A_945 = arith.addf %parallel_loop3A_943, %parallel_loop3A_944 : vector<16xf32>
        %parallel_loop3A_946 = arith.mulf %parallel_loop3A_792, %parallel_loop3A_932 : vector<16xf32>
        %parallel_loop3A_947 = arith.mulf %parallel_loop3A_793, %parallel_loop3A_936 : vector<16xf32>
        %parallel_loop3A_948 = arith.addf %parallel_loop3A_946, %parallel_loop3A_947 : vector<16xf32>
        %parallel_loop3A_949 = arith.addf %parallel_loop3A_939, %parallel_loop3A_942 : vector<16xf32>
        %parallel_loop3A_950 = arith.addf %parallel_loop3A_945, %parallel_loop3A_948 : vector<16xf32>
        %parallel_loop3A_951 = arith.addf %parallel_loop3A_949, %parallel_loop3A_950 : vector<16xf32>
        %parallel_loop3A_952 = arith.constant 2 : i32
        %parallel_loop3A_953 = arith.constant 1 : i32
        %parallel_loop3A_954 = arith.index_cast %parallel_loop3A_952 : i32 to index
        %parallel_loop3A_955 = arith.index_cast %parallel_loop3A_953 : i32 to index
        %parallel_loop3A_956 = arith.index_cast %parallel_loop3A_497 : i32 to index
        %parallel_loop3A_957 = tpu.vector_load %arg9[%parallel_loop3A_954, %parallel_loop3A_955, %parallel_loop3A_956] {strides = array<i32>} : memref<3x2x512xf32, #tpu.memory_space<vmem>>, vector<16xf32>,
        tpu.vector_store %arg9[%parallel_loop3A_954, %parallel_loop3A_955, %parallel_loop3A_956], %parallel_loop3A_951 {strides = array<i32>} : memref<3x2x512xf32, #tpu.memory_space<vmem>>, vector<16xf32>,
      } {sc.loop_unroll_factor = 8 : i64, sc.parallel_access}
      %add3A_439 = arith.constant 1 : i32
      %add3A_440 = arith.addi %mul3A_199, %add3A_439 : i32
      %mul3A_441 = arith.constant 2 : i32
      %mul3A_442 = arith.muli %add3A_440, %mul3A_441 : i32
      %add3A_443 = arith.addi %mul3A_32, %mul3A_442 : i32
      %add3A_444 = arith.constant 0 : i32
      %add3A_445 = arith.addi %mul3A_34, %add3A_444 : i32
      %dma_start3A_446 = arith.constant 0 : i32
      %dma_start3A_447 = arith.constant 0 : i32
      %dma_start3A_448 = arith.constant 0 : i32
      %dma_start3A_449 = tpu.memref_slice %arg9[%dma_start3A_446, %dma_start3A_447, %dma_start3A_448] : memref<3x2x512xf32, #tpu.memory_space<vmem>> -> memref<1x2x512xf32, #tpu.memory_space<vmem>>
      %dma_start3A_450 = tpu.memref_squeeze %dma_start3A_449 : memref<1x2x512xf32, #tpu.memory_space<vmem>> -> memref<2x512xf32, #tpu.memory_space<vmem>>
      %dma_start3A_451 = arith.constant 0 : i32
      %dma_start3A_452 = tpu.memref_slice %arg4[%add3A_445, %add3A_443, %dma_start3A_451] : memref<24x512x512xf32, #tpu.memory_space<hbm>> -> memref<1x2x512xf32, #tpu.memory_space<hbm>>
      %dma_start3A_453 = tpu.memref_squeeze %dma_start3A_452 : memref<1x2x512xf32, #tpu.memory_space<hbm>> -> memref<2x512xf32, #tpu.memory_space<hbm>>
      %dma_start3A_454 = arith.constant 0 : i32
      %dma_start3A_455 = tpu.memref_slice %arg4[%add3A_445, %add3A_443, %dma_start3A_454] : memref<24x512x512xf32, #tpu.memory_space<hbm>> -> memref<1x2x512xf32, #tpu.memory_space<hbm>>
      %dma_start3A_456 = tpu.memref_squeeze %dma_start3A_455 : memref<1x2x512xf32, #tpu.memory_space<hbm>> -> memref<2x512xf32, #tpu.memory_space<hbm>>
      %dma_start3A_457 = arith.constant 0 : i32
      %dma_start3A_458 = arith.constant 0 : i32
      %dma_start3A_459 = tpu.memref_slice %arg9[%dma_start3A_446, %dma_start3A_457, %dma_start3A_458] : memref<3x2x512xf32, #tpu.memory_space<vmem>> -> memref<1x2x512xf32, #tpu.memory_space<vmem>>
      %dma_start3A_460 = tpu.memref_squeeze %dma_start3A_459 : memref<1x2x512xf32, #tpu.memory_space<vmem>> -> memref<2x512xf32, #tpu.memory_space<vmem>>
      tpu.enqueue_dma source(%dma_start3A_460 : memref<2x512xf32, #tpu.memory_space<vmem>>) target(%dma_start3A_456 : memref<2x512xf32, #tpu.memory_space<hbm>>) target_semaphore(%arg13 : memref<!tpu.dma_semaphore, #tpu.memory_space<semaphore_mem>>)
      %add3A_461 = arith.constant 1 : i32
      %add3A_462 = arith.addi %mul3A_34, %add3A_461 : i32
      %dma_start3A_463 = arith.constant 1 : i32
      %dma_start3A_464 = arith.constant 0 : i32
      %dma_start3A_465 = arith.constant 0 : i32
      %dma_start3A_466 = tpu.memref_slice %arg9[%dma_start3A_463, %dma_start3A_464, %dma_start3A_465] : memref<3x2x512xf32, #tpu.memory_space<vmem>> -> memref<1x2x512xf32, #tpu.memory_space<vmem>>
      %dma_start3A_467 = tpu.memref_squeeze %dma_start3A_466 : memref<1x2x512xf32, #tpu.memory_space<vmem>> -> memref<2x512xf32, #tpu.memory_space<vmem>>
      %dma_start3A_468 = arith.constant 0 : i32
      %dma_start3A_469 = tpu.memref_slice %arg4[%add3A_462, %add3A_443, %dma_start3A_468] : memref<24x512x512xf32, #tpu.memory_space<hbm>> -> memref<1x2x512xf32, #tpu.memory_space<hbm>>
      %dma_start3A_470 = tpu.memref_squeeze %dma_start3A_469 : memref<1x2x512xf32, #tpu.memory_space<hbm>> -> memref<2x512xf32, #tpu.memory_space<hbm>>
      %dma_start3A_471 = arith.constant 0 : i32
      %dma_start3A_472 = tpu.memref_slice %arg4[%add3A_462, %add3A_443, %dma_start3A_471] : memref<24x512x512xf32, #tpu.memory_space<hbm>> -> memref<1x2x512xf32, #tpu.memory_space<hbm>>
      %dma_start3A_473 = tpu.memref_squeeze %dma_start3A_472 : memref<1x2x512xf32, #tpu.memory_space<hbm>> -> memref<2x512xf32, #tpu.memory_space<hbm>>
      %dma_start3A_474 = arith.constant 0 : i32
      %dma_start3A_475 = arith.constant 0 : i32
      %dma_start3A_476 = tpu.memref_slice %arg9[%dma_start3A_463, %dma_start3A_474, %dma_start3A_475] : memref<3x2x512xf32, #tpu.memory_space<vmem>> -> memref<1x2x512xf32, #tpu.memory_space<vmem>>
      %dma_start3A_477 = tpu.memref_squeeze %dma_start3A_476 : memref<1x2x512xf32, #tpu.memory_space<vmem>> -> memref<2x512xf32, #tpu.memory_space<vmem>>
      tpu.enqueue_dma source(%dma_start3A_477 : memref<2x512xf32, #tpu.memory_space<vmem>>) target(%dma_start3A_473 : memref<2x512xf32, #tpu.memory_space<hbm>>) target_semaphore(%arg13 : memref<!tpu.dma_semaphore, #tpu.memory_space<semaphore_mem>>)
      %add3A_478 = arith.constant 2 : i32
      %add3A_479 = arith.addi %mul3A_34, %add3A_478 : i32
      %dma_start3A_480 = arith.constant 2 : i32
      %dma_start3A_481 = arith.constant 0 : i32
      %dma_start3A_482 = arith.constant 0 : i32
      %dma_start3A_483 = tpu.memref_slice %arg9[%dma_start3A_480, %dma_start3A_481, %dma_start3A_482] : memref<3x2x512xf32, #tpu.memory_space<vmem>> -> memref<1x2x512xf32, #tpu.memory_space<vmem>>
      %dma_start3A_484 = tpu.memref_squeeze %dma_start3A_483 : memref<1x2x512xf32, #tpu.memory_space<vmem>> -> memref<2x512xf32, #tpu.memory_space<vmem>>
      %dma_start3A_485 = arith.constant 0 : i32
      %dma_start3A_486 = tpu.memref_slice %arg4[%add3A_479, %add3A_443, %dma_start3A_485] : memref<24x512x512xf32, #tpu.memory_space<hbm>> -> memref<1x2x512xf32, #tpu.memory_space<hbm>>
      %dma_start3A_487 = tpu.memref_squeeze %dma_start3A_486 : memref<1x2x512xf32, #tpu.memory_space<hbm>> -> memref<2x512xf32, #tpu.memory_space<hbm>>
      %dma_start3A_488 = arith.constant 0 : i32
      %dma_start3A_489 = tpu.memref_slice %arg4[%add3A_479, %add3A_443, %dma_start3A_488] : memref<24x512x512xf32, #tpu.memory_space<hbm>> -> memref<1x2x512xf32, #tpu.memory_space<hbm>>
      %dma_start3A_490 = tpu.memref_squeeze %dma_start3A_489 : memref<1x2x512xf32, #tpu.memory_space<hbm>> -> memref<2x512xf32, #tpu.memory_space<hbm>>
      %dma_start3A_491 = arith.constant 0 : i32
      %dma_start3A_492 = arith.constant 0 : i32
      %dma_start3A_493 = tpu.memref_slice %arg9[%dma_start3A_480, %dma_start3A_491, %dma_start3A_492] : memref<3x2x512xf32, #tpu.memory_space<vmem>> -> memref<1x2x512xf32, #tpu.memory_space<vmem>>
      %dma_start3A_494 = tpu.memref_squeeze %dma_start3A_493 : memref<1x2x512xf32, #tpu.memory_space<vmem>> -> memref<2x512xf32, #tpu.memory_space<vmem>>
      tpu.enqueue_dma source(%dma_start3A_494 : memref<2x512xf32, #tpu.memory_space<vmem>>) target(%dma_start3A_490 : memref<2x512xf32, #tpu.memory_space<hbm>>) target_semaphore(%arg13 : memref<!tpu.dma_semaphore, #tpu.memory_space<semaphore_mem>>)
    }
    %scan3A_91 = arith.constant 32 : i32
    %add3A_92 = arith.constant 124 : i32
    %add3A_93 = arith.addi %mul3A_32, %add3A_92 : i32
    %add3A_94 = arith.constant 0 : i32
    %add3A_95 = arith.addi %mul3A_34, %add3A_94 : i32
    %dma_wait3A = arith.constant 0 : i32
    %dma_wait3A_96 = arith.constant 0 : i32
    %dma_wait3A_97 = arith.constant 0 : i32
    %dma_wait3A_98 = tpu.memref_slice %arg8[%dma_wait3A, %dma_wait3A_96, %dma_wait3A_97] : memref<3x2x512xf32, #tpu.memory_space<vmem>> -> memref<1x2x512xf32, #tpu.memory_space<vmem>>
    %dma_wait3A_99 = tpu.memref_squeeze %dma_wait3A_98 : memref<1x2x512xf32, #tpu.memory_space<vmem>> -> memref<2x512xf32, #tpu.memory_space<vmem>>
    %dma_wait3A_100 = arith.constant 0 : i32
    %dma_wait3A_101 = tpu.memref_slice %arg4[%add3A_95, %add3A_93, %dma_wait3A_100] : memref<24x512x512xf32, #tpu.memory_space<hbm>> -> memref<1x2x512xf32, #tpu.memory_space<hbm>>
    %dma_wait3A_102 = tpu.memref_squeeze %dma_wait3A_101 : memref<1x2x512xf32, #tpu.memory_space<hbm>> -> memref<2x512xf32, #tpu.memory_space<hbm>>
    %dma_wait3A_103 = arith.constant 0 : i32
    %dma_wait3A_104 = tpu.memref_slice %arg4[%add3A_95, %add3A_93, %dma_wait3A_103] : memref<24x512x512xf32, #tpu.memory_space<hbm>> -> memref<1x2x512xf32, #tpu.memory_space<hbm>>
    %dma_wait3A_105 = tpu.memref_squeeze %dma_wait3A_104 : memref<1x2x512xf32, #tpu.memory_space<hbm>> -> memref<2x512xf32, #tpu.memory_space<hbm>>
    %dma_wait3A_106 = arith.constant 0 : i32
    %dma_wait3A_107 = arith.constant 0 : i32
    %dma_wait3A_108 = tpu.memref_slice %arg8[%dma_wait3A, %dma_wait3A_106, %dma_wait3A_107] : memref<3x2x512xf32, #tpu.memory_space<vmem>> -> memref<1x2x512xf32, #tpu.memory_space<vmem>>
    %dma_wait3A_109 = tpu.memref_squeeze %dma_wait3A_108 : memref<1x2x512xf32, #tpu.memory_space<vmem>> -> memref<2x512xf32, #tpu.memory_space<vmem>>
    tpu.wait_dma2 semaphore(%arg12 : memref<!tpu.dma_semaphore, #tpu.memory_space<semaphore_mem>>) src(%dma_wait3A_109 : memref<2x512xf32, #tpu.memory_space<vmem>>) dst(%dma_wait3A_105 : memref<2x512xf32, #tpu.memory_space<hbm>>)
    %add3A_110 = arith.constant 1 : i32
    %add3A_111 = arith.addi %mul3A_34, %add3A_110 : i32
    %dma_wait3A_112 = arith.constant 1 : i32
    %dma_wait3A_113 = arith.constant 0 : i32
    %dma_wait3A_114 = arith.constant 0 : i32
    %dma_wait3A_115 = tpu.memref_slice %arg8[%dma_wait3A_112, %dma_wait3A_113, %dma_wait3A_114] : memref<3x2x512xf32, #tpu.memory_space<vmem>> -> memref<1x2x512xf32, #tpu.memory_space<vmem>>
    %dma_wait3A_116 = tpu.memref_squeeze %dma_wait3A_115 : memref<1x2x512xf32, #tpu.memory_space<vmem>> -> memref<2x512xf32, #tpu.memory_space<vmem>>
    %dma_wait3A_117 = arith.constant 0 : i32
    %dma_wait3A_118 = tpu.memref_slice %arg4[%add3A_111, %add3A_93, %dma_wait3A_117] : memref<24x512x512xf32, #tpu.memory_space<hbm>> -> memref<1x2x512xf32, #tpu.memory_space<hbm>>
    %dma_wait3A_119 = tpu.memref_squeeze %dma_wait3A_118 : memref<1x2x512xf32, #tpu.memory_space<hbm>> -> memref<2x512xf32, #tpu.memory_space<hbm>>
    %dma_wait3A_120 = arith.constant 0 : i32
    %dma_wait3A_121 = tpu.memref_slice %arg4[%add3A_111, %add3A_93, %dma_wait3A_120] : memref<24x512x512xf32, #tpu.memory_space<hbm>> -> memref<1x2x512xf32, #tpu.memory_space<hbm>>
    %dma_wait3A_122 = tpu.memref_squeeze %dma_wait3A_121 : memref<1x2x512xf32, #tpu.memory_space<hbm>> -> memref<2x512xf32, #tpu.memory_space<hbm>>
    %dma_wait3A_123 = arith.constant 0 : i32
    %dma_wait3A_124 = arith.constant 0 : i32
    %dma_wait3A_125 = tpu.memref_slice %arg8[%dma_wait3A_112, %dma_wait3A_123, %dma_wait3A_124] : memref<3x2x512xf32, #tpu.memory_space<vmem>> -> memref<1x2x512xf32, #tpu.memory_space<vmem>>
    %dma_wait3A_126 = tpu.memref_squeeze %dma_wait3A_125 : memref<1x2x512xf32, #tpu.memory_space<vmem>> -> memref<2x512xf32, #tpu.memory_space<vmem>>
    tpu.wait_dma2 semaphore(%arg12 : memref<!tpu.dma_semaphore, #tpu.memory_space<semaphore_mem>>) src(%dma_wait3A_126 : memref<2x512xf32, #tpu.memory_space<vmem>>) dst(%dma_wait3A_122 : memref<2x512xf32, #tpu.memory_space<hbm>>)
    %add3A_127 = arith.constant 2 : i32
    %add3A_128 = arith.addi %mul3A_34, %add3A_127 : i32
    %dma_wait3A_129 = arith.constant 2 : i32
    %dma_wait3A_130 = arith.constant 0 : i32
    %dma_wait3A_131 = arith.constant 0 : i32
    %dma_wait3A_132 = tpu.memref_slice %arg8[%dma_wait3A_129, %dma_wait3A_130, %dma_wait3A_131] : memref<3x2x512xf32, #tpu.memory_space<vmem>> -> memref<1x2x512xf32, #tpu.memory_space<vmem>>
    %dma_wait3A_133 = tpu.memref_squeeze %dma_wait3A_132 : memref<1x2x512xf32, #tpu.memory_space<vmem>> -> memref<2x512xf32, #tpu.memory_space<vmem>>
    %dma_wait3A_134 = arith.constant 0 : i32
    %dma_wait3A_135 = tpu.memref_slice %arg4[%add3A_128, %add3A_93, %dma_wait3A_134] : memref<24x512x512xf32, #tpu.memory_space<hbm>> -> memref<1x2x512xf32, #tpu.memory_space<hbm>>
    %dma_wait3A_136 = tpu.memref_squeeze %dma_wait3A_135 : memref<1x2x512xf32, #tpu.memory_space<hbm>> -> memref<2x512xf32, #tpu.memory_space<hbm>>
    %dma_wait3A_137 = arith.constant 0 : i32
    %dma_wait3A_138 = tpu.memref_slice %arg4[%add3A_128, %add3A_93, %dma_wait3A_137] : memref<24x512x512xf32, #tpu.memory_space<hbm>> -> memref<1x2x512xf32, #tpu.memory_space<hbm>>
    %dma_wait3A_139 = tpu.memref_squeeze %dma_wait3A_138 : memref<1x2x512xf32, #tpu.memory_space<hbm>> -> memref<2x512xf32, #tpu.memory_space<hbm>>
    %dma_wait3A_140 = arith.constant 0 : i32
    %dma_wait3A_141 = arith.constant 0 : i32
    %dma_wait3A_142 = tpu.memref_slice %arg8[%dma_wait3A_129, %dma_wait3A_140, %dma_wait3A_141] : memref<3x2x512xf32, #tpu.memory_space<vmem>> -> memref<1x2x512xf32, #tpu.memory_space<vmem>>
    %dma_wait3A_143 = tpu.memref_squeeze %dma_wait3A_142 : memref<1x2x512xf32, #tpu.memory_space<vmem>> -> memref<2x512xf32, #tpu.memory_space<vmem>>
    tpu.wait_dma2 semaphore(%arg12 : memref<!tpu.dma_semaphore, #tpu.memory_space<semaphore_mem>>) src(%dma_wait3A_143 : memref<2x512xf32, #tpu.memory_space<vmem>>) dst(%dma_wait3A_139 : memref<2x512xf32, #tpu.memory_space<hbm>>)
    %add3A_144 = arith.constant 126 : i32
    %add3A_145 = arith.addi %mul3A_32, %add3A_144 : i32
    %add3A_146 = arith.constant 0 : i32
    %add3A_147 = arith.addi %mul3A_34, %add3A_146 : i32
    %dma_wait3A_148 = arith.constant 0 : i32
    %dma_wait3A_149 = arith.constant 0 : i32
    %dma_wait3A_150 = arith.constant 0 : i32
    %dma_wait3A_151 = tpu.memref_slice %arg9[%dma_wait3A_148, %dma_wait3A_149, %dma_wait3A_150] : memref<3x2x512xf32, #tpu.memory_space<vmem>> -> memref<1x2x512xf32, #tpu.memory_space<vmem>>
    %dma_wait3A_152 = tpu.memref_squeeze %dma_wait3A_151 : memref<1x2x512xf32, #tpu.memory_space<vmem>> -> memref<2x512xf32, #tpu.memory_space<vmem>>
    %dma_wait3A_153 = arith.constant 0 : i32
    %dma_wait3A_154 = tpu.memref_slice %arg4[%add3A_147, %add3A_145, %dma_wait3A_153] : memref<24x512x512xf32, #tpu.memory_space<hbm>> -> memref<1x2x512xf32, #tpu.memory_space<hbm>>
    %dma_wait3A_155 = tpu.memref_squeeze %dma_wait3A_154 : memref<1x2x512xf32, #tpu.memory_space<hbm>> -> memref<2x512xf32, #tpu.memory_space<hbm>>
    %dma_wait3A_156 = arith.constant 0 : i32
    %dma_wait3A_157 = tpu.memref_slice %arg4[%add3A_147, %add3A_145, %dma_wait3A_156] : memref<24x512x512xf32, #tpu.memory_space<hbm>> -> memref<1x2x512xf32, #tpu.memory_space<hbm>>
    %dma_wait3A_158 = tpu.memref_squeeze %dma_wait3A_157 : memref<1x2x512xf32, #tpu.memory_space<hbm>> -> memref<2x512xf32, #tpu.memory_space<hbm>>
    %dma_wait3A_159 = arith.constant 0 : i32
    %dma_wait3A_160 = arith.constant 0 : i32
    %dma_wait3A_161 = tpu.memref_slice %arg9[%dma_wait3A_148, %dma_wait3A_159, %dma_wait3A_160] : memref<3x2x512xf32, #tpu.memory_space<vmem>> -> memref<1x2x512xf32, #tpu.memory_space<vmem>>
    %dma_wait3A_162 = tpu.memref_squeeze %dma_wait3A_161 : memref<1x2x512xf32, #tpu.memory_space<vmem>> -> memref<2x512xf32, #tpu.memory_space<vmem>>
    tpu.wait_dma2 semaphore(%arg13 : memref<!tpu.dma_semaphore, #tpu.memory_space<semaphore_mem>>) src(%dma_wait3A_162 : memref<2x512xf32, #tpu.memory_space<vmem>>) dst(%dma_wait3A_158 : memref<2x512xf32, #tpu.memory_space<hbm>>)
    %add3A_163 = arith.constant 1 : i32
    %add3A_164 = arith.addi %mul3A_34, %add3A_163 : i32
    %dma_wait3A_165 = arith.constant 1 : i32
    %dma_wait3A_166 = arith.constant 0 : i32
    %dma_wait3A_167 = arith.constant 0 : i32
    %dma_wait3A_168 = tpu.memref_slice %arg9[%dma_wait3A_165, %dma_wait3A_166, %dma_wait3A_167] : memref<3x2x512xf32, #tpu.memory_space<vmem>> -> memref<1x2x512xf32, #tpu.memory_space<vmem>>
    %dma_wait3A_169 = tpu.memref_squeeze %dma_wait3A_168 : memref<1x2x512xf32, #tpu.memory_space<vmem>> -> memref<2x512xf32, #tpu.memory_space<vmem>>
    %dma_wait3A_170 = arith.constant 0 : i32
    %dma_wait3A_171 = tpu.memref_slice %arg4[%add3A_164, %add3A_145, %dma_wait3A_170] : memref<24x512x512xf32, #tpu.memory_space<hbm>> -> memref<1x2x512xf32, #tpu.memory_space<hbm>>
    %dma_wait3A_172 = tpu.memref_squeeze %dma_wait3A_171 : memref<1x2x512xf32, #tpu.memory_space<hbm>> -> memref<2x512xf32, #tpu.memory_space<hbm>>
    %dma_wait3A_173 = arith.constant 0 : i32
    %dma_wait3A_174 = tpu.memref_slice %arg4[%add3A_164, %add3A_145, %dma_wait3A_173] : memref<24x512x512xf32, #tpu.memory_space<hbm>> -> memref<1x2x512xf32, #tpu.memory_space<hbm>>
    %dma_wait3A_175 = tpu.memref_squeeze %dma_wait3A_174 : memref<1x2x512xf32, #tpu.memory_space<hbm>> -> memref<2x512xf32, #tpu.memory_space<hbm>>
    %dma_wait3A_176 = arith.constant 0 : i32
    %dma_wait3A_177 = arith.constant 0 : i32
    %dma_wait3A_178 = tpu.memref_slice %arg9[%dma_wait3A_165, %dma_wait3A_176, %dma_wait3A_177] : memref<3x2x512xf32, #tpu.memory_space<vmem>> -> memref<1x2x512xf32, #tpu.memory_space<vmem>>
    %dma_wait3A_179 = tpu.memref_squeeze %dma_wait3A_178 : memref<1x2x512xf32, #tpu.memory_space<vmem>> -> memref<2x512xf32, #tpu.memory_space<vmem>>
    tpu.wait_dma2 semaphore(%arg13 : memref<!tpu.dma_semaphore, #tpu.memory_space<semaphore_mem>>) src(%dma_wait3A_179 : memref<2x512xf32, #tpu.memory_space<vmem>>) dst(%dma_wait3A_175 : memref<2x512xf32, #tpu.memory_space<hbm>>)
    %add3A_180 = arith.constant 2 : i32
    %add3A_181 = arith.addi %mul3A_34, %add3A_180 : i32
    %dma_wait3A_182 = arith.constant 2 : i32
    %dma_wait3A_183 = arith.constant 0 : i32
    %dma_wait3A_184 = arith.constant 0 : i32
    %dma_wait3A_185 = tpu.memref_slice %arg9[%dma_wait3A_182, %dma_wait3A_183, %dma_wait3A_184] : memref<3x2x512xf32, #tpu.memory_space<vmem>> -> memref<1x2x512xf32, #tpu.memory_space<vmem>>
    %dma_wait3A_186 = tpu.memref_squeeze %dma_wait3A_185 : memref<1x2x512xf32, #tpu.memory_space<vmem>> -> memref<2x512xf32, #tpu.memory_space<vmem>>
    %dma_wait3A_187 = arith.constant 0 : i32
    %dma_wait3A_188 = tpu.memref_slice %arg4[%add3A_181, %add3A_145, %dma_wait3A_187] : memref<24x512x512xf32, #tpu.memory_space<hbm>> -> memref<1x2x512xf32, #tpu.memory_space<hbm>>
    %dma_wait3A_189 = tpu.memref_squeeze %dma_wait3A_188 : memref<1x2x512xf32, #tpu.memory_space<hbm>> -> memref<2x512xf32, #tpu.memory_space<hbm>>
    %dma_wait3A_190 = arith.constant 0 : i32
    %dma_wait3A_191 = tpu.memref_slice %arg4[%add3A_181, %add3A_145, %dma_wait3A_190] : memref<24x512x512xf32, #tpu.memory_space<hbm>> -> memref<1x2x512xf32, #tpu.memory_space<hbm>>
    %dma_wait3A_192 = tpu.memref_squeeze %dma_wait3A_191 : memref<1x2x512xf32, #tpu.memory_space<hbm>> -> memref<2x512xf32, #tpu.memory_space<hbm>>
    %dma_wait3A_193 = arith.constant 0 : i32
    %dma_wait3A_194 = arith.constant 0 : i32
    %dma_wait3A_195 = tpu.memref_slice %arg9[%dma_wait3A_182, %dma_wait3A_193, %dma_wait3A_194] : memref<3x2x512xf32, #tpu.memory_space<vmem>> -> memref<1x2x512xf32, #tpu.memory_space<vmem>>
    %dma_wait3A_196 = tpu.memref_squeeze %dma_wait3A_195 : memref<1x2x512xf32, #tpu.memory_space<vmem>> -> memref<2x512xf32, #tpu.memory_space<vmem>>
    tpu.wait_dma2 semaphore(%arg13 : memref<!tpu.dma_semaphore, #tpu.memory_space<semaphore_mem>>) src(%dma_wait3A_196 : memref<2x512xf32, #tpu.memory_space<vmem>>) dst(%dma_wait3A_192 : memref<2x512xf32, #tpu.memory_space<hbm>>)
    return
  }
}

</mosaic_0001>

<sc_bundles>
// kernel: kernel.3.cloned.1.call-start
scs
__scs_entry_jumppad:
0x0: {  	(pc) =	sbr.rel $0x88, $3  }
0x1: {  	(tag) =	ssettag $0x0;
	lr =	simm.s32 $0x1  }
0x2: {  	[smem:$0x3F9F] =	sst lr;
	_ =	strace $0xD0000000  }
0x3: {  	_ = 	snop  }
0x4: {  	_ = 	snop  }
0x5: {  	_ = 	snop  }
0x6: {  	_ = 	snop  }
0x7: {  	_ = 	snop  }
__scs_overlays_trampoline_lowered:
0x8: {  	[smem:$0x3FAE] =	sst s0  }
0x9: {  	[smem:$0x3FAF] =	sst s1  }
0xa: {  	[smem:$0x3FB0] =	sst s2  }
0xb: {  	[smem:$0x3FB1] =	sst s3  }
0xc: {  	[smem:$0x3FB2] =	sst s4  }
0xd: {  	[smem:$0x3FB3] =	sst s5  }
0xe: {  	[smem:$0x3FB4] =	sst s6  }
0xf: {  	[smem:$0x3FB5] =	sst s7  }
0x10: {  	[smem:$0x3FB6] =	sst s8  }
0x11: {  	[smem:$0x3FB7] =	sst s9;
	s0 =	simm.s32 @!p0 $0x0  }
0x12: {  	s1 =	sld [smem:$0x3F9D];
	s0 =	simm.s32 @p0 $0x1  }
0x13: {  	[smem:$0x3FB8] =	sst s0;
	s0 =	simm.s32 @!p1 $0x0  }
0x14: {  	s2 =	sld [smem:$0x3F9C];
	s0 =	simm.s32 @p1 $0x1  }
0x15: {  	[smem:$0x3FB9] =	sst s0;
	s0 =	simm.s32 @!p2 $0x0  }
0x16: {  	s3 =	sld [smem:$0x3FDB];
	s0 =	simm.s32 @p2 $0x1  }
0x17: {  	s4 =	simm.s32 $0x1BF5;
	[smem:$0x3FBB] =	sst s0  }
0x18: {  	s0 =	sld [smem:$0x3F9E];
	_ =	swait.ge [sflag:s4], $0x0  }
0x19: {  	s7 =	sld [smem:$0x3F9F]  }
0x1a: {  	s8 =	sadd.s32 $0xFFFFE003, lr  }
0x1b: {  	s9 =	sadd.s32 $0xFFFFFEF7, lr;
	s5 =	simm.s32 $0xFFFFFFFF;
	p2 =	slt.u32 s8, $0xFFFFF086  }
0x1c: {  	p1 =	slt.u32 s9, $0xF7A;
	s5 =	simm.s32 @!p2 $0x0  }
0x1d: {  	s5 =	simm.s32 @p1 $0x1;
	p0 =	seq.s32 s7, s2  }
0x1e: {  	s7 =	smul.u32 @!p0 $0xF7A, s2;
	p2 =	seq.s32 @!p0 s5, $0x0  }
0x1f: {  	s9 =	smul.u32 $0xF7A, s1;
	s8 =	simm.s32 @!p0 $0x1BF5;
	p2 =	por !p2, p0  }
0x20: {  	[sflag:s8] =	ssyncset.s32 @!p0 $0xFFFFF086;
	s6 =	sadd.s32 @!p0 s3, s7;
	s7 =	simm.s32 @!p0 $0x108  }
0x21: {  	s3 =	sadd.s32 s3, s9;
	s6 =	sadd.s32 @!p0 $0x88, s6;
	s7 =	simm.s32 @p2 $0x1082  }
0x22: {  	[simem:s7], [sflag:s8] =	dma.local @!p0 [hbm:s6], $0xF7A  }
0x23: {  	s9 =	sor.u32 $0xD0000000, s2;
	s6 =	simm.s32 $0x108;
	_ =	swait.ge @!p0 [sflag:s8], $0x0  }
0x24: {  	s3 =	sadd.s32 $0x88, s3;
	s6 =	simm.s32 @!p1 $0x1082;
	[sflag:s4] =	ssyncset.s32 $0xFFFFF086  }
0x25: {  	[simem:s6], [sflag:s4] =	dma.local [hbm:s3], $0xF7A  }
0x26: {  	[smem:$0x3F9F] =	sst s1;
	(tag) =	ssettag s2;
	_ =	strace s9  }
0x27: {  	s1 =	sld [smem:$0x3FAF]  }
0x28: {  	s2 =	sld [smem:$0x3FB0]  }
0x29: {  	s4 =	sld [smem:$0x3FB2]  }
0x2a: {  	p0 =	seq.s32 s5, $0x0;
	s5 =	sld [smem:$0x3FB3]  }
0x2b: {  	s6 =	sld [smem:$0x3FB4]  }
0x2c: {  	s7 =	sld [smem:$0x3FB5]  }
0x2d: {  	s3 =	simm.s32 $0x108;
	s8 =	sld [smem:$0x3FB6]  }
0x2e: {  	s3 =	simm.s32 @!p0 $0x1082;
	s9 =	sld [smem:$0x3FB7]  }
0x2f: {  	lr =	sadd.s32 s0, s3;
	s0 =	sld [smem:$0x3FAE]  }
0x30: {  	s3 =	sld [smem:$0x3FB1]  }
0x31: {  	[smem:$0x3FBA] =	sst s10  }
0x32: {  	s10 =	sld [smem:$0x3FB8];
	_ =	sdelay $0x3  }
0x33: {  	p0 =	seq.s32 s10, $0x1;
	s10 =	sld [smem:$0x3FBA];
	_ =	sdelay $0x3  }
0x34: {  	[smem:$0x3FBA] =	sst s10  }
0x35: {  	s10 =	sld [smem:$0x3FB9];
	_ =	sdelay $0x3  }
0x36: {  	p1 =	seq.s32 s10, $0x1;
	s10 =	sld [smem:$0x3FBA];
	_ =	sdelay $0x3  }
0x37: {  	[smem:$0x3FBA] =	sst s10  }
0x38: {  	s10 =	sld [smem:$0x3FBB]  }
0x39: {  	_ = 	snop;
	(pc) =	sbr.ind lr, $3  }
0x3a: {  	_ = 	snop  }
0x3b: {  	_ = 	snop  }
0x3c: {  	p2 =	seq.s32 s10, $0x1;
	s10 =	sld [smem:$0x3FBA]  }
0x3d: {  	_ =	shalt  }
0x3e: {  	_ =	shalt  }
0x3f: {  	_ =	shalt  }
0x40: {  	_ =	shalt  }
0x41: {  	_ =	shalt  }
0x42: {  	_ =	shalt  }
0x43: {  	_ =	shalt  }
0x44: {  	_ =	shalt  }
0x45: {  	_ =	shalt  }
0x46: {  	_ =	shalt  }
0x47: {  	_ =	shalt  }
0x48: {  	_ =	shalt  }
0x49: {  	_ =	shalt  }
0x4a: {  	_ =	shalt  }
0x4b: {  	_ =	shalt  }
0x4c: {  	_ =	shalt  }
0x4d: {  	_ =	shalt  }
0x4e: {  	_ =	shalt  }
0x4f: {  	_ =	shalt  }
0x50: {  	_ =	shalt  }
0x51: {  	_ =	shalt  }
0x52: {  	_ =	shalt  }
0x53: {  	_ =	shalt  }
0x54: {  	_ =	shalt  }
0x55: {  	_ =	shalt  }
0x56: {  	_ =	shalt  }
0x57: {  	_ =	shalt  }
0x58: {  	_ =	shalt  }
0x59: {  	_ =	shalt  }
0x5a: {  	_ =	shalt  }
0x5b: {  	_ =	shalt  }
0x5c: {  	_ =	shalt  }
0x5d: {  	_ =	shalt  }
0x5e: {  	_ =	shalt  }
0x5f: {  	_ =	shalt  }
0x60: {  	_ =	shalt  }
0x61: {  	_ =	shalt  }
0x62: {  	_ =	shalt  }
0x63: {  	_ =	shalt  }
0x64: {  	_ =	shalt  }
0x65: {  	_ =	shalt  }
0x66: {  	_ =	shalt  }
0x67: {  	_ =	shalt  }
0x68: {  	_ =	shalt  }
0x69: {  	_ =	shalt  }
0x6a: {  	_ =	shalt  }
0x6b: {  	_ =	shalt  }
0x6c: {  	_ =	shalt  }
0x6d: {  	_ =	shalt  }
0x6e: {  	_ =	shalt  }
0x6f: {  	_ =	shalt  }
0x70: {  	_ =	shalt  }
0x71: {  	_ =	shalt  }
0x72: {  	_ =	shalt  }
0x73: {  	_ =	shalt  }
0x74: {  	_ =	shalt  }
0x75: {  	_ =	shalt  }
0x76: {  	_ =	shalt  }
0x77: {  	_ =	shalt  }
0x78: {  	_ =	shalt  }
0x79: {  	_ =	shalt  }
0x7a: {  	_ =	shalt  }
0x7b: {  	_ =	shalt  }
0x7c: {  	_ =	shalt  }
0x7d: {  	_ =	shalt  }
0x7e: {  	_ =	shalt  }
0x7f: {  	_ =	shalt  }
0x80: {  	_ =	shalt  }
0x81: {  	_ =	shalt  }
0x82: {  	_ =	shalt  }
0x83: {  	_ =	shalt  }
0x84: {  	_ =	shalt  }
0x85: {  	_ =	shalt  }
0x86: {  	_ =	shalt  }
0x87: {  	_ =	shalt  }
.Lfunc_end0:
.L_simem_size_0:
called_computation_lowered:
.L_overlay_start_0:
0x88: {  	s2 =	sld [smem:$0x3FD9]  }
0x89: {  	s3 =	sld [smem:$0x3FFE];
	_ =	sdelay $0x1  }
0x8a: {  	s1 =	srdreg.scid  }
0x8b: {  	s0 =	sand.u32 $0x1, s1  }
0x8c: {  	s17 =	sshll.u32 s0, $0xA;
	s2 =	sadd.s32 s3, s2  }
0x8d: {  	s2 =	sadd.s32 s2, s17  }
0x8e: {  	[smem:$0x3FC6] =	sst s2  }
0x8f: {  	_ = 	snop  }
0x90: {  	s2 =	sld [smem:$0x3FC9]  }
0x91: {  	s18 =	sld [smem:$0x3FD0];
	(tm) =	ssettm $0x1  }
0x92: {  	s4 =	sld [smem:$0x3FFB];
	_ =	sdelay $0x3  }
0x93: {  	_ =	strace s4  }
0x94: {  	s4 =	sld [smem:$0x3FFC];
	_ =	sdelay $0x3  }
0x95: {  	_ =	strace s4  }
0x96: {  	s4 =	sld [smem:$0x3FFD];
	_ =	sdelay $0x3  }
0x97: {  	_ =	strace s4  }
0x98: {  	_ =	strace $0x8FFFFFFF  }
0x99: {  	s19 =	sld [smem:$0x3FDB];
	_ =	sdelay $0x1  }
0x9a: {  	s5 =	simm.s32 $_scs_section_size  }
0x9b: {  	s6 =	simm.s32 $_size__tile_overlayer_lowered;
	s7 =	simm.s32 $_tile_overlayer_lowered  }
0x9c: {  	s22 =	simm.s32 $0x1BFF;
	s21 =	sshll.u32 s7, $0x1;
	s4 =	sadd.s32 s5, s19  }
0x9d: {  	s8 =	simm.s32 $0x0;
	s20 =	sshll.u32 s6, $0x1;
	s6 =	sadd.s32 s21, s4  }
0x9e: {  	[timem:s8], [sflag:s22] =	dma.local [hbm:s6], s20  }
0x9f: {  	_ =	swait.ge [sflag:s22], s20  }
0xa0: {  	s5 =	ssub.s32 $0x0, s20;
	[sflag:s22] =	ssyncset.done $0x0  }
0xa1: {  	[sflag:s22] =	ssyncadd.s32 s5;
	_ =	sdelay $0x1  }
0xa2: {  	s23 =	simm.s32 $0x1B8B  }
0xa3: {  	_ =	swait.ge [sflag:s23], $0x1  }
0xa4: {  	[sflag:s23] =	ssyncset.done $0x0  }
0xa5: {  	s25 =	simm.s32 $0x1B8E;
	s24 =	sld [smem:$0x3FFE];
	[sflag:s23] =	ssyncadd.s32 $0xFFFFFFFF  }
0xa6: {  	s26 =	simm.s32 $execute0_lowered;
	[smem:$0x3FD2] =	sst s25  }
0xa7: {  	s6 =	sshll.u32 s26, $0x1;
	_ =	strace $0x80000046;
	[dreg:$0x1] =	wrdreg $0xFFFFFFFF  }
0xa8: {  	s28 =	simm.s32 $_size_execute0_lowered;
	s4 =	sadd.s32 s4, s6;
	[dreg:$0x0] =	wrdreg $0x0  }
0xa9: {  	s6 =	sshll.u32 s28, $0x1;
	[dreg:$0x2] =	wrdreg s4  }
0xaa: {  	[dreg:$0x3] =	wrdreg s6  }
0xab: {  	[dreg:$0x4] =	wrdreg $0xC0  }
0xac: {  	_ =	task [dreg:s8], $0x5FFFF  }
0xad: {  	[dreg:$0x1] =	wrdreg $0xFFFFFFFF  }
0xae: {  	[dreg:$0x0] =	wrdreg $0x60  }
0xaf: {  	[dreg:$0x2] =	wrdreg s2  }
0xb0: {  	[dreg:$0x3] =	wrdreg s24  }
0xb1: {  	[dreg:$0x4] =	wrdreg s18  }
0xb2: {  	[dreg:$0x5] =	wrdreg $0x9  }
0xb3: {  	_ =	task.clear_ibuf [dreg:s8], $0x6FFFF;
	_ =	strace $0x90000046  }
0xb4: {  	s29 =	simm.s32 $0x9;
	_ =	strace $0x80000048  }
0xb5: {  	_ =	swait.ge [sflag:s29], $0x1  }
0xb6: {  	[sflag:s29] =	ssyncadd.s32 $0xFFFFFFFF  }
0xb7: {  	_ =	strace $0x90000048  }
0xb8: {  	_ =	sfence  }
0xb9: {  	s30 =	sld [smem:$0x0];
	_ =	sdelay $0x2  }
0xba: {  	s31 =	sshll.u32 s1, $0xD;
	s1 =	sshrl.u32 s1, $0x2  }
0xbb: {  	s3 =	sand.u32 $0x4000, s31;
	s1 =	sadd.s32 s1, s30  }
0xbc: {  	s0 =	sor.u32 s3, s0;
	s1 =	sshll.u32 s1, $0x11  }
0xbd: {  	s0 =	sor.u32 s1, s0  }
0xbe: {  	s0 =	sadd.s32 $0x8F2B, s0  }
0xbf: {  	[sflag:s0] =	ssyncadd.remote.s32 $0x1  }
0xc0: {  	_ =	sfence.sel $0xFFFF  }
0xc1: {  	[dreg:$0x0] =	wrdreg $0xFFFFFFFF;
	(pc) =	sbr.abs _section_cstart, $3  }
0xc2: {  	[dreg:$0x1] =	wrdreg $0xFFFFFFFF  }
0xc3: {  	_ =	task.clear_ibuf [dreg:s8], $0x2FFFF;
	_ =	strace $0x9FFFFFFF  }
0xc4: {  	(tm) =	ssettm $0x7FFFFFFF  }
0xc5: {  	_ =	shalt  }
tec
execute0_lowered:
.L_overlay_start_1:
0x0: {  	(tag) =	ssettag $0x1  }
0x1: {  	s1 =	rddreg [dreg:$0x0]  }
0x2: {  	s0 =	rddreg [dreg:$0x1]  }
0x3: {  	s2 =	rddreg [dreg:$0x2];
	s4 =	simm.s32 $0x0;
	s3 =	srdreg.scid  }
0x4: {  	s7 =	stileid.u32;
	s16 =	simm.s32 $0x100;
	s17 =	simm.s32 $0x400  }
0x5: {  	s22 =	simm.s32 $0x1B580;
	s28 =	simm.s32 $0x1C580;
	s29 =	simm.s32 $0x2  }
0x6: {  	s30 =	simm.s32 $0x1C980;
	s31 =	simm.s32 $0x1CD80;
	[smem:$0x7FF] =	sst s4  }
0x7: {  	s3 =	sand.u32 $0x1, s3;
	s5 =	sshll.u32 s7, $0x1;
	s7 =	sshrl.u32 s7, $0x1  }
0x8: {  	s0 =	sadd.s32 $0x400, s0;
	s6 =	ssub.s32 $0x2, s3;
	s5 =	sand.u32 $0x2, s5  }
0x9: {  	s8 =	sshrl.u32 s6, $0x1;
	s3 =	sor.u32 s3, s5;
	s5 =	smul.u32 $0xC0000, s7  }
0xa: {  	_ =	strace $0x80000047;
	[dreg:$0x4] =	wrdreg s0;
	s23 =	ssub.s32 s6, s8  }
0xb: {  	s7 =	sshll.u32 s3, $0x7;
	s8 =	sshll.u32 s3, $0x10;
	s9 =	sadd.s32 $0x40000, s5  }
0xc: {  	s10 =	sadd.s32 $0x80000, s5;
	s3 =	sor.u32 s5, s8;
	s0 =	smax.u32 s23, $0x1  }
0xd: {  	s23 =	simm.s32 $0x1B980;
	s24 =	sor.u32 s9, s8;
	s11 =	sor.u32 s10, s8  }
0xe: {  	s3 =	sshrl.u32 s3, $0x3;
	[dreg:$0x8] =	wrdreg s0;
	s0 =	simm.s32 $0x1D180  }
0xf: {  	s6 =	sshrl.u32 s24, $0x3;
	s11 =	sshrl.u32 s11, $0x3;
	s3 =	sadd.s32 s1, s3  }
0x10: {  	s24 =	simm.s32 $0x1;
	[dreg:$0x5] =	wrdreg s3;
	s25 =	sadd.s32 s1, s6  }
0x11: {  	s26 =	sadd.s32 s1, s11;
	s11 =	simm.s32 $0x0;
	[dreg:$0x6] =	wrdreg s25  }
0x12: {  	[dreg:$0x7] =	wrdreg s26;
	s25 =	simm.s32 $0x1BD80;
	s26 =	simm.s32 $0x1C180  }
.LBB2_1:
0x13: {  	[dreg:$0x9] =	wrdreg s11  }
0x14: {  	s3 =	rddreg [dreg:$0x4];
	s14 =	simm.s32 $0x5  }
0x15: {  	[tilespmem:s4], [sflag:$0x5] =	stream.linear.gather [hbm4b:s3+s4], $0x1A580, $0x38;
	[tilespmem:$0x1D580] =	vst v63  }
0x16: {  	_ =	swait.ge [sflag:s14], $0x1A580  }
0x17: {  	[sflag:s14] =	ssyncset.done $0x0  }
0x18: {  	s6 =	simm.s32 $0x1A580;
	s15 =	rddreg [dreg:$0x5];
	[sflag:s14] =	ssyncadd.s32 $0xFFFE5A80  }
0x19: {  	[tilespmem:s6], [sflag:$0x1] =	stream.strided.gather [hbm4b:s15+s16], $0x400, s17, s16, $0x38;
	[tilespmem:$0x1D580] =	vst v63  }
0x1a: {  	s19 =	simm.s32 $0x1A980;
	s18 =	rddreg [dreg:$0x6]  }
0x1b: {  	[tilespmem:s19], [sflag:$0x1] =	stream.strided.gather [hbm4b:s18+s16], $0x400, s17, s16, $0x38;
	[tilespmem:$0x1D580] =	vst v63  }
0x1c: {  	s21 =	simm.s32 $0x1AD80;
	s12 =	simm.s32 $0x0;
	s20 =	rddreg [dreg:$0x7]  }
0x1d: {  	[tilespmem:s21], [sflag:$0x1] =	stream.strided.gather [hbm4b:s20+s16], $0x400, s17, s16, $0x38;
	[tilespmem:$0x1D580] =	vst v63  }
.LBB2_2:
0x1e: {  	s13 =	sshll.u32 s12, $0x2  }
0x1f: {  	s3 =	sadd.s32 s7, s13  }
0x20: {  	s6 =	sshll.u32 s12, $0x9;
	s3 =	sshll.u32 s3, $0x9  }
0x21: {  	s14 =	sand.u32 $0x200, s6;
	s3 =	sand.u32 $0x3F000, s3  }
0x22: {  	s3 =	sor.u32 s3, s14  }
0x23: {  	s3 =	sor.u32 $0x100, s3  }
0x24: {  	s15 =	sor.u32 s5, s3  }
0x25: {  	s20 =	sshrl.u32 s15, $0x3  }
0x26: {  	s11 =	simm.s32 $0x1B180;
	s18 =	sor.u32 s9, s3;
	s6 =	sadd.s32 s1, s20  }
0x27: {  	[tilespmem:s11], [sflag:$0x2] =	stream.strided.gather [hbm4b:s6+s16], $0x400, s17, s16, $0x38;
	[tilespmem:$0x1D580] =	vst v63  }
0x28: {  	s3 =	sor.u32 s10, s3;
	s6 =	sshrl.u32 s18, $0x3  }
0x29: {  	s11 =	sshrl.u32 s3, $0x3;
	s19 =	sadd.s32 s1, s6  }
0x2a: {  	[tilespmem:s22], [sflag:$0x2] =	stream.strided.gather [hbm4b:s19+s16], $0x400, s17, s16, $0x38;
	[tilespmem:$0x1D580] =	vst v63  }
0x2b: {  	s3 =	sadd.s32 s1, s11  }
0x2c: {  	[tilespmem:s23], [sflag:$0x2] =	stream.strided.gather [hbm4b:s3+s16], $0x400, s17, s16, $0x38;
	[tilespmem:$0x1D580] =	vst v63  }
0x2d: {  	_ =	swait.ge [sflag:s24], $0x400  }
0x2e: {  	[sflag:s24] =	ssyncset.done $0x0  }
0x2f: {  	[sflag:s24] =	ssyncadd.s32 $0xFFFFFC00  }
0x30: {  	_ =	swait.ge [sflag:s24], $0x400  }
0x31: {  	[sflag:s24] =	ssyncset.done $0x0  }
0x32: {  	[sflag:s24] =	ssyncadd.s32 $0xFFFFFC00  }
0x33: {  	_ =	swait.ge [sflag:s24], $0x400  }
0x34: {  	p0 =	seq.s32 s12, $0x0;
	[sflag:s24] =	ssyncset.done $0x0  }
0x35: {  	s18 =	simm.s32 @!p0 $0x3;
	[sflag:s24] =	ssyncadd.s32 $0xFFFFFC00  }
0x36: {  	_ =	swait.ge @!p0 [sflag:s18], $0x400  }
0x37: {  	[sflag:s18] =	ssyncset.done @!p0 $0x0  }
0x38: {  	[sflag:s18] =	ssyncadd.s32 @!p0 $0xFFFFFC00  }
0x39: {  	s21 =	sshll.u32 s12, $0xB;
	_ =	swait.ge @!p0 [sflag:s18], $0x400  }
0x3a: {  	s3 =	sand.u32 $0xF000, s21;
	[sflag:s18] =	ssyncset.done @!p0 $0x0  }
0x3b: {  	s19 =	simm.s32 $0x1C200;
	s3 =	sor.u32 s8, s3;
	[sflag:s18] =	ssyncadd.s32 @!p0 $0xFFFFFC00  }
0x3c: {  	s21 =	simm.s32 $0x1AA00;
	s14 =	sor.u32 s14, s3;
	_ =	swait.ge @!p0 [sflag:s18], $0x400  }
0x3d: {  	s3 =	sor.u32 s5, s14;
	s15 =	sor.u32 s9, s14;
	[sflag:s18] =	ssyncset.done @!p0 $0x0  }
0x3e: {  	s14 =	sor.u32 s10, s14;
	[sflag:s18] =	ssyncadd.s32 @!p0 $0xFFFFFC00;
	s18 =	simm.s32 $0xFFFFFFF8  }
.LBB2_3:
0x3f: {  	v0 =	vld [tilespmem:s21+$0xFFFFFF80]  }
0x40: {  	v1 =	vld [tilespmem:s21+$0x380]  }
0x41: {  	v2 =	vld [tilespmem:s21+$0xFFFFFB80];
	_ =	sdelay $0x2  }
0x42: {  	v0 =	vmul.f32 $3.200000000e+01, v0  }
0x43: {  	v1 =	vmul.f32 $3.200000000e+01, v1  }
0x44: {  	v2 =	vmul.f32 $3.200000000e+01, v2;
	v3 =	vtrunc.f32 v0  }
0x45: {  	v4 =	vtrunc.f32 v1;
	v3 =	vcvt.f32.s32 v3  }
0x46: {  	v5 =	vtrunc.f32 v2;
	v4 =	vcvt.f32.s32 v4  }
0x47: {  	v5 =	vcvt.f32.s32 v5;
	vm0 =	vlt.s32 v3, $0x1F  }
0x48: {  	vm6 =	vlt.s32 v4, $0x1F;
	v3 =	vnsel vm0, $0x1F, v3  }
0x49: {  	vm1 =	vlt.s32 v5, $0x1F;
	v4 =	vnsel vm6, $0x1F, v4;
	v6 =	vmul.u32 $0x21, v3  }
0x4a: {  	v5 =	vnsel vm1, $0x1F, v5;
	v7 =	vmul.u32 $0x441, v4  }
0x4b: {  	v6 =	vadd.s32 v5, v6  }
0x4c: {  	v6 =	vadd.s32 v7, v6  }
0x4d: {  	v7 =	vadd.s32 $0x1, v6  }
0x4e: {  	v3 =	vcvt.s32.f32 v3;
	v4 =	vcvt.s32.f32 v4;
	v8 =	vadd.s32 $0x21, v6  }
0x4f: {  	v5 =	vcvt.s32.f32 v5;
	v9 =	vadd.s32 $0x22, v6  }
0x50: {  	v0 =	vsub.f32 v0, v3;
	v1 =	vsub.f32 v1, v4;
	v58 =	vadd.s32 $0x441, v6  }
0x51: {  	v2 =	vsub.f32 v2, v5;
	v60 =	vadd.s32 $0x442, v6;
	v59 =	vld.idx.msk [tilespmem:v6+s4+$0x0], $0xffff  }
0x52: {  	v10 =	vsub.f32 $1.000000000e+00, v0;
	v11 =	vsub.f32 $1.000000000e+00, v1;
	v12 =	vadd.s32 $0x462, v6;
	v7 =	vld.idx.msk [tilespmem:v7+s4+$0x0], $0xffff  }
0x53: {  	v13 =	vadd.s32 $0x463, v6;
	v8 =	vld.idx.msk [tilespmem:v8+s4+$0x0], $0xffff  }
0x54: {  	v14 =	vsub.f32 $1.000000000e+00, v2;
	v15 =	vmul.f32 v11, v10;
	v11 =	vmul.f32 v11, v0;
	v9 =	vld.idx.msk [tilespmem:v9+s4+$0x0], $0xffff  }
0x55: {  	v10 =	vmul.f32 v1, v10;
	v0 =	vmul.f32 v1, v0;
	v61 =	vld.idx.msk [tilespmem:v58+s4+$0x0], $0xffff  }
0x56: {  	v62 =	vmul.f32 v15, v14;
	v15 =	vmul.f32 v15, v2;
	v5 =	vld.idx.msk [tilespmem:v60+s4+$0x0], $0xffff  }
0x57: {  	v16 =	vmul.f32 v11, v14;
	v11 =	vmul.f32 v11, v2;
	v12 =	vld.idx.msk [tilespmem:v12+s4+$0x0], $0xffff  }
0x58: {  	v17 =	vmul.f32 v10, v14;
	v10 =	vmul.f32 v10, v2;
	v13 =	vld.idx.msk [tilespmem:v13+s4+$0x0], $0xffff  }
0x59: {  	v14 =	vmul.f32 v0, v14;
	v0 =	vmul.f32 v0, v2  }
0x5a: {  	v63 =	vmul.f32 v62, v59;
	v18 =	vmul.f32 v15, v7  }
0x5b: {  	v19 =	vmul.f32 v16, v8;
	v20 =	vmul.f32 v11, v9  }
0x5c: {  	v1 =	vmul.f32 v17, v61;
	v5 =	vmul.f32 v10, v5  }
0x5d: {  	v21 =	vmul.f32 v12, v14;
	v22 =	vmul.f32 v13, v0  }
0x5e: {  	v2 =	vadd.f32 v18, v63;
	v23 =	vadd.f32 v20, v19  }
0x5f: {  	v1 =	vadd.f32 v5, v1;
	v24 =	vadd.f32 v22, v21;
	_ =	sdelay $0x1  }
0x60: {  	v25 =	vadd.s32 $0x8C61, v6;
	v2 =	vadd.f32 v23, v2;
	v1 =	vadd.f32 v24, v1  }
0x61: {  	v26 =	vadd.s32 $0x8C62, v6  }
0x62: {  	v27 =	vadd.s32 $0x8C82, v6;
	v1 =	vadd.f32 v1, v2  }
0x63: {  	v28 =	vadd.s32 $0x8C83, v6  }
0x64: {  	v29 =	vadd.s32 $0x90A2, v6;
	[tilespmem:s19+$0xFFFFFB80] =	vst v1  }
0x65: {  	v30 =	vadd.s32 $0x90A3, v6;
	v4 =	vld.idx.msk [tilespmem:v25+s4+$0x0], $0xffff  }
0x66: {  	v31 =	vadd.s32 $0x90C3, v6;
	v5 =	vld.idx.msk [tilespmem:v26+s4+$0x0], $0xffff  }
0x67: {  	v32 =	vadd.s32 $0x90C4, v6;
	v2 =	vld.idx.msk [tilespmem:v27+s4+$0x0], $0xffff  }
0x68: {  	v7 =	vld.idx.msk [tilespmem:v28+s4+$0x0], $0xffff  }
0x69: {  	v1 =	vld.idx.msk [tilespmem:v29+s4+$0x0], $0xffff  }
0x6a: {  	v8 =	vld.idx.msk [tilespmem:v30+s4+$0x0], $0xffff  }
0x6b: {  	v9 =	vld.idx.msk [tilespmem:v31+s4+$0x0], $0xffff  }
0x6c: {  	v12 =	vld.idx.msk [tilespmem:v32+s4+$0x0], $0xffff;
	_ =	sdelay $0x1  }
0x6d: {  	v4 =	vmul.f32 v4, v62;
	v5 =	vmul.f32 v5, v15  }
0x6e: {  	v2 =	vmul.f32 v2, v16;
	v7 =	vmul.f32 v7, v11  }
0x6f: {  	v1 =	vmul.f32 v1, v17;
	v8 =	vmul.f32 v8, v10  }
0x70: {  	v9 =	vmul.f32 v9, v14;
	v12 =	vmul.f32 v12, v0  }
0x71: {  	v4 =	vadd.f32 v5, v4;
	v2 =	vadd.f32 v7, v2  }
0x72: {  	v1 =	vadd.f32 v8, v1;
	v33 =	vadd.f32 v12, v9;
	_ =	sdelay $0x1  }
0x73: {  	v34 =	vadd.s32 $0x118C2, v6;
	v2 =	vadd.f32 v2, v4;
	v1 =	vadd.f32 v33, v1  }
0x74: {  	v35 =	vadd.s32 $0x118C3, v6  }
0x75: {  	v36 =	vadd.s32 $0x118E3, v6;
	v1 =	vadd.f32 v1, v2  }
0x76: {  	v37 =	vadd.s32 $0x118E4, v6  }
0x77: {  	v41 =	vld [tilespmem:s21+$0xFFFFFF90];
	v38 =	vadd.s32 $0x11D03, v6;
	[tilespmem:s19+$0xFFFFFF80] =	vst v1  }
0x78: {  	v39 =	vadd.s32 $0x11D04, v6;
	v4 =	vld.idx.msk [tilespmem:v34+s4+$0x0], $0xffff  }
0x79: {  	v40 =	vadd.s32 $0x11D24, v6;
	v5 =	vld.idx.msk [tilespmem:v35+s4+$0x0], $0xffff  }
0x7a: {  	v6 =	vadd.s32 $0x11D25, v6;
	v2 =	vld.idx.msk [tilespmem:v36+s4+$0x0], $0xffff  }
0x7b: {  	v7 =	vld.idx.msk [tilespmem:v37+s4+$0x0], $0xffff  }
0x7c: {  	v1 =	vld.idx.msk [tilespmem:v38+s4+$0x0], $0xffff  }
0x7d: {  	v8 =	vld.idx.msk [tilespmem:v39+s4+$0x0], $0xffff  }
0x7e: {  	v44 =	vmul.f32 $3.200000000e+01, v41;
	v9 =	vld.idx.msk [tilespmem:v40+s4+$0x0], $0xffff  }
0x7f: {  	v6 =	vld.idx.msk [tilespmem:v6+s4+$0x0], $0xffff  }
0x80: {  	v46 =	vtrunc.f32 v44;
	v42 =	vld [tilespmem:s21+$0x390]  }
0x81: {  	v47 =	vcvt.f32.s32 v46;
	v43 =	vld [tilespmem:s21+$0xFFFFFB90]  }
0x82: {  	v3 =	vmul.f32 v4, v62;
	v5 =	vmul.f32 v5, v15  }
0x83: {  	v2 =	vmul.f32 v2, v16;
	v1 =	vmul.f32 v1, v17  }
0x84: {  	v8 =	vmul.f32 v8, v10;
	v9 =	vmul.f32 v9, v14  }
0x85: {  	vm7 =	vlt.s32 v47, $0x1F;
	v0 =	vmul.f32 v6, v0;
	v4 =	vmul.f32 $3.200000000e+01, v42  }
0x86: {  	v50 =	vnsel vm7, $0x1F, v47;
	v7 =	vmul.f32 v7, v11;
	v45 =	vmul.f32 $3.200000000e+01, v43  }
0x87: {  	v1 =	vadd.f32 v8, v1;
	v0 =	vadd.f32 v0, v9;
	v48 =	vtrunc.f32 v4  }
0x88: {  	v3 =	vadd.f32 v5, v3;
	v49 =	vtrunc.f32 v45;
	v6 =	vcvt.f32.s32 v48  }
0x89: {  	v2 =	vadd.f32 v7, v2;
	v0 =	vadd.f32 v0, v1;
	v1 =	vcvt.f32.s32 v49  }
0x8a: {  	v52 =	vmul.u32 $0x21, v50;
	vm8 =	vlt.s32 v6, $0x1F  }
0x8b: {  	v2 =	vadd.f32 v2, v3;
	vm9 =	vlt.s32 v1, $0x1F;
	v51 =	vnsel vm8, $0x1F, v6  }
0x8c: {  	v1 =	vnsel vm9, $0x1F, v1;
	v53 =	vmul.u32 $0x441, v51  }
0x8d: {  	v0 =	vadd.f32 v0, v2;
	v54 =	vadd.s32 v1, v52  }
0x8e: {  	v6 =	vadd.s32 v53, v54  }
0x8f: {  	[tilespmem:s19+$0x380] =	vst v0;
	v0 =	vadd.s32 $0x1, v6  }
0x90: {  	v2 =	vcvt.s32.f32 v50;
	v3 =	vcvt.s32.f32 v51;
	v57 =	vadd.s32 $0x21, v6  }
0x91: {  	v1 =	vcvt.s32.f32 v1;
	v58 =	vadd.s32 $0x22, v6  }
0x92: {  	v2 =	vsub.f32 v44, v2;
	v3 =	vsub.f32 v4, v3;
	v59 =	vadd.s32 $0x441, v6  }
0x93: {  	v1 =	vsub.f32 v45, v1;
	v62 =	vadd.s32 $0x442, v6;
	v61 =	vld.idx.msk [tilespmem:v6+s4+$0x0], $0xffff  }
0x94: {  	v63 =	vsub.f32 $1.000000000e+00, v2;
	v25 =	vadd.s32 $0x462, v6;
	v24 =	vsub.f32 $1.000000000e+00, v3;
	v0 =	vld.idx.msk [tilespmem:v0+s4+$0x0], $0xffff  }
0x95: {  	v26 =	vadd.s32 $0x463, v6;
	v10 =	vld.idx.msk [tilespmem:v57+s4+$0x0], $0xffff  }
0x96: {  	v20 =	vsub.f32 $1.000000000e+00, v1;
	v29 =	vmul.f32 v3, v63;
	v27 =	vmul.f32 v24, v63;
	v11 =	vld.idx.msk [tilespmem:v58+s4+$0x0], $0xffff  }
0x97: {  	v28 =	vmul.f32 v24, v2;
	v2 =	vmul.f32 v3, v2;
	v30 =	vld.idx.msk [tilespmem:v59+s4+$0x0], $0xffff  }
0x98: {  	v16 =	vmul.f32 v29, v20;
	v17 =	vmul.f32 v29, v1;
	v31 =	vld.idx.msk [tilespmem:v62+s4+$0x0], $0xffff  }
0x99: {  	v12 =	vmul.f32 v27, v20;
	v13 =	vmul.f32 v27, v1;
	v21 =	vld.idx.msk [tilespmem:v25+s4+$0x0], $0xffff  }
0x9a: {  	v14 =	vmul.f32 v28, v20;
	v15 =	vmul.f32 v28, v1;
	v22 =	vld.idx.msk [tilespmem:v26+s4+$0x0], $0xffff  }
0x9b: {  	v7 =	vmul.f32 v2, v20;
	v8 =	vmul.f32 v2, v1  }
0x9c: {  	v32 =	vmul.f32 v12, v61;
	v0 =	vmul.f32 v13, v0  }
0x9d: {  	v34 =	vmul.f32 v14, v10;
	v35 =	vmul.f32 v15, v11  }
0x9e: {  	v33 =	vld [tilespmem:s21+$0x400];
	v3 =	vmul.f32 v16, v30;
	v4 =	vmul.f32 v17, v31  }
0x9f: {  	v55 =	vld [tilespmem:s21+$0xFFFFFC00];
	v36 =	vmul.f32 v21, v7;
	v37 =	vmul.f32 v22, v8  }
0xa0: {  	v56 =	vld [tilespmem:s21+$0x0];
	v0 =	vadd.f32 v0, v32;
	v38 =	vadd.f32 v35, v34  }
0xa1: {  	v3 =	vadd.f32 v4, v3;
	v39 =	vadd.f32 v37, v36  }
0xa2: {  	v42 =	vadd.s32 $0x8C61, v6;
	v45 =	vadd.s32 $0x8C62, v6  }
0xa3: {  	v2 =	vmul.f32 $3.200000000e+01, v33;
	v0 =	vadd.f32 v38, v0;
	v41 =	vadd.f32 v39, v3  }
0xa4: {  	v46 =	vadd.s32 $0x8C82, v6;
	v48 =	vadd.s32 $0x8C83, v6;
	v60 =	vmul.f32 $3.200000000e+01, v55  }
0xa5: {  	v18 =	vmul.f32 $3.200000000e+01, v56;
	v44 =	vtrunc.f32 v2;
	v0 =	vadd.f32 v41, v0  }
0xa6: {  	v49 =	vadd.s32 $0x90A2, v6;
	v19 =	vtrunc.f32 v60;
	v9 =	vcvt.f32.s32 v44  }
0xa7: {  	v50 =	vadd.s32 $0x90A3, v6;
	v40 =	vtrunc.f32 v18;
	v19 =	vcvt.f32.s32 v19;
	[tilespmem:s19+$0xFFFFFB90] =	vst v0  }
0xa8: {  	v23 =	vadd.s32 $0x90C3, v6;
	v43 =	vcvt.f32.s32 v40;
	vm12 =	vlt.s32 v9, $0x1F;
	v3 =	vld.idx.msk [tilespmem:v42+s4+$0x0], $0xffff  }
0xa9: {  	v25 =	vadd.s32 $0x90C4, v6;
	vm10 =	vlt.s32 v19, $0x1F;
	v9 =	vnsel vm12, $0x1F, v9;
	v10 =	vld.idx.msk [tilespmem:v45+s4+$0x0], $0xffff  }
0xaa: {  	vm11 =	vlt.s32 v43, $0x1F;
	v47 =	vnsel vm10, $0x1F, v19;
	v52 =	vcvt.s32.f32 v9;
	v1 =	vld.idx.msk [tilespmem:v46+s4+$0x0], $0xffff  }
0xab: {  	v24 =	vcvt.s32.f32 v47;
	v4 =	vnsel vm11, $0x1F, v43;
	v19 =	vld.idx.msk [tilespmem:v48+s4+$0x0], $0xffff  }
0xac: {  	v51 =	vcvt.s32.f32 v4;
	v4 =	vmul.u32 $0x21, v4;
	v2 =	vsub.f32 v2, v52;
	v55 =	vld.idx.msk [tilespmem:v49+s4+$0x0], $0xffff  }
0xad: {  	v54 =	vmul.u32 $0x441, v9;
	v53 =	vsub.f32 v60, v24;
	v59 =	vld.idx.msk [tilespmem:v50+s4+$0x0], $0xffff  }
0xae: {  	v18 =	vsub.f32 v18, v51;
	v58 =	vadd.s32 v47, v4;
	v57 =	vsub.f32 $1.000000000e+00, v2;
	v61 =	vld.idx.msk [tilespmem:v23+s4+$0x0], $0xffff  }
0xaf: {  	v43 =	vadd.s32 $0x118C2, v6;
	v60 =	vsub.f32 $1.000000000e+00, v53;
	v0 =	vadd.s32 v54, v58;
	v25 =	vld.idx.msk [tilespmem:v25+s4+$0x0], $0xffff  }
0xb0: {  	v56 =	vsub.f32 $1.000000000e+00, v18;
	v63 =	vmul.f32 v57, v18;
	v34 =	vadd.s32 $0x1, v0  }
0xb1: {  	v35 =	vadd.s32 $0x21, v0;
	v3 =	vmul.f32 v3, v12;
	v10 =	vmul.f32 v10, v13  }
0xb2: {  	v26 =	vadd.s32 $0x22, v0;
	v1 =	vmul.f32 v1, v14;
	v19 =	vmul.f32 v19, v15  }
0xb3: {  	v27 =	vadd.s32 $0x441, v0;
	v9 =	vmul.f32 v55, v16;
	v30 =	vmul.f32 v59, v17  }
0xb4: {  	v29 =	vadd.s32 $0x442, v0;
	v28 =	vld.idx.msk [tilespmem:v0+s4+$0x0], $0xffff;
	v5 =	vmul.f32 v61, v7;
	v25 =	vmul.f32 v25, v8  }
0xb5: {  	v31 =	vadd.s32 $0x462, v0;
	v24 =	vld.idx.msk [tilespmem:v34+s4+$0x0], $0xffff;
	v36 =	vadd.f32 v10, v3;
	v37 =	vadd.f32 v19, v1  }
0xb6: {  	v33 =	vadd.s32 $0x463, v0;
	v32 =	vld.idx.msk [tilespmem:v35+s4+$0x0], $0xffff;
	v9 =	vadd.f32 v30, v9;
	v39 =	vadd.f32 v25, v5  }
0xb7: {  	v47 =	vadd.s32 $0x118E3, v6;
	v18 =	vmul.f32 v2, v18;
	v62 =	vmul.f32 v57, v56;
	v38 =	vld.idx.msk [tilespmem:v26+s4+$0x0], $0xffff  }
0xb8: {  	v22 =	vmul.f32 v2, v56;
	v40 =	vld.idx.msk [tilespmem:v27+s4+$0x0], $0xffff;
	v42 =	vadd.f32 v37, v36;
	v9 =	vadd.f32 v39, v9  }
0xb9: {  	v45 =	vadd.s32 $0x118C3, v6;
	v2 =	vmul.f32 v63, v53;
	v4 =	vmul.f32 v62, v60;
	v41 =	vld.idx.msk [tilespmem:v29+s4+$0x0], $0xffff  }
0xba: {  	v11 =	vmul.f32 v22, v53;
	v44 =	vld.idx.msk [tilespmem:v31+s4+$0x0], $0xffff;
	v5 =	vmul.f32 v62, v53;
	v27 =	vadd.f32 v9, v42  }
0xbb: {  	v48 =	vadd.s32 $0x118E4, v6;
	v46 =	vld.idx.msk [tilespmem:v33+s4+$0x0], $0xffff;
	v1 =	vmul.f32 v63, v60;
	v3 =	vmul.f32 v22, v60  }
0xbc: {  	v51 =	vadd.s32 $0x11D03, v6;
	v10 =	vmul.f32 v18, v60;
	v49 =	vmul.f32 v4, v28;
	[tilespmem:s19+$0xFFFFFF90] =	vst v27  }
0xbd: {  	v54 =	vadd.s32 $0x11D04, v6;
	v50 =	vmul.f32 v5, v24;
	v9 =	vmul.f32 v18, v53;
	v53 =	vld.idx.msk [tilespmem:v43+s4+$0x0], $0xffff  }
0xbe: {  	v55 =	vadd.s32 $0x11D24, v6;
	v52 =	vmul.f32 v1, v32;
	v19 =	vmul.f32 v2, v38;
	v30 =	vld.idx.msk [tilespmem:v45+s4+$0x0], $0xffff  }
0xbf: {  	v6 =	vadd.s32 $0x11D25, v6;
	v25 =	vmul.f32 v3, v40;
	v26 =	vmul.f32 v11, v41;
	v31 =	vld.idx.msk [tilespmem:v47+s4+$0x0], $0xffff  }
0xc0: {  	v23 =	vmul.f32 v44, v10;
	v22 =	vmul.f32 v46, v9;
	v18 =	vld.idx.msk [tilespmem:v48+s4+$0x0], $0xffff  }
0xc1: {  	v20 =	vadd.f32 v50, v49;
	v19 =	vadd.f32 v19, v52;
	v57 =	vld.idx.msk [tilespmem:v51+s4+$0x0], $0xffff  }
0xc2: {  	v56 =	vadd.f32 v26, v25;
	v58 =	vld.idx.msk [tilespmem:v54+s4+$0x0], $0xffff;
	v22 =	vadd.f32 v22, v23  }
0xc3: {  	v60 =	vld.idx.msk [tilespmem:v55+s4+$0x0], $0xffff  }
0xc4: {  	v61 =	vadd.s32 $0x8C61, v0;
	v19 =	vadd.f32 v19, v20;
	v6 =	vld.idx.msk [tilespmem:v6+s4+$0x0], $0xffff;
	v59 =	vadd.f32 v22, v56  }
0xc5: {  	v29 =	vadd.s32 $0x90A2, v0;
	v62 =	vadd.s32 $0x8C62, v0;
	v63 =	vadd.s32 $0x8C82, v0;
	v44 =	vld [tilespmem:s21+$0x3A0]  }
0xc6: {  	v19 =	vadd.f32 v59, v19;
	v12 =	vmul.f32 v53, v12;
	v13 =	vmul.f32 v30, v13  }
0xc7: {  	v28 =	vadd.s32 $0x8C83, v0;
	v43 =	vld [tilespmem:s21+$0xFFFFFFA0];
	v14 =	vmul.f32 v31, v14;
	v15 =	vmul.f32 v18, v15  }
0xc8: {  	v34 =	vadd.s32 $0x90C3, v0;
	v46 =	vld [tilespmem:s21+$0xFFFFFBA0];
	v16 =	vmul.f32 v57, v16;
	v17 =	vmul.f32 v58, v17;
	[tilespmem:s19+$0xFFFFFC00] =	vst v19  }
0xc9: {  	v36 =	vadd.s32 $0x90C4, v0;
	v7 =	vmul.f32 v60, v7;
	v6 =	vmul.f32 v6, v8;
	v30 =	vld.idx.msk [tilespmem:v61+s4+$0x0], $0xffff  }
0xca: {  	v49 =	vmul.f32 $3.200000000e+01, v44;
	v12 =	vadd.f32 v13, v12;
	v32 =	vadd.f32 v15, v14;
	v33 =	vld.idx.msk [tilespmem:v62+s4+$0x0], $0xffff  }
0xcb: {  	v31 =	vadd.s32 $0x90A3, v0;
	v16 =	vadd.f32 v17, v16;
	v6 =	vadd.f32 v6, v7;
	v35 =	vld.idx.msk [tilespmem:v63+s4+$0x0], $0xffff  }
0xcc: {  	v52 =	vtrunc.f32 v49;
	v48 =	vmul.f32 $3.200000000e+01, v43;
	v18 =	vld.idx.msk [tilespmem:v28+s4+$0x0], $0xffff  }
0xcd: {  	v17 =	vcvt.f32.s32 v52;
	v37 =	vld.idx.msk [tilespmem:v29+s4+$0x0], $0xffff;
	v12 =	vadd.f32 v32, v12;
	v6 =	vadd.f32 v6, v16  }
0xce: {  	v15 =	vmul.f32 $3.200000000e+01, v46;
	v39 =	vld.idx.msk [tilespmem:v34+s4+$0x0], $0xffff  }
0xcf: {  	v50 =	vtrunc.f32 v48;
	v40 =	vld.idx.msk [tilespmem:v36+s4+$0x0], $0xffff;
	vm14 =	vlt.s32 v17, $0x1F;
	v6 =	vadd.f32 v6, v12  }
0xd0: {  	v51 =	vcvt.f32.s32 v50;
	v53 =	vtrunc.f32 v15;
	v38 =	vld.idx.msk [tilespmem:v31+s4+$0x0], $0xffff;
	v55 =	vnsel vm14, $0x1F, v17  }
0xd1: {  	v24 =	vadd.s32 $0x118C2, v0;
	v19 =	vcvt.f32.s32 v53;
	v21 =	vcvt.s32.f32 v55;
	[tilespmem:s19+$0x390] =	vst v6  }
0xd2: {  	vm13 =	vlt.s32 v51, $0x1F;
	v8 =	vmul.f32 v30, v4;
	v14 =	vmul.f32 v33, v5;
	v6 =	vld [tilespmem:s21+$0xFFFFFC10]  }
0xd3: {  	v58 =	vmul.u32 $0x441, v55;
	v7 =	vmul.f32 v35, v1;
	v18 =	vmul.f32 v18, v2;
	v41 =	vld [tilespmem:s21+$0x10]  }
0xd4: {  	vm15 =	vlt.s32 v19, $0x1F;
	v13 =	vmul.f32 v37, v3;
	v12 =	vmul.f32 v39, v10;
	v42 =	vld [tilespmem:s21+$0x410]  }
0xd5: {  	v45 =	vmul.f32 v40, v9;
	v19 =	vnsel vm15, $0x1F, v19;
	v16 =	vmul.f32 v38, v11  }
0xd6: {  	v39 =	vadd.s32 $0x118E3, v0;
	v8 =	vadd.f32 v14, v8;
	v7 =	vadd.f32 v18, v7  }
0xd7: {  	v30 =	vadd.s32 $0x11D04, v0;
	v12 =	vadd.f32 v45, v12;
	v13 =	vadd.f32 v16, v13  }
0xd8: {  	v38 =	vadd.s32 $0x118C3, v0;
	v7 =	vadd.f32 v7, v8;
	v6 =	vmul.f32 $3.200000000e+01, v6  }
0xd9: {  	v14 =	vmul.f32 $3.200000000e+01, v41;
	v16 =	vmul.f32 $3.200000000e+01, v42;
	v12 =	vadd.f32 v12, v13  }
0xda: {  	v13 =	vsub.f32 v49, v21;
	v41 =	vadd.s32 $0x118E4, v0;
	v47 =	vtrunc.f32 v6  }
0xdb: {  	v7 =	vadd.f32 v12, v7;
	v54 =	vtrunc.f32 v14;
	v12 =	vnsel vm13, $0x1F, v51  }
0xdc: {  	v57 =	vtrunc.f32 v16;
	v45 =	vsub.f32 $1.000000000e+00, v13;
	v8 =	vcvt.f32.s32 v47  }
0xdd: {  	v20 =	vcvt.f32.s32 v54;
	v56 =	vmul.u32 $0x21, v12;
	v22 =	vcvt.f32.s32 v57  }
0xde: {  	v12 =	vcvt.s32.f32 v12;
	v54 =	vadd.s32 $0x11D03, v0;
	vm4 =	vlt.s32 v8, $0x1F  }
0xdf: {  	v17 =	vadd.s32 v19, v56;
	vm5 =	vlt.s32 v20, $0x1F;
	vm6 =	vlt.s32 v22, $0x1F  }
0xe0: {  	v19 =	vcvt.s32.f32 v19;
	v12 =	vsub.f32 v48, v12;
	v8 =	vnsel vm4, $0x1F, v8  }
0xe1: {  	v17 =	vadd.s32 v58, v17;
	v26 =	vnsel vm5, $0x1F, v20;
	v27 =	vnsel vm6, $0x1F, v22  }
0xe2: {  	v59 =	vadd.s32 $0x1, v17;
	v23 =	vadd.s32 $0x21, v17;
	v60 =	vadd.s32 $0x22, v17  }
0xe3: {  	[tilespmem:s19+$0x0] =	vst v7;
	v61 =	vadd.s32 $0x441, v17;
	v62 =	vcvt.s32.f32 v8;
	v15 =	vsub.f32 v15, v19  }
0xe4: {  	v42 =	vld.idx.msk [tilespmem:v24+s4+$0x0], $0xffff;
	v43 =	vadd.s32 $0x442, v17;
	v44 =	vsub.f32 $1.000000000e+00, v12;
	v47 =	vadd.s32 $0x462, v17  }
0xe5: {  	v55 =	vld.idx.msk [tilespmem:v38+s4+$0x0], $0xffff;
	v48 =	vcvt.s32.f32 v26;
	v49 =	vcvt.s32.f32 v27;
	v35 =	vadd.s32 $0x463, v17  }
0xe6: {  	v58 =	vld.idx.msk [tilespmem:v39+s4+$0x0], $0xffff;
	v51 =	vmul.f32 v45, v12;
	v12 =	vmul.f32 v13, v12;
	v26 =	vmul.u32 $0x21, v26  }
0xe7: {  	v27 =	vmul.u32 $0x441, v27;
	v7 =	vld.idx.msk [tilespmem:v54+s4+$0x0], $0xffff;
	v36 =	vsub.f32 $1.000000000e+00, v15;
	v50 =	vmul.f32 v45, v44  }
0xe8: {  	v54 =	vld [tilespmem:s21+$0xFFFFFBB0];
	v52 =	vmul.f32 v13, v44;
	v21 =	vmul.f32 v51, v15;
	v6 =	vsub.f32 v6, v62  }
0xe9: {  	v25 =	vmul.f32 v12, v15;
	v32 =	vsub.f32 v14, v48;
	v33 =	vsub.f32 v16, v49;
	v63 =	vld.idx.msk [tilespmem:v17+s4+$0x0], $0xffff  }
0xea: {  	v45 =	vadd.s32 $0x8C61, v17;
	v13 =	vmul.f32 v42, v4;
	v18 =	vmul.f32 v50, v36;
	v46 =	vld.idx.msk [tilespmem:v59+s4+$0x0], $0xffff  }
0xeb: {  	v8 =	vadd.s32 v8, v26;
	v19 =	vmul.f32 v50, v15;
	v20 =	vmul.f32 v51, v36;
	v34 =	vld.idx.msk [tilespmem:v23+s4+$0x0], $0xffff  }
0xec: {  	v8 =	vadd.s32 v27, v8;
	v22 =	vmul.f32 v52, v36;
	v24 =	vmul.f32 v12, v36;
	v37 =	vld.idx.msk [tilespmem:v60+s4+$0x0], $0xffff  }
0xed: {  	v12 =	vmul.f32 v58, v1;
	v44 =	vsub.f32 $1.000000000e+00, v33;
	v53 =	vld.idx.msk [tilespmem:v61+s4+$0x0], $0xffff;
	v23 =	vmul.f32 v52, v15  }
0xee: {  	v40 =	vld.idx.msk [tilespmem:v43+s4+$0x0], $0xffff;
	v15 =	vmul.f32 v55, v5;
	v43 =	vsub.f32 $1.000000000e+00, v32;
	v14 =	vmul.f32 v7, v3  }
0xef: {  	v50 =	vadd.s32 $0x8C62, v17;
	v31 =	vld.idx.msk [tilespmem:v47+s4+$0x0], $0xffff;
	v48 =	vmul.f32 v44, v32;
	v32 =	vmul.f32 v33, v32  }
0xf0: {  	v58 =	vadd.s32 $0x90A3, v17;
	v35 =	vld.idx.msk [tilespmem:v35+s4+$0x0], $0xffff;
	v47 =	vmul.f32 v44, v43;
	v49 =	vmul.f32 v33, v43  }
0xf1: {  	v52 =	vadd.s32 $0x8C82, v17;
	v44 =	vmul.f32 $3.200000000e+01, v54;
	v1 =	vmul.f32 v48, v6  }
0xf2: {  	v61 =	vld.idx.msk [tilespmem:v41+s4+$0x0], $0xffff;
	v55 =	vadd.s32 $0x8C83, v17;
	v56 =	vmul.f32 v18, v63;
	v57 =	vmul.f32 v19, v46  }
0xf3: {  	v51 =	vld [tilespmem:s21+$0xFFFFFFB0];
	v33 =	vadd.s32 $0x11D25, v0;
	v59 =	vmul.f32 v20, v34;
	v60 =	vmul.f32 v21, v37  }
0xf4: {  	v43 =	vadd.s32 $0x442, v8;
	v62 =	vmul.f32 v22, v53;
	v63 =	vmul.f32 v23, v40  }
0xf5: {  	v38 =	vmul.f32 v31, v24;
	v39 =	vmul.f32 v35, v25;
	v46 =	vsub.f32 $1.000000000e+00, v6  }
0xf6: {  	v3 =	vmul.f32 v47, v6;
	v40 =	vadd.f32 v57, v56;
	v28 =	vadd.f32 v60, v59  }
0xf7: {  	v16 =	vmul.f32 v61, v2;
	v53 =	vld [tilespmem:s21+$0x3B0];
	v41 =	vadd.f32 v63, v62;
	v42 =	vadd.f32 v39, v38  }
0xf8: {  	v31 =	vadd.s32 $0x11D24, v0;
	v35 =	vmul.f32 $3.200000000e+01, v51;
	v7 =	vmul.f32 v47, v46  }
0xf9: {  	v0 =	vmul.f32 v49, v46;
	v4 =	vadd.f32 v28, v40;
	v5 =	vadd.f32 v42, v41  }
0xfa: {  	v2 =	vmul.f32 v32, v46;
	v38 =	vadd.s32 $0x21, v8;
	v39 =	vadd.s32 $0x22, v8  }
0xfb: {  	v57 =	vadd.s32 $0x90A2, v17;
	v59 =	vtrunc.f32 v35;
	v4 =	vadd.f32 v5, v4  }
0xfc: {  	v29 =	vld.idx.msk [tilespmem:v30+s4+$0x0], $0xffff;
	v60 =	vadd.s32 $0x90C3, v17;
	v26 =	vcvt.f32.s32 v59;
	v42 =	vmul.f32 $3.200000000e+01, v53  }
0xfd: {  	v47 =	vadd.s32 $0x90C4, v17;
	v37 =	vld.idx.msk [tilespmem:v33+s4+$0x0], $0xffff;
	v40 =	vadd.s32 $0x441, v8;
	v5 =	vmul.f32 v49, v6;
	[tilespmem:s19+$0xFFFFFBA0] =	vst v4  }
0xfe: {  	vm7 =	vlt.s32 v26, $0x1F;
	v4 =	vmul.f32 v48, v46;
	v28 =	vld.idx.msk [tilespmem:v45+s4+$0x0], $0xffff;
	v45 =	vtrunc.f32 v42  }
0xff: {  	v62 =	vnsel vm7, $0x1F, v26;
	v48 =	vtrunc.f32 v44;
	v56 =	vld.idx.msk [tilespmem:v50+s4+$0x0], $0xffff;
	v45 =	vcvt.f32.s32 v45  }
0x100: {  	v26 =	vmul.u32 $0x21, v62;
	v62 =	vcvt.s32.f32 v62;
	v36 =	vld.idx.msk [tilespmem:v52+s4+$0x0], $0xffff;
	v61 =	vcvt.f32.s32 v48  }
0x101: {  	v6 =	vmul.f32 v32, v6;
	v32 =	vadd.s32 $0x1, v8;
	v27 =	vld.idx.msk [tilespmem:v55+s4+$0x0], $0xffff;
	vm8 =	vlt.s32 v45, $0x1F  }
0x102: {  	v50 =	vld.idx.msk [tilespmem:v60+s4+$0x0], $0xffff;
	v33 =	vsub.f32 v35, v62;
	vm9 =	vlt.s32 v61, $0x1F;
	v45 =	vnsel vm8, $0x1F, v45  }
0x103: {  	v43 =	vld.idx.msk [tilespmem:v43+s4+$0x0], $0xffff;
	v52 =	vadd.s32 $0x462, v8;
	v51 =	vnsel vm9, $0x1F, v61;
	v63 =	vmul.u32 $0x441, v45  }
0x104: {  	v41 =	vld.idx.msk [tilespmem:v58+s4+$0x0], $0xffff;
	v62 =	vsub.f32 $1.000000000e+00, v33;
	v26 =	vadd.s32 v51, v26;
	v58 =	vcvt.s32.f32 v51  }
0x105: {  	v34 =	vld.idx.msk [tilespmem:v57+s4+$0x0], $0xffff;
	v28 =	vmul.f32 v28, v18;
	v49 =	vmul.f32 v56, v19;
	v26 =	vadd.s32 v63, v26  }
0x106: {  	v38 =	vld.idx.msk [tilespmem:v38+s4+$0x0], $0xffff;
	v36 =	vmul.f32 v36, v20;
	v27 =	vmul.f32 v27, v21;
	v60 =	vadd.s32 $0x1, v26  }
0x107: {  	v56 =	vld.idx.msk [tilespmem:v47+s4+$0x0], $0xffff;
	v45 =	vcvt.s32.f32 v45;
	v57 =	vmul.f32 v50, v24;
	v63 =	vadd.s32 $0x21, v26  }
0x108: {  	v48 =	vld.idx.msk [tilespmem:v32+s4+$0x0], $0xffff;
	v44 =	vsub.f32 v44, v58;
	v28 =	vadd.f32 v49, v28;
	v59 =	vadd.s32 $0x22, v26  }
0x109: {  	v27 =	vadd.f32 v27, v36;
	v36 =	vld.idx.msk [tilespmem:v31+s4+$0x0], $0xffff;
	v35 =	vsub.f32 v42, v45;
	v61 =	vadd.s32 $0x441, v26  }
0x10a: {  	v31 =	vmul.f32 v34, v22;
	v34 =	vmul.f32 v41, v23;
	v49 =	vadd.s32 $0x442, v26;
	v45 =	vld.idx.msk [tilespmem:v26+s4+$0x0], $0xffff  }
0x10b: {  	v54 =	vadd.s32 $0x462, v26;
	v55 =	vsub.f32 $1.000000000e+00, v44;
	v51 =	vmul.f32 v35, v62;
	v41 =	vld.idx.msk [tilespmem:v60+s4+$0x0], $0xffff  }
0x10c: {  	v53 =	vsub.f32 $1.000000000e+00, v35;
	v30 =	vmul.f32 v56, v25;
	v47 =	vld.idx.msk [tilespmem:v63+s4+$0x0], $0xffff;
	v63 =	vadd.s32 $0x463, v26  }
0x10d: {  	v31 =	vadd.f32 v34, v31;
	v35 =	vmul.f32 v35, v33;
	v32 =	vmul.f32 v51, v55;
	v50 =	vld.idx.msk [tilespmem:v59+s4+$0x0], $0xffff  }
0x10e: {  	v30 =	vadd.f32 v30, v57;
	v60 =	vmul.f32 v53, v62;
	v53 =	vmul.f32 v53, v33;
	v42 =	vld.idx.msk [tilespmem:v61+s4+$0x0], $0xffff  }
0x10f: {  	v56 =	vadd.f32 v27, v28;
	v34 =	vmul.f32 v35, v55;
	v49 =	vld.idx.msk [tilespmem:v49+s4+$0x0], $0xffff;
	v33 =	vmul.f32 v51, v44  }
0x110: {  	v61 =	vadd.f32 v30, v31;
	v30 =	vmul.f32 v53, v55;
	v31 =	vmul.f32 v53, v44;
	v53 =	vld.idx.msk [tilespmem:v54+s4+$0x0], $0xffff  }
0x111: {  	v57 =	vadd.s32 $0x463, v8;
	v27 =	vmul.f32 v60, v55;
	v28 =	vmul.f32 v60, v44;
	v51 =	vld.idx.msk [tilespmem:v63+s4+$0x0], $0xffff  }
0x112: {  	v39 =	vld.idx.msk [tilespmem:v39+s4+$0x0], $0xffff;
	v35 =	vmul.f32 v35, v44;
	v59 =	vadd.s32 $0x11D04, v17;
	v60 =	vadd.s32 $0x118C3, v17  }
0x113: {  	v46 =	vld.idx.msk [tilespmem:v8+s4+$0x0], $0xffff;
	v45 =	vmul.f32 v27, v45;
	v63 =	vadd.s32 $0x118C2, v17;
	v41 =	vmul.f32 v28, v41  }
0x114: {  	v40 =	vld.idx.msk [tilespmem:v40+s4+$0x0], $0xffff;
	v62 =	vadd.f32 v61, v56;
	v47 =	vmul.f32 v30, v47;
	v50 =	vmul.f32 v31, v50  }
0x115: {  	v52 =	vld.idx.msk [tilespmem:v52+s4+$0x0], $0xffff;
	v61 =	vadd.s32 $0x118E3, v17;
	v42 =	vmul.f32 v32, v42;
	v49 =	vmul.f32 v33, v49  }
0x116: {  	v57 =	vld.idx.msk [tilespmem:v57+s4+$0x0], $0xffff;
	[tilespmem:s19+$0xFFFFFFA0] =	vst v62;
	v62 =	vadd.s32 $0x11D03, v17;
	v53 =	vmul.f32 v53, v34;
	v51 =	vmul.f32 v51, v35  }
0x117: {  	v58 =	vadd.s32 $0x118E4, v17;
	v41 =	vadd.f32 v41, v45;
	v44 =	vld.idx.msk [tilespmem:v60+s4+$0x0], $0xffff;
	v42 =	vadd.f32 v49, v42  }
0x118: {  	v56 =	vld.idx.msk [tilespmem:v63+s4+$0x0], $0xffff;
	v63 =	vadd.f32 v50, v47;
	v47 =	vadd.s32 $0x11D24, v17;
	v60 =	vadd.f32 v51, v53  }
0x119: {  	v43 =	vmul.f32 v5, v43;
	v38 =	vmul.f32 v4, v38;
	v54 =	vld.idx.msk [tilespmem:v59+s4+$0x0], $0xffff;
	v17 =	vadd.s32 $0x11D25, v17  }
0x11a: {  	v50 =	vld.idx.msk [tilespmem:v61+s4+$0x0], $0xffff;
	v61 =	vadd.s32 $0x8C61, v26;
	v41 =	vadd.f32 v63, v41;
	v42 =	vadd.f32 v60, v42  }
0x11b: {  	v39 =	vmul.f32 v1, v39;
	v40 =	vmul.f32 v0, v40;
	v49 =	vld.idx.msk [tilespmem:v62+s4+$0x0], $0xffff;
	v62 =	vadd.s32 $0x8C62, v26  }
0x11c: {  	v51 =	vld.idx.msk [tilespmem:v58+s4+$0x0], $0xffff;
	v63 =	vmul.f32 v57, v6;
	v57 =	vadd.s32 $0x8C83, v26;
	v41 =	vadd.f32 v42, v41  }
0x11d: {  	v46 =	vmul.f32 v7, v46;
	v48 =	vmul.f32 v3, v48;
	v59 =	vadd.s32 $0x90A2, v26;
	v47 =	vld.idx.msk [tilespmem:v47+s4+$0x0], $0xffff  }
0x11e: {  	v38 =	vadd.f32 v39, v38;
	v40 =	vadd.f32 v43, v40;
	v17 =	vld.idx.msk [tilespmem:v17+s4+$0x0], $0xffff;
	v42 =	vadd.s32 $0x8C82, v26;
	[tilespmem:s19+$0xFFFFFBB0] =	vst v41  }
0x11f: {  	v46 =	vadd.f32 v48, v46;
	v52 =	vmul.f32 v52, v2;
	v43 =	vld.idx.msk [tilespmem:v61+s4+$0x0], $0xffff;
	v61 =	vadd.s32 $0x90A3, v26  }
0x120: {  	v10 =	vmul.f32 v36, v10;
	v23 =	vmul.f32 v54, v23;
	v48 =	vld.idx.msk [tilespmem:v62+s4+$0x0], $0xffff;
	v62 =	vadd.s32 $0x90C3, v26  }
0x121: {  	v44 =	vmul.f32 v44, v19;
	v60 =	vadd.f32 v63, v52;
	v63 =	vadd.s32 $0x90C4, v26;
	v53 =	vld.idx.msk [tilespmem:v57+s4+$0x0], $0xffff  }
0x122: {  	v38 =	vadd.f32 v38, v46;
	v18 =	vmul.f32 v56, v18;
	v20 =	vmul.f32 v50, v20;
	v54 =	vld.idx.msk [tilespmem:v59+s4+$0x0], $0xffff  }
0x123: {  	v45 =	vadd.s32 $0x8C82, v8;
	v22 =	vmul.f32 v49, v22;
	v21 =	vmul.f32 v51, v21;
	v42 =	vld.idx.msk [tilespmem:v42+s4+$0x0], $0xffff  }
0x124: {  	v40 =	vadd.f32 v60, v40;
	v24 =	vmul.f32 v47, v24;
	v17 =	vmul.f32 v17, v25;
	v57 =	vld.idx.msk [tilespmem:v61+s4+$0x0], $0xffff  }
0x125: {  	v58 =	vadd.s32 $0x8C61, v8;
	v55 =	vadd.f32 v44, v18;
	v56 =	vadd.f32 v21, v20;
	v59 =	vld.idx.msk [tilespmem:v62+s4+$0x0], $0xffff  }
0x126: {  	v19 =	vmul.f32 v29, v11;
	v22 =	vadd.f32 v23, v22;
	v17 =	vadd.f32 v17, v24;
	v62 =	vld.idx.msk [tilespmem:v63+s4+$0x0], $0xffff  }
0x127: {  	v60 =	vadd.f32 v40, v38;
	v11 =	vadd.f32 v56, v55;
	v61 =	vadd.s32 $0x8C62, v8  }
0x128: {  	v17 =	vadd.f32 v17, v22;
	v63 =	vmul.f32 v43, v27;
	v40 =	vmul.f32 v48, v28  }
0x129: {  	[tilespmem:s19+$0xFFFFFC10] =	vst v60;
	v25 =	vmul.f32 v54, v32;
	v41 =	vmul.f32 v42, v30  }
0x12a: {  	v21 =	vld.idx.msk [tilespmem:v58+s4+$0x0], $0xffff;
	v11 =	vadd.f32 v17, v11;
	v42 =	vmul.f32 v53, v31;
	v20 =	vmul.f32 v57, v33  }
0x12b: {  	v47 =	vadd.s32 $0x8C83, v8;
	v36 =	vld.idx.msk [tilespmem:v45+s4+$0x0], $0xffff;
	v43 =	vmul.f32 v59, v34;
	v44 =	vmul.f32 v62, v35  }
0x12c: {  	v18 =	vadd.f32 v40, v63;
	[tilespmem:s19+$0x3A0] =	vst v11;
	v17 =	vadd.f32 v42, v41;
	v29 =	vld.idx.msk [tilespmem:v61+s4+$0x0], $0xffff  }
0x12d: {  	v46 =	vld [tilespmem:s21+$0xFFFFFC20];
	v20 =	vadd.f32 v20, v25;
	v11 =	vadd.f32 v44, v43  }
0x12e: {  	v12 =	vadd.f32 v16, v12;
	v9 =	vmul.f32 v37, v9;
	v49 =	vadd.s32 $0x90A2, v8;
	v48 =	vld [tilespmem:s21+$0x20]  }
0x12f: {  	v51 =	vadd.s32 $0x118C2, v26;
	v50 =	vld [tilespmem:s21+$0x420];
	v17 =	vadd.f32 v17, v18;
	v11 =	vadd.f32 v11, v20  }
0x130: {  	v52 =	vadd.s32 $0x118C3, v26;
	v14 =	vadd.f32 v19, v14;
	v38 =	vadd.s32 $0x90C3, v8;
	v22 =	vld.idx.msk [tilespmem:v47+s4+$0x0], $0xffff  }
0x131: {  	v60 =	vadd.s32 $0x11D24, v26;
	v53 =	vadd.s32 $0x118E3, v26;
	v11 =	vadd.f32 v11, v17  }
0x132: {  	v54 =	vadd.s32 $0x118E4, v26;
	v40 =	vmul.f32 v21, v7;
	v36 =	vmul.f32 v36, v4  }
0x133: {  	v23 =	vld.idx.msk [tilespmem:v49+s4+$0x0], $0xffff;
	v56 =	vadd.s32 $0x11D03, v26;
	v37 =	vmul.f32 $3.200000000e+01, v46;
	v41 =	vmul.f32 v29, v3;
	[tilespmem:s19+$0xFFFFFFB0] =	vst v11  }
0x134: {  	v58 =	vadd.s32 $0x11D04, v26;
	v24 =	vmul.f32 $3.200000000e+01, v48;
	v39 =	vmul.f32 $3.200000000e+01, v50;
	v18 =	vld.idx.msk [tilespmem:v51+s4+$0x0], $0xffff  }
0x135: {  	v26 =	vadd.s32 $0x11D25, v26;
	v48 =	vmul.f32 v22, v1;
	v55 =	vtrunc.f32 v37;
	v21 =	vld.idx.msk [tilespmem:v52+s4+$0x0], $0xffff  }
0x136: {  	v25 =	vadd.s32 $0x90A3, v8;
	v57 =	vtrunc.f32 v24;
	v42 =	vcvt.f32.s32 v55;
	v17 =	vld.idx.msk [tilespmem:v53+s4+$0x0], $0xffff  }
0x137: {  	v20 =	vadd.s32 $0x90C4, v8;
	v59 =	vtrunc.f32 v39;
	v43 =	vcvt.f32.s32 v57;
	v61 =	vld.idx.msk [tilespmem:v54+s4+$0x0], $0xffff  }
0x138: {  	v50 =	vmul.f32 v23, v0;
	v45 =	vcvt.f32.s32 v59;
	v11 =	vld.idx.msk [tilespmem:v56+s4+$0x0], $0xffff;
	vm10 =	vlt.s32 v42, $0x1F  }
0x139: {  	v19 =	vadd.f32 v41, v40;
	v44 =	vld.idx.msk [tilespmem:v58+s4+$0x0], $0xffff;
	vm11 =	vlt.s32 v43, $0x1F;
	v42 =	vnsel vm10, $0x1F, v42  }
0x13a: {  	[tilespmem:$0x1FEA0] =	vst v1;
	v46 =	vld.idx.msk [tilespmem:v60+s4+$0x0], $0xffff;
	vm12 =	vlt.s32 v45, $0x1F;
	v62 =	vnsel vm11, $0x1F, v43;
	v1 =	vcvt.s32.f32 v42  }
0x13b: {  	[tilespmem:$0x1FE80] =	vst v3;
	v26 =	vld.idx.msk [tilespmem:v26+s4+$0x0], $0xffff;
	v63 =	vnsel vm12, $0x1F, v45;
	v3 =	vmul.u32 $0x21, v62;
	v22 =	vcvt.s32.f32 v62  }
0x13c: {  	[tilespmem:$0x1FE90] =	vst v4;
	v4 =	vcvt.s32.f32 v63;
	v29 =	vmul.u32 $0x441, v63;
	v37 =	vsub.f32 v37, v1  }
0x13d: {  	[tilespmem:$0x1FE70] =	vst v7;
	v7 =	vadd.s32 v42, v3;
	v18 =	vmul.f32 v18, v27;
	v21 =	vmul.f32 v21, v28  }
0x13e: {  	v22 =	vsub.f32 v24, v22;
	v17 =	vmul.f32 v17, v30;
	v53 =	vmul.f32 v61, v31  }
0x13f: {  	v42 =	vsub.f32 v39, v4;
	v11 =	vmul.f32 v11, v32;
	v56 =	vmul.f32 v44, v33  }
0x140: {  	v34 =	vmul.f32 v46, v34;
	v26 =	vmul.f32 v26, v35;
	v29 =	vadd.s32 v29, v7  }
0x141: {  	v25 =	vld.idx.msk [tilespmem:v25+s4+$0x0], $0xffff;
	v23 =	vadd.s32 $0x1, v29;
	v52 =	vadd.s32 $0x21, v29;
	v55 =	vadd.s32 $0x22, v29  }
0x142: {  	v54 =	vld.idx.msk [tilespmem:v38+s4+$0x0], $0xffff;
	v57 =	vadd.s32 $0x441, v29;
	v61 =	vsub.f32 $1.000000000e+00, v22;
	v62 =	vsub.f32 $1.000000000e+00, v42  }
0x143: {  	v20 =	vld.idx.msk [tilespmem:v20+s4+$0x0], $0xffff;
	v58 =	vadd.s32 $0x442, v29;
	v18 =	vadd.f32 v21, v18;
	v17 =	vadd.f32 v53, v17  }
0x144: {  	v59 =	vadd.s32 $0x462, v29;
	v47 =	vmul.f32 v62, v61;
	v51 =	vmul.f32 v42, v61;
	v61 =	vld [tilespmem:s21+$0xFFFFFBC0]  }
0x145: {  	v11 =	vadd.f32 v56, v11;
	v60 =	vadd.f32 v26, v34;
	v28 =	vmul.f32 v62, v22;
	v62 =	vld [tilespmem:s21+$0xFFFFFFC0]  }
0x146: {  	[tilespmem:$0x1FEC0] =	vst v5;
	v43 =	vadd.s32 $0x463, v29;
	v34 =	vmul.f32 v25, v5;
	v45 =	vsub.f32 $1.000000000e+00, v37;
	v35 =	vld.idx.msk [tilespmem:v29+s4+$0x0], $0xffff  }
0x147: {  	v44 =	vadd.f32 v17, v18;
	v11 =	vadd.f32 v60, v11;
	v17 =	vmul.f32 v54, v2;
	v39 =	vld.idx.msk [tilespmem:v23+s4+$0x0], $0xffff  }
0x148: {  	v18 =	vmul.f32 v20, v6;
	v20 =	vadd.f32 v48, v36;
	v36 =	vadd.f32 v34, v50;
	v63 =	vld.idx.msk [tilespmem:v52+s4+$0x0], $0xffff  }
0x149: {  	v25 =	vadd.f32 v11, v44;
	v7 =	vmul.f32 v47, v45;
	v21 =	vmul.f32 v47, v37;
	v31 =	vld.idx.msk [tilespmem:v55+s4+$0x0], $0xffff  }
0x14a: {  	v11 =	vadd.f32 v15, v13;
	v27 =	vmul.f32 v28, v45;
	v46 =	vld.idx.msk [tilespmem:v57+s4+$0x0], $0xffff;
	v52 =	vmul.f32 v42, v22  }
0x14b: {  	v56 =	vmul.f32 v51, v45;
	v3 =	vmul.f32 v51, v37;
	v15 =	vadd.f32 v9, v10;
	v49 =	vld.idx.msk [tilespmem:v58+s4+$0x0], $0xffff  }
0x14c: {  	v17 =	vadd.f32 v18, v17;
	v53 =	vld.idx.msk [tilespmem:v59+s4+$0x0], $0xffff;
	v23 =	vmul.f32 v28, v37;
	v4 =	vmul.f32 v52, v45  }
0x14d: {  	v19 =	vadd.f32 v20, v19;
	v54 =	vld.idx.msk [tilespmem:v43+s4+$0x0], $0xffff;
	[tilespmem:s19+$0x3B0] =	vst v25;
	v5 =	vmul.f32 v52, v37;
	v26 =	vmul.f32 $3.200000000e+01, v62  }
0x14e: {  	v17 =	vadd.f32 v17, v36;
	v55 =	vld [tilespmem:s21+$0xFFFFFC30];
	v24 =	vmul.f32 $3.200000000e+01, v61;
	v59 =	vmul.f32 v7, v35  }
0x14f: {  	v36 =	vadd.f32 v12, v11;
	v57 =	vld [tilespmem:s21+$0x30];
	v51 =	vtrunc.f32 v26;
	v60 =	vmul.f32 v21, v39  }
0x150: {  	v11 =	vadd.s32 $0x118C2, v8;
	v58 =	vld [tilespmem:s21+$0x430];
	v32 =	vmul.f32 v27, v63;
	v31 =	vmul.f32 v23, v31  }
0x151: {  	v12 =	vadd.s32 $0x118C3, v8;
	v30 =	vmul.f32 v56, v46;
	v33 =	vmul.f32 v3, v49;
	v63 =	vld [tilespmem:s21+$0x3C0]  }
0x152: {  	[tilespmem:$0x1FEB0] =	vst v0;
	v17 =	vadd.f32 v17, v19;
	v0 =	vmul.f32 v53, v4;
	v1 =	vmul.f32 v54, v5  }
0x153: {  	v49 =	vtrunc.f32 v24;
	v52 =	vcvt.f32.s32 v51;
	v10 =	vadd.f32 v60, v59  }
0x154: {  	v50 =	vcvt.f32.s32 v49;
	v31 =	vadd.f32 v31, v32;
	v30 =	vadd.f32 v33, v30  }
0x155: {  	[tilespmem:$0x1FED0] =	vst v2;
	v2 =	vmul.f32 $3.200000000e+01, v55;
	v13 =	vmul.f32 $3.200000000e+01, v57;
	v22 =	vadd.f32 v1, v0  }
0x156: {  	v9 =	vmul.f32 $3.200000000e+01, v58;
	vm14 =	vlt.s32 v52, $0x1F;
	v48 =	vmul.f32 $3.200000000e+01, v63  }
0x157: {  	v10 =	vadd.f32 v31, v10;
	v25 =	vtrunc.f32 v2;
	v16 =	vadd.f32 v22, v30  }
0x158: {  	vm13 =	vlt.s32 v50, $0x1F;
	v54 =	vtrunc.f32 v13;
	v53 =	vtrunc.f32 v48  }
0x159: {  	v55 =	vtrunc.f32 v9;
	v37 =	vadd.f32 v16, v10;
	v16 =	vcvt.f32.s32 v53  }
0x15a: {  	v34 =	vnsel vm13, $0x1F, v50;
	v31 =	vcvt.f32.s32 v25;
	v35 =	vcvt.f32.s32 v54  }
0x15b: {  	[tilespmem:$0x1FEE0] =	vst v6;
	v39 =	vcvt.f32.s32 v55;
	v10 =	vnsel vm14, $0x1F, v52;
	vm15 =	vlt.s32 v16, $0x1F  }
0x15c: {  	v6 =	vmovc v56;
	[tilespmem:$0x1FF20] =	vst v56;
	v62 =	vcvt.s32.f32 v34;
	v57 =	vmul.u32 $0x21, v10;
	v56 =	vnsel vm15, $0x1F, v16  }
0x15d: {  	vm4 =	vlt.s32 v31, $0x1F;
	vm5 =	vlt.s32 v35, $0x1F;
	v58 =	vmul.u32 $0x441, v56  }
0x15e: {  	vm6 =	vlt.s32 v39, $0x1F;
	v10 =	vcvt.s32.f32 v10;
	v16 =	vadd.s32 v34, v57  }
0x15f: {  	v32 =	vsub.f32 v24, v62;
	v31 =	vnsel vm4, $0x1F, v31;
	v16 =	vadd.s32 v58, v16  }
0x160: {  	v35 =	vnsel vm5, $0x1F, v35;
	v39 =	vnsel vm6, $0x1F, v39;
	v60 =	vadd.s32 $0x1, v16  }
0x161: {  	v59 =	vcvt.s32.f32 v31;
	v40 =	vcvt.s32.f32 v56;
	v61 =	vadd.s32 $0x21, v16  }
0x162: {  	v10 =	vsub.f32 v26, v10;
	v1 =	vcvt.s32.f32 v35;
	v63 =	vadd.s32 $0x22, v16  }
0x163: {  	v55 =	vcvt.s32.f32 v39;
	v30 =	vsub.f32 v48, v40;
	v0 =	vadd.s32 $0x441, v16  }
0x164: {  	v35 =	vmul.u32 $0x21, v35;
	v46 =	vsub.f32 v2, v59;
	v2 =	vadd.s32 $0x442, v16;
	v33 =	vld.idx.msk [tilespmem:v16+s4+$0x0], $0xffff  }
0x165: {  	v22 =	vsub.f32 $1.000000000e+00, v10;
	v26 =	vadd.s32 $0x462, v16;
	v24 =	vsub.f32 $1.000000000e+00, v30;
	v25 =	vld.idx.msk [tilespmem:v60+s4+$0x0], $0xffff  }
0x166: {  	v39 =	vmul.u32 $0x441, v39;
	v13 =	vsub.f32 v13, v1;
	v57 =	vadd.s32 $0x463, v16;
	v56 =	vld.idx.msk [tilespmem:v61+s4+$0x0], $0xffff  }
0x167: {  	v58 =	vsub.f32 $1.000000000e+00, v32;
	v59 =	vmul.f32 v24, v22;
	v60 =	vmul.f32 v24, v10;
	v34 =	vld.idx.msk [tilespmem:v63+s4+$0x0], $0xffff  }
0x168: {  	v52 =	vsub.f32 v9, v55;
	v61 =	vmul.f32 v30, v22;
	v10 =	vmul.f32 v30, v10;
	v62 =	vld.idx.msk [tilespmem:v0+s4+$0x0], $0xffff  }
0x169: {  	v31 =	vadd.s32 v31, v35;
	v45 =	vmul.f32 v59, v58;
	v44 =	vmul.f32 v59, v32;
	v63 =	vld.idx.msk [tilespmem:v2+s4+$0x0], $0xffff  }
0x16a: {  	v9 =	vsub.f32 $1.000000000e+00, v13;
	v0 =	vld.idx.msk [tilespmem:v26+s4+$0x0], $0xffff;
	v43 =	vmul.f32 v60, v58;
	v38 =	vmul.f32 v60, v32  }
0x16b: {  	v1 =	vld.idx.msk [tilespmem:v57+s4+$0x0], $0xffff;
	v22 =	vadd.s32 v39, v31;
	v41 =	vmul.f32 v61, v58;
	v42 =	vmul.f32 v61, v32  }
0x16c: {  	v2 =	vadd.s32 $0x1, v22;
	v40 =	vmul.f32 v10, v58;
	v39 =	vmul.f32 v10, v32  }
0x16d: {  	v26 =	vadd.s32 $0x21, v22;
	v24 =	vmul.f32 v45, v33;
	v25 =	vmul.f32 v44, v25  }
0x16e: {  	v58 =	vadd.s32 $0x22, v22;
	v57 =	vmul.f32 v43, v56;
	v34 =	vmul.f32 v38, v34  }
0x16f: {  	v60 =	vadd.s32 $0x441, v22;
	v30 =	vmul.f32 v41, v62;
	v59 =	vmul.f32 v42, v63  }
0x170: {  	v51 =	vmul.f32 v0, v40;
	v35 =	vmul.f32 v1, v39;
	v0 =	vsub.f32 $1.000000000e+00, v46  }
0x171: {  	v61 =	vadd.s32 $0x442, v22;
	v53 =	vld.idx.msk [tilespmem:v22+s4+$0x0], $0xffff;
	v31 =	vadd.f32 v25, v24;
	v62 =	vadd.f32 v34, v57  }
0x172: {  	v63 =	vadd.s32 $0x462, v22;
	v47 =	vld.idx.msk [tilespmem:v2+s4+$0x0], $0xffff;
	v30 =	vadd.f32 v59, v30;
	v2 =	vadd.f32 v35, v51  }
0x173: {  	v25 =	vsub.f32 $1.000000000e+00, v52;
	v51 =	vld.idx.msk [tilespmem:v26+s4+$0x0], $0xffff;
	v26 =	vadd.s32 $0x463, v22;
	v34 =	vadd.s32 $0x8C61, v16  }
0x174: {  	v48 =	vld.idx.msk [tilespmem:v58+s4+$0x0], $0xffff;
	v35 =	vmul.f32 v52, v9;
	v31 =	vadd.f32 v62, v31;
	v30 =	vadd.f32 v2, v30  }
0x175: {  	v50 =	vld.idx.msk [tilespmem:v60+s4+$0x0], $0xffff;
	v52 =	vmul.f32 v52, v13;
	v1 =	vmul.f32 v25, v9;
	v2 =	vadd.s32 $0x8C62, v16  }
0x176: {  	v54 =	vld.idx.msk [tilespmem:v61+s4+$0x0], $0xffff;
	v49 =	vmul.f32 v25, v13;
	v25 =	vadd.s32 $0x8C82, v16;
	v24 =	vadd.f32 v30, v31  }
0x177: {  	[tilespmem:s19+$0xFFFFFC20] =	vst v37;
	v37 =	vadd.f32 v15, v14;
	v14 =	vadd.s32 $0x118E3, v8;
	v60 =	vadd.s32 $0x8C83, v16;
	v59 =	vld.idx.msk [tilespmem:v63+s4+$0x0], $0xffff  }
0x178: {  	v62 =	vadd.s32 $0x90A3, v16;
	v32 =	vmul.f32 v52, v0;
	v13 =	vmul.f32 v52, v46;
	v61 =	vld.idx.msk [tilespmem:v26+s4+$0x0], $0xffff;
	[tilespmem:s19+$0xFFFFFBC0] =	vst v24  }
0x179: {  	v63 =	vadd.s32 $0x90C3, v16;
	v31 =	vmul.f32 v49, v0;
	v33 =	vmul.f32 v49, v46;
	v49 =	vld.idx.msk [tilespmem:v34+s4+$0x0], $0xffff  }
0x17a: {  	v10 =	vmul.f32 v1, v0;
	v9 =	vmul.f32 v1, v46;
	v30 =	vadd.s32 $0x8C82, v29;
	v56 =	vld.idx.msk [tilespmem:v2+s4+$0x0], $0xffff  }
0x17b: {  	v26 =	vadd.s32 $0x90A2, v16;
	v34 =	vmul.f32 v35, v0;
	v35 =	vmul.f32 v35, v46;
	v46 =	vld.idx.msk [tilespmem:v25+s4+$0x0], $0xffff  }
0x17c: {  	v24 =	vadd.s32 $0x90C4, v16;
	v53 =	vmul.f32 v10, v53;
	v47 =	vmul.f32 v9, v47;
	v25 =	vld.idx.msk [tilespmem:v60+s4+$0x0], $0xffff  }
0x17d: {  	v55 =	vadd.s32 $0x8C61, v29;
	v51 =	vmul.f32 v31, v51;
	v48 =	vmul.f32 v33, v48;
	v28 =	vld.idx.msk [tilespmem:v62+s4+$0x0], $0xffff  }
0x17e: {  	[tilespmem:$0x1FF80] =	vst v32;
	v60 =	vadd.s32 $0x8C62, v29;
	v0 =	vadd.s32 $0x90A2, v29;
	v47 =	vadd.f32 v47, v53;
	v63 =	vld.idx.msk [tilespmem:v63+s4+$0x0], $0xffff  }
0x17f: {  	v2 =	vmovc v32;
	v59 =	vmul.f32 v59, v32;
	v48 =	vadd.f32 v48, v51;
	v32 =	vadd.s32 $0x8C83, v29;
	v62 =	vld.idx.msk [tilespmem:v30+s4+$0x0], $0xffff  }
0x180: {  	[tilespmem:$0x1FF90] =	vst v13;
	v50 =	vmul.f32 v34, v50;
	v30 =	vadd.s32 $0x8C61, v22;
	v57 =	vld.idx.msk [tilespmem:v26+s4+$0x0], $0xffff;
	v26 =	vmul.f32 v35, v54  }
0x181: {  	v1 =	vmovc v13;
	v61 =	vmul.f32 v61, v13;
	v13 =	vadd.s32 $0x90A3, v29;
	v47 =	vadd.f32 v48, v47;
	v52 =	vld.idx.msk [tilespmem:v24+s4+$0x0], $0xffff  }
0x182: {  	v55 =	vld.idx.msk [tilespmem:v55+s4+$0x0], $0xffff;
	v24 =	vadd.s32 $0x90C3, v29;
	v50 =	vadd.f32 v26, v50;
	v49 =	vmul.f32 v49, v45  }
0x183: {  	v59 =	vadd.f32 v61, v59;
	v56 =	vmul.f32 v56, v44;
	v46 =	vmul.f32 v46, v43;
	v58 =	vld.idx.msk [tilespmem:v60+s4+$0x0], $0xffff  }
0x184: {  	v25 =	vmul.f32 v25, v38;
	v26 =	vadd.s32 $0x90C4, v29;
	v54 =	vmul.f32 v28, v42;
	v48 =	vld.idx.msk [tilespmem:v0+s4+$0x0], $0xffff  }
0x185: {  	v28 =	vmul.f32 v63, v40;
	v51 =	vld.idx.msk [tilespmem:v32+s4+$0x0], $0xffff;
	v32 =	vadd.s32 $0x8C62, v22;
	v50 =	vadd.f32 v59, v50  }
0x186: {  	v63 =	vld [tilespmem:s21+$0xFFFFFFD0];
	v49 =	vadd.f32 v56, v49;
	v57 =	vmul.f32 v57, v41;
	v52 =	vmul.f32 v52, v39  }
0x187: {  	v0 =	vadd.s32 $0x118C2, v16;
	v46 =	vadd.f32 v25, v46;
	v18 =	vld.idx.msk [tilespmem:v13+s4+$0x0], $0xffff;
	v47 =	vadd.f32 v50, v47  }
0x188: {  	v50 =	vadd.s32 $0x8C82, v22;
	v56 =	vld.idx.msk [tilespmem:v24+s4+$0x0], $0xffff;
	v54 =	vadd.f32 v54, v57;
	v52 =	vadd.f32 v52, v28  }
0x189: {  	v25 =	vadd.s32 $0x118C3, v16;
	v59 =	vadd.f32 v46, v49;
	v24 =	vld.idx.msk [tilespmem:v26+s4+$0x0], $0xffff;
	v60 =	vmul.f32 v58, v21;
	[tilespmem:s19+$0xFFFFFC30] =	vst v47  }
0x18a: {  	[tilespmem:$0x1FEF0] =	vst v7;
	v48 =	vmul.f32 v48, v6;
	v6 =	vadd.s32 $0x118E4, v16;
	v26 =	vld.idx.msk [tilespmem:v30+s4+$0x0], $0xffff;
	v61 =	vadd.f32 v52, v54  }
0x18b: {  	[tilespmem:$0x1FF00] =	vst v21;
	v21 =	vadd.s32 $0x11D04, v16;
	v51 =	vmul.f32 v51, v23;
	v30 =	vld.idx.msk [tilespmem:v32+s4+$0x0], $0xffff;
	v32 =	vmul.f32 v55, v7  }
0x18c: {  	[tilespmem:$0x1FF30] =	vst v3;
	v7 =	vadd.s32 $0x90A2, v22;
	v18 =	vmul.f32 v18, v3;
	v3 =	vld [tilespmem:s21+$0x3D0];
	v28 =	vadd.f32 v61, v59  }
0x18d: {  	[tilespmem:$0x1FF50] =	vst v5;
	v13 =	vmul.f32 $3.200000000e+01, v63;
	v54 =	vadd.s32 $0x90A3, v22;
	v50 =	vld.idx.msk [tilespmem:v50+s4+$0x0], $0xffff;
	v61 =	vmul.f32 v62, v27  }
0x18e: {  	v46 =	vadd.f32 v60, v32;
	v62 =	vmul.f32 v56, v4;
	v20 =	vmul.f32 v24, v5;
	v5 =	vld [tilespmem:s21+$0xFFFFFBD0];
	[tilespmem:s19+$0xFFFFFFC0] =	vst v28  }
0x18f: {  	[tilespmem:$0x1FF10] =	vst v23;
	v18 =	vadd.f32 v18, v48;
	v24 =	vtrunc.f32 v13;
	v49 =	vld.idx.msk [tilespmem:v0+s4+$0x0], $0xffff;
	v0 =	vadd.s32 $0x118E3, v16  }
0x190: {  	[tilespmem:$0x1FF40] =	vst v4;
	v4 =	vadd.s32 $0x8C83, v22;
	v59 =	vcvt.f32.s32 v24;
	v51 =	vadd.f32 v51, v61  }
0x191: {  	v20 =	vadd.f32 v20, v62;
	v52 =	vmul.f32 v26, v10;
	v19 =	vmul.f32 v30, v9;
	v57 =	vld.idx.msk [tilespmem:v7+s4+$0x0], $0xffff  }
0x192: {  	[tilespmem:$0x1FF60] =	vst v10;
	v10 =	vadd.s32 $0x11D03, v16;
	v62 =	vadd.s32 $0x90C3, v22;
	v47 =	vld.idx.msk [tilespmem:v25+s4+$0x0], $0xffff;
	v23 =	vmul.f32 $3.200000000e+01, v3  }
0x193: {  	v25 =	vadd.s32 $0x11D24, v16;
	v51 =	vadd.f32 v51, v46;
	v46 =	vld.idx.msk [tilespmem:v6+s4+$0x0], $0xffff;
	v55 =	vmul.f32 $3.200000000e+01, v5  }
0x194: {  	v16 =	vadd.s32 $0x11D25, v16;
	v50 =	vmul.f32 v50, v31;
	v26 =	vtrunc.f32 v23;
	v53 =	vld.idx.msk [tilespmem:v0+s4+$0x0], $0xffff  }
0x195: {  	vm7 =	vlt.s32 v59, $0x1F;
	v56 =	vld.idx.msk [tilespmem:v21+s4+$0x0], $0xffff;
	v61 =	vcvt.f32.s32 v26;
	v28 =	vtrunc.f32 v55  }
0x196: {  	v30 =	vnsel vm7, $0x1F, v59;
	v48 =	vld.idx.msk [tilespmem:v4+s4+$0x0], $0xffff;
	v57 =	vmul.f32 v57, v34;
	v63 =	vcvt.f32.s32 v28  }
0x197: {  	v45 =	vmul.f32 v49, v45;
	vm8 =	vlt.s32 v61, $0x1F;
	v0 =	vmul.u32 $0x21, v30  }
0x198: {  	v58 =	vld.idx.msk [tilespmem:v10+s4+$0x0], $0xffff;
	v32 =	vnsel vm8, $0x1F, v61;
	v38 =	vmul.f32 v46, v38;
	vm9 =	vlt.s32 v63, $0x1F  }
0x199: {  	v4 =	vmul.u32 $0x441, v32;
	v3 =	vnsel vm9, $0x1F, v63;
	v43 =	vmul.f32 v53, v43  }
0x19a: {  	v44 =	vmul.f32 v47, v44;
	v60 =	vld.idx.msk [tilespmem:v25+s4+$0x0], $0xffff;
	v42 =	vmul.f32 v56, v42;
	v61 =	vadd.s32 v3, v0  }
0x19b: {  	v16 =	vld.idx.msk [tilespmem:v16+s4+$0x0], $0xffff;
	v48 =	vmul.f32 v48, v33;
	v43 =	vadd.f32 v38, v43;
	v38 =	vadd.s32 v4, v61  }
0x19c: {  	v44 =	vadd.f32 v44, v45;
	v6 =	vcvt.s32.f32 v32;
	v5 =	vadd.s32 $0x1, v38  }
0x19d: {  	v41 =	vmul.f32 v58, v41;
	v53 =	vcvt.s32.f32 v30;
	v7 =	vadd.s32 $0x21, v38  }
0x19e: {  	[tilespmem:$0x1FF70] =	vst v9;
	v46 =	vcvt.s32.f32 v3;
	v47 =	vsub.f32 v23, v6;
	v9 =	vadd.s32 $0x22, v38  }
0x19f: {  	v40 =	vmul.f32 v60, v40;
	v49 =	vsub.f32 v13, v53;
	v10 =	vadd.s32 $0x441, v38  }
0x1a0: {  	v16 =	vmul.f32 v16, v39;
	v46 =	vsub.f32 v55, v46;
	v23 =	vadd.s32 $0x442, v38;
	v13 =	vld.idx.msk [tilespmem:v38+s4+$0x0], $0xffff  }
0x1a1: {  	v25 =	vsub.f32 $1.000000000e+00, v47;
	v28 =	vadd.s32 $0x462, v38;
	v24 =	vsub.f32 $1.000000000e+00, v49;
	v26 =	vld.idx.msk [tilespmem:v5+s4+$0x0], $0xffff  }
0x1a2: {  	v41 =	vadd.f32 v42, v41;
	v16 =	vadd.f32 v16, v40;
	v63 =	vadd.s32 $0x463, v38;
	v58 =	vld.idx.msk [tilespmem:v7+s4+$0x0], $0xffff  }
0x1a3: {  	v30 =	vsub.f32 $1.000000000e+00, v46;
	v60 =	vmul.f32 v25, v49;
	v32 =	vmul.f32 v25, v24;
	v59 =	vld.idx.msk [tilespmem:v9+s4+$0x0], $0xffff  }
0x1a4: {  	v43 =	vadd.f32 v43, v44;
	v3 =	vmul.f32 v47, v24;
	v47 =	vmul.f32 v47, v49;
	v4 =	vld.idx.msk [tilespmem:v10+s4+$0x0], $0xffff  }
0x1a5: {  	v16 =	vadd.f32 v16, v41;
	v41 =	vmul.f32 v60, v30;
	v42 =	vmul.f32 v60, v46;
	v5 =	vld.idx.msk [tilespmem:v23+s4+$0x0], $0xffff  }
0x1a6: {  	v18 =	vadd.f32 v20, v18;
	v39 =	vmul.f32 v32, v30;
	v40 =	vmul.f32 v32, v46;
	v6 =	vld.idx.msk [tilespmem:v28+s4+$0x0], $0xffff  }
0x1a7: {  	v16 =	vadd.f32 v16, v43;
	v43 =	vmul.f32 v3, v30;
	v44 =	vmul.f32 v3, v46;
	v7 =	vld.idx.msk [tilespmem:v63+s4+$0x0], $0xffff  }
0x1a8: {  	v15 =	vadd.s32 $0x118E4, v8;
	v54 =	vld.idx.msk [tilespmem:v54+s4+$0x0], $0xffff;
	v45 =	vmul.f32 v47, v30;
	v46 =	vmul.f32 v47, v46  }
0x1a9: {  	v18 =	vadd.f32 v18, v51;
	v13 =	vmul.f32 v39, v13;
	v24 =	vmul.f32 v40, v26  }
0x1aa: {  	v9 =	vadd.s32 $0x90C4, v22;
	v10 =	vld.idx.msk [tilespmem:v62+s4+$0x0], $0xffff;
	[tilespmem:s19+$0x3C0] =	vst v16;
	v58 =	vmul.f32 v41, v58;
	v59 =	vmul.f32 v42, v59  }
0x1ab: {  	v51 =	vadd.f32 v19, v52;
	v25 =	vld [tilespmem:s21+$0xFFFFFC40];
	v26 =	vmul.f32 v43, v4;
	v28 =	vmul.f32 v44, v5  }
0x1ac: {  	v52 =	vadd.f32 v48, v50;
	v30 =	vld [tilespmem:s21+$0x40];
	v20 =	vmul.f32 v6, v45;
	v32 =	vmul.f32 v7, v46  }
0x1ad: {  	[tilespmem:s19+$0x10] =	vst v17;
	v63 =	vmul.f32 v54, v35;
	v16 =	vadd.f32 v24, v13;
	v3 =	vadd.f32 v59, v58  }
0x1ae: {  	v0 =	vadd.s32 $0x11D03, v8;
	v50 =	vld.idx.msk [tilespmem:v15+s4+$0x0], $0xffff;
	v19 =	vadd.f32 v28, v26;
	v20 =	vadd.f32 v32, v20  }
0x1af: {  	v54 =	vadd.f32 v63, v57;
	v62 =	vld.idx.msk [tilespmem:v9+s4+$0x0], $0xffff;
	v17 =	vmul.f32 v10, v2;
	v7 =	vadd.s32 $0x8C61, v38  }
0x1b0: {  	v4 =	vld [tilespmem:s21+$0x440];
	v57 =	vmul.f32 $3.200000000e+01, v25;
	v5 =	vadd.f32 v3, v16;
	v6 =	vadd.f32 v20, v19  }
0x1b1: {  	v47 =	vld.idx.msk [tilespmem:v12+s4+$0x0], $0xffff;
	v12 =	vmul.f32 $3.200000000e+01, v30;
	v25 =	vadd.s32 $0x8C62, v38;
	v58 =	vadd.s32 $0x11D04, v8  }
0x1b2: {  	v53 =	vld.idx.msk [tilespmem:v11+s4+$0x0], $0xffff;
	v28 =	vadd.s32 $0x8C82, v38;
	v24 =	vtrunc.f32 v57;
	v11 =	vadd.f32 v6, v5  }
0x1b3: {  	v48 =	vld.idx.msk [tilespmem:v0+s4+$0x0], $0xffff;
	v32 =	vadd.s32 $0x8C83, v38;
	v63 =	vtrunc.f32 v12;
	v26 =	vcvt.f32.s32 v24  }
0x1b4: {  	v49 =	vld.idx.msk [tilespmem:v14+s4+$0x0], $0xffff;
	v0 =	vcvt.f32.s32 v63;
	v24 =	vadd.s32 $0x90C3, v38;
	v30 =	vmul.f32 v62, v1;
	[tilespmem:s19+$0xFFFFFBD0] =	vst v11  }
0x1b5: {  	v20 =	vmul.f32 $3.200000000e+01, v4;
	v4 =	vadd.s32 $0x90A2, v38;
	vm10 =	vlt.s32 v26, $0x1F;
	v19 =	vld.idx.msk [tilespmem:v7+s4+$0x0], $0xffff  }
0x1b6: {  	v5 =	vadd.s32 $0x90A3, v38;
	vm11 =	vlt.s32 v0, $0x1F;
	v14 =	vnsel vm10, $0x1F, v26;
	v62 =	vld.idx.msk [tilespmem:v25+s4+$0x0], $0xffff  }
0x1b7: {  	v21 =	vtrunc.f32 v20;
	v63 =	vadd.f32 v30, v17;
	v26 =	vadd.s32 $0x90C4, v38;
	v16 =	vld.idx.msk [tilespmem:v28+s4+$0x0], $0xffff  }
0x1b8: {  	v0 =	vnsel vm11, $0x1F, v0;
	v23 =	vcvt.s32.f32 v14;
	v25 =	vcvt.f32.s32 v21;
	v61 =	vld.idx.msk [tilespmem:v32+s4+$0x0], $0xffff  }
0x1b9: {  	v28 =	vcvt.s32.f32 v0;
	v0 =	vmul.u32 $0x21, v0;
	v2 =	vld.idx.msk [tilespmem:v24+s4+$0x0], $0xffff;
	v32 =	vadd.s32 $0x118C2, v29  }
0x1ba: {  	v24 =	vld.idx.msk [tilespmem:v58+s4+$0x0], $0xffff;
	v60 =	vsub.f32 v57, v23;
	v57 =	vadd.s32 $0x11D24, v8;
	vm12 =	vlt.s32 v25, $0x1F  }
0x1bb: {  	v21 =	vadd.s32 $0x118E3, v29;
	v8 =	vadd.s32 $0x11D25, v8;
	v11 =	vld.idx.msk [tilespmem:v4+s4+$0x0], $0xffff;
	v15 =	vnsel vm12, $0x1F, v25  }
0x1bc: {  	v23 =	vadd.s32 $0x118E4, v29;
	v59 =	vld.idx.msk [tilespmem:v5+s4+$0x0], $0xffff;
	v30 =	vcvt.s32.f32 v15;
	v15 =	vmul.u32 $0x441, v15  }
0x1bd: {  	[tilespmem:s19+$0x20] =	vst v18;
	v12 =	vsub.f32 v12, v28;
	v0 =	vadd.s32 v14, v0;
	v5 =	vadd.s32 $0x118C3, v29;
	v4 =	vld.idx.msk [tilespmem:v26+s4+$0x0], $0xffff  }
0x1be: {  	v19 =	vmul.f32 v19, v39;
	v58 =	vld.idx.msk [tilespmem:v32+s4+$0x0], $0xffff;
	v1 =	vsub.f32 v20, v30;
	v20 =	vadd.s32 v15, v0  }
0x1bf: {  	v25 =	vmul.f32 v16, v41;
	v26 =	vmul.f32 v61, v42;
	v56 =	vld.idx.msk [tilespmem:v57+s4+$0x0], $0xffff;
	v28 =	vadd.s32 $0x1, v20  }
0x1c0: {  	v62 =	vmul.f32 v62, v40;
	v2 =	vmul.f32 v2, v45;
	v57 =	vld.idx.msk [tilespmem:v8+s4+$0x0], $0xffff;
	v32 =	vadd.s32 $0x21, v20  }
0x1c1: {  	v11 =	vmul.f32 v11, v43;
	v23 =	vld.idx.msk [tilespmem:v23+s4+$0x0], $0xffff;
	v8 =	vadd.f32 v26, v25;
	v25 =	vadd.s32 $0x441, v20  }
0x1c2: {  	v30 =	vmul.f32 v59, v44;
	v59 =	vld.idx.msk [tilespmem:v5+s4+$0x0], $0xffff;
	v6 =	vadd.s32 $0x463, v20;
	v14 =	vmul.f32 v4, v46  }
0x1c3: {  	v19 =	vadd.f32 v62, v19;
	v62 =	vld.idx.msk [tilespmem:v21+s4+$0x0], $0xffff;
	v26 =	vsub.f32 $1.000000000e+00, v12;
	v4 =	vadd.s32 $0x22, v20  }
0x1c4: {  	v11 =	vadd.f32 v30, v11;
	v2 =	vadd.f32 v14, v2;
	v55 =	vld.idx.msk [tilespmem:v28+s4+$0x0], $0xffff  }
0x1c5: {  	v15 =	vadd.s32 $0x11D03, v29;
	v30 =	vadd.s32 $0x442, v20;
	v21 =	vld.idx.msk [tilespmem:v32+s4+$0x0], $0xffff  }
0x1c6: {  	v0 =	vsub.f32 $1.000000000e+00, v60;
	v14 =	vmul.f32 v1, v26;
	v2 =	vadd.f32 v2, v11;
	v11 =	vld.idx.msk [tilespmem:v25+s4+$0x0], $0xffff  }
0x1c7: {  	v10 =	vadd.s32 $0x118C2, v38;
	v7 =	vadd.s32 $0x462, v20;
	v28 =	vsub.f32 $1.000000000e+00, v1;
	v6 =	vld.idx.msk [tilespmem:v6+s4+$0x0], $0xffff  }
0x1c8: {  	v8 =	vadd.f32 v8, v19;
	v1 =	vmul.f32 v1, v12;
	v19 =	vmul.f32 v14, v0;
	v13 =	vld.idx.msk [tilespmem:v4+s4+$0x0], $0xffff  }
0x1c9: {  	v9 =	vadd.s32 $0x118C3, v38;
	v32 =	vmul.f32 v28, v26;
	v17 =	vmul.f32 v28, v12;
	v12 =	vld.idx.msk [tilespmem:v20+s4+$0x0], $0xffff  }
0x1ca: {  	v16 =	vmul.f32 v14, v60;
	v14 =	vadd.s32 $0x118E4, v38;
	v5 =	vadd.f32 v2, v8;
	v18 =	vld.idx.msk [tilespmem:v30+s4+$0x0], $0xffff  }
0x1cb: {  	v8 =	vadd.s32 $0x11D04, v29;
	v28 =	vld.idx.msk [tilespmem:v15+s4+$0x0], $0xffff;
	v61 =	vmul.f32 v32, v0;
	v26 =	vmul.f32 v32, v60  }
0x1cc: {  	v30 =	vmul.f32 v17, v0;
	v32 =	vmul.f32 v17, v60;
	v17 =	vld.idx.msk [tilespmem:v7+s4+$0x0], $0xffff;
	[tilespmem:s19+$0xFFFFFFD0] =	vst v5  }
0x1cd: {  	v7 =	vadd.s32 $0x118E3, v38;
	v0 =	vmul.f32 v1, v0;
	v15 =	vld.idx.msk [tilespmem:v10+s4+$0x0], $0xffff  }
0x1ce: {  	v60 =	vmul.f32 v1, v60;
	v1 =	vadd.s32 $0x11D24, v38;
	v3 =	vld.idx.msk [tilespmem:v9+s4+$0x0], $0xffff;
	v21 =	vmul.f32 v30, v21  }
0x1cf: {  	v14 =	vld.idx.msk [tilespmem:v14+s4+$0x0], $0xffff;
	v13 =	vmul.f32 v32, v13;
	v5 =	vmul.f32 v61, v12;
	v12 =	vadd.s32 $0x11D03, v38  }
0x1d0: {  	[tilespmem:$0x1FFC0] =	vst v0;
	v25 =	vld.idx.msk [tilespmem:v8+s4+$0x0], $0xffff;
	v8 =	vmul.f32 v26, v55;
	v55 =	vadd.s32 $0x11D04, v38;
	v10 =	vmul.f32 v16, v18  }
0x1d1: {  	v18 =	vmovc v16;
	v16 =	vmovc v0;
	v38 =	vadd.s32 $0x11D25, v38;
	v9 =	vmul.f32 v17, v0;
	v0 =	vmul.f32 v6, v60  }
0x1d2: {  	v11 =	vmul.f32 v19, v11;
	v2 =	vadd.f32 v13, v21;
	v7 =	vld.idx.msk [tilespmem:v7+s4+$0x0], $0xffff  }
0x1d3: {  	v13 =	vadd.s32 $0x11D24, v29;
	v5 =	vadd.f32 v8, v5;
	v4 =	vadd.f32 v0, v9;
	v0 =	vld.idx.msk [tilespmem:v1+s4+$0x0], $0xffff  }
0x1d4: {  	v37 =	vadd.f32 v37, v36;
	v10 =	vadd.f32 v10, v11;
	v9 =	vadd.s32 $0x11D25, v29;
	v11 =	vld.idx.msk [tilespmem:v12+s4+$0x0], $0xffff  }
0x1d5: {  	v36 =	vadd.s32 $0x118E3, v22;
	v63 =	vadd.f32 v63, v54;
	v5 =	vadd.f32 v2, v5;
	v29 =	vld.idx.msk [tilespmem:v55+s4+$0x0], $0xffff  }
0x1d6: {  	v17 =	vadd.s32 $0x118C2, v22;
	v12 =	vadd.f32 v52, v51;
	v21 =	vld.idx.msk [tilespmem:v38+s4+$0x0], $0xffff;
	v4 =	vadd.f32 v4, v10  }
0x1d7: {  	v54 =	vadd.s32 $0x118E4, v22;
	v52 =	vld [tilespmem:$0x1FE70];
	v55 =	vmul.f32 v15, v39;
	v15 =	vmul.f32 v14, v42  }
0x1d8: {  	v12 =	vadd.f32 v63, v12;
	v7 =	vmul.f32 v7, v41;
	v4 =	vadd.f32 v4, v5;
	v5 =	vld.idx.msk [tilespmem:v13+s4+$0x0], $0xffff  }
0x1d9: {  	v9 =	vld.idx.msk [tilespmem:v9+s4+$0x0], $0xffff  }
0x1da: {  	[tilespmem:s19+$0x30] =	vst v12;
	v1 =	vadd.f32 v15, v7;
	v15 =	vld [tilespmem:$0x1FEA0]  }
0x1db: {  	v38 =	vld.idx.msk [tilespmem:v17+s4+$0x0], $0xffff  }
0x1dc: {  	v36 =	vld.idx.msk [tilespmem:v36+s4+$0x0], $0xffff  }
0x1dd: {  	v10 =	vadd.s32 $0x118C3, v22;
	v6 =	vld.idx.msk [tilespmem:v54+s4+$0x0], $0xffff  }
0x1de: {  	[tilespmem:$0x1FFD0] =	vst v37;
	v3 =	vmul.f32 v3, v40;
	v40 =	vadd.s32 $0x8C61, v20;
	v37 =	vmul.f32 v53, v52;
	v52 =	vld [tilespmem:$0x1FE80]  }
0x1df: {  	v63 =	vadd.s32 $0x11D03, v22;
	v54 =	vld [tilespmem:$0x1FE90]  }
0x1e0: {  	v13 =	vadd.s32 $0x8C83, v20;
	v29 =	vmul.f32 v29, v44;
	v44 =	vld [tilespmem:$0x1FEB0]  }
0x1e1: {  	v7 =	vadd.s32 $0x8C82, v20;
	v21 =	vmul.f32 v21, v46;
	v46 =	vld [tilespmem:$0x1FEC0]  }
0x1e2: {  	v17 =	vadd.s32 $0x11D04, v22;
	[tilespmem:s19+$0xFFFFFC40] =	vst v4;
	v10 =	vld.idx.msk [tilespmem:v10+s4+$0x0], $0xffff  }
0x1e3: {  	v51 =	vadd.s32 $0x8C62, v20;
	v40 =	vld.idx.msk [tilespmem:v40+s4+$0x0], $0xffff  }
0x1e4: {  	v12 =	vld.idx.msk [tilespmem:v63+s4+$0x0], $0xffff  }
0x1e5: {  	v13 =	vld.idx.msk [tilespmem:v13+s4+$0x0], $0xffff  }
0x1e6: {  	v7 =	vld.idx.msk [tilespmem:v7+s4+$0x0], $0xffff  }
0x1e7: {  	v0 =	vmul.f32 v0, v45;
	v11 =	vmul.f32 v11, v43;
	v39 =	vld.idx.msk [tilespmem:v17+s4+$0x0], $0xffff  }
0x1e8: {  	v3 =	vadd.f32 v3, v55;
	v53 =	vmul.f32 v47, v52;
	v47 =	vmul.f32 v24, v46;
	v24 =	vld.idx.msk [tilespmem:v51+s4+$0x0], $0xffff  }
0x1e9: {  	v11 =	vadd.f32 v29, v11;
	v0 =	vadd.f32 v21, v0;
	v45 =	vmul.f32 v48, v44;
	v48 =	vld [tilespmem:$0x1FED0]  }
0x1ea: {  	v63 =	vadd.s32 $0x90A2, v20;
	v17 =	vmul.f32 v50, v15;
	v50 =	vld [tilespmem:$0x1FEE0]  }
0x1eb: {  	v1 =	vadd.f32 v1, v3;
	v0 =	vadd.f32 v0, v11;
	v15 =	vld [tilespmem:$0x1FEF0]  }
0x1ec: {  	v55 =	vmul.f32 v49, v54;
	v44 =	vld [tilespmem:$0x1FF40]  }
0x1ed: {  	v0 =	vadd.f32 v0, v1;
	v3 =	vadd.f32 v53, v37;
	v53 =	vld [tilespmem:$0x1FF00]  }
0x1ee: {  	v52 =	vadd.f32 v17, v55;
	v55 =	vld [tilespmem:$0x1FF10]  }
0x1ef: {  	v4 =	vld.idx.msk [tilespmem:v63+s4+$0x0], $0xffff;
	[tilespmem:s19+$0x3D0] =	vst v0  }
0x1f0: {  	v63 =	vld [tilespmem:s21+$0xFFFFFC50]  }
0x1f1: {  	v27 =	vmul.f32 v62, v27;
	v2 =	vmul.f32 v36, v31;
	v46 =	vld [tilespmem:s21+$0x50]  }
0x1f2: {  	v6 =	vmul.f32 v6, v33;
	v51 =	vmul.f32 v57, v50;
	v57 =	vld [tilespmem:$0x1FF20]  }
0x1f3: {  	v8 =	vmul.f32 v12, v34;
	v49 =	vmul.f32 v56, v48;
	v56 =	vadd.f32 v47, v45;
	v45 =	vld [tilespmem:$0x1FF50]  }
0x1f4: {  	v13 =	vmul.f32 v13, v32;
	v1 =	vadd.f32 v52, v3;
	v52 =	vmul.f32 v40, v61;
	v47 =	vld [tilespmem:$0x1FF60]  }
0x1f5: {  	v14 =	vmul.f32 v7, v30;
	v17 =	vmul.f32 v58, v15;
	v48 =	vld [tilespmem:$0x1FF70]  }
0x1f6: {  	v5 =	vmul.f32 v5, v44;
	v50 =	vld [tilespmem:s21+$0xFFFFFFE0];
	v3 =	vmul.f32 v39, v35  }
0x1f7: {  	v24 =	vmul.f32 v24, v26;
	v54 =	vmul.f32 v59, v53;
	v59 =	vld [tilespmem:$0x1FF30];
	v43 =	vadd.f32 v51, v49  }
0x1f8: {  	v23 =	vmul.f32 v23, v55;
	v49 =	vld [tilespmem:s21+$0x450];
	v37 =	vmul.f32 v4, v19  }
0x1f9: {  	v0 =	vadd.f32 v43, v56;
	v56 =	vld [tilespmem:s21+$0x3E0];
	v21 =	vmul.f32 $3.200000000e+01, v63;
	v58 =	vmul.f32 v28, v57  }
0x1fa: {  	v29 =	vadd.f32 v54, v17;
	v9 =	vmul.f32 v9, v45;
	v51 =	vmul.f32 v38, v47  }
0x1fb: {  	v23 =	vadd.f32 v23, v27;
	v10 =	vmul.f32 v10, v48;
	v57 =	vld [tilespmem:s21+$0xFFFFFBE0];
	v47 =	vtrunc.f32 v21  }
0x1fc: {  	v62 =	vmul.f32 v25, v59;
	v25 =	vmul.f32 $3.200000000e+01, v46  }
0x1fd: {  	v63 =	vadd.f32 v23, v29;
	v23 =	vmul.f32 $3.200000000e+01, v49;
	v40 =	vcvt.f32.s32 v47  }
0x1fe: {  	v11 =	vadd.f32 v62, v58;
	v62 =	vmul.f32 $3.200000000e+01, v50;
	v12 =	vmul.f32 $3.200000000e+01, v56  }
0x1ff: {  	v38 =	vadd.f32 v24, v52;
	v48 =	vtrunc.f32 v25;
	v54 =	vtrunc.f32 v23  }
0x200: {  	[tilespmem:$0x1FFB0] =	vst v19;
	v0 =	vadd.f32 v0, v1;
	v19 =	vmul.f32 $3.200000000e+01, v57;
	v29 =	vcvt.f32.s32 v48  }
0x201: {  	v59 =	vadd.f32 v9, v5;
	v55 =	vcvt.f32.s32 v54;
	v41 =	vtrunc.f32 v62  }
0x202: {  	v58 =	vadd.s32 $0x90A3, v20;
	v42 =	vtrunc.f32 v12;
	v27 =	vcvt.f32.s32 v41  }
0x203: {  	vm6 =	vlt.s32 v40, $0x1F;
	v45 =	vtrunc.f32 v19;
	v46 =	vcvt.f32.s32 v42  }
0x204: {  	v4 =	vadd.f32 v59, v11;
	v7 =	vcvt.f32.s32 v45;
	vm13 =	vlt.s32 v27, $0x1F  }
0x205: {  	vm4 =	vlt.s32 v29, $0x1F;
	vm14 =	vlt.s32 v46, $0x1F;
	v49 =	vnsel vm13, $0x1F, v27  }
0x206: {  	v9 =	vnsel vm14, $0x1F, v46;
	vm15 =	vlt.s32 v7, $0x1F;
	v27 =	vmul.u32 $0x21, v49  }
0x207: {  	vm5 =	vlt.s32 v55, $0x1F;
	v7 =	vnsel vm15, $0x1F, v7;
	v50 =	vmul.u32 $0x441, v9  }
0x208: {  	v43 =	vadd.f32 v4, v63;
	v41 =	vnsel vm4, $0x1F, v29;
	v53 =	vadd.s32 v7, v27  }
0x209: {  	v42 =	vnsel vm5, $0x1F, v55;
	v4 =	vadd.f32 v10, v51;
	v27 =	vadd.s32 v50, v53  }
0x20a: {  	v44 =	vld.idx.msk [tilespmem:v58+s4+$0x0], $0xffff;
	v57 =	vcvt.s32.f32 v49;
	v9 =	vcvt.s32.f32 v9;
	v56 =	vadd.s32 $0x1, v27  }
0x20b: {  	v45 =	vcvt.s32.f32 v42;
	v7 =	vcvt.s32.f32 v7;
	v58 =	vadd.s32 $0x21, v27  }
0x20c: {  	v5 =	vsub.f32 v62, v57;
	v9 =	vsub.f32 v12, v9;
	v33 =	vadd.s32 $0x22, v27  }
0x20d: {  	v42 =	vmul.u32 $0x441, v42;
	v59 =	vadd.s32 $0x441, v27;
	v11 =	vsub.f32 v19, v7  }
0x20e: {  	[tilespmem:$0x1FFF0] =	vst v43;
	v62 =	vadd.s32 $0x442, v27;
	v29 =	vsub.f32 $1.000000000e+00, v5;
	v63 =	vsub.f32 $1.000000000e+00, v9;
	v43 =	vld.idx.msk [tilespmem:v27+s4+$0x0], $0xffff  }
0x20f: {  	[tilespmem:$0x1FFE0] =	vst v0;
	v39 =	vmul.f32 v44, v18;
	v44 =	vcvt.s32.f32 v41;
	v0 =	vadd.s32 $0x462, v27;
	v28 =	vld.idx.msk [tilespmem:v56+s4+$0x0], $0xffff  }
0x210: {  	v1 =	vadd.s32 $0x463, v27;
	v19 =	vsub.f32 $1.000000000e+00, v11;
	v53 =	vmul.f32 v63, v29;
	v47 =	vld.idx.msk [tilespmem:v58+s4+$0x0], $0xffff  }
0x211: {  	v46 =	vadd.f32 v13, v14;
	v57 =	vmul.f32 v9, v5;
	v54 =	vmul.f32 v63, v5;
	v55 =	vld.idx.msk [tilespmem:v33+s4+$0x0], $0xffff  }
0x212: {  	v25 =	vsub.f32 v25, v44;
	v34 =	vmul.f32 v53, v19;
	v35 =	vmul.f32 v53, v11;
	v12 =	vld.idx.msk [tilespmem:v59+s4+$0x0], $0xffff  }
0x213: {  	[tilespmem:$0x1FFA0] =	vst v30;
	v41 =	vmul.u32 $0x21, v41;
	v36 =	vmul.f32 v54, v19;
	v56 =	vmul.f32 v9, v29;
	v58 =	vld.idx.msk [tilespmem:v62+s4+$0x0], $0xffff  }
0x214: {  	v17 =	vmovc v32;
	v32 =	vmul.f32 v57, v19;
	v53 =	vsub.f32 $1.000000000e+00, v25;
	v29 =	vmul.f32 v54, v11;
	v59 =	vld.idx.msk [tilespmem:v0+s4+$0x0], $0xffff  }
0x215: {  	v62 =	vld.idx.msk [tilespmem:v1+s4+$0x0], $0xffff;
	v33 =	vmul.f32 v57, v11;
	v30 =	vmul.f32 v56, v19;
	v19 =	vsub.f32 v23, v45  }
0x216: {  	v7 =	vadd.s32 $0x90C3, v20;
	v31 =	vmul.f32 v56, v11;
	v63 =	vmul.f32 v34, v43  }
0x217: {  	v15 =	vmovc v26;
	v5 =	vadd.f32 v6, v2;
	v26 =	vmul.f32 v19, v53;
	v0 =	vmul.f32 v35, v28  }
0x218: {  	v9 =	vadd.s32 $0x90C4, v20;
	v1 =	vmul.f32 v36, v47;
	v2 =	vmul.f32 v29, v55  }
0x219: {  	v56 =	vadd.s32 $0x8C61, v27;
	v12 =	vmul.f32 v30, v12;
	v6 =	vmul.f32 v31, v58  }
0x21a: {  	v54 =	vsub.f32 $1.000000000e+00, v19;
	v44 =	vmul.f32 v59, v32;
	v10 =	vmul.f32 v62, v33  }
0x21b: {  	v57 =	vld [tilespmem:s21+$0x3F0];
	v49 =	vmul.f32 v19, v25;
	v11 =	vadd.f32 v0, v63;
	v45 =	vadd.f32 v2, v1  }
0x21c: {  	v19 =	vadd.s32 $0x90A3, v27;
	v55 =	vld [tilespmem:s21+$0xFFFFFFF0];
	v6 =	vadd.f32 v6, v12;
	v10 =	vadd.f32 v10, v44  }
0x21d: {  	v28 =	vadd.f32 v39, v37;
	v47 =	vnsel vm6, $0x1F, v40;
	v58 =	vadd.s32 $0x8C62, v27;
	v59 =	vld [tilespmem:s21+$0xFFFFFBF0]  }
0x21e: {  	v62 =	vadd.s32 $0x8C82, v27;
	v11 =	vadd.f32 v45, v11;
	v6 =	vadd.f32 v10, v6  }
0x21f: {  	v9 =	vld.idx.msk [tilespmem:v9+s4+$0x0], $0xffff;
	v52 =	vcvt.s32.f32 v47;
	v23 =	vmul.f32 v54, v25;
	v14 =	vadd.s32 v47, v41  }
0x220: {  	v63 =	vadd.s32 $0x8C83, v27;
	v0 =	vmul.f32 $3.200000000e+01, v57;
	v6 =	vadd.f32 v6, v11  }
0x221: {  	v1 =	vadd.s32 $0x90A2, v27;
	v10 =	vmul.f32 v54, v53;
	v24 =	vmul.f32 $3.200000000e+01, v55  }
0x222: {  	v48 =	vsub.f32 v21, v52;
	v40 =	vtrunc.f32 v0;
	v21 =	vmul.f32 $3.200000000e+01, v59;
	[tilespmem:s19+$0xFFFFFBE0] =	vst v6  }
0x223: {  	v57 =	vadd.s32 $0x90C4, v27;
	v40 =	vcvt.f32.s32 v40;
	v2 =	vtrunc.f32 v24;
	v13 =	vld.idx.msk [tilespmem:v56+s4+$0x0], $0xffff  }
0x224: {  	v55 =	vadd.s32 $0x90C3, v27;
	v9 =	vmul.f32 v9, v60;
	v37 =	vcvt.f32.s32 v2;
	v12 =	vld.idx.msk [tilespmem:v58+s4+$0x0], $0xffff  }
0x225: {  	vm8 =	vlt.s32 v40, $0x1F;
	v6 =	vadd.s32 v42, v14;
	v11 =	vld.idx.msk [tilespmem:v62+s4+$0x0], $0xffff;
	v56 =	vtrunc.f32 v21  }
0x226: {  	v40 =	vnsel vm8, $0x1F, v40;
	v54 =	vld.idx.msk [tilespmem:v63+s4+$0x0], $0xffff;
	v43 =	vcvt.f32.s32 v56;
	vm7 =	vlt.s32 v37, $0x1F  }
0x227: {  	v25 =	vld.idx.msk [tilespmem:v1+s4+$0x0], $0xffff;
	v59 =	vmul.u32 $0x441, v40;
	v40 =	vcvt.s32.f32 v40;
	v58 =	vnsel vm7, $0x1F, v37  }
0x228: {  	v50 =	vadd.s32 $0x1, v6;
	vm9 =	vlt.s32 v43, $0x1F;
	v37 =	vmul.u32 $0x21, v58  }
0x229: {  	v51 =	vadd.s32 $0x21, v6;
	v39 =	vld.idx.msk [tilespmem:v19+s4+$0x0], $0xffff;
	v14 =	vsub.f32 v0, v40;
	v43 =	vnsel vm9, $0x1F, v43  }
0x22a: {  	v42 =	vld.idx.msk [tilespmem:v55+s4+$0x0], $0xffff;
	v1 =	vcvt.s32.f32 v58;
	v13 =	vmul.f32 v13, v34;
	v37 =	vadd.s32 v43, v37  }
0x22b: {  	v12 =	vmul.f32 v12, v35;
	v11 =	vmul.f32 v11, v36;
	v37 =	vadd.s32 v59, v37  }
0x22c: {  	v41 =	vmul.f32 v54, v29;
	v25 =	vmul.f32 v25, v30;
	v62 =	vadd.s32 $0x1, v37  }
0x22d: {  	v63 =	vld.idx.msk [tilespmem:v57+s4+$0x0], $0xffff;
	v43 =	vcvt.s32.f32 v43;
	v24 =	vsub.f32 v24, v1;
	v2 =	vadd.s32 $0x21, v37  }
0x22e: {  	v39 =	vmul.f32 v39, v31;
	v1 =	vsub.f32 $1.000000000e+00, v14;
	v47 =	vadd.s32 $0x22, v37  }
0x22f: {  	v42 =	vmul.f32 v42, v32;
	v59 =	vadd.s32 $0x22, v6;
	v19 =	vadd.s32 $0x441, v37  }
0x230: {  	v12 =	vadd.f32 v12, v13;
	v21 =	vsub.f32 v21, v43;
	v0 =	vadd.s32 $0x442, v37;
	v52 =	vld.idx.msk [tilespmem:v37+s4+$0x0], $0xffff  }
0x231: {  	v44 =	vsub.f32 $1.000000000e+00, v24;
	v54 =	vadd.s32 $0x462, v37;
	v53 =	vmul.f32 v1, v24;
	v13 =	vld.idx.msk [tilespmem:v62+s4+$0x0], $0xffff  }
0x232: {  	v11 =	vadd.f32 v41, v11;
	v41 =	vmul.f32 v63, v33;
	v56 =	vadd.s32 $0x463, v37;
	v55 =	vld.idx.msk [tilespmem:v2+s4+$0x0], $0xffff  }
0x233: {  	v57 =	vsub.f32 $1.000000000e+00, v21;
	v43 =	vmul.f32 v53, v21;
	v2 =	vmul.f32 v1, v44;
	v58 =	vld.idx.msk [tilespmem:v47+s4+$0x0], $0xffff  }
0x234: {  	v25 =	vadd.f32 v39, v25;
	v62 =	vmul.f32 v14, v44;
	v14 =	vmul.f32 v14, v24;
	v24 =	vld.idx.msk [tilespmem:v19+s4+$0x0], $0xffff  }
0x235: {  	v11 =	vadd.f32 v11, v12;
	v45 =	vmul.f32 v53, v57;
	v63 =	vld.idx.msk [tilespmem:v0+s4+$0x0], $0xffff;
	v19 =	vadd.f32 v41, v42  }
0x236: {  	v53 =	vld.idx.msk [tilespmem:v54+s4+$0x0], $0xffff;
	v54 =	vadd.s32 $0x441, v6;
	v47 =	vmul.f32 v2, v57;
	v44 =	vmul.f32 v2, v21  }
0x237: {  	v12 =	vld.idx.msk [tilespmem:v56+s4+$0x0], $0xffff;
	v56 =	vadd.s32 $0x462, v6;
	v39 =	vmul.f32 v62, v57;
	v40 =	vmul.f32 v62, v21  }
0x238: {  	v41 =	vmul.f32 v14, v57;
	v42 =	vmul.f32 v14, v21;
	v21 =	vadd.s32 $0x442, v6  }
0x239: {  	v50 =	vld.idx.msk [tilespmem:v50+s4+$0x0], $0xffff;
	v0 =	vadd.f32 v19, v25;
	v57 =	vmul.f32 v47, v52;
	v13 =	vmul.f32 v44, v13  }
0x23a: {  	v51 =	vld.idx.msk [tilespmem:v51+s4+$0x0], $0xffff;
	v52 =	vadd.s32 $0x463, v6;
	v19 =	vmul.f32 v45, v55;
	v62 =	vmul.f32 v43, v58  }
0x23b: {  	v14 =	vld.idx.msk [tilespmem:v7+s4+$0x0], $0xffff;
	v0 =	vadd.f32 v0, v11;
	v1 =	vmul.f32 v39, v24;
	v2 =	vmul.f32 v40, v63  }
0x23c: {  	v55 =	vld.idx.msk [tilespmem:v6+s4+$0x0], $0xffff;
	v53 =	vmul.f32 v53, v41;
	v12 =	vmul.f32 v12, v42;
	v7 =	vadd.f32 v13, v57  }
0x23d: {  	v58 =	vld.idx.msk [tilespmem:v59+s4+$0x0], $0xffff;
	v63 =	vadd.s32 $0x118E3, v27;
	v25 =	vadd.f32 v62, v19;
	v13 =	vadd.f32 v2, v1  }
0x23e: {  	v54 =	vld.idx.msk [tilespmem:v54+s4+$0x0], $0xffff;
	v57 =	vsub.f32 $1.000000000e+00, v48;
	v12 =	vadd.f32 v12, v53;
	v53 =	vadd.s32 $0x118C2, v27  }
0x23f: {  	v24 =	vmul.f32 v10, v48;
	v19 =	vadd.s32 $0x118C3, v27;
	v21 =	vld.idx.msk [tilespmem:v21+s4+$0x0], $0xffff;
	v1 =	vadd.s32 $0x11D25, v27  }
0x240: {  	v62 =	vadd.f32 v25, v7;
	v7 =	vmul.f32 v10, v57;
	v13 =	vadd.f32 v12, v13;
	v10 =	vld.idx.msk [tilespmem:v56+s4+$0x0], $0xffff  }
0x241: {  	[tilespmem:s19+$0xFFFFFFE0] =	vst v0;
	v11 =	vmul.f32 v23, v57;
	v56 =	vadd.s32 $0x118E4, v27;
	v25 =	vmul.f32 v23, v48;
	v2 =	vld.idx.msk [tilespmem:v52+s4+$0x0], $0xffff  }
0x242: {  	v23 =	vmul.f32 v26, v57;
	v12 =	vmul.f32 v49, v57;
	v57 =	vadd.s32 $0x11D04, v27;
	v63 =	vld.idx.msk [tilespmem:v63+s4+$0x0], $0xffff  }
0x243: {  	v50 =	vmul.f32 v24, v50;
	v52 =	vadd.s32 $0x11D03, v27;
	v26 =	vmul.f32 v26, v48;
	v53 =	vld.idx.msk [tilespmem:v53+s4+$0x0], $0xffff  }
0x244: {  	v55 =	vmul.f32 v7, v55;
	v51 =	vmul.f32 v11, v51;
	v59 =	vld.idx.msk [tilespmem:v19+s4+$0x0], $0xffff;
	v19 =	vadd.s32 $0x11D24, v27  }
0x245: {  	v58 =	vmul.f32 v25, v58;
	v13 =	vadd.f32 v13, v62;
	v62 =	vadd.s32 $0x90A2, v37;
	v1 =	vld.idx.msk [tilespmem:v1+s4+$0x0], $0xffff  }
0x246: {  	v27 =	vmul.f32 v49, v48;
	v48 =	vadd.f32 v50, v55;
	v50 =	vadd.s32 $0x8C61, v37;
	v49 =	vld.idx.msk [tilespmem:v56+s4+$0x0], $0xffff  }
0x247: {  	v54 =	vmul.f32 v23, v54;
	v21 =	vmul.f32 v26, v21;
	v56 =	vld.idx.msk [tilespmem:v57+s4+$0x0], $0xffff;
	v57 =	vadd.s32 $0x8C82, v37  }
0x248: {  	v55 =	vadd.s32 $0x8C62, v37;
	v52 =	vld.idx.msk [tilespmem:v52+s4+$0x0], $0xffff;
	v10 =	vmul.f32 v10, v12;
	v2 =	vmul.f32 v2, v27  }
0x249: {  	v51 =	vadd.f32 v58, v51;
	v58 =	vadd.s32 $0x8C83, v37;
	[tilespmem:s19+$0xFFFFFBF0] =	vst v13;
	v0 =	vld.idx.msk [tilespmem:v19+s4+$0x0], $0xffff;
	v19 =	vmul.f32 v14, v16  }
0x24a: {  	v21 =	vadd.f32 v21, v54;
	v2 =	vadd.f32 v2, v10;
	v16 =	vadd.s32 $0x90A3, v37;
	v14 =	vld.idx.msk [tilespmem:v62+s4+$0x0], $0xffff  }
0x24b: {  	v10 =	vld.idx.msk [tilespmem:v50+s4+$0x0], $0xffff;
	v9 =	vadd.f32 v9, v19;
	v19 =	vadd.s32 $0x90C3, v37  }
0x24c: {  	v13 =	vadd.f32 v46, v38;
	v2 =	vadd.f32 v2, v21;
	v21 =	vld.idx.msk [tilespmem:v57+s4+$0x0], $0xffff;
	v57 =	vadd.s32 $0x90C4, v37  }
0x24d: {  	v48 =	vadd.f32 v51, v48;
	v35 =	vmul.f32 v59, v35;
	v59 =	vadd.s32 $0x11D24, v22;
	v38 =	vld.idx.msk [tilespmem:v55+s4+$0x0], $0xffff  }
0x24e: {  	v36 =	vmul.f32 v63, v36;
	v34 =	vmul.f32 v53, v34;
	v22 =	vadd.s32 $0x11D25, v22;
	v58 =	vld.idx.msk [tilespmem:v58+s4+$0x0], $0xffff  }
0x24f: {  	v63 =	vadd.s32 $0x8C61, v6;
	v1 =	vmul.f32 v1, v33;
	v29 =	vmul.f32 v49, v29;
	v62 =	vld.idx.msk [tilespmem:v16+s4+$0x0], $0xffff  }
0x250: {  	v51 =	vadd.s32 $0x8C82, v6;
	v30 =	vmul.f32 v52, v30;
	v31 =	vmul.f32 v56, v31;
	v16 =	vld.idx.msk [tilespmem:v19+s4+$0x0], $0xffff  }
0x251: {  	v34 =	vadd.f32 v35, v34;
	v2 =	vadd.f32 v2, v48;
	v0 =	vmul.f32 v0, v32;
	v19 =	vld.idx.msk [tilespmem:v57+s4+$0x0], $0xffff  }
0x252: {  	v52 =	vadd.s32 $0x8C62, v6;
	v29 =	vadd.f32 v29, v36;
	v30 =	vadd.f32 v31, v30;
	v50 =	vld.idx.msk [tilespmem:v59+s4+$0x0], $0xffff  }
0x253: {  	v22 =	vld.idx.msk [tilespmem:v22+s4+$0x0], $0xffff;
	v14 =	vmul.f32 v14, v39;
	v10 =	vmul.f32 v10, v47;
	v0 =	vadd.f32 v1, v0  }
0x254: {  	[tilespmem:s19+$0xFFFFFC50] =	vst v2;
	v54 =	vadd.f32 v29, v34;
	v55 =	vmul.f32 v38, v44;
	v56 =	vmul.f32 v58, v43  }
0x255: {  	v63 =	vld.idx.msk [tilespmem:v63+s4+$0x0], $0xffff;
	v21 =	vmul.f32 v21, v45;
	v0 =	vadd.f32 v0, v30;
	v57 =	vmul.f32 v62, v40  }
0x256: {  	v2 =	vld.idx.msk [tilespmem:v51+s4+$0x0], $0xffff;
	v10 =	vadd.f32 v55, v10;
	v58 =	vmul.f32 v16, v41;
	v59 =	vmul.f32 v19, v42  }
0x257: {  	v21 =	vadd.f32 v56, v21;
	v62 =	vld [tilespmem:$0x1FF80];
	v0 =	vadd.f32 v0, v54  }
0x258: {  	v53 =	vadd.s32 $0x90A2, v6;
	v16 =	vld.idx.msk [tilespmem:v52+s4+$0x0], $0xffff;
	v14 =	vadd.f32 v57, v14;
	v1 =	vadd.f32 v59, v58  }
0x259: {  	v46 =	vadd.s32 $0x118E3, v20;
	v19 =	vadd.s32 $0x8C83, v6;
	v52 =	vld [tilespmem:$0x1FF90];
	[tilespmem:s19+$0x3E0] =	vst v0  }
0x25a: {  	v10 =	vadd.f32 v21, v10;
	v54 =	vadd.s32 $0x118C2, v37;
	v0 =	vld [tilespmem:s21+$0xFFFFFC60];
	v1 =	vadd.f32 v1, v14  }
0x25b: {  	v33 =	vadd.s32 $0x90A3, v6;
	v9 =	vadd.f32 v9, v28;
	v56 =	vadd.s32 $0x118C3, v37;
	v55 =	vld [tilespmem:s21+$0x60]  }
0x25c: {  	v49 =	vadd.s32 $0x118C3, v20;
	v57 =	vld [tilespmem:s21+$0x460];
	v58 =	vadd.s32 $0x118E3, v37;
	v1 =	vadd.f32 v1, v10  }
0x25d: {  	v48 =	vadd.s32 $0x118E4, v20;
	v35 =	vadd.f32 v9, v13;
	v9 =	vld.idx.msk [tilespmem:v53+s4+$0x0], $0xffff;
	v59 =	vadd.s32 $0x118E4, v37  }
0x25e: {  	v31 =	vmul.f32 v63, v7;
	v32 =	vmul.f32 v50, v62;
	v62 =	vadd.s32 $0x11D03, v37;
	v28 =	vld.idx.msk [tilespmem:v19+s4+$0x0], $0xffff;
	[tilespmem:s19+$0xFFFFFFF0] =	vst v1  }
0x25f: {  	v51 =	vadd.s32 $0x11D04, v37;
	v2 =	vmul.f32 v2, v11;
	v34 =	vmul.f32 v22, v52;
	v13 =	vld.idx.msk [tilespmem:v54+s4+$0x0], $0xffff  }
0x260: {  	v63 =	vadd.s32 $0x11D24, v37;
	v0 =	vmul.f32 $3.200000000e+01, v0;
	v14 =	vmul.f32 $3.200000000e+01, v55;
	v21 =	vld.idx.msk [tilespmem:v56+s4+$0x0], $0xffff  }
0x261: {  	v37 =	vadd.s32 $0x11D25, v37;
	v29 =	vmul.f32 v16, v24;
	v22 =	vmul.f32 $3.200000000e+01, v57;
	v10 =	vld.idx.msk [tilespmem:v58+s4+$0x0], $0xffff  }
0x262: {  	v36 =	vadd.s32 $0x11D04, v20;
	v16 =	vtrunc.f32 v0;
	v19 =	vtrunc.f32 v14;
	v30 =	vld.idx.msk [tilespmem:v59+s4+$0x0], $0xffff  }
0x263: {  	v38 =	vadd.s32 $0x11D03, v20;
	v1 =	vld.idx.msk [tilespmem:v62+s4+$0x0], $0xffff;
	v62 =	vtrunc.f32 v22;
	v53 =	vcvt.f32.s32 v16  }
0x264: {  	v29 =	vadd.f32 v29, v31;
	v51 =	vld.idx.msk [tilespmem:v51+s4+$0x0], $0xffff;
	v55 =	vcvt.f32.s32 v19;
	v57 =	vcvt.f32.s32 v62  }
0x265: {  	v54 =	vadd.s32 $0x90C3, v6;
	v56 =	vadd.s32 $0x90C4, v6;
	v52 =	vld.idx.msk [tilespmem:v63+s4+$0x0], $0xffff;
	v28 =	vmul.f32 v28, v25  }
0x266: {  	v37 =	vld.idx.msk [tilespmem:v37+s4+$0x0], $0xffff;
	vm10 =	vlt.s32 v53, $0x1F;
	vm11 =	vlt.s32 v55, $0x1F;
	vm12 =	vlt.s32 v57, $0x1F  }
0x267: {  	v55 =	vnsel vm11, $0x1F, v55;
	v13 =	vmul.f32 v13, v47;
	v21 =	vmul.f32 v21, v44  }
0x268: {  	v57 =	vnsel vm12, $0x1F, v57;
	v58 =	vcvt.s32.f32 v55;
	v10 =	vmul.f32 v10, v45  }
0x269: {  	v2 =	vadd.f32 v28, v2;
	v30 =	vmul.f32 v30, v43;
	v63 =	vcvt.s32.f32 v57  }
0x26a: {  	v16 =	vld.idx.msk [tilespmem:v33+s4+$0x0], $0xffff;
	v53 =	vnsel vm10, $0x1F, v53;
	v1 =	vmul.f32 v1, v39;
	v19 =	vmul.f32 v51, v40  }
0x26b: {  	v51 =	vld.idx.msk [tilespmem:v54+s4+$0x0], $0xffff;
	v54 =	vmul.u32 $0x21, v55;
	v55 =	vmul.f32 v52, v41;
	v37 =	vmul.f32 v37, v42  }
0x26c: {  	v57 =	vmul.u32 $0x441, v57;
	v13 =	vadd.f32 v21, v13;
	v10 =	vadd.f32 v30, v10  }
0x26d: {  	v59 =	vadd.s32 v53, v54;
	v1 =	vadd.f32 v19, v1;
	v62 =	vadd.f32 v37, v55  }
0x26e: {  	v47 =	vcvt.s32.f32 v53;
	v56 =	vld.idx.msk [tilespmem:v56+s4+$0x0], $0xffff;
	v14 =	vsub.f32 v14, v58;
	v33 =	vadd.s32 v57, v59  }
0x26f: {  	v9 =	vmul.f32 v9, v23;
	v10 =	vadd.f32 v10, v13;
	v1 =	vadd.f32 v62, v1  }
0x270: {  	v22 =	vsub.f32 v22, v63;
	v63 =	vmul.f32 v16, v26;
	v0 =	vsub.f32 v0, v47  }
0x271: {  	v50 =	vadd.s32 $0x118C2, v20;
	v19 =	vsub.f32 $1.000000000e+00, v14;
	v1 =	vadd.f32 v1, v10  }
0x272: {  	v52 =	vsub.f32 $1.000000000e+00, v22;
	v21 =	vadd.f32 v63, v9;
	v55 =	vadd.s32 $0x21, v33  }
0x273: {  	v44 =	vadd.s32 $0x11D24, v20;
	v16 =	vmul.f32 v51, v12;
	v51 =	vmul.f32 v56, v27;
	v40 =	vld.idx.msk [tilespmem:v33+s4+$0x0], $0xffff;
	[tilespmem:s19+$0x3F0] =	vst v1  }
0x274: {  	v53 =	vsub.f32 $1.000000000e+00, v0;
	v59 =	vmul.f32 v52, v19;
	v62 =	vmul.f32 v52, v14;
	v54 =	vld [tilespmem:s21+$0x70]  }
0x275: {  	v63 =	vmul.f32 v22, v19;
	v39 =	vadd.f32 v51, v16;
	v16 =	vadd.s32 $0x1, v33;
	v56 =	vld [tilespmem:s21+$0x470]  }
0x276: {  	v57 =	vadd.s32 $0x22, v33;
	v14 =	vmul.f32 v22, v14;
	v10 =	vmul.f32 v59, v53;
	v58 =	vld [tilespmem:s21+$0xFFFFFC70]  }
0x277: {  	v30 =	vmul.f32 v59, v0;
	v13 =	vmul.f32 v62, v53;
	v59 =	vadd.s32 $0x441, v33;
	v22 =	vld.idx.msk [tilespmem:v55+s4+$0x0], $0xffff  }
0x278: {  	v45 =	vadd.s32 $0x11D25, v20;
	v31 =	vmul.f32 v62, v0;
	v20 =	vmul.f32 v63, v53  }
0x279: {  	v28 =	vmul.f32 v63, v0;
	v9 =	vmul.f32 v14, v53;
	v62 =	vadd.s32 $0x442, v33  }
0x27a: {  	v2 =	vadd.f32 v2, v29;
	v29 =	vmul.f32 v14, v0;
	v63 =	vld.idx.msk [tilespmem:v16+s4+$0x0], $0xffff;
	v40 =	vmul.f32 v10, v40  }
0x27b: {  	v19 =	vld.idx.msk [tilespmem:v57+s4+$0x0], $0xffff;
	v16 =	vadd.s32 $0x462, v33;
	v14 =	vmul.f32 $3.200000000e+01, v54;
	v41 =	vmul.f32 $3.200000000e+01, v56  }
0x27c: {  	v21 =	vadd.f32 v39, v21;
	v1 =	vld.idx.msk [tilespmem:v59+s4+$0x0], $0xffff;
	v42 =	vmul.f32 $3.200000000e+01, v58;
	v22 =	vmul.f32 v13, v22  }
0x27d: {  	v57 =	vadd.s32 $0x463, v33;
	v56 =	vtrunc.f32 v14;
	v58 =	vtrunc.f32 v41  }
0x27e: {  	v59 =	vld.idx.msk [tilespmem:v62+s4+$0x0], $0xffff;
	v62 =	vtrunc.f32 v42;
	v43 =	vcvt.f32.s32 v56  }
0x27f: {  	v2 =	vadd.f32 v21, v2;
	v52 =	vcvt.f32.s32 v58;
	v0 =	vmul.f32 v30, v63  }
0x280: {  	v51 =	vcvt.f32.s32 v62;
	v37 =	vld.idx.msk [tilespmem:v16+s4+$0x0], $0xffff;
	v16 =	vmul.f32 v31, v19;
	vm13 =	vlt.s32 v43, $0x1F  }
0x281: {  	v1 =	vmul.f32 v20, v1;
	vm14 =	vlt.s32 v52, $0x1F;
	v43 =	vnsel vm13, $0x1F, v43  }
0x282: {  	v47 =	vld.idx.msk [tilespmem:v57+s4+$0x0], $0xffff;
	vm15 =	vlt.s32 v51, $0x1F;
	v52 =	vnsel vm14, $0x1F, v52;
	v63 =	vmul.u32 $0x21, v43  }
0x283: {  	[tilespmem:s19+$0x40] =	vst v35;
	v21 =	vmul.f32 v28, v59;
	v19 =	vnsel vm15, $0x1F, v51;
	v56 =	vmul.u32 $0x441, v52  }
0x284: {  	v49 =	vld.idx.msk [tilespmem:v49+s4+$0x0], $0xffff;
	v0 =	vadd.f32 v0, v40;
	v53 =	vadd.s32 v19, v63  }
0x285: {  	v46 =	vld.idx.msk [tilespmem:v46+s4+$0x0], $0xffff;
	v22 =	vadd.f32 v16, v22;
	v1 =	vadd.f32 v21, v1;
	v35 =	vadd.s32 v56, v53  }
0x286: {  	v48 =	vld.idx.msk [tilespmem:v48+s4+$0x0], $0xffff;
	v59 =	vcvt.s32.f32 v43;
	v62 =	vcvt.s32.f32 v52;
	v58 =	vadd.s32 $0x1, v35  }
0x287: {  	[tilespmem:s19+$0x50] =	vst v2;
	v2 =	vld.idx.msk [tilespmem:v45+s4+$0x0], $0xffff;
	v57 =	vmul.f32 v37, v9;
	v63 =	vmul.f32 v47, v29;
	v51 =	vadd.s32 $0x21, v35  }
0x288: {  	v14 =	vsub.f32 v14, v59;
	v53 =	vld.idx.msk [tilespmem:v36+s4+$0x0], $0xffff;
	v36 =	vsub.f32 v41, v62;
	v16 =	vadd.s32 $0x22, v35  }
0x289: {  	v52 =	vld.idx.msk [tilespmem:v38+s4+$0x0], $0xffff;
	v39 =	vcvt.s32.f32 v19;
	v40 =	vadd.s32 $0x441, v35;
	v21 =	vadd.f32 v63, v57  }
0x28a: {  	v38 =	vadd.s32 $0x442, v35;
	v19 =	vsub.f32 $1.000000000e+00, v14;
	v41 =	vsub.f32 $1.000000000e+00, v36;
	v54 =	vld.idx.msk [tilespmem:v35+s4+$0x0], $0xffff  }
0x28b: {  	v0 =	vadd.f32 v22, v0;
	v43 =	vsub.f32 v42, v39;
	v62 =	vadd.s32 $0x462, v35;
	v55 =	vld.idx.msk [tilespmem:v58+s4+$0x0], $0xffff  }
0x28c: {  	v22 =	vadd.s32 $0x463, v35;
	v1 =	vadd.f32 v21, v1;
	v63 =	vmul.f32 v41, v19;
	v21 =	vld.idx.msk [tilespmem:v51+s4+$0x0], $0xffff  }
0x28d: {  	v41 =	vmul.f32 v41, v14;
	v14 =	vmul.f32 v36, v14;
	v51 =	vsub.f32 $1.000000000e+00, v43;
	v47 =	vld.idx.msk [tilespmem:v16+s4+$0x0], $0xffff  }
0x28e: {  	v56 =	vadd.s32 $0x118C2, v6;
	v16 =	vmul.f32 v36, v19;
	v58 =	vld.idx.msk [tilespmem:v40+s4+$0x0], $0xffff;
	v37 =	vmul.f32 v63, v43  }
0x28f: {  	v0 =	vadd.f32 v1, v0;
	v1 =	vld.idx.msk [tilespmem:v38+s4+$0x0], $0xffff;
	v39 =	vmul.f32 v41, v43;
	v36 =	vmul.f32 v63, v51  }
0x290: {  	v19 =	vadd.s32 $0x8C61, v33;
	v62 =	vld.idx.msk [tilespmem:v62+s4+$0x0], $0xffff;
	v38 =	vmul.f32 v41, v51;
	v40 =	vmul.f32 v16, v51  }
0x291: {  	v22 =	vld.idx.msk [tilespmem:v22+s4+$0x0], $0xffff;
	v41 =	vmul.f32 v16, v43;
	v63 =	vadd.s32 $0x8C62, v33;
	v42 =	vmul.f32 v14, v51  }
0x292: {  	v43 =	vmul.f32 v14, v43;
	v14 =	vld.idx.msk [tilespmem:v44+s4+$0x0], $0xffff;
	v44 =	vadd.s32 $0x8C82, v33;
	v45 =	vmul.f32 v36, v54  }
0x293: {  	v50 =	vld.idx.msk [tilespmem:v50+s4+$0x0], $0xffff;
	v16 =	vadd.s32 $0x90A2, v33;
	v51 =	vmul.f32 v37, v55;
	v21 =	vmul.f32 v38, v21  }
0x294: {  	[tilespmem:s19+$0xFFFFFC60] =	vst v0;
	v0 =	vld.idx.msk [tilespmem:v56+s4+$0x0], $0xffff;
	v54 =	vadd.s32 $0x8C83, v33;
	v47 =	vmul.f32 v39, v47;
	v58 =	vmul.f32 v40, v58  }
0x295: {  	v56 =	vld.idx.msk [tilespmem:v19+s4+$0x0], $0xffff;
	v1 =	vmul.f32 v41, v1;
	v19 =	vadd.s32 $0x90A3, v33;
	v62 =	vmul.f32 v62, v42  }
0x296: {  	v22 =	vmul.f32 v22, v43;
	v57 =	vld.idx.msk [tilespmem:v63+s4+$0x0], $0xffff;
	v63 =	vadd.s32 $0x90C3, v33;
	v45 =	vadd.f32 v51, v45  }
0x297: {  	v21 =	vadd.f32 v47, v21;
	v44 =	vld.idx.msk [tilespmem:v44+s4+$0x0], $0xffff;
	v47 =	vadd.s32 $0x90C4, v33;
	v1 =	vadd.f32 v1, v58  }
0x298: {  	v22 =	vadd.f32 v22, v62;
	v62 =	vadd.f32 v34, v32;
	v32 =	vld.idx.msk [tilespmem:v16+s4+$0x0], $0xffff;
	v34 =	vadd.s32 $0x118E3, v6  }
0x299: {  	v3 =	vadd.f32 v3, v8;
	v51 =	vld.idx.msk [tilespmem:v54+s4+$0x0], $0xffff;
	v54 =	vadd.s32 $0x118C3, v6  }
0x29a: {  	v58 =	vadd.s32 $0x8C61, v35;
	v21 =	vadd.f32 v21, v45;
	v1 =	vadd.f32 v22, v1;
	v45 =	vld.idx.msk [tilespmem:v19+s4+$0x0], $0xffff  }
0x29b: {  	v4 =	vadd.f32 v5, v4;
	v59 =	vmul.f32 v49, v15;
	v55 =	vadd.s32 $0x8C62, v35;
	v49 =	vld.idx.msk [tilespmem:v63+s4+$0x0], $0xffff  }
0x29c: {  	v50 =	vmul.f32 v50, v61;
	v61 =	vadd.s32 $0x8C82, v35;
	v1 =	vadd.f32 v1, v21;
	v5 =	vld.idx.msk [tilespmem:v47+s4+$0x0], $0xffff  }
0x29d: {  	v34 =	vld.idx.msk [tilespmem:v34+s4+$0x0], $0xffff  }
0x29e: {  	v3 =	vadd.f32 v62, v3;
	v62 =	vadd.s32 $0x8C83, v35;
	[tilespmem:s19+$0xFFFFFC70] =	vst v1;
	v19 =	vld.idx.msk [tilespmem:v54+s4+$0x0], $0xffff  }
0x29f: {  	v16 =	vadd.s32 $0x90A2, v35;
	v22 =	vld.idx.msk [tilespmem:v58+s4+$0x0], $0xffff  }
0x2a0: {  	v63 =	vmul.f32 v56, v10;
	v56 =	vadd.s32 $0x90A3, v35;
	v55 =	vld.idx.msk [tilespmem:v55+s4+$0x0], $0xffff  }
0x2a1: {  	v8 =	vadd.f32 v59, v50;
	v59 =	vadd.s32 $0x118E4, v6;
	v15 =	vmul.f32 v57, v30;
	v21 =	vld.idx.msk [tilespmem:v61+s4+$0x0], $0xffff  }
0x2a2: {  	v44 =	vmul.f32 v44, v13;
	v57 =	vadd.s32 $0x90C3, v35;
	v51 =	vmul.f32 v51, v31;
	v61 =	vld [tilespmem:$0x1FFA0]  }
0x2a3: {  	v17 =	vmul.f32 v48, v17;
	v32 =	vmul.f32 v32, v20;
	v47 =	vld.idx.msk [tilespmem:v62+s4+$0x0], $0xffff  }
0x2a4: {  	v58 =	vadd.s32 $0x90C4, v35;
	v50 =	vadd.f32 v15, v63;
	v1 =	vld.idx.msk [tilespmem:v16+s4+$0x0], $0xffff;
	v44 =	vadd.f32 v51, v44  }
0x2a5: {  	v54 =	vadd.s32 $0x11D03, v6;
	v49 =	vmul.f32 v49, v9;
	v5 =	vmul.f32 v5, v29;
	v48 =	vld.idx.msk [tilespmem:v56+s4+$0x0], $0xffff  }
0x2a6: {  	v63 =	vadd.s32 $0x11D04, v6;
	v45 =	vmul.f32 v45, v28;
	v44 =	vadd.f32 v44, v50;
	v50 =	vld.idx.msk [tilespmem:v59+s4+$0x0], $0xffff  }
0x2a7: {  	v56 =	vadd.s32 $0x11D24, v6;
	v5 =	vadd.f32 v5, v49;
	v62 =	vmul.f32 v46, v61;
	v49 =	vld.idx.msk [tilespmem:v57+s4+$0x0], $0xffff  }
0x2a8: {  	v32 =	vadd.f32 v45, v32;
	v6 =	vadd.s32 $0x11D25, v6;
	v57 =	vld [tilespmem:$0x1FFB0]  }
0x2a9: {  	v59 =	vadd.s32 $0x118C2, v33;
	v61 =	vadd.s32 $0x118C3, v33;
	v16 =	vadd.f32 v17, v62;
	v17 =	vld.idx.msk [tilespmem:v58+s4+$0x0], $0xffff  }
0x2aa: {  	v45 =	vld.idx.msk [tilespmem:v54+s4+$0x0], $0xffff;
	v22 =	vmul.f32 v22, v36;
	v21 =	vmul.f32 v21, v38;
	v5 =	vadd.f32 v5, v32  }
0x2ab: {  	v46 =	vld.idx.msk [tilespmem:v63+s4+$0x0], $0xffff;
	v63 =	vadd.s32 $0x118E3, v33;
	v47 =	vmul.f32 v47, v39;
	v62 =	vmul.f32 v55, v37  }
0x2ac: {  	v1 =	vmul.f32 v1, v40;
	v58 =	vadd.s32 $0x11D03, v33;
	v32 =	vld.idx.msk [tilespmem:v56+s4+$0x0], $0xffff;
	v5 =	vadd.f32 v5, v44  }
0x2ad: {  	v48 =	vmul.f32 v48, v41;
	v6 =	vld.idx.msk [tilespmem:v6+s4+$0x0], $0xffff;
	v22 =	vadd.f32 v62, v22;
	v15 =	vmul.f32 v52, v57  }
0x2ae: {  	v62 =	vld [tilespmem:$0x1FFC0];
	v57 =	vadd.s32 $0x118E4, v33;
	v49 =	vmul.f32 v49, v42;
	[tilespmem:s19+$0x60] =	vst v5;
	v17 =	vmul.f32 v17, v43  }
0x2af: {  	v21 =	vadd.f32 v47, v21;
	v44 =	vld.idx.msk [tilespmem:v59+s4+$0x0], $0xffff;
	v59 =	vadd.s32 $0x11D04, v33  }
0x2b0: {  	v1 =	vadd.f32 v48, v1;
	v48 =	vld.idx.msk [tilespmem:v61+s4+$0x0], $0xffff;
	v61 =	vadd.s32 $0x11D24, v33;
	v17 =	vadd.f32 v17, v49  }
0x2b1: {  	v2 =	vmul.f32 v2, v60;
	v51 =	vld.idx.msk [tilespmem:v63+s4+$0x0], $0xffff;
	v33 =	vadd.s32 $0x11D25, v33  }
0x2b2: {  	v21 =	vadd.f32 v21, v22;
	v63 =	vadd.s32 $0x118C2, v35;
	v5 =	vld.idx.msk [tilespmem:v58+s4+$0x0], $0xffff;
	v1 =	vadd.f32 v17, v1  }
0x2b3: {  	v18 =	vmul.f32 v53, v18;
	v0 =	vmul.f32 v0, v7;
	v52 =	vadd.s32 $0x118C3, v35;
	v22 =	vld.idx.msk [tilespmem:v57+s4+$0x0], $0xffff  }
0x2b4: {  	v3 =	vadd.f32 v3, v4;
	v54 =	vadd.s32 $0x118E3, v35;
	v53 =	vld.idx.msk [tilespmem:v59+s4+$0x0], $0xffff;
	v1 =	vadd.f32 v1, v21  }
0x2b5: {  	v11 =	vmul.f32 v34, v11;
	v56 =	vadd.s32 $0x118E4, v35;
	v8 =	vadd.f32 v16, v8;
	v55 =	vld.idx.msk [tilespmem:v61+s4+$0x0], $0xffff  }
0x2b6: {  	v12 =	vmul.f32 v32, v12;
	v32 =	vadd.s32 $0x11D25, v35;
	v14 =	vmul.f32 v14, v62;
	v58 =	vld.idx.msk [tilespmem:v33+s4+$0x0], $0xffff;
	[tilespmem:s19+$0x70] =	vst v1  }
0x2b7: {  	v60 =	vmul.f32 v50, v25;
	v6 =	vmul.f32 v6, v27;
	v59 =	vadd.s32 $0x11D03, v35;
	v17 =	vld.idx.msk [tilespmem:v63+s4+$0x0], $0xffff  }
0x2b8: {  	v57 =	vmul.f32 v19, v24;
	v2 =	vadd.f32 v2, v14;
	v61 =	vadd.s32 $0x11D04, v35;
	v14 =	vld.idx.msk [tilespmem:v52+s4+$0x0], $0xffff  }
0x2b9: {  	v23 =	vmul.f32 v45, v23;
	v15 =	vadd.f32 v18, v15;
	v63 =	vadd.s32 $0x11D24, v35;
	v18 =	vld.idx.msk [tilespmem:v54+s4+$0x0], $0xffff  }
0x2ba: {  	v62 =	vmul.f32 v46, v26;
	v6 =	vadd.f32 v6, v12;
	v0 =	vadd.f32 v57, v0;
	v34 =	vld.idx.msk [tilespmem:v56+s4+$0x0], $0xffff  }
0x2bb: {  	v33 =	vadd.f32 v60, v11;
	v45 =	vmul.f32 v44, v10;
	v46 =	vmul.f32 v48, v30;
	v50 =	vld.idx.msk [tilespmem:v32+s4+$0x0], $0xffff  }
0x2bc: {  	v13 =	vmul.f32 v51, v13;
	v5 =	vmul.f32 v5, v20;
	v2 =	vadd.f32 v2, v15;
	v1 =	vld.idx.msk [tilespmem:v59+s4+$0x0], $0xffff  }
0x2bd: {  	v0 =	vadd.f32 v33, v0;
	v7 =	vadd.f32 v46, v45;
	v48 =	vmul.f32 v22, v31;
	v47 =	vld.idx.msk [tilespmem:v61+s4+$0x0], $0xffff  }
0x2be: {  	v2 =	vadd.f32 v2, v8;
	v35 =	vadd.f32 v62, v23;
	v4 =	vmul.f32 v53, v28;
	v49 =	vld.idx.msk [tilespmem:v63+s4+$0x0], $0xffff  }
0x2bf: {  	v51 =	vmul.f32 v55, v9;
	v52 =	vmul.f32 v58, v29;
	v13 =	vadd.f32 v48, v13  }
0x2c0: {  	v57 =	vld [tilespmem:$0x1FFD0];
	v6 =	vadd.f32 v6, v35;
	v53 =	vmul.f32 v17, v36;
	v14 =	vmul.f32 v14, v37  }
0x2c1: {  	v60 =	vld [tilespmem:$0x1FFF0];
	v4 =	vadd.f32 v4, v5;
	v54 =	vmul.f32 v18, v38;
	v11 =	vmul.f32 v34, v39  }
0x2c2: {  	v0 =	vadd.f32 v6, v0;
	v8 =	vmul.f32 v50, v43;
	v1 =	vmul.f32 v1, v40  }
0x2c3: {  	v58 =	vld [tilespmem:$0x1FFE0];
	v6 =	vadd.f32 v52, v51;
	v55 =	vmul.f32 v47, v41;
	v56 =	vmul.f32 v49, v42  }
0x2c4: {  	[tilespmem:s19+$0x430] =	vst v3;
	v10 =	vadd.f32 v14, v53;
	v11 =	vadd.f32 v11, v54  }
0x2c5: {  	s18 =	sadd.s32 $0x8, s18;
	[tilespmem:s19+$0x400] =	vst v57;
	v1 =	vadd.f32 v55, v1;
	v59 =	vadd.f32 v8, v56  }
0x2c6: {  	p1 =	slt.u32 s18, $0x18;
	[tilespmem:s19+$0x420] =	vst v60;
	v7 =	vadd.f32 v13, v7;
	v4 =	vadd.f32 v6, v4  }
.Ltmp0:
0x2c7: {  	[tilespmem:s19+$0x440] =	vst v2;
	v61 =	vadd.f32 v11, v10;
	v1 =	vadd.f32 v59, v1;
	(pc) =	sbr.rel @p1 .LBB2_3-.Ltmp0, $4  }
0x2c8: {  	[tilespmem:s19+$0x410] =	vst v58;
	v62 =	vadd.f32 v4, v7  }
0x2c9: {  	[tilespmem:s19+$0x450] =	vst v0;
	v63 =	vadd.f32 v1, v61  }
0x2ca: {  	[tilespmem:s19+$0x460] =	vst v62  }
0x2cb: {  	s21 =	sadd.s32 $0x100, s21;
	[tilespmem:s19+$0x470] =	vst v63;
	s19 =	sadd.s32 $0x100, s19  }
0x2cc: {  	s3 =	sshrl.u32 s3, $0x3  }
0x2cd: {  	s19 =	sshrl.u32 s15, $0x3;
	s3 =	sadd.s32 s2, s3  }
0x2ce: {  	[hbm4b:s3+s16] =	stream.strided.scatter [tilespmem:s25], [sflag:$0x3], $0x400, s17, s16, $0x38;
	[tilespmem:$0x1D580] =	vst v63  }
0x2cf: {  	s21 =	sshrl.u32 s14, $0x3;
	s3 =	sadd.s32 s2, s19  }
0x2d0: {  	[hbm4b:s3+s16] =	stream.strided.scatter [tilespmem:s26], [sflag:$0x3], $0x400, s17, s16, $0x38;
	[tilespmem:$0x1D580] =	vst v63  }
0x2d1: {  	p1 =	seq.s32 s12, $0x1F;
	s3 =	sadd.s32 s2, s21  }
0x2d2: {  	[hbm4b:s3+s16] =	stream.strided.scatter [tilespmem:s28], [sflag:$0x3], $0x400, s17, s16, $0x38;
	[tilespmem:$0x1D580] =	vst v63  }
0x2d3: {  	s3 =	sadd.s32 @!p1 $0x4, s13  }
0x2d4: {  	s13 =	sadd.s32 @!p1 s7, s3  }
0x2d5: {  	s13 =	sshll.u32 @!p1 s13, $0x9  }
0x2d6: {  	s3 =	sshll.u32 @!p1 s3, $0x7;
	s13 =	sand.u32 @!p1 $0x7F000, s13  }
0x2d7: {  	s3 =	sand.u32 @!p1 $0x200, s3;
	s14 =	sadd.s32 @!p1 s5, s13  }
0x2d8: {  	s14 =	sor.u32 @!p1 s3, s14  }
0x2d9: {  	s15 =	simm.s32 @!p1 $0x100;
	s14 =	sshrl.u32 @!p1 s14, $0x3  }
0x2da: {  	s18 =	simm.s32 @!p1 $0x400;
	s19 =	simm.s32 @!p1 $0x1A580;
	s14 =	sadd.s32 @!p1 s1, s14  }
0x2db: {  	[tilespmem:s19], [sflag:$0x1] =	stream.strided.gather @!p1 [hbm4b:s14+s15], $0x400, s18, s15, $0x38;
	[tilespmem:$0x1D580] =	vst v63  }
0x2dc: {  	s14 =	sadd.s32 @!p1 s9, s13  }
0x2dd: {  	s13 =	sadd.s32 @!p1 s10, s13;
	s14 =	sor.u32 @!p1 s3, s14  }
0x2de: {  	s3 =	sor.u32 @!p1 s3, s13;
	s14 =	sshrl.u32 @!p1 s14, $0x3  }
0x2df: {  	s19 =	simm.s32 @!p1 $0x1A980;
	s3 =	sshrl.u32 @!p1 s3, $0x3;
	s14 =	sadd.s32 @!p1 s1, s14  }
0x2e0: {  	[tilespmem:s19], [sflag:$0x1] =	stream.strided.gather @!p1 [hbm4b:s14+s15], $0x400, s18, s15, $0x38;
	[tilespmem:$0x1D580] =	vst v63  }
0x2e1: {  	s13 =	simm.s32 @!p1 $0x1AD80;
	s3 =	sadd.s32 @!p1 s1, s3  }
0x2e2: {  	[tilespmem:s13], [sflag:$0x1] =	stream.strided.gather @!p1 [hbm4b:s3+s15], $0x400, s18, s15, $0x38;
	[tilespmem:$0x1D580] =	vst v63  }
0x2e3: {  	_ =	swait.ge [sflag:s29], $0x400  }
0x2e4: {  	[sflag:s29] =	ssyncset.done $0x0  }
0x2e5: {  	[sflag:s29] =	ssyncadd.s32 $0xFFFFFC00  }
0x2e6: {  	_ =	swait.ge [sflag:s29], $0x400  }
0x2e7: {  	[sflag:s29] =	ssyncset.done $0x0  }
0x2e8: {  	[sflag:s29] =	ssyncadd.s32 $0xFFFFFC00  }
0x2e9: {  	_ =	swait.ge [sflag:s29], $0x400  }
0x2ea: {  	[sflag:s29] =	ssyncset.done $0x0  }
0x2eb: {  	s3 =	simm.s32 @!p0 $0x4;
	[sflag:s29] =	ssyncadd.s32 $0xFFFFFC00  }
0x2ec: {  	_ =	swait.ge @!p0 [sflag:s3], $0x400  }
0x2ed: {  	[sflag:s3] =	ssyncset.done @!p0 $0x0  }
0x2ee: {  	[sflag:s3] =	ssyncadd.s32 @!p0 $0xFFFFFC00  }
0x2ef: {  	_ =	swait.ge @!p0 [sflag:s3], $0x400  }
0x2f0: {  	[sflag:s3] =	ssyncset.done @!p0 $0x0  }
0x2f1: {  	[sflag:s3] =	ssyncadd.s32 @!p0 $0xFFFFFC00  }
0x2f2: {  	_ =	swait.ge @!p0 [sflag:s3], $0x400  }
0x2f3: {  	s12 =	sadd.s32 $0x1, s12;
	s14 =	simm.s32 $0x1B600;
	[sflag:s3] =	ssyncset.done @!p0 $0x0  }
0x2f4: {  	s13 =	simm.s32 $0x1CE00;
	[sflag:s3] =	ssyncadd.s32 @!p0 $0xFFFFFC00;
	s3 =	simm.s32 $0xFFFFFFF8  }
.LBB2_5:
0x2f5: {  	v0 =	vld [tilespmem:s14+$0xFFFFFF80]  }
0x2f6: {  	v1 =	vld [tilespmem:s14+$0x380]  }
0x2f7: {  	v2 =	vld [tilespmem:s14+$0xFFFFFB80];
	_ =	sdelay $0x2  }
0x2f8: {  	v0 =	vmul.f32 $3.200000000e+01, v0  }
0x2f9: {  	v1 =	vmul.f32 $3.200000000e+01, v1  }
0x2fa: {  	v2 =	vmul.f32 $3.200000000e+01, v2;
	v3 =	vtrunc.f32 v0  }
0x2fb: {  	v4 =	vtrunc.f32 v1;
	v3 =	vcvt.f32.s32 v3  }
0x2fc: {  	v5 =	vtrunc.f32 v2;
	v4 =	vcvt.f32.s32 v4  }
0x2fd: {  	v5 =	vcvt.f32.s32 v5;
	vm0 =	vlt.s32 v3, $0x1F  }
0x2fe: {  	vm6 =	vlt.s32 v4, $0x1F;
	v3 =	vnsel vm0, $0x1F, v3  }
0x2ff: {  	vm1 =	vlt.s32 v5, $0x1F;
	v4 =	vnsel vm6, $0x1F, v4;
	v6 =	vmul.u32 $0x21, v3  }
0x300: {  	v5 =	vnsel vm1, $0x1F, v5;
	v7 =	vmul.u32 $0x441, v4  }
0x301: {  	v6 =	vadd.s32 v5, v6  }
0x302: {  	v6 =	vadd.s32 v7, v6  }
0x303: {  	v7 =	vadd.s32 $0x1, v6  }
0x304: {  	v3 =	vcvt.s32.f32 v3;
	v4 =	vcvt.s32.f32 v4;
	v8 =	vadd.s32 $0x21, v6  }
0x305: {  	v5 =	vcvt.s32.f32 v5;
	v9 =	vadd.s32 $0x22, v6  }
0x306: {  	v0 =	vsub.f32 v0, v3;
	v1 =	vsub.f32 v1, v4;
	v58 =	vadd.s32 $0x441, v6  }
0x307: {  	v2 =	vsub.f32 v2, v5;
	v60 =	vadd.s32 $0x442, v6;
	v59 =	vld.idx.msk [tilespmem:v6+s4+$0x0], $0xffff  }
0x308: {  	v10 =	vsub.f32 $1.000000000e+00, v0;
	v11 =	vsub.f32 $1.000000000e+00, v1;
	v12 =	vadd.s32 $0x462, v6;
	v7 =	vld.idx.msk [tilespmem:v7+s4+$0x0], $0xffff  }
0x309: {  	v13 =	vadd.s32 $0x463, v6;
	v8 =	vld.idx.msk [tilespmem:v8+s4+$0x0], $0xffff  }
0x30a: {  	v14 =	vsub.f32 $1.000000000e+00, v2;
	v15 =	vmul.f32 v11, v10;
	v11 =	vmul.f32 v11, v0;
	v9 =	vld.idx.msk [tilespmem:v9+s4+$0x0], $0xffff  }
0x30b: {  	v10 =	vmul.f32 v1, v10;
	v0 =	vmul.f32 v1, v0;
	v61 =	vld.idx.msk [tilespmem:v58+s4+$0x0], $0xffff  }
0x30c: {  	v62 =	vmul.f32 v15, v14;
	v15 =	vmul.f32 v15, v2;
	v5 =	vld.idx.msk [tilespmem:v60+s4+$0x0], $0xffff  }
0x30d: {  	v16 =	vmul.f32 v11, v14;
	v11 =	vmul.f32 v11, v2;
	v12 =	vld.idx.msk [tilespmem:v12+s4+$0x0], $0xffff  }
0x30e: {  	v17 =	vmul.f32 v10, v14;
	v10 =	vmul.f32 v10, v2;
	v13 =	vld.idx.msk [tilespmem:v13+s4+$0x0], $0xffff  }
0x30f: {  	v14 =	vmul.f32 v0, v14;
	v0 =	vmul.f32 v0, v2  }
0x310: {  	v63 =	vmul.f32 v62, v59;
	v18 =	vmul.f32 v15, v7  }
0x311: {  	v19 =	vmul.f32 v16, v8;
	v20 =	vmul.f32 v11, v9  }
0x312: {  	v1 =	vmul.f32 v17, v61;
	v5 =	vmul.f32 v10, v5  }
0x313: {  	v21 =	vmul.f32 v12, v14;
	v22 =	vmul.f32 v13, v0  }
0x314: {  	v2 =	vadd.f32 v18, v63;
	v23 =	vadd.f32 v20, v19  }
0x315: {  	v1 =	vadd.f32 v5, v1;
	v24 =	vadd.f32 v22, v21;
	_ =	sdelay $0x1  }
0x316: {  	v25 =	vadd.s32 $0x8C61, v6;
	v2 =	vadd.f32 v23, v2;
	v1 =	vadd.f32 v24, v1  }
0x317: {  	v26 =	vadd.s32 $0x8C62, v6  }
0x318: {  	v27 =	vadd.s32 $0x8C82, v6;
	v1 =	vadd.f32 v1, v2  }
0x319: {  	v28 =	vadd.s32 $0x8C83, v6  }
0x31a: {  	v29 =	vadd.s32 $0x90A2, v6;
	[tilespmem:s13+$0xFFFFFB80] =	vst v1  }
0x31b: {  	v30 =	vadd.s32 $0x90A3, v6;
	v4 =	vld.idx.msk [tilespmem:v25+s4+$0x0], $0xffff  }
0x31c: {  	v31 =	vadd.s32 $0x90C3, v6;
	v5 =	vld.idx.msk [tilespmem:v26+s4+$0x0], $0xffff  }
0x31d: {  	v32 =	vadd.s32 $0x90C4, v6;
	v2 =	vld.idx.msk [tilespmem:v27+s4+$0x0], $0xffff  }
0x31e: {  	v7 =	vld.idx.msk [tilespmem:v28+s4+$0x0], $0xffff  }
0x31f: {  	v1 =	vld.idx.msk [tilespmem:v29+s4+$0x0], $0xffff  }
0x320: {  	v8 =	vld.idx.msk [tilespmem:v30+s4+$0x0], $0xffff  }
0x321: {  	v9 =	vld.idx.msk [tilespmem:v31+s4+$0x0], $0xffff  }
0x322: {  	v12 =	vld.idx.msk [tilespmem:v32+s4+$0x0], $0xffff;
	_ =	sdelay $0x1  }
0x323: {  	v4 =	vmul.f32 v4, v62;
	v5 =	vmul.f32 v5, v15  }
0x324: {  	v2 =	vmul.f32 v2, v16;
	v7 =	vmul.f32 v7, v11  }
0x325: {  	v1 =	vmul.f32 v1, v17;
	v8 =	vmul.f32 v8, v10  }
0x326: {  	v9 =	vmul.f32 v9, v14;
	v12 =	vmul.f32 v12, v0  }
0x327: {  	v4 =	vadd.f32 v5, v4;
	v2 =	vadd.f32 v7, v2  }
0x328: {  	v1 =	vadd.f32 v8, v1;
	v33 =	vadd.f32 v12, v9;
	_ =	sdelay $0x1  }
0x329: {  	v34 =	vadd.s32 $0x118C2, v6;
	v2 =	vadd.f32 v2, v4;
	v1 =	vadd.f32 v33, v1  }
0x32a: {  	v35 =	vadd.s32 $0x118C3, v6  }
0x32b: {  	v36 =	vadd.s32 $0x118E3, v6;
	v1 =	vadd.f32 v1, v2  }
0x32c: {  	v37 =	vadd.s32 $0x118E4, v6  }
0x32d: {  	v41 =	vld [tilespmem:s14+$0xFFFFFF90];
	v38 =	vadd.s32 $0x11D03, v6;
	[tilespmem:s13+$0xFFFFFF80] =	vst v1  }
0x32e: {  	v39 =	vadd.s32 $0x11D04, v6;
	v4 =	vld.idx.msk [tilespmem:v34+s4+$0x0], $0xffff  }
0x32f: {  	v40 =	vadd.s32 $0x11D24, v6;
	v5 =	vld.idx.msk [tilespmem:v35+s4+$0x0], $0xffff  }
0x330: {  	v6 =	vadd.s32 $0x11D25, v6;
	v2 =	vld.idx.msk [tilespmem:v36+s4+$0x0], $0xffff  }
0x331: {  	v7 =	vld.idx.msk [tilespmem:v37+s4+$0x0], $0xffff  }
0x332: {  	v1 =	vld.idx.msk [tilespmem:v38+s4+$0x0], $0xffff  }
0x333: {  	v8 =	vld.idx.msk [tilespmem:v39+s4+$0x0], $0xffff  }
0x334: {  	v44 =	vmul.f32 $3.200000000e+01, v41;
	v9 =	vld.idx.msk [tilespmem:v40+s4+$0x0], $0xffff  }
0x335: {  	v6 =	vld.idx.msk [tilespmem:v6+s4+$0x0], $0xffff  }
0x336: {  	v46 =	vtrunc.f32 v44;
	v42 =	vld [tilespmem:s14+$0x390]  }
0x337: {  	v47 =	vcvt.f32.s32 v46;
	v43 =	vld [tilespmem:s14+$0xFFFFFB90]  }
0x338: {  	v3 =	vmul.f32 v4, v62;
	v5 =	vmul.f32 v5, v15  }
0x339: {  	v2 =	vmul.f32 v2, v16;
	v1 =	vmul.f32 v1, v17  }
0x33a: {  	v8 =	vmul.f32 v8, v10;
	v9 =	vmul.f32 v9, v14  }
0x33b: {  	vm7 =	vlt.s32 v47, $0x1F;
	v0 =	vmul.f32 v6, v0;
	v4 =	vmul.f32 $3.200000000e+01, v42  }
0x33c: {  	v50 =	vnsel vm7, $0x1F, v47;
	v7 =	vmul.f32 v7, v11;
	v45 =	vmul.f32 $3.200000000e+01, v43  }
0x33d: {  	v1 =	vadd.f32 v8, v1;
	v0 =	vadd.f32 v0, v9;
	v48 =	vtrunc.f32 v4  }
0x33e: {  	v3 =	vadd.f32 v5, v3;
	v49 =	vtrunc.f32 v45;
	v6 =	vcvt.f32.s32 v48  }
0x33f: {  	v2 =	vadd.f32 v7, v2;
	v0 =	vadd.f32 v0, v1;
	v1 =	vcvt.f32.s32 v49  }
0x340: {  	v52 =	vmul.u32 $0x21, v50;
	vm8 =	vlt.s32 v6, $0x1F  }
0x341: {  	v2 =	vadd.f32 v2, v3;
	vm9 =	vlt.s32 v1, $0x1F;
	v51 =	vnsel vm8, $0x1F, v6  }
0x342: {  	v1 =	vnsel vm9, $0x1F, v1;
	v53 =	vmul.u32 $0x441, v51  }
0x343: {  	v0 =	vadd.f32 v0, v2;
	v54 =	vadd.s32 v1, v52  }
0x344: {  	v6 =	vadd.s32 v53, v54  }
0x345: {  	[tilespmem:s13+$0x380] =	vst v0;
	v0 =	vadd.s32 $0x1, v6  }
0x346: {  	v2 =	vcvt.s32.f32 v50;
	v3 =	vcvt.s32.f32 v51;
	v57 =	vadd.s32 $0x21, v6  }
0x347: {  	v1 =	vcvt.s32.f32 v1;
	v58 =	vadd.s32 $0x22, v6  }
0x348: {  	v2 =	vsub.f32 v44, v2;
	v3 =	vsub.f32 v4, v3;
	v59 =	vadd.s32 $0x441, v6  }
0x349: {  	v1 =	vsub.f32 v45, v1;
	v62 =	vadd.s32 $0x442, v6;
	v61 =	vld.idx.msk [tilespmem:v6+s4+$0x0], $0xffff  }
0x34a: {  	v63 =	vsub.f32 $1.000000000e+00, v2;
	v25 =	vadd.s32 $0x462, v6;
	v24 =	vsub.f32 $1.000000000e+00, v3;
	v0 =	vld.idx.msk [tilespmem:v0+s4+$0x0], $0xffff  }
0x34b: {  	v26 =	vadd.s32 $0x463, v6;
	v10 =	vld.idx.msk [tilespmem:v57+s4+$0x0], $0xffff  }
0x34c: {  	v20 =	vsub.f32 $1.000000000e+00, v1;
	v29 =	vmul.f32 v3, v63;
	v27 =	vmul.f32 v24, v63;
	v11 =	vld.idx.msk [tilespmem:v58+s4+$0x0], $0xffff  }
0x34d: {  	v28 =	vmul.f32 v24, v2;
	v2 =	vmul.f32 v3, v2;
	v30 =	vld.idx.msk [tilespmem:v59+s4+$0x0], $0xffff  }
0x34e: {  	v16 =	vmul.f32 v29, v20;
	v17 =	vmul.f32 v29, v1;
	v31 =	vld.idx.msk [tilespmem:v62+s4+$0x0], $0xffff  }
0x34f: {  	v12 =	vmul.f32 v27, v20;
	v13 =	vmul.f32 v27, v1;
	v21 =	vld.idx.msk [tilespmem:v25+s4+$0x0], $0xffff  }
0x350: {  	v14 =	vmul.f32 v28, v20;
	v15 =	vmul.f32 v28, v1;
	v22 =	vld.idx.msk [tilespmem:v26+s4+$0x0], $0xffff  }
0x351: {  	v7 =	vmul.f32 v2, v20;
	v8 =	vmul.f32 v2, v1  }
0x352: {  	v32 =	vmul.f32 v12, v61;
	v0 =	vmul.f32 v13, v0  }
0x353: {  	v34 =	vmul.f32 v14, v10;
	v35 =	vmul.f32 v15, v11  }
0x354: {  	v33 =	vld [tilespmem:s14+$0x400];
	v3 =	vmul.f32 v16, v30;
	v4 =	vmul.f32 v17, v31  }
0x355: {  	v55 =	vld [tilespmem:s14+$0xFFFFFC00];
	v36 =	vmul.f32 v21, v7;
	v37 =	vmul.f32 v22, v8  }
0x356: {  	v56 =	vld [tilespmem:s14+$0x0];
	v0 =	vadd.f32 v0, v32;
	v38 =	vadd.f32 v35, v34  }
0x357: {  	v3 =	vadd.f32 v4, v3;
	v39 =	vadd.f32 v37, v36  }
0x358: {  	v42 =	vadd.s32 $0x8C61, v6;
	v45 =	vadd.s32 $0x8C62, v6  }
0x359: {  	v2 =	vmul.f32 $3.200000000e+01, v33;
	v0 =	vadd.f32 v38, v0;
	v41 =	vadd.f32 v39, v3  }
0x35a: {  	v46 =	vadd.s32 $0x8C82, v6;
	v48 =	vadd.s32 $0x8C83, v6;
	v60 =	vmul.f32 $3.200000000e+01, v55  }
0x35b: {  	v18 =	vmul.f32 $3.200000000e+01, v56;
	v44 =	vtrunc.f32 v2;
	v0 =	vadd.f32 v41, v0  }
0x35c: {  	v49 =	vadd.s32 $0x90A2, v6;
	v19 =	vtrunc.f32 v60;
	v9 =	vcvt.f32.s32 v44  }
0x35d: {  	v50 =	vadd.s32 $0x90A3, v6;
	v40 =	vtrunc.f32 v18;
	v19 =	vcvt.f32.s32 v19;
	[tilespmem:s13+$0xFFFFFB90] =	vst v0  }
0x35e: {  	v23 =	vadd.s32 $0x90C3, v6;
	v43 =	vcvt.f32.s32 v40;
	vm12 =	vlt.s32 v9, $0x1F;
	v3 =	vld.idx.msk [tilespmem:v42+s4+$0x0], $0xffff  }
0x35f: {  	v25 =	vadd.s32 $0x90C4, v6;
	vm10 =	vlt.s32 v19, $0x1F;
	v9 =	vnsel vm12, $0x1F, v9;
	v10 =	vld.idx.msk [tilespmem:v45+s4+$0x0], $0xffff  }
0x360: {  	vm11 =	vlt.s32 v43, $0x1F;
	v47 =	vnsel vm10, $0x1F, v19;
	v52 =	vcvt.s32.f32 v9;
	v1 =	vld.idx.msk [tilespmem:v46+s4+$0x0], $0xffff  }
0x361: {  	v24 =	vcvt.s32.f32 v47;
	v4 =	vnsel vm11, $0x1F, v43;
	v19 =	vld.idx.msk [tilespmem:v48+s4+$0x0], $0xffff  }
0x362: {  	v51 =	vcvt.s32.f32 v4;
	v4 =	vmul.u32 $0x21, v4;
	v2 =	vsub.f32 v2, v52;
	v55 =	vld.idx.msk [tilespmem:v49+s4+$0x0], $0xffff  }
0x363: {  	v54 =	vmul.u32 $0x441, v9;
	v53 =	vsub.f32 v60, v24;
	v59 =	vld.idx.msk [tilespmem:v50+s4+$0x0], $0xffff  }
0x364: {  	v18 =	vsub.f32 v18, v51;
	v58 =	vadd.s32 v47, v4;
	v57 =	vsub.f32 $1.000000000e+00, v2;
	v61 =	vld.idx.msk [tilespmem:v23+s4+$0x0], $0xffff  }
0x365: {  	v43 =	vadd.s32 $0x118C2, v6;
	v60 =	vsub.f32 $1.000000000e+00, v53;
	v0 =	vadd.s32 v54, v58;
	v25 =	vld.idx.msk [tilespmem:v25+s4+$0x0], $0xffff  }
0x366: {  	v56 =	vsub.f32 $1.000000000e+00, v18;
	v63 =	vmul.f32 v57, v18;
	v34 =	vadd.s32 $0x1, v0  }
0x367: {  	v35 =	vadd.s32 $0x21, v0;
	v3 =	vmul.f32 v3, v12;
	v10 =	vmul.f32 v10, v13  }
0x368: {  	v26 =	vadd.s32 $0x22, v0;
	v1 =	vmul.f32 v1, v14;
	v19 =	vmul.f32 v19, v15  }
0x369: {  	v27 =	vadd.s32 $0x441, v0;
	v9 =	vmul.f32 v55, v16;
	v30 =	vmul.f32 v59, v17  }
0x36a: {  	v29 =	vadd.s32 $0x442, v0;
	v28 =	vld.idx.msk [tilespmem:v0+s4+$0x0], $0xffff;
	v5 =	vmul.f32 v61, v7;
	v25 =	vmul.f32 v25, v8  }
0x36b: {  	v31 =	vadd.s32 $0x462, v0;
	v24 =	vld.idx.msk [tilespmem:v34+s4+$0x0], $0xffff;
	v36 =	vadd.f32 v10, v3;
	v37 =	vadd.f32 v19, v1  }
0x36c: {  	v33 =	vadd.s32 $0x463, v0;
	v32 =	vld.idx.msk [tilespmem:v35+s4+$0x0], $0xffff;
	v9 =	vadd.f32 v30, v9;
	v39 =	vadd.f32 v25, v5  }
0x36d: {  	v47 =	vadd.s32 $0x118E3, v6;
	v18 =	vmul.f32 v2, v18;
	v62 =	vmul.f32 v57, v56;
	v38 =	vld.idx.msk [tilespmem:v26+s4+$0x0], $0xffff  }
0x36e: {  	v22 =	vmul.f32 v2, v56;
	v40 =	vld.idx.msk [tilespmem:v27+s4+$0x0], $0xffff;
	v42 =	vadd.f32 v37, v36;
	v9 =	vadd.f32 v39, v9  }
0x36f: {  	v45 =	vadd.s32 $0x118C3, v6;
	v2 =	vmul.f32 v63, v53;
	v4 =	vmul.f32 v62, v60;
	v41 =	vld.idx.msk [tilespmem:v29+s4+$0x0], $0xffff  }
0x370: {  	v11 =	vmul.f32 v22, v53;
	v44 =	vld.idx.msk [tilespmem:v31+s4+$0x0], $0xffff;
	v5 =	vmul.f32 v62, v53;
	v27 =	vadd.f32 v9, v42  }
0x371: {  	v48 =	vadd.s32 $0x118E4, v6;
	v46 =	vld.idx.msk [tilespmem:v33+s4+$0x0], $0xffff;
	v1 =	vmul.f32 v63, v60;
	v3 =	vmul.f32 v22, v60  }
0x372: {  	v51 =	vadd.s32 $0x11D03, v6;
	v10 =	vmul.f32 v18, v60;
	v49 =	vmul.f32 v4, v28;
	[tilespmem:s13+$0xFFFFFF90] =	vst v27  }
0x373: {  	v54 =	vadd.s32 $0x11D04, v6;
	v50 =	vmul.f32 v5, v24;
	v9 =	vmul.f32 v18, v53;
	v53 =	vld.idx.msk [tilespmem:v43+s4+$0x0], $0xffff  }
0x374: {  	v55 =	vadd.s32 $0x11D24, v6;
	v52 =	vmul.f32 v1, v32;
	v19 =	vmul.f32 v2, v38;
	v30 =	vld.idx.msk [tilespmem:v45+s4+$0x0], $0xffff  }
0x375: {  	v6 =	vadd.s32 $0x11D25, v6;
	v25 =	vmul.f32 v3, v40;
	v26 =	vmul.f32 v11, v41;
	v31 =	vld.idx.msk [tilespmem:v47+s4+$0x0], $0xffff  }
0x376: {  	v23 =	vmul.f32 v44, v10;
	v22 =	vmul.f32 v46, v9;
	v18 =	vld.idx.msk [tilespmem:v48+s4+$0x0], $0xffff  }
0x377: {  	v20 =	vadd.f32 v50, v49;
	v19 =	vadd.f32 v19, v52;
	v57 =	vld.idx.msk [tilespmem:v51+s4+$0x0], $0xffff  }
0x378: {  	v56 =	vadd.f32 v26, v25;
	v58 =	vld.idx.msk [tilespmem:v54+s4+$0x0], $0xffff;
	v22 =	vadd.f32 v22, v23  }
0x379: {  	v60 =	vld.idx.msk [tilespmem:v55+s4+$0x0], $0xffff  }
0x37a: {  	v61 =	vadd.s32 $0x8C61, v0;
	v19 =	vadd.f32 v19, v20;
	v6 =	vld.idx.msk [tilespmem:v6+s4+$0x0], $0xffff;
	v59 =	vadd.f32 v22, v56  }
0x37b: {  	v29 =	vadd.s32 $0x90A2, v0;
	v62 =	vadd.s32 $0x8C62, v0;
	v63 =	vadd.s32 $0x8C82, v0;
	v44 =	vld [tilespmem:s14+$0x3A0]  }
0x37c: {  	v19 =	vadd.f32 v59, v19;
	v12 =	vmul.f32 v53, v12;
	v13 =	vmul.f32 v30, v13  }
0x37d: {  	v28 =	vadd.s32 $0x8C83, v0;
	v43 =	vld [tilespmem:s14+$0xFFFFFFA0];
	v14 =	vmul.f32 v31, v14;
	v15 =	vmul.f32 v18, v15  }
0x37e: {  	v34 =	vadd.s32 $0x90C3, v0;
	v46 =	vld [tilespmem:s14+$0xFFFFFBA0];
	v16 =	vmul.f32 v57, v16;
	v17 =	vmul.f32 v58, v17;
	[tilespmem:s13+$0xFFFFFC00] =	vst v19  }
0x37f: {  	v36 =	vadd.s32 $0x90C4, v0;
	v7 =	vmul.f32 v60, v7;
	v6 =	vmul.f32 v6, v8;
	v30 =	vld.idx.msk [tilespmem:v61+s4+$0x0], $0xffff  }
0x380: {  	v49 =	vmul.f32 $3.200000000e+01, v44;
	v12 =	vadd.f32 v13, v12;
	v32 =	vadd.f32 v15, v14;
	v33 =	vld.idx.msk [tilespmem:v62+s4+$0x0], $0xffff  }
0x381: {  	v31 =	vadd.s32 $0x90A3, v0;
	v16 =	vadd.f32 v17, v16;
	v6 =	vadd.f32 v6, v7;
	v35 =	vld.idx.msk [tilespmem:v63+s4+$0x0], $0xffff  }
0x382: {  	v52 =	vtrunc.f32 v49;
	v48 =	vmul.f32 $3.200000000e+01, v43;
	v18 =	vld.idx.msk [tilespmem:v28+s4+$0x0], $0xffff  }
0x383: {  	v17 =	vcvt.f32.s32 v52;
	v37 =	vld.idx.msk [tilespmem:v29+s4+$0x0], $0xffff;
	v12 =	vadd.f32 v32, v12;
	v6 =	vadd.f32 v6, v16  }
0x384: {  	v15 =	vmul.f32 $3.200000000e+01, v46;
	v39 =	vld.idx.msk [tilespmem:v34+s4+$0x0], $0xffff  }
0x385: {  	v50 =	vtrunc.f32 v48;
	v40 =	vld.idx.msk [tilespmem:v36+s4+$0x0], $0xffff;
	vm14 =	vlt.s32 v17, $0x1F;
	v6 =	vadd.f32 v6, v12  }
0x386: {  	v51 =	vcvt.f32.s32 v50;
	v53 =	vtrunc.f32 v15;
	v38 =	vld.idx.msk [tilespmem:v31+s4+$0x0], $0xffff;
	v55 =	vnsel vm14, $0x1F, v17  }
0x387: {  	v24 =	vadd.s32 $0x118C2, v0;
	v19 =	vcvt.f32.s32 v53;
	v21 =	vcvt.s32.f32 v55;
	[tilespmem:s13+$0x390] =	vst v6  }
0x388: {  	vm13 =	vlt.s32 v51, $0x1F;
	v8 =	vmul.f32 v30, v4;
	v14 =	vmul.f32 v33, v5;
	v6 =	vld [tilespmem:s14+$0xFFFFFC10]  }
0x389: {  	v58 =	vmul.u32 $0x441, v55;
	v7 =	vmul.f32 v35, v1;
	v18 =	vmul.f32 v18, v2;
	v41 =	vld [tilespmem:s14+$0x10]  }
0x38a: {  	vm15 =	vlt.s32 v19, $0x1F;
	v13 =	vmul.f32 v37, v3;
	v12 =	vmul.f32 v39, v10;
	v42 =	vld [tilespmem:s14+$0x410]  }
0x38b: {  	v45 =	vmul.f32 v40, v9;
	v19 =	vnsel vm15, $0x1F, v19;
	v16 =	vmul.f32 v38, v11  }
0x38c: {  	v39 =	vadd.s32 $0x118E3, v0;
	v8 =	vadd.f32 v14, v8;
	v7 =	vadd.f32 v18, v7  }
0x38d: {  	v30 =	vadd.s32 $0x11D04, v0;
	v12 =	vadd.f32 v45, v12;
	v13 =	vadd.f32 v16, v13  }
0x38e: {  	v38 =	vadd.s32 $0x118C3, v0;
	v7 =	vadd.f32 v7, v8;
	v6 =	vmul.f32 $3.200000000e+01, v6  }
0x38f: {  	v14 =	vmul.f32 $3.200000000e+01, v41;
	v16 =	vmul.f32 $3.200000000e+01, v42;
	v12 =	vadd.f32 v12, v13  }
0x390: {  	v13 =	vsub.f32 v49, v21;
	v41 =	vadd.s32 $0x118E4, v0;
	v47 =	vtrunc.f32 v6  }
0x391: {  	v7 =	vadd.f32 v12, v7;
	v54 =	vtrunc.f32 v14;
	v12 =	vnsel vm13, $0x1F, v51  }
0x392: {  	v57 =	vtrunc.f32 v16;
	v45 =	vsub.f32 $1.000000000e+00, v13;
	v8 =	vcvt.f32.s32 v47  }
0x393: {  	v20 =	vcvt.f32.s32 v54;
	v56 =	vmul.u32 $0x21, v12;
	v22 =	vcvt.f32.s32 v57  }
0x394: {  	v12 =	vcvt.s32.f32 v12;
	v54 =	vadd.s32 $0x11D03, v0;
	vm4 =	vlt.s32 v8, $0x1F  }
0x395: {  	v17 =	vadd.s32 v19, v56;
	vm5 =	vlt.s32 v20, $0x1F;
	vm6 =	vlt.s32 v22, $0x1F  }
0x396: {  	v19 =	vcvt.s32.f32 v19;
	v12 =	vsub.f32 v48, v12;
	v8 =	vnsel vm4, $0x1F, v8  }
0x397: {  	v17 =	vadd.s32 v58, v17;
	v26 =	vnsel vm5, $0x1F, v20;
	v27 =	vnsel vm6, $0x1F, v22  }
0x398: {  	v59 =	vadd.s32 $0x1, v17;
	v23 =	vadd.s32 $0x21, v17;
	v60 =	vadd.s32 $0x22, v17  }
0x399: {  	[tilespmem:s13+$0x0] =	vst v7;
	v61 =	vadd.s32 $0x441, v17;
	v62 =	vcvt.s32.f32 v8;
	v15 =	vsub.f32 v15, v19  }
0x39a: {  	v42 =	vld.idx.msk [tilespmem:v24+s4+$0x0], $0xffff;
	v43 =	vadd.s32 $0x442, v17;
	v44 =	vsub.f32 $1.000000000e+00, v12;
	v47 =	vadd.s32 $0x462, v17  }
0x39b: {  	v55 =	vld.idx.msk [tilespmem:v38+s4+$0x0], $0xffff;
	v48 =	vcvt.s32.f32 v26;
	v49 =	vcvt.s32.f32 v27;
	v35 =	vadd.s32 $0x463, v17  }
0x39c: {  	v58 =	vld.idx.msk [tilespmem:v39+s4+$0x0], $0xffff;
	v51 =	vmul.f32 v45, v12;
	v12 =	vmul.f32 v13, v12;
	v26 =	vmul.u32 $0x21, v26  }
0x39d: {  	v27 =	vmul.u32 $0x441, v27;
	v7 =	vld.idx.msk [tilespmem:v54+s4+$0x0], $0xffff;
	v36 =	vsub.f32 $1.000000000e+00, v15;
	v50 =	vmul.f32 v45, v44  }
0x39e: {  	v54 =	vld [tilespmem:s14+$0xFFFFFBB0];
	v52 =	vmul.f32 v13, v44;
	v21 =	vmul.f32 v51, v15;
	v6 =	vsub.f32 v6, v62  }
0x39f: {  	v25 =	vmul.f32 v12, v15;
	v32 =	vsub.f32 v14, v48;
	v33 =	vsub.f32 v16, v49;
	v63 =	vld.idx.msk [tilespmem:v17+s4+$0x0], $0xffff  }
0x3a0: {  	v45 =	vadd.s32 $0x8C61, v17;
	v13 =	vmul.f32 v42, v4;
	v18 =	vmul.f32 v50, v36;
	v46 =	vld.idx.msk [tilespmem:v59+s4+$0x0], $0xffff  }
0x3a1: {  	v8 =	vadd.s32 v8, v26;
	v19 =	vmul.f32 v50, v15;
	v20 =	vmul.f32 v51, v36;
	v34 =	vld.idx.msk [tilespmem:v23+s4+$0x0], $0xffff  }
0x3a2: {  	v8 =	vadd.s32 v27, v8;
	v22 =	vmul.f32 v52, v36;
	v24 =	vmul.f32 v12, v36;
	v37 =	vld.idx.msk [tilespmem:v60+s4+$0x0], $0xffff  }
0x3a3: {  	v12 =	vmul.f32 v58, v1;
	v44 =	vsub.f32 $1.000000000e+00, v33;
	v53 =	vld.idx.msk [tilespmem:v61+s4+$0x0], $0xffff;
	v23 =	vmul.f32 v52, v15  }
0x3a4: {  	v40 =	vld.idx.msk [tilespmem:v43+s4+$0x0], $0xffff;
	v15 =	vmul.f32 v55, v5;
	v43 =	vsub.f32 $1.000000000e+00, v32;
	v14 =	vmul.f32 v7, v3  }
0x3a5: {  	v50 =	vadd.s32 $0x8C62, v17;
	v31 =	vld.idx.msk [tilespmem:v47+s4+$0x0], $0xffff;
	v48 =	vmul.f32 v44, v32;
	v32 =	vmul.f32 v33, v32  }
0x3a6: {  	v58 =	vadd.s32 $0x90A3, v17;
	v35 =	vld.idx.msk [tilespmem:v35+s4+$0x0], $0xffff;
	v47 =	vmul.f32 v44, v43;
	v49 =	vmul.f32 v33, v43  }
0x3a7: {  	v52 =	vadd.s32 $0x8C82, v17;
	v44 =	vmul.f32 $3.200000000e+01, v54;
	v1 =	vmul.f32 v48, v6  }
0x3a8: {  	v61 =	vld.idx.msk [tilespmem:v41+s4+$0x0], $0xffff;
	v55 =	vadd.s32 $0x8C83, v17;
	v56 =	vmul.f32 v18, v63;
	v57 =	vmul.f32 v19, v46  }
0x3a9: {  	v51 =	vld [tilespmem:s14+$0xFFFFFFB0];
	v33 =	vadd.s32 $0x11D25, v0;
	v59 =	vmul.f32 v20, v34;
	v60 =	vmul.f32 v21, v37  }
0x3aa: {  	v43 =	vadd.s32 $0x442, v8;
	v62 =	vmul.f32 v22, v53;
	v63 =	vmul.f32 v23, v40  }
0x3ab: {  	v38 =	vmul.f32 v31, v24;
	v39 =	vmul.f32 v35, v25;
	v46 =	vsub.f32 $1.000000000e+00, v6  }
0x3ac: {  	v3 =	vmul.f32 v47, v6;
	v40 =	vadd.f32 v57, v56;
	v28 =	vadd.f32 v60, v59  }
0x3ad: {  	v16 =	vmul.f32 v61, v2;
	v53 =	vld [tilespmem:s14+$0x3B0];
	v41 =	vadd.f32 v63, v62;
	v42 =	vadd.f32 v39, v38  }
0x3ae: {  	v31 =	vadd.s32 $0x11D24, v0;
	v35 =	vmul.f32 $3.200000000e+01, v51;
	v7 =	vmul.f32 v47, v46  }
0x3af: {  	v0 =	vmul.f32 v49, v46;
	v4 =	vadd.f32 v28, v40;
	v5 =	vadd.f32 v42, v41  }
0x3b0: {  	v2 =	vmul.f32 v32, v46;
	v38 =	vadd.s32 $0x21, v8;
	v39 =	vadd.s32 $0x22, v8  }
0x3b1: {  	v57 =	vadd.s32 $0x90A2, v17;
	v59 =	vtrunc.f32 v35;
	v4 =	vadd.f32 v5, v4  }
0x3b2: {  	v29 =	vld.idx.msk [tilespmem:v30+s4+$0x0], $0xffff;
	v60 =	vadd.s32 $0x90C3, v17;
	v26 =	vcvt.f32.s32 v59;
	v42 =	vmul.f32 $3.200000000e+01, v53  }
0x3b3: {  	v47 =	vadd.s32 $0x90C4, v17;
	v37 =	vld.idx.msk [tilespmem:v33+s4+$0x0], $0xffff;
	v40 =	vadd.s32 $0x441, v8;
	v5 =	vmul.f32 v49, v6;
	[tilespmem:s13+$0xFFFFFBA0] =	vst v4  }
0x3b4: {  	vm7 =	vlt.s32 v26, $0x1F;
	v4 =	vmul.f32 v48, v46;
	v28 =	vld.idx.msk [tilespmem:v45+s4+$0x0], $0xffff;
	v45 =	vtrunc.f32 v42  }
0x3b5: {  	v62 =	vnsel vm7, $0x1F, v26;
	v48 =	vtrunc.f32 v44;
	v56 =	vld.idx.msk [tilespmem:v50+s4+$0x0], $0xffff;
	v45 =	vcvt.f32.s32 v45  }
0x3b6: {  	v26 =	vmul.u32 $0x21, v62;
	v62 =	vcvt.s32.f32 v62;
	v36 =	vld.idx.msk [tilespmem:v52+s4+$0x0], $0xffff;
	v61 =	vcvt.f32.s32 v48  }
0x3b7: {  	v6 =	vmul.f32 v32, v6;
	v32 =	vadd.s32 $0x1, v8;
	v27 =	vld.idx.msk [tilespmem:v55+s4+$0x0], $0xffff;
	vm8 =	vlt.s32 v45, $0x1F  }
0x3b8: {  	v50 =	vld.idx.msk [tilespmem:v60+s4+$0x0], $0xffff;
	v33 =	vsub.f32 v35, v62;
	vm9 =	vlt.s32 v61, $0x1F;
	v45 =	vnsel vm8, $0x1F, v45  }
0x3b9: {  	v43 =	vld.idx.msk [tilespmem:v43+s4+$0x0], $0xffff;
	v52 =	vadd.s32 $0x462, v8;
	v51 =	vnsel vm9, $0x1F, v61;
	v63 =	vmul.u32 $0x441, v45  }
0x3ba: {  	v41 =	vld.idx.msk [tilespmem:v58+s4+$0x0], $0xffff;
	v62 =	vsub.f32 $1.000000000e+00, v33;
	v26 =	vadd.s32 v51, v26;
	v58 =	vcvt.s32.f32 v51  }
0x3bb: {  	v34 =	vld.idx.msk [tilespmem:v57+s4+$0x0], $0xffff;
	v28 =	vmul.f32 v28, v18;
	v49 =	vmul.f32 v56, v19;
	v26 =	vadd.s32 v63, v26  }
0x3bc: {  	v38 =	vld.idx.msk [tilespmem:v38+s4+$0x0], $0xffff;
	v36 =	vmul.f32 v36, v20;
	v27 =	vmul.f32 v27, v21;
	v60 =	vadd.s32 $0x1, v26  }
0x3bd: {  	v56 =	vld.idx.msk [tilespmem:v47+s4+$0x0], $0xffff;
	v45 =	vcvt.s32.f32 v45;
	v57 =	vmul.f32 v50, v24;
	v63 =	vadd.s32 $0x21, v26  }
0x3be: {  	v48 =	vld.idx.msk [tilespmem:v32+s4+$0x0], $0xffff;
	v44 =	vsub.f32 v44, v58;
	v28 =	vadd.f32 v49, v28;
	v59 =	vadd.s32 $0x22, v26  }
0x3bf: {  	v27 =	vadd.f32 v27, v36;
	v36 =	vld.idx.msk [tilespmem:v31+s4+$0x0], $0xffff;
	v35 =	vsub.f32 v42, v45;
	v61 =	vadd.s32 $0x441, v26  }
0x3c0: {  	v31 =	vmul.f32 v34, v22;
	v34 =	vmul.f32 v41, v23;
	v49 =	vadd.s32 $0x442, v26;
	v45 =	vld.idx.msk [tilespmem:v26+s4+$0x0], $0xffff  }
0x3c1: {  	v54 =	vadd.s32 $0x462, v26;
	v55 =	vsub.f32 $1.000000000e+00, v44;
	v51 =	vmul.f32 v35, v62;
	v41 =	vld.idx.msk [tilespmem:v60+s4+$0x0], $0xffff  }
0x3c2: {  	v53 =	vsub.f32 $1.000000000e+00, v35;
	v30 =	vmul.f32 v56, v25;
	v47 =	vld.idx.msk [tilespmem:v63+s4+$0x0], $0xffff;
	v63 =	vadd.s32 $0x463, v26  }
0x3c3: {  	v31 =	vadd.f32 v34, v31;
	v35 =	vmul.f32 v35, v33;
	v32 =	vmul.f32 v51, v55;
	v50 =	vld.idx.msk [tilespmem:v59+s4+$0x0], $0xffff  }
0x3c4: {  	v30 =	vadd.f32 v30, v57;
	v60 =	vmul.f32 v53, v62;
	v53 =	vmul.f32 v53, v33;
	v42 =	vld.idx.msk [tilespmem:v61+s4+$0x0], $0xffff  }
0x3c5: {  	v56 =	vadd.f32 v27, v28;
	v34 =	vmul.f32 v35, v55;
	v49 =	vld.idx.msk [tilespmem:v49+s4+$0x0], $0xffff;
	v33 =	vmul.f32 v51, v44  }
0x3c6: {  	v61 =	vadd.f32 v30, v31;
	v30 =	vmul.f32 v53, v55;
	v31 =	vmul.f32 v53, v44;
	v53 =	vld.idx.msk [tilespmem:v54+s4+$0x0], $0xffff  }
0x3c7: {  	v57 =	vadd.s32 $0x463, v8;
	v27 =	vmul.f32 v60, v55;
	v28 =	vmul.f32 v60, v44;
	v51 =	vld.idx.msk [tilespmem:v63+s4+$0x0], $0xffff  }
0x3c8: {  	v39 =	vld.idx.msk [tilespmem:v39+s4+$0x0], $0xffff;
	v35 =	vmul.f32 v35, v44;
	v59 =	vadd.s32 $0x11D04, v17;
	v60 =	vadd.s32 $0x118C3, v17  }
0x3c9: {  	v46 =	vld.idx.msk [tilespmem:v8+s4+$0x0], $0xffff;
	v45 =	vmul.f32 v27, v45;
	v63 =	vadd.s32 $0x118C2, v17;
	v41 =	vmul.f32 v28, v41  }
0x3ca: {  	v40 =	vld.idx.msk [tilespmem:v40+s4+$0x0], $0xffff;
	v62 =	vadd.f32 v61, v56;
	v47 =	vmul.f32 v30, v47;
	v50 =	vmul.f32 v31, v50  }
0x3cb: {  	v52 =	vld.idx.msk [tilespmem:v52+s4+$0x0], $0xffff;
	v61 =	vadd.s32 $0x118E3, v17;
	v42 =	vmul.f32 v32, v42;
	v49 =	vmul.f32 v33, v49  }
0x3cc: {  	v57 =	vld.idx.msk [tilespmem:v57+s4+$0x0], $0xffff;
	[tilespmem:s13+$0xFFFFFFA0] =	vst v62;
	v62 =	vadd.s32 $0x11D03, v17;
	v53 =	vmul.f32 v53, v34;
	v51 =	vmul.f32 v51, v35  }
0x3cd: {  	v58 =	vadd.s32 $0x118E4, v17;
	v41 =	vadd.f32 v41, v45;
	v44 =	vld.idx.msk [tilespmem:v60+s4+$0x0], $0xffff;
	v42 =	vadd.f32 v49, v42  }
0x3ce: {  	v56 =	vld.idx.msk [tilespmem:v63+s4+$0x0], $0xffff;
	v63 =	vadd.f32 v50, v47;
	v47 =	vadd.s32 $0x11D24, v17;
	v60 =	vadd.f32 v51, v53  }
0x3cf: {  	v43 =	vmul.f32 v5, v43;
	v38 =	vmul.f32 v4, v38;
	v54 =	vld.idx.msk [tilespmem:v59+s4+$0x0], $0xffff;
	v17 =	vadd.s32 $0x11D25, v17  }
0x3d0: {  	v50 =	vld.idx.msk [tilespmem:v61+s4+$0x0], $0xffff;
	v61 =	vadd.s32 $0x8C61, v26;
	v41 =	vadd.f32 v63, v41;
	v42 =	vadd.f32 v60, v42  }
0x3d1: {  	v39 =	vmul.f32 v1, v39;
	v40 =	vmul.f32 v0, v40;
	v49 =	vld.idx.msk [tilespmem:v62+s4+$0x0], $0xffff;
	v62 =	vadd.s32 $0x8C62, v26  }
0x3d2: {  	v51 =	vld.idx.msk [tilespmem:v58+s4+$0x0], $0xffff;
	v63 =	vmul.f32 v57, v6;
	v57 =	vadd.s32 $0x8C83, v26;
	v41 =	vadd.f32 v42, v41  }
0x3d3: {  	v46 =	vmul.f32 v7, v46;
	v48 =	vmul.f32 v3, v48;
	v59 =	vadd.s32 $0x90A2, v26;
	v47 =	vld.idx.msk [tilespmem:v47+s4+$0x0], $0xffff  }
0x3d4: {  	v38 =	vadd.f32 v39, v38;
	v40 =	vadd.f32 v43, v40;
	v17 =	vld.idx.msk [tilespmem:v17+s4+$0x0], $0xffff;
	v42 =	vadd.s32 $0x8C82, v26;
	[tilespmem:s13+$0xFFFFFBB0] =	vst v41  }
0x3d5: {  	v46 =	vadd.f32 v48, v46;
	v52 =	vmul.f32 v52, v2;
	v43 =	vld.idx.msk [tilespmem:v61+s4+$0x0], $0xffff;
	v61 =	vadd.s32 $0x90A3, v26  }
0x3d6: {  	v10 =	vmul.f32 v36, v10;
	v23 =	vmul.f32 v54, v23;
	v48 =	vld.idx.msk [tilespmem:v62+s4+$0x0], $0xffff;
	v62 =	vadd.s32 $0x90C3, v26  }
0x3d7: {  	v44 =	vmul.f32 v44, v19;
	v60 =	vadd.f32 v63, v52;
	v63 =	vadd.s32 $0x90C4, v26;
	v53 =	vld.idx.msk [tilespmem:v57+s4+$0x0], $0xffff  }
0x3d8: {  	v38 =	vadd.f32 v38, v46;
	v18 =	vmul.f32 v56, v18;
	v20 =	vmul.f32 v50, v20;
	v54 =	vld.idx.msk [tilespmem:v59+s4+$0x0], $0xffff  }
0x3d9: {  	v45 =	vadd.s32 $0x8C82, v8;
	v22 =	vmul.f32 v49, v22;
	v21 =	vmul.f32 v51, v21;
	v42 =	vld.idx.msk [tilespmem:v42+s4+$0x0], $0xffff  }
0x3da: {  	v40 =	vadd.f32 v60, v40;
	v24 =	vmul.f32 v47, v24;
	v17 =	vmul.f32 v17, v25;
	v57 =	vld.idx.msk [tilespmem:v61+s4+$0x0], $0xffff  }
0x3db: {  	v58 =	vadd.s32 $0x8C61, v8;
	v55 =	vadd.f32 v44, v18;
	v56 =	vadd.f32 v21, v20;
	v59 =	vld.idx.msk [tilespmem:v62+s4+$0x0], $0xffff  }
0x3dc: {  	v19 =	vmul.f32 v29, v11;
	v22 =	vadd.f32 v23, v22;
	v17 =	vadd.f32 v17, v24;
	v62 =	vld.idx.msk [tilespmem:v63+s4+$0x0], $0xffff  }
0x3dd: {  	v60 =	vadd.f32 v40, v38;
	v11 =	vadd.f32 v56, v55;
	v61 =	vadd.s32 $0x8C62, v8  }
0x3de: {  	v17 =	vadd.f32 v17, v22;
	v63 =	vmul.f32 v43, v27;
	v40 =	vmul.f32 v48, v28  }
0x3df: {  	[tilespmem:s13+$0xFFFFFC10] =	vst v60;
	v25 =	vmul.f32 v54, v32;
	v41 =	vmul.f32 v42, v30  }
0x3e0: {  	v21 =	vld.idx.msk [tilespmem:v58+s4+$0x0], $0xffff;
	v11 =	vadd.f32 v17, v11;
	v42 =	vmul.f32 v53, v31;
	v20 =	vmul.f32 v57, v33  }
0x3e1: {  	v47 =	vadd.s32 $0x8C83, v8;
	v36 =	vld.idx.msk [tilespmem:v45+s4+$0x0], $0xffff;
	v43 =	vmul.f32 v59, v34;
	v44 =	vmul.f32 v62, v35  }
0x3e2: {  	v18 =	vadd.f32 v40, v63;
	[tilespmem:s13+$0x3A0] =	vst v11;
	v17 =	vadd.f32 v42, v41;
	v29 =	vld.idx.msk [tilespmem:v61+s4+$0x0], $0xffff  }
0x3e3: {  	v46 =	vld [tilespmem:s14+$0xFFFFFC20];
	v20 =	vadd.f32 v20, v25;
	v11 =	vadd.f32 v44, v43  }
0x3e4: {  	v12 =	vadd.f32 v16, v12;
	v9 =	vmul.f32 v37, v9;
	v49 =	vadd.s32 $0x90A2, v8;
	v48 =	vld [tilespmem:s14+$0x20]  }
0x3e5: {  	v51 =	vadd.s32 $0x118C2, v26;
	v50 =	vld [tilespmem:s14+$0x420];
	v17 =	vadd.f32 v17, v18;
	v11 =	vadd.f32 v11, v20  }
0x3e6: {  	v52 =	vadd.s32 $0x118C3, v26;
	v14 =	vadd.f32 v19, v14;
	v38 =	vadd.s32 $0x90C3, v8;
	v22 =	vld.idx.msk [tilespmem:v47+s4+$0x0], $0xffff  }
0x3e7: {  	v60 =	vadd.s32 $0x11D24, v26;
	v53 =	vadd.s32 $0x118E3, v26;
	v11 =	vadd.f32 v11, v17  }
0x3e8: {  	v54 =	vadd.s32 $0x118E4, v26;
	v40 =	vmul.f32 v21, v7;
	v36 =	vmul.f32 v36, v4  }
0x3e9: {  	v23 =	vld.idx.msk [tilespmem:v49+s4+$0x0], $0xffff;
	v56 =	vadd.s32 $0x11D03, v26;
	v37 =	vmul.f32 $3.200000000e+01, v46;
	v41 =	vmul.f32 v29, v3;
	[tilespmem:s13+$0xFFFFFFB0] =	vst v11  }
0x3ea: {  	v58 =	vadd.s32 $0x11D04, v26;
	v24 =	vmul.f32 $3.200000000e+01, v48;
	v39 =	vmul.f32 $3.200000000e+01, v50;
	v18 =	vld.idx.msk [tilespmem:v51+s4+$0x0], $0xffff  }
0x3eb: {  	v26 =	vadd.s32 $0x11D25, v26;
	v48 =	vmul.f32 v22, v1;
	v55 =	vtrunc.f32 v37;
	v21 =	vld.idx.msk [tilespmem:v52+s4+$0x0], $0xffff  }
0x3ec: {  	v25 =	vadd.s32 $0x90A3, v8;
	v57 =	vtrunc.f32 v24;
	v42 =	vcvt.f32.s32 v55;
	v17 =	vld.idx.msk [tilespmem:v53+s4+$0x0], $0xffff  }
0x3ed: {  	v20 =	vadd.s32 $0x90C4, v8;
	v59 =	vtrunc.f32 v39;
	v43 =	vcvt.f32.s32 v57;
	v61 =	vld.idx.msk [tilespmem:v54+s4+$0x0], $0xffff  }
0x3ee: {  	v50 =	vmul.f32 v23, v0;
	v45 =	vcvt.f32.s32 v59;
	v11 =	vld.idx.msk [tilespmem:v56+s4+$0x0], $0xffff;
	vm10 =	vlt.s32 v42, $0x1F  }
0x3ef: {  	v19 =	vadd.f32 v41, v40;
	v44 =	vld.idx.msk [tilespmem:v58+s4+$0x0], $0xffff;
	vm11 =	vlt.s32 v43, $0x1F;
	v42 =	vnsel vm10, $0x1F, v42  }
0x3f0: {  	[tilespmem:$0x1FD10] =	vst v1;
	v46 =	vld.idx.msk [tilespmem:v60+s4+$0x0], $0xffff;
	vm12 =	vlt.s32 v45, $0x1F;
	v62 =	vnsel vm11, $0x1F, v43;
	v1 =	vcvt.s32.f32 v42  }
0x3f1: {  	[tilespmem:$0x1FCF0] =	vst v3;
	v26 =	vld.idx.msk [tilespmem:v26+s4+$0x0], $0xffff;
	v63 =	vnsel vm12, $0x1F, v45;
	v3 =	vmul.u32 $0x21, v62;
	v22 =	vcvt.s32.f32 v62  }
0x3f2: {  	[tilespmem:$0x1FD00] =	vst v4;
	v4 =	vcvt.s32.f32 v63;
	v29 =	vmul.u32 $0x441, v63;
	v37 =	vsub.f32 v37, v1  }
0x3f3: {  	[tilespmem:$0x1FCE0] =	vst v7;
	v7 =	vadd.s32 v42, v3;
	v18 =	vmul.f32 v18, v27;
	v21 =	vmul.f32 v21, v28  }
0x3f4: {  	v22 =	vsub.f32 v24, v22;
	v17 =	vmul.f32 v17, v30;
	v53 =	vmul.f32 v61, v31  }
0x3f5: {  	v42 =	vsub.f32 v39, v4;
	v11 =	vmul.f32 v11, v32;
	v56 =	vmul.f32 v44, v33  }
0x3f6: {  	v34 =	vmul.f32 v46, v34;
	v26 =	vmul.f32 v26, v35;
	v29 =	vadd.s32 v29, v7  }
0x3f7: {  	v25 =	vld.idx.msk [tilespmem:v25+s4+$0x0], $0xffff;
	v23 =	vadd.s32 $0x1, v29;
	v52 =	vadd.s32 $0x21, v29;
	v55 =	vadd.s32 $0x22, v29  }
0x3f8: {  	v54 =	vld.idx.msk [tilespmem:v38+s4+$0x0], $0xffff;
	v57 =	vadd.s32 $0x441, v29;
	v61 =	vsub.f32 $1.000000000e+00, v22;
	v62 =	vsub.f32 $1.000000000e+00, v42  }
0x3f9: {  	v20 =	vld.idx.msk [tilespmem:v20+s4+$0x0], $0xffff;
	v58 =	vadd.s32 $0x442, v29;
	v18 =	vadd.f32 v21, v18;
	v17 =	vadd.f32 v53, v17  }
0x3fa: {  	v59 =	vadd.s32 $0x462, v29;
	v47 =	vmul.f32 v62, v61;
	v51 =	vmul.f32 v42, v61;
	v61 =	vld [tilespmem:s14+$0xFFFFFBC0]  }
0x3fb: {  	v11 =	vadd.f32 v56, v11;
	v60 =	vadd.f32 v26, v34;
	v28 =	vmul.f32 v62, v22;
	v62 =	vld [tilespmem:s14+$0xFFFFFFC0]  }
0x3fc: {  	[tilespmem:$0x1FD30] =	vst v5;
	v43 =	vadd.s32 $0x463, v29;
	v34 =	vmul.f32 v25, v5;
	v45 =	vsub.f32 $1.000000000e+00, v37;
	v35 =	vld.idx.msk [tilespmem:v29+s4+$0x0], $0xffff  }
0x3fd: {  	v44 =	vadd.f32 v17, v18;
	v11 =	vadd.f32 v60, v11;
	v17 =	vmul.f32 v54, v2;
	v39 =	vld.idx.msk [tilespmem:v23+s4+$0x0], $0xffff  }
0x3fe: {  	v18 =	vmul.f32 v20, v6;
	v20 =	vadd.f32 v48, v36;
	v36 =	vadd.f32 v34, v50;
	v63 =	vld.idx.msk [tilespmem:v52+s4+$0x0], $0xffff  }
0x3ff: {  	v25 =	vadd.f32 v11, v44;
	v7 =	vmul.f32 v47, v45;
	v21 =	vmul.f32 v47, v37;
	v31 =	vld.idx.msk [tilespmem:v55+s4+$0x0], $0xffff  }
0x400: {  	v11 =	vadd.f32 v15, v13;
	v27 =	vmul.f32 v28, v45;
	v46 =	vld.idx.msk [tilespmem:v57+s4+$0x0], $0xffff;
	v52 =	vmul.f32 v42, v22  }
0x401: {  	v56 =	vmul.f32 v51, v45;
	v3 =	vmul.f32 v51, v37;
	v15 =	vadd.f32 v9, v10;
	v49 =	vld.idx.msk [tilespmem:v58+s4+$0x0], $0xffff  }
0x402: {  	v17 =	vadd.f32 v18, v17;
	v53 =	vld.idx.msk [tilespmem:v59+s4+$0x0], $0xffff;
	v23 =	vmul.f32 v28, v37;
	v4 =	vmul.f32 v52, v45  }
0x403: {  	v19 =	vadd.f32 v20, v19;
	v54 =	vld.idx.msk [tilespmem:v43+s4+$0x0], $0xffff;
	[tilespmem:s13+$0x3B0] =	vst v25;
	v5 =	vmul.f32 v52, v37;
	v26 =	vmul.f32 $3.200000000e+01, v62  }
0x404: {  	v17 =	vadd.f32 v17, v36;
	v55 =	vld [tilespmem:s14+$0xFFFFFC30];
	v24 =	vmul.f32 $3.200000000e+01, v61;
	v59 =	vmul.f32 v7, v35  }
0x405: {  	v36 =	vadd.f32 v12, v11;
	v57 =	vld [tilespmem:s14+$0x30];
	v51 =	vtrunc.f32 v26;
	v60 =	vmul.f32 v21, v39  }
0x406: {  	v11 =	vadd.s32 $0x118C2, v8;
	v58 =	vld [tilespmem:s14+$0x430];
	v32 =	vmul.f32 v27, v63;
	v31 =	vmul.f32 v23, v31  }
0x407: {  	v12 =	vadd.s32 $0x118C3, v8;
	v30 =	vmul.f32 v56, v46;
	v33 =	vmul.f32 v3, v49;
	v63 =	vld [tilespmem:s14+$0x3C0]  }
0x408: {  	[tilespmem:$0x1FD20] =	vst v0;
	v17 =	vadd.f32 v17, v19;
	v0 =	vmul.f32 v53, v4;
	v1 =	vmul.f32 v54, v5  }
0x409: {  	v49 =	vtrunc.f32 v24;
	v52 =	vcvt.f32.s32 v51;
	v10 =	vadd.f32 v60, v59  }
0x40a: {  	v50 =	vcvt.f32.s32 v49;
	v31 =	vadd.f32 v31, v32;
	v30 =	vadd.f32 v33, v30  }
0x40b: {  	[tilespmem:$0x1FD40] =	vst v2;
	v2 =	vmul.f32 $3.200000000e+01, v55;
	v13 =	vmul.f32 $3.200000000e+01, v57;
	v22 =	vadd.f32 v1, v0  }
0x40c: {  	v9 =	vmul.f32 $3.200000000e+01, v58;
	vm14 =	vlt.s32 v52, $0x1F;
	v48 =	vmul.f32 $3.200000000e+01, v63  }
0x40d: {  	v10 =	vadd.f32 v31, v10;
	v25 =	vtrunc.f32 v2;
	v16 =	vadd.f32 v22, v30  }
0x40e: {  	vm13 =	vlt.s32 v50, $0x1F;
	v54 =	vtrunc.f32 v13;
	v53 =	vtrunc.f32 v48  }
0x40f: {  	v55 =	vtrunc.f32 v9;
	v37 =	vadd.f32 v16, v10;
	v16 =	vcvt.f32.s32 v53  }
0x410: {  	v34 =	vnsel vm13, $0x1F, v50;
	v31 =	vcvt.f32.s32 v25;
	v35 =	vcvt.f32.s32 v54  }
0x411: {  	[tilespmem:$0x1FD50] =	vst v6;
	v39 =	vcvt.f32.s32 v55;
	v10 =	vnsel vm14, $0x1F, v52;
	vm15 =	vlt.s32 v16, $0x1F  }
0x412: {  	v6 =	vmovc v56;
	[tilespmem:$0x1FD90] =	vst v56;
	v62 =	vcvt.s32.f32 v34;
	v57 =	vmul.u32 $0x21, v10;
	v56 =	vnsel vm15, $0x1F, v16  }
0x413: {  	vm4 =	vlt.s32 v31, $0x1F;
	vm5 =	vlt.s32 v35, $0x1F;
	v58 =	vmul.u32 $0x441, v56  }
0x414: {  	vm6 =	vlt.s32 v39, $0x1F;
	v10 =	vcvt.s32.f32 v10;
	v16 =	vadd.s32 v34, v57  }
0x415: {  	v32 =	vsub.f32 v24, v62;
	v31 =	vnsel vm4, $0x1F, v31;
	v16 =	vadd.s32 v58, v16  }
0x416: {  	v35 =	vnsel vm5, $0x1F, v35;
	v39 =	vnsel vm6, $0x1F, v39;
	v60 =	vadd.s32 $0x1, v16  }
0x417: {  	v59 =	vcvt.s32.f32 v31;
	v40 =	vcvt.s32.f32 v56;
	v61 =	vadd.s32 $0x21, v16  }
0x418: {  	v10 =	vsub.f32 v26, v10;
	v1 =	vcvt.s32.f32 v35;
	v63 =	vadd.s32 $0x22, v16  }
0x419: {  	v55 =	vcvt.s32.f32 v39;
	v30 =	vsub.f32 v48, v40;
	v0 =	vadd.s32 $0x441, v16  }
0x41a: {  	v35 =	vmul.u32 $0x21, v35;
	v46 =	vsub.f32 v2, v59;
	v2 =	vadd.s32 $0x442, v16;
	v33 =	vld.idx.msk [tilespmem:v16+s4+$0x0], $0xffff  }
0x41b: {  	v22 =	vsub.f32 $1.000000000e+00, v10;
	v26 =	vadd.s32 $0x462, v16;
	v24 =	vsub.f32 $1.000000000e+00, v30;
	v25 =	vld.idx.msk [tilespmem:v60+s4+$0x0], $0xffff  }
0x41c: {  	v39 =	vmul.u32 $0x441, v39;
	v13 =	vsub.f32 v13, v1;
	v57 =	vadd.s32 $0x463, v16;
	v56 =	vld.idx.msk [tilespmem:v61+s4+$0x0], $0xffff  }
0x41d: {  	v58 =	vsub.f32 $1.000000000e+00, v32;
	v59 =	vmul.f32 v24, v22;
	v60 =	vmul.f32 v24, v10;
	v34 =	vld.idx.msk [tilespmem:v63+s4+$0x0], $0xffff  }
0x41e: {  	v52 =	vsub.f32 v9, v55;
	v61 =	vmul.f32 v30, v22;
	v10 =	vmul.f32 v30, v10;
	v62 =	vld.idx.msk [tilespmem:v0+s4+$0x0], $0xffff  }
0x41f: {  	v31 =	vadd.s32 v31, v35;
	v45 =	vmul.f32 v59, v58;
	v44 =	vmul.f32 v59, v32;
	v63 =	vld.idx.msk [tilespmem:v2+s4+$0x0], $0xffff  }
0x420: {  	v9 =	vsub.f32 $1.000000000e+00, v13;
	v0 =	vld.idx.msk [tilespmem:v26+s4+$0x0], $0xffff;
	v43 =	vmul.f32 v60, v58;
	v38 =	vmul.f32 v60, v32  }
0x421: {  	v1 =	vld.idx.msk [tilespmem:v57+s4+$0x0], $0xffff;
	v22 =	vadd.s32 v39, v31;
	v41 =	vmul.f32 v61, v58;
	v42 =	vmul.f32 v61, v32  }
0x422: {  	v2 =	vadd.s32 $0x1, v22;
	v40 =	vmul.f32 v10, v58;
	v39 =	vmul.f32 v10, v32  }
0x423: {  	v26 =	vadd.s32 $0x21, v22;
	v24 =	vmul.f32 v45, v33;
	v25 =	vmul.f32 v44, v25  }
0x424: {  	v58 =	vadd.s32 $0x22, v22;
	v57 =	vmul.f32 v43, v56;
	v34 =	vmul.f32 v38, v34  }
0x425: {  	v60 =	vadd.s32 $0x441, v22;
	v30 =	vmul.f32 v41, v62;
	v59 =	vmul.f32 v42, v63  }
0x426: {  	v51 =	vmul.f32 v0, v40;
	v35 =	vmul.f32 v1, v39;
	v0 =	vsub.f32 $1.000000000e+00, v46  }
0x427: {  	v61 =	vadd.s32 $0x442, v22;
	v53 =	vld.idx.msk [tilespmem:v22+s4+$0x0], $0xffff;
	v31 =	vadd.f32 v25, v24;
	v62 =	vadd.f32 v34, v57  }
0x428: {  	v63 =	vadd.s32 $0x462, v22;
	v47 =	vld.idx.msk [tilespmem:v2+s4+$0x0], $0xffff;
	v30 =	vadd.f32 v59, v30;
	v2 =	vadd.f32 v35, v51  }
0x429: {  	v25 =	vsub.f32 $1.000000000e+00, v52;
	v51 =	vld.idx.msk [tilespmem:v26+s4+$0x0], $0xffff;
	v26 =	vadd.s32 $0x463, v22;
	v34 =	vadd.s32 $0x8C61, v16  }
0x42a: {  	v48 =	vld.idx.msk [tilespmem:v58+s4+$0x0], $0xffff;
	v35 =	vmul.f32 v52, v9;
	v31 =	vadd.f32 v62, v31;
	v30 =	vadd.f32 v2, v30  }
0x42b: {  	v50 =	vld.idx.msk [tilespmem:v60+s4+$0x0], $0xffff;
	v52 =	vmul.f32 v52, v13;
	v1 =	vmul.f32 v25, v9;
	v2 =	vadd.s32 $0x8C62, v16  }
0x42c: {  	v54 =	vld.idx.msk [tilespmem:v61+s4+$0x0], $0xffff;
	v49 =	vmul.f32 v25, v13;
	v25 =	vadd.s32 $0x8C82, v16;
	v24 =	vadd.f32 v30, v31  }
0x42d: {  	[tilespmem:s13+$0xFFFFFC20] =	vst v37;
	v37 =	vadd.f32 v15, v14;
	v14 =	vadd.s32 $0x118E3, v8;
	v60 =	vadd.s32 $0x8C83, v16;
	v59 =	vld.idx.msk [tilespmem:v63+s4+$0x0], $0xffff  }
0x42e: {  	v62 =	vadd.s32 $0x90A3, v16;
	v32 =	vmul.f32 v52, v0;
	v13 =	vmul.f32 v52, v46;
	v61 =	vld.idx.msk [tilespmem:v26+s4+$0x0], $0xffff;
	[tilespmem:s13+$0xFFFFFBC0] =	vst v24  }
0x42f: {  	v63 =	vadd.s32 $0x90C3, v16;
	v31 =	vmul.f32 v49, v0;
	v33 =	vmul.f32 v49, v46;
	v49 =	vld.idx.msk [tilespmem:v34+s4+$0x0], $0xffff  }
0x430: {  	v10 =	vmul.f32 v1, v0;
	v9 =	vmul.f32 v1, v46;
	v30 =	vadd.s32 $0x8C82, v29;
	v56 =	vld.idx.msk [tilespmem:v2+s4+$0x0], $0xffff  }
0x431: {  	v26 =	vadd.s32 $0x90A2, v16;
	v34 =	vmul.f32 v35, v0;
	v35 =	vmul.f32 v35, v46;
	v46 =	vld.idx.msk [tilespmem:v25+s4+$0x0], $0xffff  }
0x432: {  	v24 =	vadd.s32 $0x90C4, v16;
	v53 =	vmul.f32 v10, v53;
	v47 =	vmul.f32 v9, v47;
	v25 =	vld.idx.msk [tilespmem:v60+s4+$0x0], $0xffff  }
0x433: {  	v55 =	vadd.s32 $0x8C61, v29;
	v51 =	vmul.f32 v31, v51;
	v48 =	vmul.f32 v33, v48;
	v28 =	vld.idx.msk [tilespmem:v62+s4+$0x0], $0xffff  }
0x434: {  	[tilespmem:$0x1FDF0] =	vst v32;
	v60 =	vadd.s32 $0x8C62, v29;
	v0 =	vadd.s32 $0x90A2, v29;
	v47 =	vadd.f32 v47, v53;
	v63 =	vld.idx.msk [tilespmem:v63+s4+$0x0], $0xffff  }
0x435: {  	v2 =	vmovc v32;
	v59 =	vmul.f32 v59, v32;
	v48 =	vadd.f32 v48, v51;
	v32 =	vadd.s32 $0x8C83, v29;
	v62 =	vld.idx.msk [tilespmem:v30+s4+$0x0], $0xffff  }
0x436: {  	[tilespmem:$0x1FE00] =	vst v13;
	v50 =	vmul.f32 v34, v50;
	v30 =	vadd.s32 $0x8C61, v22;
	v57 =	vld.idx.msk [tilespmem:v26+s4+$0x0], $0xffff;
	v26 =	vmul.f32 v35, v54  }
0x437: {  	v1 =	vmovc v13;
	v61 =	vmul.f32 v61, v13;
	v13 =	vadd.s32 $0x90A3, v29;
	v47 =	vadd.f32 v48, v47;
	v52 =	vld.idx.msk [tilespmem:v24+s4+$0x0], $0xffff  }
0x438: {  	v55 =	vld.idx.msk [tilespmem:v55+s4+$0x0], $0xffff;
	v24 =	vadd.s32 $0x90C3, v29;
	v50 =	vadd.f32 v26, v50;
	v49 =	vmul.f32 v49, v45  }
0x439: {  	v59 =	vadd.f32 v61, v59;
	v56 =	vmul.f32 v56, v44;
	v46 =	vmul.f32 v46, v43;
	v58 =	vld.idx.msk [tilespmem:v60+s4+$0x0], $0xffff  }
0x43a: {  	v25 =	vmul.f32 v25, v38;
	v26 =	vadd.s32 $0x90C4, v29;
	v54 =	vmul.f32 v28, v42;
	v48 =	vld.idx.msk [tilespmem:v0+s4+$0x0], $0xffff  }
0x43b: {  	v28 =	vmul.f32 v63, v40;
	v51 =	vld.idx.msk [tilespmem:v32+s4+$0x0], $0xffff;
	v32 =	vadd.s32 $0x8C62, v22;
	v50 =	vadd.f32 v59, v50  }
0x43c: {  	v63 =	vld [tilespmem:s14+$0xFFFFFFD0];
	v49 =	vadd.f32 v56, v49;
	v57 =	vmul.f32 v57, v41;
	v52 =	vmul.f32 v52, v39  }
0x43d: {  	v0 =	vadd.s32 $0x118C2, v16;
	v46 =	vadd.f32 v25, v46;
	v18 =	vld.idx.msk [tilespmem:v13+s4+$0x0], $0xffff;
	v47 =	vadd.f32 v50, v47  }
0x43e: {  	v50 =	vadd.s32 $0x8C82, v22;
	v56 =	vld.idx.msk [tilespmem:v24+s4+$0x0], $0xffff;
	v54 =	vadd.f32 v54, v57;
	v52 =	vadd.f32 v52, v28  }
0x43f: {  	v25 =	vadd.s32 $0x118C3, v16;
	v59 =	vadd.f32 v46, v49;
	v24 =	vld.idx.msk [tilespmem:v26+s4+$0x0], $0xffff;
	v60 =	vmul.f32 v58, v21;
	[tilespmem:s13+$0xFFFFFC30] =	vst v47  }
0x440: {  	[tilespmem:$0x1FD60] =	vst v7;
	v48 =	vmul.f32 v48, v6;
	v6 =	vadd.s32 $0x118E4, v16;
	v26 =	vld.idx.msk [tilespmem:v30+s4+$0x0], $0xffff;
	v61 =	vadd.f32 v52, v54  }
0x441: {  	[tilespmem:$0x1FD70] =	vst v21;
	v21 =	vadd.s32 $0x11D04, v16;
	v51 =	vmul.f32 v51, v23;
	v30 =	vld.idx.msk [tilespmem:v32+s4+$0x0], $0xffff;
	v32 =	vmul.f32 v55, v7  }
0x442: {  	[tilespmem:$0x1FDA0] =	vst v3;
	v7 =	vadd.s32 $0x90A2, v22;
	v18 =	vmul.f32 v18, v3;
	v3 =	vld [tilespmem:s14+$0x3D0];
	v28 =	vadd.f32 v61, v59  }
0x443: {  	[tilespmem:$0x1FDC0] =	vst v5;
	v13 =	vmul.f32 $3.200000000e+01, v63;
	v54 =	vadd.s32 $0x90A3, v22;
	v50 =	vld.idx.msk [tilespmem:v50+s4+$0x0], $0xffff;
	v61 =	vmul.f32 v62, v27  }
0x444: {  	v46 =	vadd.f32 v60, v32;
	v62 =	vmul.f32 v56, v4;
	v20 =	vmul.f32 v24, v5;
	v5 =	vld [tilespmem:s14+$0xFFFFFBD0];
	[tilespmem:s13+$0xFFFFFFC0] =	vst v28  }
0x445: {  	[tilespmem:$0x1FD80] =	vst v23;
	v18 =	vadd.f32 v18, v48;
	v24 =	vtrunc.f32 v13;
	v49 =	vld.idx.msk [tilespmem:v0+s4+$0x0], $0xffff;
	v0 =	vadd.s32 $0x118E3, v16  }
0x446: {  	[tilespmem:$0x1FDB0] =	vst v4;
	v4 =	vadd.s32 $0x8C83, v22;
	v59 =	vcvt.f32.s32 v24;
	v51 =	vadd.f32 v51, v61  }
0x447: {  	v20 =	vadd.f32 v20, v62;
	v52 =	vmul.f32 v26, v10;
	v19 =	vmul.f32 v30, v9;
	v57 =	vld.idx.msk [tilespmem:v7+s4+$0x0], $0xffff  }
0x448: {  	[tilespmem:$0x1FDD0] =	vst v10;
	v10 =	vadd.s32 $0x11D03, v16;
	v62 =	vadd.s32 $0x90C3, v22;
	v47 =	vld.idx.msk [tilespmem:v25+s4+$0x0], $0xffff;
	v23 =	vmul.f32 $3.200000000e+01, v3  }
0x449: {  	v25 =	vadd.s32 $0x11D24, v16;
	v51 =	vadd.f32 v51, v46;
	v46 =	vld.idx.msk [tilespmem:v6+s4+$0x0], $0xffff;
	v55 =	vmul.f32 $3.200000000e+01, v5  }
0x44a: {  	v16 =	vadd.s32 $0x11D25, v16;
	v50 =	vmul.f32 v50, v31;
	v26 =	vtrunc.f32 v23;
	v53 =	vld.idx.msk [tilespmem:v0+s4+$0x0], $0xffff  }
0x44b: {  	vm7 =	vlt.s32 v59, $0x1F;
	v56 =	vld.idx.msk [tilespmem:v21+s4+$0x0], $0xffff;
	v61 =	vcvt.f32.s32 v26;
	v28 =	vtrunc.f32 v55  }
0x44c: {  	v30 =	vnsel vm7, $0x1F, v59;
	v48 =	vld.idx.msk [tilespmem:v4+s4+$0x0], $0xffff;
	v57 =	vmul.f32 v57, v34;
	v63 =	vcvt.f32.s32 v28  }
0x44d: {  	v45 =	vmul.f32 v49, v45;
	vm8 =	vlt.s32 v61, $0x1F;
	v0 =	vmul.u32 $0x21, v30  }
0x44e: {  	v58 =	vld.idx.msk [tilespmem:v10+s4+$0x0], $0xffff;
	v32 =	vnsel vm8, $0x1F, v61;
	v38 =	vmul.f32 v46, v38;
	vm9 =	vlt.s32 v63, $0x1F  }
0x44f: {  	v4 =	vmul.u32 $0x441, v32;
	v3 =	vnsel vm9, $0x1F, v63;
	v43 =	vmul.f32 v53, v43  }
0x450: {  	v44 =	vmul.f32 v47, v44;
	v60 =	vld.idx.msk [tilespmem:v25+s4+$0x0], $0xffff;
	v42 =	vmul.f32 v56, v42;
	v61 =	vadd.s32 v3, v0  }
0x451: {  	v16 =	vld.idx.msk [tilespmem:v16+s4+$0x0], $0xffff;
	v48 =	vmul.f32 v48, v33;
	v43 =	vadd.f32 v38, v43;
	v38 =	vadd.s32 v4, v61  }
0x452: {  	v44 =	vadd.f32 v44, v45;
	v6 =	vcvt.s32.f32 v32;
	v5 =	vadd.s32 $0x1, v38  }
0x453: {  	v41 =	vmul.f32 v58, v41;
	v53 =	vcvt.s32.f32 v30;
	v7 =	vadd.s32 $0x21, v38  }
0x454: {  	[tilespmem:$0x1FDE0] =	vst v9;
	v46 =	vcvt.s32.f32 v3;
	v47 =	vsub.f32 v23, v6;
	v9 =	vadd.s32 $0x22, v38  }
0x455: {  	v40 =	vmul.f32 v60, v40;
	v49 =	vsub.f32 v13, v53;
	v10 =	vadd.s32 $0x441, v38  }
0x456: {  	v16 =	vmul.f32 v16, v39;
	v46 =	vsub.f32 v55, v46;
	v23 =	vadd.s32 $0x442, v38;
	v13 =	vld.idx.msk [tilespmem:v38+s4+$0x0], $0xffff  }
0x457: {  	v25 =	vsub.f32 $1.000000000e+00, v47;
	v28 =	vadd.s32 $0x462, v38;
	v24 =	vsub.f32 $1.000000000e+00, v49;
	v26 =	vld.idx.msk [tilespmem:v5+s4+$0x0], $0xffff  }
0x458: {  	v41 =	vadd.f32 v42, v41;
	v16 =	vadd.f32 v16, v40;
	v63 =	vadd.s32 $0x463, v38;
	v58 =	vld.idx.msk [tilespmem:v7+s4+$0x0], $0xffff  }
0x459: {  	v30 =	vsub.f32 $1.000000000e+00, v46;
	v60 =	vmul.f32 v25, v49;
	v32 =	vmul.f32 v25, v24;
	v59 =	vld.idx.msk [tilespmem:v9+s4+$0x0], $0xffff  }
0x45a: {  	v43 =	vadd.f32 v43, v44;
	v3 =	vmul.f32 v47, v24;
	v47 =	vmul.f32 v47, v49;
	v4 =	vld.idx.msk [tilespmem:v10+s4+$0x0], $0xffff  }
0x45b: {  	v16 =	vadd.f32 v16, v41;
	v41 =	vmul.f32 v60, v30;
	v42 =	vmul.f32 v60, v46;
	v5 =	vld.idx.msk [tilespmem:v23+s4+$0x0], $0xffff  }
0x45c: {  	v18 =	vadd.f32 v20, v18;
	v39 =	vmul.f32 v32, v30;
	v40 =	vmul.f32 v32, v46;
	v6 =	vld.idx.msk [tilespmem:v28+s4+$0x0], $0xffff  }
0x45d: {  	v16 =	vadd.f32 v16, v43;
	v43 =	vmul.f32 v3, v30;
	v44 =	vmul.f32 v3, v46;
	v7 =	vld.idx.msk [tilespmem:v63+s4+$0x0], $0xffff  }
0x45e: {  	v15 =	vadd.s32 $0x118E4, v8;
	v54 =	vld.idx.msk [tilespmem:v54+s4+$0x0], $0xffff;
	v45 =	vmul.f32 v47, v30;
	v46 =	vmul.f32 v47, v46  }
0x45f: {  	v18 =	vadd.f32 v18, v51;
	v13 =	vmul.f32 v39, v13;
	v24 =	vmul.f32 v40, v26  }
0x460: {  	v9 =	vadd.s32 $0x90C4, v22;
	v10 =	vld.idx.msk [tilespmem:v62+s4+$0x0], $0xffff;
	[tilespmem:s13+$0x3C0] =	vst v16;
	v58 =	vmul.f32 v41, v58;
	v59 =	vmul.f32 v42, v59  }
0x461: {  	v51 =	vadd.f32 v19, v52;
	v25 =	vld [tilespmem:s14+$0xFFFFFC40];
	v26 =	vmul.f32 v43, v4;
	v28 =	vmul.f32 v44, v5  }
0x462: {  	v52 =	vadd.f32 v48, v50;
	v30 =	vld [tilespmem:s14+$0x40];
	v20 =	vmul.f32 v6, v45;
	v32 =	vmul.f32 v7, v46  }
0x463: {  	[tilespmem:s13+$0x10] =	vst v17;
	v63 =	vmul.f32 v54, v35;
	v16 =	vadd.f32 v24, v13;
	v3 =	vadd.f32 v59, v58  }
0x464: {  	v0 =	vadd.s32 $0x11D03, v8;
	v50 =	vld.idx.msk [tilespmem:v15+s4+$0x0], $0xffff;
	v19 =	vadd.f32 v28, v26;
	v20 =	vadd.f32 v32, v20  }
0x465: {  	v54 =	vadd.f32 v63, v57;
	v62 =	vld.idx.msk [tilespmem:v9+s4+$0x0], $0xffff;
	v17 =	vmul.f32 v10, v2;
	v7 =	vadd.s32 $0x8C61, v38  }
0x466: {  	v4 =	vld [tilespmem:s14+$0x440];
	v57 =	vmul.f32 $3.200000000e+01, v25;
	v5 =	vadd.f32 v3, v16;
	v6 =	vadd.f32 v20, v19  }
0x467: {  	v47 =	vld.idx.msk [tilespmem:v12+s4+$0x0], $0xffff;
	v12 =	vmul.f32 $3.200000000e+01, v30;
	v25 =	vadd.s32 $0x8C62, v38;
	v58 =	vadd.s32 $0x11D04, v8  }
0x468: {  	v53 =	vld.idx.msk [tilespmem:v11+s4+$0x0], $0xffff;
	v28 =	vadd.s32 $0x8C82, v38;
	v24 =	vtrunc.f32 v57;
	v11 =	vadd.f32 v6, v5  }
0x469: {  	v48 =	vld.idx.msk [tilespmem:v0+s4+$0x0], $0xffff;
	v32 =	vadd.s32 $0x8C83, v38;
	v63 =	vtrunc.f32 v12;
	v26 =	vcvt.f32.s32 v24  }
0x46a: {  	v49 =	vld.idx.msk [tilespmem:v14+s4+$0x0], $0xffff;
	v0 =	vcvt.f32.s32 v63;
	v24 =	vadd.s32 $0x90C3, v38;
	v30 =	vmul.f32 v62, v1;
	[tilespmem:s13+$0xFFFFFBD0] =	vst v11  }
0x46b: {  	v20 =	vmul.f32 $3.200000000e+01, v4;
	v4 =	vadd.s32 $0x90A2, v38;
	vm10 =	vlt.s32 v26, $0x1F;
	v19 =	vld.idx.msk [tilespmem:v7+s4+$0x0], $0xffff  }
0x46c: {  	v5 =	vadd.s32 $0x90A3, v38;
	vm11 =	vlt.s32 v0, $0x1F;
	v14 =	vnsel vm10, $0x1F, v26;
	v62 =	vld.idx.msk [tilespmem:v25+s4+$0x0], $0xffff  }
0x46d: {  	v21 =	vtrunc.f32 v20;
	v63 =	vadd.f32 v30, v17;
	v26 =	vadd.s32 $0x90C4, v38;
	v16 =	vld.idx.msk [tilespmem:v28+s4+$0x0], $0xffff  }
0x46e: {  	v0 =	vnsel vm11, $0x1F, v0;
	v23 =	vcvt.s32.f32 v14;
	v25 =	vcvt.f32.s32 v21;
	v61 =	vld.idx.msk [tilespmem:v32+s4+$0x0], $0xffff  }
0x46f: {  	v28 =	vcvt.s32.f32 v0;
	v0 =	vmul.u32 $0x21, v0;
	v2 =	vld.idx.msk [tilespmem:v24+s4+$0x0], $0xffff;
	v32 =	vadd.s32 $0x118C2, v29  }
0x470: {  	v24 =	vld.idx.msk [tilespmem:v58+s4+$0x0], $0xffff;
	v60 =	vsub.f32 v57, v23;
	v57 =	vadd.s32 $0x11D24, v8;
	vm12 =	vlt.s32 v25, $0x1F  }
0x471: {  	v21 =	vadd.s32 $0x118E3, v29;
	v8 =	vadd.s32 $0x11D25, v8;
	v11 =	vld.idx.msk [tilespmem:v4+s4+$0x0], $0xffff;
	v15 =	vnsel vm12, $0x1F, v25  }
0x472: {  	v23 =	vadd.s32 $0x118E4, v29;
	v59 =	vld.idx.msk [tilespmem:v5+s4+$0x0], $0xffff;
	v30 =	vcvt.s32.f32 v15;
	v15 =	vmul.u32 $0x441, v15  }
0x473: {  	[tilespmem:s13+$0x20] =	vst v18;
	v12 =	vsub.f32 v12, v28;
	v0 =	vadd.s32 v14, v0;
	v5 =	vadd.s32 $0x118C3, v29;
	v4 =	vld.idx.msk [tilespmem:v26+s4+$0x0], $0xffff  }
0x474: {  	v19 =	vmul.f32 v19, v39;
	v58 =	vld.idx.msk [tilespmem:v32+s4+$0x0], $0xffff;
	v1 =	vsub.f32 v20, v30;
	v20 =	vadd.s32 v15, v0  }
0x475: {  	v25 =	vmul.f32 v16, v41;
	v26 =	vmul.f32 v61, v42;
	v56 =	vld.idx.msk [tilespmem:v57+s4+$0x0], $0xffff;
	v28 =	vadd.s32 $0x1, v20  }
0x476: {  	v62 =	vmul.f32 v62, v40;
	v2 =	vmul.f32 v2, v45;
	v57 =	vld.idx.msk [tilespmem:v8+s4+$0x0], $0xffff;
	v32 =	vadd.s32 $0x21, v20  }
0x477: {  	v11 =	vmul.f32 v11, v43;
	v23 =	vld.idx.msk [tilespmem:v23+s4+$0x0], $0xffff;
	v8 =	vadd.f32 v26, v25;
	v25 =	vadd.s32 $0x441, v20  }
0x478: {  	v30 =	vmul.f32 v59, v44;
	v59 =	vld.idx.msk [tilespmem:v5+s4+$0x0], $0xffff;
	v6 =	vadd.s32 $0x463, v20;
	v14 =	vmul.f32 v4, v46  }
0x479: {  	v19 =	vadd.f32 v62, v19;
	v62 =	vld.idx.msk [tilespmem:v21+s4+$0x0], $0xffff;
	v26 =	vsub.f32 $1.000000000e+00, v12;
	v4 =	vadd.s32 $0x22, v20  }
0x47a: {  	v11 =	vadd.f32 v30, v11;
	v2 =	vadd.f32 v14, v2;
	v55 =	vld.idx.msk [tilespmem:v28+s4+$0x0], $0xffff  }
0x47b: {  	v15 =	vadd.s32 $0x11D03, v29;
	v30 =	vadd.s32 $0x442, v20;
	v21 =	vld.idx.msk [tilespmem:v32+s4+$0x0], $0xffff  }
0x47c: {  	v0 =	vsub.f32 $1.000000000e+00, v60;
	v14 =	vmul.f32 v1, v26;
	v2 =	vadd.f32 v2, v11;
	v11 =	vld.idx.msk [tilespmem:v25+s4+$0x0], $0xffff  }
0x47d: {  	v10 =	vadd.s32 $0x118C2, v38;
	v7 =	vadd.s32 $0x462, v20;
	v28 =	vsub.f32 $1.000000000e+00, v1;
	v6 =	vld.idx.msk [tilespmem:v6+s4+$0x0], $0xffff  }
0x47e: {  	v8 =	vadd.f32 v8, v19;
	v1 =	vmul.f32 v1, v12;
	v19 =	vmul.f32 v14, v0;
	v13 =	vld.idx.msk [tilespmem:v4+s4+$0x0], $0xffff  }
0x47f: {  	v9 =	vadd.s32 $0x118C3, v38;
	v32 =	vmul.f32 v28, v26;
	v17 =	vmul.f32 v28, v12;
	v12 =	vld.idx.msk [tilespmem:v20+s4+$0x0], $0xffff  }
0x480: {  	v16 =	vmul.f32 v14, v60;
	v14 =	vadd.s32 $0x118E4, v38;
	v5 =	vadd.f32 v2, v8;
	v18 =	vld.idx.msk [tilespmem:v30+s4+$0x0], $0xffff  }
0x481: {  	v8 =	vadd.s32 $0x11D04, v29;
	v28 =	vld.idx.msk [tilespmem:v15+s4+$0x0], $0xffff;
	v61 =	vmul.f32 v32, v0;
	v26 =	vmul.f32 v32, v60  }
0x482: {  	v30 =	vmul.f32 v17, v0;
	v32 =	vmul.f32 v17, v60;
	v17 =	vld.idx.msk [tilespmem:v7+s4+$0x0], $0xffff;
	[tilespmem:s13+$0xFFFFFFD0] =	vst v5  }
0x483: {  	v7 =	vadd.s32 $0x118E3, v38;
	v0 =	vmul.f32 v1, v0;
	v15 =	vld.idx.msk [tilespmem:v10+s4+$0x0], $0xffff  }
0x484: {  	v60 =	vmul.f32 v1, v60;
	v1 =	vadd.s32 $0x11D24, v38;
	v3 =	vld.idx.msk [tilespmem:v9+s4+$0x0], $0xffff;
	v21 =	vmul.f32 v30, v21  }
0x485: {  	v14 =	vld.idx.msk [tilespmem:v14+s4+$0x0], $0xffff;
	v13 =	vmul.f32 v32, v13;
	v5 =	vmul.f32 v61, v12;
	v12 =	vadd.s32 $0x11D03, v38  }
0x486: {  	[tilespmem:$0x1FE30] =	vst v0;
	v25 =	vld.idx.msk [tilespmem:v8+s4+$0x0], $0xffff;
	v8 =	vmul.f32 v26, v55;
	v55 =	vadd.s32 $0x11D04, v38;
	v10 =	vmul.f32 v16, v18  }
0x487: {  	v18 =	vmovc v16;
	v16 =	vmovc v0;
	v38 =	vadd.s32 $0x11D25, v38;
	v9 =	vmul.f32 v17, v0;
	v0 =	vmul.f32 v6, v60  }
0x488: {  	v11 =	vmul.f32 v19, v11;
	v2 =	vadd.f32 v13, v21;
	v7 =	vld.idx.msk [tilespmem:v7+s4+$0x0], $0xffff  }
0x489: {  	v13 =	vadd.s32 $0x11D24, v29;
	v5 =	vadd.f32 v8, v5;
	v4 =	vadd.f32 v0, v9;
	v0 =	vld.idx.msk [tilespmem:v1+s4+$0x0], $0xffff  }
0x48a: {  	v37 =	vadd.f32 v37, v36;
	v10 =	vadd.f32 v10, v11;
	v9 =	vadd.s32 $0x11D25, v29;
	v11 =	vld.idx.msk [tilespmem:v12+s4+$0x0], $0xffff  }
0x48b: {  	v36 =	vadd.s32 $0x118E3, v22;
	v63 =	vadd.f32 v63, v54;
	v5 =	vadd.f32 v2, v5;
	v29 =	vld.idx.msk [tilespmem:v55+s4+$0x0], $0xffff  }
0x48c: {  	v17 =	vadd.s32 $0x118C2, v22;
	v12 =	vadd.f32 v52, v51;
	v21 =	vld.idx.msk [tilespmem:v38+s4+$0x0], $0xffff;
	v4 =	vadd.f32 v4, v10  }
0x48d: {  	v54 =	vadd.s32 $0x118E4, v22;
	v52 =	vld [tilespmem:$0x1FCE0];
	v55 =	vmul.f32 v15, v39;
	v15 =	vmul.f32 v14, v42  }
0x48e: {  	v12 =	vadd.f32 v63, v12;
	v7 =	vmul.f32 v7, v41;
	v4 =	vadd.f32 v4, v5;
	v5 =	vld.idx.msk [tilespmem:v13+s4+$0x0], $0xffff  }
0x48f: {  	v9 =	vld.idx.msk [tilespmem:v9+s4+$0x0], $0xffff  }
0x490: {  	[tilespmem:s13+$0x30] =	vst v12;
	v1 =	vadd.f32 v15, v7;
	v15 =	vld [tilespmem:$0x1FD10]  }
0x491: {  	v38 =	vld.idx.msk [tilespmem:v17+s4+$0x0], $0xffff  }
0x492: {  	v36 =	vld.idx.msk [tilespmem:v36+s4+$0x0], $0xffff  }
0x493: {  	v10 =	vadd.s32 $0x118C3, v22;
	v6 =	vld.idx.msk [tilespmem:v54+s4+$0x0], $0xffff  }
0x494: {  	[tilespmem:$0x1FE40] =	vst v37;
	v3 =	vmul.f32 v3, v40;
	v40 =	vadd.s32 $0x8C61, v20;
	v37 =	vmul.f32 v53, v52;
	v52 =	vld [tilespmem:$0x1FCF0]  }
0x495: {  	v63 =	vadd.s32 $0x11D03, v22;
	v54 =	vld [tilespmem:$0x1FD00]  }
0x496: {  	v13 =	vadd.s32 $0x8C83, v20;
	v29 =	vmul.f32 v29, v44;
	v44 =	vld [tilespmem:$0x1FD20]  }
0x497: {  	v7 =	vadd.s32 $0x8C82, v20;
	v21 =	vmul.f32 v21, v46;
	v46 =	vld [tilespmem:$0x1FD30]  }
0x498: {  	v17 =	vadd.s32 $0x11D04, v22;
	[tilespmem:s13+$0xFFFFFC40] =	vst v4;
	v10 =	vld.idx.msk [tilespmem:v10+s4+$0x0], $0xffff  }
0x499: {  	v51 =	vadd.s32 $0x8C62, v20;
	v40 =	vld.idx.msk [tilespmem:v40+s4+$0x0], $0xffff  }
0x49a: {  	v12 =	vld.idx.msk [tilespmem:v63+s4+$0x0], $0xffff  }
0x49b: {  	v13 =	vld.idx.msk [tilespmem:v13+s4+$0x0], $0xffff  }
0x49c: {  	v7 =	vld.idx.msk [tilespmem:v7+s4+$0x0], $0xffff  }
0x49d: {  	v0 =	vmul.f32 v0, v45;
	v11 =	vmul.f32 v11, v43;
	v39 =	vld.idx.msk [tilespmem:v17+s4+$0x0], $0xffff  }
0x49e: {  	v3 =	vadd.f32 v3, v55;
	v53 =	vmul.f32 v47, v52;
	v47 =	vmul.f32 v24, v46;
	v24 =	vld.idx.msk [tilespmem:v51+s4+$0x0], $0xffff  }
0x49f: {  	v11 =	vadd.f32 v29, v11;
	v0 =	vadd.f32 v21, v0;
	v45 =	vmul.f32 v48, v44;
	v48 =	vld [tilespmem:$0x1FD40]  }
0x4a0: {  	v63 =	vadd.s32 $0x90A2, v20;
	v17 =	vmul.f32 v50, v15;
	v50 =	vld [tilespmem:$0x1FD50]  }
0x4a1: {  	v1 =	vadd.f32 v1, v3;
	v0 =	vadd.f32 v0, v11;
	v15 =	vld [tilespmem:$0x1FD60]  }
0x4a2: {  	v55 =	vmul.f32 v49, v54;
	v44 =	vld [tilespmem:$0x1FDB0]  }
0x4a3: {  	v0 =	vadd.f32 v0, v1;
	v3 =	vadd.f32 v53, v37;
	v53 =	vld [tilespmem:$0x1FD70]  }
0x4a4: {  	v52 =	vadd.f32 v17, v55;
	v55 =	vld [tilespmem:$0x1FD80]  }
0x4a5: {  	v4 =	vld.idx.msk [tilespmem:v63+s4+$0x0], $0xffff;
	[tilespmem:s13+$0x3D0] =	vst v0  }
0x4a6: {  	v63 =	vld [tilespmem:s14+$0xFFFFFC50]  }
0x4a7: {  	v27 =	vmul.f32 v62, v27;
	v2 =	vmul.f32 v36, v31;
	v46 =	vld [tilespmem:s14+$0x50]  }
0x4a8: {  	v6 =	vmul.f32 v6, v33;
	v51 =	vmul.f32 v57, v50;
	v57 =	vld [tilespmem:$0x1FD90]  }
0x4a9: {  	v8 =	vmul.f32 v12, v34;
	v49 =	vmul.f32 v56, v48;
	v56 =	vadd.f32 v47, v45;
	v45 =	vld [tilespmem:$0x1FDC0]  }
0x4aa: {  	v13 =	vmul.f32 v13, v32;
	v1 =	vadd.f32 v52, v3;
	v52 =	vmul.f32 v40, v61;
	v47 =	vld [tilespmem:$0x1FDD0]  }
0x4ab: {  	v14 =	vmul.f32 v7, v30;
	v17 =	vmul.f32 v58, v15;
	v48 =	vld [tilespmem:$0x1FDE0]  }
0x4ac: {  	v5 =	vmul.f32 v5, v44;
	v50 =	vld [tilespmem:s14+$0xFFFFFFE0];
	v3 =	vmul.f32 v39, v35  }
0x4ad: {  	v24 =	vmul.f32 v24, v26;
	v54 =	vmul.f32 v59, v53;
	v59 =	vld [tilespmem:$0x1FDA0];
	v43 =	vadd.f32 v51, v49  }
0x4ae: {  	v23 =	vmul.f32 v23, v55;
	v49 =	vld [tilespmem:s14+$0x450];
	v37 =	vmul.f32 v4, v19  }
0x4af: {  	v0 =	vadd.f32 v43, v56;
	v56 =	vld [tilespmem:s14+$0x3E0];
	v21 =	vmul.f32 $3.200000000e+01, v63;
	v58 =	vmul.f32 v28, v57  }
0x4b0: {  	v29 =	vadd.f32 v54, v17;
	v9 =	vmul.f32 v9, v45;
	v51 =	vmul.f32 v38, v47  }
0x4b1: {  	v23 =	vadd.f32 v23, v27;
	v10 =	vmul.f32 v10, v48;
	v57 =	vld [tilespmem:s14+$0xFFFFFBE0];
	v47 =	vtrunc.f32 v21  }
0x4b2: {  	v62 =	vmul.f32 v25, v59;
	v25 =	vmul.f32 $3.200000000e+01, v46  }
0x4b3: {  	v63 =	vadd.f32 v23, v29;
	v23 =	vmul.f32 $3.200000000e+01, v49;
	v40 =	vcvt.f32.s32 v47  }
0x4b4: {  	v11 =	vadd.f32 v62, v58;
	v62 =	vmul.f32 $3.200000000e+01, v50;
	v12 =	vmul.f32 $3.200000000e+01, v56  }
0x4b5: {  	v38 =	vadd.f32 v24, v52;
	v48 =	vtrunc.f32 v25;
	v54 =	vtrunc.f32 v23  }
0x4b6: {  	[tilespmem:$0x1FE20] =	vst v19;
	v0 =	vadd.f32 v0, v1;
	v19 =	vmul.f32 $3.200000000e+01, v57;
	v29 =	vcvt.f32.s32 v48  }
0x4b7: {  	v59 =	vadd.f32 v9, v5;
	v55 =	vcvt.f32.s32 v54;
	v41 =	vtrunc.f32 v62  }
0x4b8: {  	v58 =	vadd.s32 $0x90A3, v20;
	v42 =	vtrunc.f32 v12;
	v27 =	vcvt.f32.s32 v41  }
0x4b9: {  	vm6 =	vlt.s32 v40, $0x1F;
	v45 =	vtrunc.f32 v19;
	v46 =	vcvt.f32.s32 v42  }
0x4ba: {  	v4 =	vadd.f32 v59, v11;
	v7 =	vcvt.f32.s32 v45;
	vm13 =	vlt.s32 v27, $0x1F  }
0x4bb: {  	vm4 =	vlt.s32 v29, $0x1F;
	vm14 =	vlt.s32 v46, $0x1F;
	v49 =	vnsel vm13, $0x1F, v27  }
0x4bc: {  	v9 =	vnsel vm14, $0x1F, v46;
	vm15 =	vlt.s32 v7, $0x1F;
	v27 =	vmul.u32 $0x21, v49  }
0x4bd: {  	vm5 =	vlt.s32 v55, $0x1F;
	v7 =	vnsel vm15, $0x1F, v7;
	v50 =	vmul.u32 $0x441, v9  }
0x4be: {  	v43 =	vadd.f32 v4, v63;
	v41 =	vnsel vm4, $0x1F, v29;
	v53 =	vadd.s32 v7, v27  }
0x4bf: {  	v42 =	vnsel vm5, $0x1F, v55;
	v4 =	vadd.f32 v10, v51;
	v27 =	vadd.s32 v50, v53  }
0x4c0: {  	v44 =	vld.idx.msk [tilespmem:v58+s4+$0x0], $0xffff;
	v57 =	vcvt.s32.f32 v49;
	v9 =	vcvt.s32.f32 v9;
	v56 =	vadd.s32 $0x1, v27  }
0x4c1: {  	v45 =	vcvt.s32.f32 v42;
	v7 =	vcvt.s32.f32 v7;
	v58 =	vadd.s32 $0x21, v27  }
0x4c2: {  	v5 =	vsub.f32 v62, v57;
	v9 =	vsub.f32 v12, v9;
	v33 =	vadd.s32 $0x22, v27  }
0x4c3: {  	v42 =	vmul.u32 $0x441, v42;
	v59 =	vadd.s32 $0x441, v27;
	v11 =	vsub.f32 v19, v7  }
0x4c4: {  	[tilespmem:$0x1FE60] =	vst v43;
	v62 =	vadd.s32 $0x442, v27;
	v29 =	vsub.f32 $1.000000000e+00, v5;
	v63 =	vsub.f32 $1.000000000e+00, v9;
	v43 =	vld.idx.msk [tilespmem:v27+s4+$0x0], $0xffff  }
0x4c5: {  	[tilespmem:$0x1FE50] =	vst v0;
	v39 =	vmul.f32 v44, v18;
	v44 =	vcvt.s32.f32 v41;
	v0 =	vadd.s32 $0x462, v27;
	v28 =	vld.idx.msk [tilespmem:v56+s4+$0x0], $0xffff  }
0x4c6: {  	v1 =	vadd.s32 $0x463, v27;
	v19 =	vsub.f32 $1.000000000e+00, v11;
	v53 =	vmul.f32 v63, v29;
	v47 =	vld.idx.msk [tilespmem:v58+s4+$0x0], $0xffff  }
0x4c7: {  	v46 =	vadd.f32 v13, v14;
	v57 =	vmul.f32 v9, v5;
	v54 =	vmul.f32 v63, v5;
	v55 =	vld.idx.msk [tilespmem:v33+s4+$0x0], $0xffff  }
0x4c8: {  	v25 =	vsub.f32 v25, v44;
	v34 =	vmul.f32 v53, v19;
	v35 =	vmul.f32 v53, v11;
	v12 =	vld.idx.msk [tilespmem:v59+s4+$0x0], $0xffff  }
0x4c9: {  	[tilespmem:$0x1FE10] =	vst v30;
	v41 =	vmul.u32 $0x21, v41;
	v36 =	vmul.f32 v54, v19;
	v56 =	vmul.f32 v9, v29;
	v58 =	vld.idx.msk [tilespmem:v62+s4+$0x0], $0xffff  }
0x4ca: {  	v17 =	vmovc v32;
	v32 =	vmul.f32 v57, v19;
	v53 =	vsub.f32 $1.000000000e+00, v25;
	v29 =	vmul.f32 v54, v11;
	v59 =	vld.idx.msk [tilespmem:v0+s4+$0x0], $0xffff  }
0x4cb: {  	v62 =	vld.idx.msk [tilespmem:v1+s4+$0x0], $0xffff;
	v33 =	vmul.f32 v57, v11;
	v30 =	vmul.f32 v56, v19;
	v19 =	vsub.f32 v23, v45  }
0x4cc: {  	v7 =	vadd.s32 $0x90C3, v20;
	v31 =	vmul.f32 v56, v11;
	v63 =	vmul.f32 v34, v43  }
0x4cd: {  	v15 =	vmovc v26;
	v5 =	vadd.f32 v6, v2;
	v26 =	vmul.f32 v19, v53;
	v0 =	vmul.f32 v35, v28  }
0x4ce: {  	v9 =	vadd.s32 $0x90C4, v20;
	v1 =	vmul.f32 v36, v47;
	v2 =	vmul.f32 v29, v55  }
0x4cf: {  	v56 =	vadd.s32 $0x8C61, v27;
	v12 =	vmul.f32 v30, v12;
	v6 =	vmul.f32 v31, v58  }
0x4d0: {  	v54 =	vsub.f32 $1.000000000e+00, v19;
	v44 =	vmul.f32 v59, v32;
	v10 =	vmul.f32 v62, v33  }
0x4d1: {  	v57 =	vld [tilespmem:s14+$0x3F0];
	v49 =	vmul.f32 v19, v25;
	v11 =	vadd.f32 v0, v63;
	v45 =	vadd.f32 v2, v1  }
0x4d2: {  	v19 =	vadd.s32 $0x90A3, v27;
	v55 =	vld [tilespmem:s14+$0xFFFFFFF0];
	v6 =	vadd.f32 v6, v12;
	v10 =	vadd.f32 v10, v44  }
0x4d3: {  	v28 =	vadd.f32 v39, v37;
	v47 =	vnsel vm6, $0x1F, v40;
	v58 =	vadd.s32 $0x8C62, v27;
	v59 =	vld [tilespmem:s14+$0xFFFFFBF0]  }
0x4d4: {  	v62 =	vadd.s32 $0x8C82, v27;
	v11 =	vadd.f32 v45, v11;
	v6 =	vadd.f32 v10, v6  }
0x4d5: {  	v9 =	vld.idx.msk [tilespmem:v9+s4+$0x0], $0xffff;
	v52 =	vcvt.s32.f32 v47;
	v23 =	vmul.f32 v54, v25;
	v14 =	vadd.s32 v47, v41  }
0x4d6: {  	v63 =	vadd.s32 $0x8C83, v27;
	v0 =	vmul.f32 $3.200000000e+01, v57;
	v6 =	vadd.f32 v6, v11  }
0x4d7: {  	v1 =	vadd.s32 $0x90A2, v27;
	v10 =	vmul.f32 v54, v53;
	v24 =	vmul.f32 $3.200000000e+01, v55  }
0x4d8: {  	v48 =	vsub.f32 v21, v52;
	v40 =	vtrunc.f32 v0;
	v21 =	vmul.f32 $3.200000000e+01, v59;
	[tilespmem:s13+$0xFFFFFBE0] =	vst v6  }
0x4d9: {  	v57 =	vadd.s32 $0x90C4, v27;
	v40 =	vcvt.f32.s32 v40;
	v2 =	vtrunc.f32 v24;
	v13 =	vld.idx.msk [tilespmem:v56+s4+$0x0], $0xffff  }
0x4da: {  	v55 =	vadd.s32 $0x90C3, v27;
	v9 =	vmul.f32 v9, v60;
	v37 =	vcvt.f32.s32 v2;
	v12 =	vld.idx.msk [tilespmem:v58+s4+$0x0], $0xffff  }
0x4db: {  	vm8 =	vlt.s32 v40, $0x1F;
	v6 =	vadd.s32 v42, v14;
	v11 =	vld.idx.msk [tilespmem:v62+s4+$0x0], $0xffff;
	v56 =	vtrunc.f32 v21  }
0x4dc: {  	v40 =	vnsel vm8, $0x1F, v40;
	v54 =	vld.idx.msk [tilespmem:v63+s4+$0x0], $0xffff;
	v43 =	vcvt.f32.s32 v56;
	vm7 =	vlt.s32 v37, $0x1F  }
0x4dd: {  	v25 =	vld.idx.msk [tilespmem:v1+s4+$0x0], $0xffff;
	v59 =	vmul.u32 $0x441, v40;
	v40 =	vcvt.s32.f32 v40;
	v58 =	vnsel vm7, $0x1F, v37  }
0x4de: {  	v50 =	vadd.s32 $0x1, v6;
	vm9 =	vlt.s32 v43, $0x1F;
	v37 =	vmul.u32 $0x21, v58  }
0x4df: {  	v51 =	vadd.s32 $0x21, v6;
	v39 =	vld.idx.msk [tilespmem:v19+s4+$0x0], $0xffff;
	v14 =	vsub.f32 v0, v40;
	v43 =	vnsel vm9, $0x1F, v43  }
0x4e0: {  	v42 =	vld.idx.msk [tilespmem:v55+s4+$0x0], $0xffff;
	v1 =	vcvt.s32.f32 v58;
	v13 =	vmul.f32 v13, v34;
	v37 =	vadd.s32 v43, v37  }
0x4e1: {  	v12 =	vmul.f32 v12, v35;
	v11 =	vmul.f32 v11, v36;
	v37 =	vadd.s32 v59, v37  }
0x4e2: {  	v41 =	vmul.f32 v54, v29;
	v25 =	vmul.f32 v25, v30;
	v62 =	vadd.s32 $0x1, v37  }
0x4e3: {  	v63 =	vld.idx.msk [tilespmem:v57+s4+$0x0], $0xffff;
	v43 =	vcvt.s32.f32 v43;
	v24 =	vsub.f32 v24, v1;
	v2 =	vadd.s32 $0x21, v37  }
0x4e4: {  	v39 =	vmul.f32 v39, v31;
	v1 =	vsub.f32 $1.000000000e+00, v14;
	v47 =	vadd.s32 $0x22, v37  }
0x4e5: {  	v42 =	vmul.f32 v42, v32;
	v59 =	vadd.s32 $0x22, v6;
	v19 =	vadd.s32 $0x441, v37  }
0x4e6: {  	v12 =	vadd.f32 v12, v13;
	v21 =	vsub.f32 v21, v43;
	v0 =	vadd.s32 $0x442, v37;
	v52 =	vld.idx.msk [tilespmem:v37+s4+$0x0], $0xffff  }
0x4e7: {  	v44 =	vsub.f32 $1.000000000e+00, v24;
	v54 =	vadd.s32 $0x462, v37;
	v53 =	vmul.f32 v1, v24;
	v13 =	vld.idx.msk [tilespmem:v62+s4+$0x0], $0xffff  }
0x4e8: {  	v11 =	vadd.f32 v41, v11;
	v41 =	vmul.f32 v63, v33;
	v56 =	vadd.s32 $0x463, v37;
	v55 =	vld.idx.msk [tilespmem:v2+s4+$0x0], $0xffff  }
0x4e9: {  	v57 =	vsub.f32 $1.000000000e+00, v21;
	v43 =	vmul.f32 v53, v21;
	v2 =	vmul.f32 v1, v44;
	v58 =	vld.idx.msk [tilespmem:v47+s4+$0x0], $0xffff  }
0x4ea: {  	v25 =	vadd.f32 v39, v25;
	v62 =	vmul.f32 v14, v44;
	v14 =	vmul.f32 v14, v24;
	v24 =	vld.idx.msk [tilespmem:v19+s4+$0x0], $0xffff  }
0x4eb: {  	v11 =	vadd.f32 v11, v12;
	v45 =	vmul.f32 v53, v57;
	v63 =	vld.idx.msk [tilespmem:v0+s4+$0x0], $0xffff;
	v19 =	vadd.f32 v41, v42  }
0x4ec: {  	v53 =	vld.idx.msk [tilespmem:v54+s4+$0x0], $0xffff;
	v54 =	vadd.s32 $0x441, v6;
	v47 =	vmul.f32 v2, v57;
	v44 =	vmul.f32 v2, v21  }
0x4ed: {  	v12 =	vld.idx.msk [tilespmem:v56+s4+$0x0], $0xffff;
	v56 =	vadd.s32 $0x462, v6;
	v39 =	vmul.f32 v62, v57;
	v40 =	vmul.f32 v62, v21  }
0x4ee: {  	v41 =	vmul.f32 v14, v57;
	v42 =	vmul.f32 v14, v21;
	v21 =	vadd.s32 $0x442, v6  }
0x4ef: {  	v50 =	vld.idx.msk [tilespmem:v50+s4+$0x0], $0xffff;
	v0 =	vadd.f32 v19, v25;
	v57 =	vmul.f32 v47, v52;
	v13 =	vmul.f32 v44, v13  }
0x4f0: {  	v51 =	vld.idx.msk [tilespmem:v51+s4+$0x0], $0xffff;
	v52 =	vadd.s32 $0x463, v6;
	v19 =	vmul.f32 v45, v55;
	v62 =	vmul.f32 v43, v58  }
0x4f1: {  	v14 =	vld.idx.msk [tilespmem:v7+s4+$0x0], $0xffff;
	v0 =	vadd.f32 v0, v11;
	v1 =	vmul.f32 v39, v24;
	v2 =	vmul.f32 v40, v63  }
0x4f2: {  	v55 =	vld.idx.msk [tilespmem:v6+s4+$0x0], $0xffff;
	v53 =	vmul.f32 v53, v41;
	v12 =	vmul.f32 v12, v42;
	v7 =	vadd.f32 v13, v57  }
0x4f3: {  	v58 =	vld.idx.msk [tilespmem:v59+s4+$0x0], $0xffff;
	v63 =	vadd.s32 $0x118E3, v27;
	v25 =	vadd.f32 v62, v19;
	v13 =	vadd.f32 v2, v1  }
0x4f4: {  	v54 =	vld.idx.msk [tilespmem:v54+s4+$0x0], $0xffff;
	v57 =	vsub.f32 $1.000000000e+00, v48;
	v12 =	vadd.f32 v12, v53;
	v53 =	vadd.s32 $0x118C2, v27  }
0x4f5: {  	v24 =	vmul.f32 v10, v48;
	v19 =	vadd.s32 $0x118C3, v27;
	v21 =	vld.idx.msk [tilespmem:v21+s4+$0x0], $0xffff;
	v1 =	vadd.s32 $0x11D25, v27  }
0x4f6: {  	v62 =	vadd.f32 v25, v7;
	v7 =	vmul.f32 v10, v57;
	v13 =	vadd.f32 v12, v13;
	v10 =	vld.idx.msk [tilespmem:v56+s4+$0x0], $0xffff  }
0x4f7: {  	[tilespmem:s13+$0xFFFFFFE0] =	vst v0;
	v11 =	vmul.f32 v23, v57;
	v56 =	vadd.s32 $0x118E4, v27;
	v25 =	vmul.f32 v23, v48;
	v2 =	vld.idx.msk [tilespmem:v52+s4+$0x0], $0xffff  }
0x4f8: {  	v23 =	vmul.f32 v26, v57;
	v12 =	vmul.f32 v49, v57;
	v57 =	vadd.s32 $0x11D04, v27;
	v63 =	vld.idx.msk [tilespmem:v63+s4+$0x0], $0xffff  }
0x4f9: {  	v50 =	vmul.f32 v24, v50;
	v52 =	vadd.s32 $0x11D03, v27;
	v26 =	vmul.f32 v26, v48;
	v53 =	vld.idx.msk [tilespmem:v53+s4+$0x0], $0xffff  }
0x4fa: {  	v55 =	vmul.f32 v7, v55;
	v51 =	vmul.f32 v11, v51;
	v59 =	vld.idx.msk [tilespmem:v19+s4+$0x0], $0xffff;
	v19 =	vadd.s32 $0x11D24, v27  }
0x4fb: {  	v58 =	vmul.f32 v25, v58;
	v13 =	vadd.f32 v13, v62;
	v62 =	vadd.s32 $0x90A2, v37;
	v1 =	vld.idx.msk [tilespmem:v1+s4+$0x0], $0xffff  }
0x4fc: {  	v27 =	vmul.f32 v49, v48;
	v48 =	vadd.f32 v50, v55;
	v50 =	vadd.s32 $0x8C61, v37;
	v49 =	vld.idx.msk [tilespmem:v56+s4+$0x0], $0xffff  }
0x4fd: {  	v54 =	vmul.f32 v23, v54;
	v21 =	vmul.f32 v26, v21;
	v56 =	vld.idx.msk [tilespmem:v57+s4+$0x0], $0xffff;
	v57 =	vadd.s32 $0x8C82, v37  }
0x4fe: {  	v55 =	vadd.s32 $0x8C62, v37;
	v52 =	vld.idx.msk [tilespmem:v52+s4+$0x0], $0xffff;
	v10 =	vmul.f32 v10, v12;
	v2 =	vmul.f32 v2, v27  }
0x4ff: {  	v51 =	vadd.f32 v58, v51;
	v58 =	vadd.s32 $0x8C83, v37;
	[tilespmem:s13+$0xFFFFFBF0] =	vst v13;
	v0 =	vld.idx.msk [tilespmem:v19+s4+$0x0], $0xffff;
	v19 =	vmul.f32 v14, v16  }
0x500: {  	v21 =	vadd.f32 v21, v54;
	v2 =	vadd.f32 v2, v10;
	v16 =	vadd.s32 $0x90A3, v37;
	v14 =	vld.idx.msk [tilespmem:v62+s4+$0x0], $0xffff  }
0x501: {  	v10 =	vld.idx.msk [tilespmem:v50+s4+$0x0], $0xffff;
	v9 =	vadd.f32 v9, v19;
	v19 =	vadd.s32 $0x90C3, v37  }
0x502: {  	v13 =	vadd.f32 v46, v38;
	v2 =	vadd.f32 v2, v21;
	v21 =	vld.idx.msk [tilespmem:v57+s4+$0x0], $0xffff;
	v57 =	vadd.s32 $0x90C4, v37  }
0x503: {  	v48 =	vadd.f32 v51, v48;
	v35 =	vmul.f32 v59, v35;
	v59 =	vadd.s32 $0x11D24, v22;
	v38 =	vld.idx.msk [tilespmem:v55+s4+$0x0], $0xffff  }
0x504: {  	v36 =	vmul.f32 v63, v36;
	v34 =	vmul.f32 v53, v34;
	v22 =	vadd.s32 $0x11D25, v22;
	v58 =	vld.idx.msk [tilespmem:v58+s4+$0x0], $0xffff  }
0x505: {  	v63 =	vadd.s32 $0x8C61, v6;
	v1 =	vmul.f32 v1, v33;
	v29 =	vmul.f32 v49, v29;
	v62 =	vld.idx.msk [tilespmem:v16+s4+$0x0], $0xffff  }
0x506: {  	v51 =	vadd.s32 $0x8C82, v6;
	v30 =	vmul.f32 v52, v30;
	v31 =	vmul.f32 v56, v31;
	v16 =	vld.idx.msk [tilespmem:v19+s4+$0x0], $0xffff  }
0x507: {  	v34 =	vadd.f32 v35, v34;
	v2 =	vadd.f32 v2, v48;
	v0 =	vmul.f32 v0, v32;
	v19 =	vld.idx.msk [tilespmem:v57+s4+$0x0], $0xffff  }
0x508: {  	v52 =	vadd.s32 $0x8C62, v6;
	v29 =	vadd.f32 v29, v36;
	v30 =	vadd.f32 v31, v30;
	v50 =	vld.idx.msk [tilespmem:v59+s4+$0x0], $0xffff  }
0x509: {  	v22 =	vld.idx.msk [tilespmem:v22+s4+$0x0], $0xffff;
	v14 =	vmul.f32 v14, v39;
	v10 =	vmul.f32 v10, v47;
	v0 =	vadd.f32 v1, v0  }
0x50a: {  	[tilespmem:s13+$0xFFFFFC50] =	vst v2;
	v54 =	vadd.f32 v29, v34;
	v55 =	vmul.f32 v38, v44;
	v56 =	vmul.f32 v58, v43  }
0x50b: {  	v63 =	vld.idx.msk [tilespmem:v63+s4+$0x0], $0xffff;
	v21 =	vmul.f32 v21, v45;
	v0 =	vadd.f32 v0, v30;
	v57 =	vmul.f32 v62, v40  }
0x50c: {  	v2 =	vld.idx.msk [tilespmem:v51+s4+$0x0], $0xffff;
	v10 =	vadd.f32 v55, v10;
	v58 =	vmul.f32 v16, v41;
	v59 =	vmul.f32 v19, v42  }
0x50d: {  	v21 =	vadd.f32 v56, v21;
	v62 =	vld [tilespmem:$0x1FDF0];
	v0 =	vadd.f32 v0, v54  }
0x50e: {  	v53 =	vadd.s32 $0x90A2, v6;
	v16 =	vld.idx.msk [tilespmem:v52+s4+$0x0], $0xffff;
	v14 =	vadd.f32 v57, v14;
	v1 =	vadd.f32 v59, v58  }
0x50f: {  	v46 =	vadd.s32 $0x118E3, v20;
	v19 =	vadd.s32 $0x8C83, v6;
	v52 =	vld [tilespmem:$0x1FE00];
	[tilespmem:s13+$0x3E0] =	vst v0  }
0x510: {  	v10 =	vadd.f32 v21, v10;
	v54 =	vadd.s32 $0x118C2, v37;
	v0 =	vld [tilespmem:s14+$0xFFFFFC60];
	v1 =	vadd.f32 v1, v14  }
0x511: {  	v33 =	vadd.s32 $0x90A3, v6;
	v9 =	vadd.f32 v9, v28;
	v56 =	vadd.s32 $0x118C3, v37;
	v55 =	vld [tilespmem:s14+$0x60]  }
0x512: {  	v49 =	vadd.s32 $0x118C3, v20;
	v57 =	vld [tilespmem:s14+$0x460];
	v58 =	vadd.s32 $0x118E3, v37;
	v1 =	vadd.f32 v1, v10  }
0x513: {  	v48 =	vadd.s32 $0x118E4, v20;
	v35 =	vadd.f32 v9, v13;
	v9 =	vld.idx.msk [tilespmem:v53+s4+$0x0], $0xffff;
	v59 =	vadd.s32 $0x118E4, v37  }
0x514: {  	v31 =	vmul.f32 v63, v7;
	v32 =	vmul.f32 v50, v62;
	v62 =	vadd.s32 $0x11D03, v37;
	v28 =	vld.idx.msk [tilespmem:v19+s4+$0x0], $0xffff;
	[tilespmem:s13+$0xFFFFFFF0] =	vst v1  }
0x515: {  	v51 =	vadd.s32 $0x11D04, v37;
	v2 =	vmul.f32 v2, v11;
	v34 =	vmul.f32 v22, v52;
	v13 =	vld.idx.msk [tilespmem:v54+s4+$0x0], $0xffff  }
0x516: {  	v63 =	vadd.s32 $0x11D24, v37;
	v0 =	vmul.f32 $3.200000000e+01, v0;
	v14 =	vmul.f32 $3.200000000e+01, v55;
	v21 =	vld.idx.msk [tilespmem:v56+s4+$0x0], $0xffff  }
0x517: {  	v37 =	vadd.s32 $0x11D25, v37;
	v29 =	vmul.f32 v16, v24;
	v22 =	vmul.f32 $3.200000000e+01, v57;
	v10 =	vld.idx.msk [tilespmem:v58+s4+$0x0], $0xffff  }
0x518: {  	v36 =	vadd.s32 $0x11D04, v20;
	v16 =	vtrunc.f32 v0;
	v19 =	vtrunc.f32 v14;
	v30 =	vld.idx.msk [tilespmem:v59+s4+$0x0], $0xffff  }
0x519: {  	v38 =	vadd.s32 $0x11D03, v20;
	v1 =	vld.idx.msk [tilespmem:v62+s4+$0x0], $0xffff;
	v62 =	vtrunc.f32 v22;
	v53 =	vcvt.f32.s32 v16  }
0x51a: {  	v29 =	vadd.f32 v29, v31;
	v51 =	vld.idx.msk [tilespmem:v51+s4+$0x0], $0xffff;
	v55 =	vcvt.f32.s32 v19;
	v57 =	vcvt.f32.s32 v62  }
0x51b: {  	v54 =	vadd.s32 $0x90C3, v6;
	v56 =	vadd.s32 $0x90C4, v6;
	v52 =	vld.idx.msk [tilespmem:v63+s4+$0x0], $0xffff;
	v28 =	vmul.f32 v28, v25  }
0x51c: {  	v37 =	vld.idx.msk [tilespmem:v37+s4+$0x0], $0xffff;
	vm10 =	vlt.s32 v53, $0x1F;
	vm11 =	vlt.s32 v55, $0x1F;
	vm12 =	vlt.s32 v57, $0x1F  }
0x51d: {  	v55 =	vnsel vm11, $0x1F, v55;
	v13 =	vmul.f32 v13, v47;
	v21 =	vmul.f32 v21, v44  }
0x51e: {  	v57 =	vnsel vm12, $0x1F, v57;
	v58 =	vcvt.s32.f32 v55;
	v10 =	vmul.f32 v10, v45  }
0x51f: {  	v2 =	vadd.f32 v28, v2;
	v30 =	vmul.f32 v30, v43;
	v63 =	vcvt.s32.f32 v57  }
0x520: {  	v16 =	vld.idx.msk [tilespmem:v33+s4+$0x0], $0xffff;
	v53 =	vnsel vm10, $0x1F, v53;
	v1 =	vmul.f32 v1, v39;
	v19 =	vmul.f32 v51, v40  }
0x521: {  	v51 =	vld.idx.msk [tilespmem:v54+s4+$0x0], $0xffff;
	v54 =	vmul.u32 $0x21, v55;
	v55 =	vmul.f32 v52, v41;
	v37 =	vmul.f32 v37, v42  }
0x522: {  	v57 =	vmul.u32 $0x441, v57;
	v13 =	vadd.f32 v21, v13;
	v10 =	vadd.f32 v30, v10  }
0x523: {  	v59 =	vadd.s32 v53, v54;
	v1 =	vadd.f32 v19, v1;
	v62 =	vadd.f32 v37, v55  }
0x524: {  	v47 =	vcvt.s32.f32 v53;
	v56 =	vld.idx.msk [tilespmem:v56+s4+$0x0], $0xffff;
	v14 =	vsub.f32 v14, v58;
	v33 =	vadd.s32 v57, v59  }
0x525: {  	v9 =	vmul.f32 v9, v23;
	v10 =	vadd.f32 v10, v13;
	v1 =	vadd.f32 v62, v1  }
0x526: {  	v22 =	vsub.f32 v22, v63;
	v63 =	vmul.f32 v16, v26;
	v0 =	vsub.f32 v0, v47  }
0x527: {  	v50 =	vadd.s32 $0x118C2, v20;
	v19 =	vsub.f32 $1.000000000e+00, v14;
	v1 =	vadd.f32 v1, v10  }
0x528: {  	v52 =	vsub.f32 $1.000000000e+00, v22;
	v21 =	vadd.f32 v63, v9;
	v55 =	vadd.s32 $0x21, v33  }
0x529: {  	v44 =	vadd.s32 $0x11D24, v20;
	v16 =	vmul.f32 v51, v12;
	v51 =	vmul.f32 v56, v27;
	v40 =	vld.idx.msk [tilespmem:v33+s4+$0x0], $0xffff;
	[tilespmem:s13+$0x3F0] =	vst v1  }
0x52a: {  	v53 =	vsub.f32 $1.000000000e+00, v0;
	v59 =	vmul.f32 v52, v19;
	v62 =	vmul.f32 v52, v14;
	v54 =	vld [tilespmem:s14+$0x70]  }
0x52b: {  	v63 =	vmul.f32 v22, v19;
	v39 =	vadd.f32 v51, v16;
	v16 =	vadd.s32 $0x1, v33;
	v56 =	vld [tilespmem:s14+$0x470]  }
0x52c: {  	v57 =	vadd.s32 $0x22, v33;
	v14 =	vmul.f32 v22, v14;
	v10 =	vmul.f32 v59, v53;
	v58 =	vld [tilespmem:s14+$0xFFFFFC70]  }
0x52d: {  	v30 =	vmul.f32 v59, v0;
	v13 =	vmul.f32 v62, v53;
	v59 =	vadd.s32 $0x441, v33;
	v22 =	vld.idx.msk [tilespmem:v55+s4+$0x0], $0xffff  }
0x52e: {  	v45 =	vadd.s32 $0x11D25, v20;
	v31 =	vmul.f32 v62, v0;
	v20 =	vmul.f32 v63, v53  }
0x52f: {  	v28 =	vmul.f32 v63, v0;
	v9 =	vmul.f32 v14, v53;
	v62 =	vadd.s32 $0x442, v33  }
0x530: {  	v2 =	vadd.f32 v2, v29;
	v29 =	vmul.f32 v14, v0;
	v63 =	vld.idx.msk [tilespmem:v16+s4+$0x0], $0xffff;
	v40 =	vmul.f32 v10, v40  }
0x531: {  	v19 =	vld.idx.msk [tilespmem:v57+s4+$0x0], $0xffff;
	v16 =	vadd.s32 $0x462, v33;
	v14 =	vmul.f32 $3.200000000e+01, v54;
	v41 =	vmul.f32 $3.200000000e+01, v56  }
0x532: {  	v21 =	vadd.f32 v39, v21;
	v1 =	vld.idx.msk [tilespmem:v59+s4+$0x0], $0xffff;
	v42 =	vmul.f32 $3.200000000e+01, v58;
	v22 =	vmul.f32 v13, v22  }
0x533: {  	v57 =	vadd.s32 $0x463, v33;
	v56 =	vtrunc.f32 v14;
	v58 =	vtrunc.f32 v41  }
0x534: {  	v59 =	vld.idx.msk [tilespmem:v62+s4+$0x0], $0xffff;
	v62 =	vtrunc.f32 v42;
	v43 =	vcvt.f32.s32 v56  }
0x535: {  	v2 =	vadd.f32 v21, v2;
	v52 =	vcvt.f32.s32 v58;
	v0 =	vmul.f32 v30, v63  }
0x536: {  	v51 =	vcvt.f32.s32 v62;
	v37 =	vld.idx.msk [tilespmem:v16+s4+$0x0], $0xffff;
	v16 =	vmul.f32 v31, v19;
	vm13 =	vlt.s32 v43, $0x1F  }
0x537: {  	v1 =	vmul.f32 v20, v1;
	vm14 =	vlt.s32 v52, $0x1F;
	v43 =	vnsel vm13, $0x1F, v43  }
0x538: {  	v47 =	vld.idx.msk [tilespmem:v57+s4+$0x0], $0xffff;
	vm15 =	vlt.s32 v51, $0x1F;
	v52 =	vnsel vm14, $0x1F, v52;
	v63 =	vmul.u32 $0x21, v43  }
0x539: {  	[tilespmem:s13+$0x40] =	vst v35;
	v21 =	vmul.f32 v28, v59;
	v19 =	vnsel vm15, $0x1F, v51;
	v56 =	vmul.u32 $0x441, v52  }
0x53a: {  	v49 =	vld.idx.msk [tilespmem:v49+s4+$0x0], $0xffff;
	v0 =	vadd.f32 v0, v40;
	v53 =	vadd.s32 v19, v63  }
0x53b: {  	v46 =	vld.idx.msk [tilespmem:v46+s4+$0x0], $0xffff;
	v22 =	vadd.f32 v16, v22;
	v1 =	vadd.f32 v21, v1;
	v35 =	vadd.s32 v56, v53  }
0x53c: {  	v48 =	vld.idx.msk [tilespmem:v48+s4+$0x0], $0xffff;
	v59 =	vcvt.s32.f32 v43;
	v62 =	vcvt.s32.f32 v52;
	v58 =	vadd.s32 $0x1, v35  }
0x53d: {  	[tilespmem:s13+$0x50] =	vst v2;
	v2 =	vld.idx.msk [tilespmem:v45+s4+$0x0], $0xffff;
	v57 =	vmul.f32 v37, v9;
	v63 =	vmul.f32 v47, v29;
	v51 =	vadd.s32 $0x21, v35  }
0x53e: {  	v14 =	vsub.f32 v14, v59;
	v53 =	vld.idx.msk [tilespmem:v36+s4+$0x0], $0xffff;
	v36 =	vsub.f32 v41, v62;
	v16 =	vadd.s32 $0x22, v35  }
0x53f: {  	v52 =	vld.idx.msk [tilespmem:v38+s4+$0x0], $0xffff;
	v39 =	vcvt.s32.f32 v19;
	v40 =	vadd.s32 $0x441, v35;
	v21 =	vadd.f32 v63, v57  }
0x540: {  	v38 =	vadd.s32 $0x442, v35;
	v19 =	vsub.f32 $1.000000000e+00, v14;
	v41 =	vsub.f32 $1.000000000e+00, v36;
	v54 =	vld.idx.msk [tilespmem:v35+s4+$0x0], $0xffff  }
0x541: {  	v0 =	vadd.f32 v22, v0;
	v43 =	vsub.f32 v42, v39;
	v62 =	vadd.s32 $0x462, v35;
	v55 =	vld.idx.msk [tilespmem:v58+s4+$0x0], $0xffff  }
0x542: {  	v22 =	vadd.s32 $0x463, v35;
	v1 =	vadd.f32 v21, v1;
	v63 =	vmul.f32 v41, v19;
	v21 =	vld.idx.msk [tilespmem:v51+s4+$0x0], $0xffff  }
0x543: {  	v41 =	vmul.f32 v41, v14;
	v14 =	vmul.f32 v36, v14;
	v51 =	vsub.f32 $1.000000000e+00, v43;
	v47 =	vld.idx.msk [tilespmem:v16+s4+$0x0], $0xffff  }
0x544: {  	v56 =	vadd.s32 $0x118C2, v6;
	v16 =	vmul.f32 v36, v19;
	v58 =	vld.idx.msk [tilespmem:v40+s4+$0x0], $0xffff;
	v37 =	vmul.f32 v63, v43  }
0x545: {  	v0 =	vadd.f32 v1, v0;
	v1 =	vld.idx.msk [tilespmem:v38+s4+$0x0], $0xffff;
	v39 =	vmul.f32 v41, v43;
	v36 =	vmul.f32 v63, v51  }
0x546: {  	v19 =	vadd.s32 $0x8C61, v33;
	v62 =	vld.idx.msk [tilespmem:v62+s4+$0x0], $0xffff;
	v38 =	vmul.f32 v41, v51;
	v40 =	vmul.f32 v16, v51  }
0x547: {  	v22 =	vld.idx.msk [tilespmem:v22+s4+$0x0], $0xffff;
	v41 =	vmul.f32 v16, v43;
	v63 =	vadd.s32 $0x8C62, v33;
	v42 =	vmul.f32 v14, v51  }
0x548: {  	v43 =	vmul.f32 v14, v43;
	v14 =	vld.idx.msk [tilespmem:v44+s4+$0x0], $0xffff;
	v44 =	vadd.s32 $0x8C82, v33;
	v45 =	vmul.f32 v36, v54  }
0x549: {  	v50 =	vld.idx.msk [tilespmem:v50+s4+$0x0], $0xffff;
	v16 =	vadd.s32 $0x90A2, v33;
	v51 =	vmul.f32 v37, v55;
	v21 =	vmul.f32 v38, v21  }
0x54a: {  	[tilespmem:s13+$0xFFFFFC60] =	vst v0;
	v0 =	vld.idx.msk [tilespmem:v56+s4+$0x0], $0xffff;
	v54 =	vadd.s32 $0x8C83, v33;
	v47 =	vmul.f32 v39, v47;
	v58 =	vmul.f32 v40, v58  }
0x54b: {  	v56 =	vld.idx.msk [tilespmem:v19+s4+$0x0], $0xffff;
	v1 =	vmul.f32 v41, v1;
	v19 =	vadd.s32 $0x90A3, v33;
	v62 =	vmul.f32 v62, v42  }
0x54c: {  	v22 =	vmul.f32 v22, v43;
	v57 =	vld.idx.msk [tilespmem:v63+s4+$0x0], $0xffff;
	v63 =	vadd.s32 $0x90C3, v33;
	v45 =	vadd.f32 v51, v45  }
0x54d: {  	v21 =	vadd.f32 v47, v21;
	v44 =	vld.idx.msk [tilespmem:v44+s4+$0x0], $0xffff;
	v47 =	vadd.s32 $0x90C4, v33;
	v1 =	vadd.f32 v1, v58  }
0x54e: {  	v22 =	vadd.f32 v22, v62;
	v62 =	vadd.f32 v34, v32;
	v32 =	vld.idx.msk [tilespmem:v16+s4+$0x0], $0xffff;
	v34 =	vadd.s32 $0x118E3, v6  }
0x54f: {  	v3 =	vadd.f32 v3, v8;
	v51 =	vld.idx.msk [tilespmem:v54+s4+$0x0], $0xffff;
	v54 =	vadd.s32 $0x118C3, v6  }
0x550: {  	v58 =	vadd.s32 $0x8C61, v35;
	v21 =	vadd.f32 v21, v45;
	v1 =	vadd.f32 v22, v1;
	v45 =	vld.idx.msk [tilespmem:v19+s4+$0x0], $0xffff  }
0x551: {  	v4 =	vadd.f32 v5, v4;
	v59 =	vmul.f32 v49, v15;
	v55 =	vadd.s32 $0x8C62, v35;
	v49 =	vld.idx.msk [tilespmem:v63+s4+$0x0], $0xffff  }
0x552: {  	v50 =	vmul.f32 v50, v61;
	v61 =	vadd.s32 $0x8C82, v35;
	v1 =	vadd.f32 v1, v21;
	v5 =	vld.idx.msk [tilespmem:v47+s4+$0x0], $0xffff  }
0x553: {  	v34 =	vld.idx.msk [tilespmem:v34+s4+$0x0], $0xffff  }
0x554: {  	v3 =	vadd.f32 v62, v3;
	v62 =	vadd.s32 $0x8C83, v35;
	[tilespmem:s13+$0xFFFFFC70] =	vst v1;
	v19 =	vld.idx.msk [tilespmem:v54+s4+$0x0], $0xffff  }
0x555: {  	v16 =	vadd.s32 $0x90A2, v35;
	v22 =	vld.idx.msk [tilespmem:v58+s4+$0x0], $0xffff  }
0x556: {  	v63 =	vmul.f32 v56, v10;
	v56 =	vadd.s32 $0x90A3, v35;
	v55 =	vld.idx.msk [tilespmem:v55+s4+$0x0], $0xffff  }
0x557: {  	v8 =	vadd.f32 v59, v50;
	v59 =	vadd.s32 $0x118E4, v6;
	v15 =	vmul.f32 v57, v30;
	v21 =	vld.idx.msk [tilespmem:v61+s4+$0x0], $0xffff  }
0x558: {  	v44 =	vmul.f32 v44, v13;
	v57 =	vadd.s32 $0x90C3, v35;
	v51 =	vmul.f32 v51, v31;
	v61 =	vld [tilespmem:$0x1FE10]  }
0x559: {  	v17 =	vmul.f32 v48, v17;
	v32 =	vmul.f32 v32, v20;
	v47 =	vld.idx.msk [tilespmem:v62+s4+$0x0], $0xffff  }
0x55a: {  	v58 =	vadd.s32 $0x90C4, v35;
	v50 =	vadd.f32 v15, v63;
	v1 =	vld.idx.msk [tilespmem:v16+s4+$0x0], $0xffff;
	v44 =	vadd.f32 v51, v44  }
0x55b: {  	v54 =	vadd.s32 $0x11D03, v6;
	v49 =	vmul.f32 v49, v9;
	v5 =	vmul.f32 v5, v29;
	v48 =	vld.idx.msk [tilespmem:v56+s4+$0x0], $0xffff  }
0x55c: {  	v63 =	vadd.s32 $0x11D04, v6;
	v45 =	vmul.f32 v45, v28;
	v44 =	vadd.f32 v44, v50;
	v50 =	vld.idx.msk [tilespmem:v59+s4+$0x0], $0xffff  }
0x55d: {  	v56 =	vadd.s32 $0x11D24, v6;
	v5 =	vadd.f32 v5, v49;
	v62 =	vmul.f32 v46, v61;
	v49 =	vld.idx.msk [tilespmem:v57+s4+$0x0], $0xffff  }
0x55e: {  	v32 =	vadd.f32 v45, v32;
	v6 =	vadd.s32 $0x11D25, v6;
	v57 =	vld [tilespmem:$0x1FE20]  }
0x55f: {  	v59 =	vadd.s32 $0x118C2, v33;
	v61 =	vadd.s32 $0x118C3, v33;
	v16 =	vadd.f32 v17, v62;
	v17 =	vld.idx.msk [tilespmem:v58+s4+$0x0], $0xffff  }
0x560: {  	v45 =	vld.idx.msk [tilespmem:v54+s4+$0x0], $0xffff;
	v22 =	vmul.f32 v22, v36;
	v21 =	vmul.f32 v21, v38;
	v5 =	vadd.f32 v5, v32  }
0x561: {  	v46 =	vld.idx.msk [tilespmem:v63+s4+$0x0], $0xffff;
	v63 =	vadd.s32 $0x118E3, v33;
	v47 =	vmul.f32 v47, v39;
	v62 =	vmul.f32 v55, v37  }
0x562: {  	v1 =	vmul.f32 v1, v40;
	v58 =	vadd.s32 $0x11D03, v33;
	v32 =	vld.idx.msk [tilespmem:v56+s4+$0x0], $0xffff;
	v5 =	vadd.f32 v5, v44  }
0x563: {  	v48 =	vmul.f32 v48, v41;
	v6 =	vld.idx.msk [tilespmem:v6+s4+$0x0], $0xffff;
	v22 =	vadd.f32 v62, v22;
	v15 =	vmul.f32 v52, v57  }
0x564: {  	v62 =	vld [tilespmem:$0x1FE30];
	v57 =	vadd.s32 $0x118E4, v33;
	v49 =	vmul.f32 v49, v42;
	[tilespmem:s13+$0x60] =	vst v5;
	v17 =	vmul.f32 v17, v43  }
0x565: {  	v21 =	vadd.f32 v47, v21;
	v44 =	vld.idx.msk [tilespmem:v59+s4+$0x0], $0xffff;
	v59 =	vadd.s32 $0x11D04, v33  }
0x566: {  	v1 =	vadd.f32 v48, v1;
	v48 =	vld.idx.msk [tilespmem:v61+s4+$0x0], $0xffff;
	v61 =	vadd.s32 $0x11D24, v33;
	v17 =	vadd.f32 v17, v49  }
0x567: {  	v2 =	vmul.f32 v2, v60;
	v51 =	vld.idx.msk [tilespmem:v63+s4+$0x0], $0xffff;
	v33 =	vadd.s32 $0x11D25, v33  }
0x568: {  	v21 =	vadd.f32 v21, v22;
	v63 =	vadd.s32 $0x118C2, v35;
	v5 =	vld.idx.msk [tilespmem:v58+s4+$0x0], $0xffff;
	v1 =	vadd.f32 v17, v1  }
0x569: {  	v18 =	vmul.f32 v53, v18;
	v0 =	vmul.f32 v0, v7;
	v52 =	vadd.s32 $0x118C3, v35;
	v22 =	vld.idx.msk [tilespmem:v57+s4+$0x0], $0xffff  }
0x56a: {  	v3 =	vadd.f32 v3, v4;
	v54 =	vadd.s32 $0x118E3, v35;
	v53 =	vld.idx.msk [tilespmem:v59+s4+$0x0], $0xffff;
	v1 =	vadd.f32 v1, v21  }
0x56b: {  	v11 =	vmul.f32 v34, v11;
	v56 =	vadd.s32 $0x118E4, v35;
	v8 =	vadd.f32 v16, v8;
	v55 =	vld.idx.msk [tilespmem:v61+s4+$0x0], $0xffff  }
0x56c: {  	v12 =	vmul.f32 v32, v12;
	v32 =	vadd.s32 $0x11D25, v35;
	v14 =	vmul.f32 v14, v62;
	v58 =	vld.idx.msk [tilespmem:v33+s4+$0x0], $0xffff;
	[tilespmem:s13+$0x70] =	vst v1  }
0x56d: {  	v60 =	vmul.f32 v50, v25;
	v6 =	vmul.f32 v6, v27;
	v59 =	vadd.s32 $0x11D03, v35;
	v17 =	vld.idx.msk [tilespmem:v63+s4+$0x0], $0xffff  }
0x56e: {  	v57 =	vmul.f32 v19, v24;
	v2 =	vadd.f32 v2, v14;
	v61 =	vadd.s32 $0x11D04, v35;
	v14 =	vld.idx.msk [tilespmem:v52+s4+$0x0], $0xffff  }
0x56f: {  	v23 =	vmul.f32 v45, v23;
	v15 =	vadd.f32 v18, v15;
	v63 =	vadd.s32 $0x11D24, v35;
	v18 =	vld.idx.msk [tilespmem:v54+s4+$0x0], $0xffff  }
0x570: {  	v62 =	vmul.f32 v46, v26;
	v6 =	vadd.f32 v6, v12;
	v0 =	vadd.f32 v57, v0;
	v34 =	vld.idx.msk [tilespmem:v56+s4+$0x0], $0xffff  }
0x571: {  	v33 =	vadd.f32 v60, v11;
	v45 =	vmul.f32 v44, v10;
	v46 =	vmul.f32 v48, v30;
	v50 =	vld.idx.msk [tilespmem:v32+s4+$0x0], $0xffff  }
0x572: {  	v13 =	vmul.f32 v51, v13;
	v5 =	vmul.f32 v5, v20;
	v2 =	vadd.f32 v2, v15;
	v1 =	vld.idx.msk [tilespmem:v59+s4+$0x0], $0xffff  }
0x573: {  	v0 =	vadd.f32 v33, v0;
	v7 =	vadd.f32 v46, v45;
	v48 =	vmul.f32 v22, v31;
	v47 =	vld.idx.msk [tilespmem:v61+s4+$0x0], $0xffff  }
0x574: {  	v2 =	vadd.f32 v2, v8;
	v35 =	vadd.f32 v62, v23;
	v4 =	vmul.f32 v53, v28;
	v49 =	vld.idx.msk [tilespmem:v63+s4+$0x0], $0xffff  }
0x575: {  	v51 =	vmul.f32 v55, v9;
	v52 =	vmul.f32 v58, v29;
	v13 =	vadd.f32 v48, v13  }
0x576: {  	v57 =	vld [tilespmem:$0x1FE40];
	v6 =	vadd.f32 v6, v35;
	v53 =	vmul.f32 v17, v36;
	v14 =	vmul.f32 v14, v37  }
0x577: {  	v60 =	vld [tilespmem:$0x1FE60];
	v4 =	vadd.f32 v4, v5;
	v54 =	vmul.f32 v18, v38;
	v11 =	vmul.f32 v34, v39  }
0x578: {  	v0 =	vadd.f32 v6, v0;
	v8 =	vmul.f32 v50, v43;
	v1 =	vmul.f32 v1, v40  }
0x579: {  	v58 =	vld [tilespmem:$0x1FE50];
	v6 =	vadd.f32 v52, v51;
	v55 =	vmul.f32 v47, v41;
	v56 =	vmul.f32 v49, v42  }
0x57a: {  	[tilespmem:s13+$0x430] =	vst v3;
	v10 =	vadd.f32 v14, v53;
	v11 =	vadd.f32 v11, v54  }
0x57b: {  	s3 =	sadd.s32 $0x8, s3;
	[tilespmem:s13+$0x400] =	vst v57;
	v1 =	vadd.f32 v55, v1;
	v59 =	vadd.f32 v8, v56  }
0x57c: {  	p0 =	slt.u32 s3, $0x18;
	[tilespmem:s13+$0x420] =	vst v60;
	v7 =	vadd.f32 v13, v7;
	v4 =	vadd.f32 v6, v4  }
.Ltmp1:
0x57d: {  	[tilespmem:s13+$0x440] =	vst v2;
	v61 =	vadd.f32 v11, v10;
	v1 =	vadd.f32 v59, v1;
	(pc) =	sbr.rel @p0 .LBB2_5-.Ltmp1, $4  }
0x57e: {  	[tilespmem:s13+$0x410] =	vst v58;
	v62 =	vadd.f32 v4, v7  }
0x57f: {  	[tilespmem:s13+$0x450] =	vst v0;
	v63 =	vadd.f32 v1, v61  }
0x580: {  	[tilespmem:s13+$0x460] =	vst v62  }
0x581: {  	s14 =	sadd.s32 $0x100, s14;
	[tilespmem:s13+$0x470] =	vst v63;
	s13 =	sadd.s32 $0x100, s13  }
0x582: {  	s3 =	sadd.s32 s2, s20;
	p0 =	sne.s32 s12, $0x20  }
0x583: {  	[hbm4b:s3+s16] =	stream.strided.scatter [tilespmem:s30], [sflag:$0x4], $0x400, s17, s16, $0x38;
	[tilespmem:$0x1D580] =	vst v63  }
.Ltmp2:
0x584: {  	_ = 	snop;
	(pc) =	sbr.rel @p0 .LBB2_2-.Ltmp2, $4  }
0x585: {  	s20 =	sadd.s32 s2, s6  }
0x586: {  	[hbm4b:s20+s16] =	stream.strided.scatter [tilespmem:s31], [sflag:$0x4], $0x400, s17, s16, $0x38;
	[tilespmem:$0x1D580] =	vst v63  }
0x587: {  	s21 =	sadd.s32 s2, s11  }
0x588: {  	[hbm4b:s21+s16] =	stream.strided.scatter [tilespmem:s0], [sflag:$0x4], $0x400, s17, s16, $0x38;
	[tilespmem:$0x1D580] =	vst v63  }
0x589: {  	s3 =	simm.s32 $0x3  }
0x58a: {  	_ =	swait.ge [sflag:s3], $0x400  }
0x58b: {  	[sflag:s3] =	ssyncset.done $0x0  }
0x58c: {  	[sflag:s3] =	ssyncadd.s32 $0xFFFFFC00  }
0x58d: {  	_ =	swait.ge [sflag:s3], $0x400  }
0x58e: {  	[sflag:s3] =	ssyncset.done $0x0  }
0x58f: {  	[sflag:s3] =	ssyncadd.s32 $0xFFFFFC00  }
0x590: {  	_ =	swait.ge [sflag:s3], $0x400  }
0x591: {  	[sflag:s3] =	ssyncset.done $0x0  }
0x592: {  	s6 =	simm.s32 $0x4;
	[sflag:s3] =	ssyncadd.s32 $0xFFFFFC00  }
0x593: {  	_ =	swait.ge [sflag:s6], $0x400  }
0x594: {  	[sflag:s6] =	ssyncset.done $0x0  }
0x595: {  	[sflag:s6] =	ssyncadd.s32 $0xFFFFFC00  }
0x596: {  	_ =	swait.ge [sflag:s6], $0x400  }
0x597: {  	[sflag:s6] =	ssyncset.done $0x0  }
0x598: {  	[sflag:s6] =	ssyncadd.s32 $0xFFFFFC00  }
0x599: {  	_ =	swait.ge [sflag:s6], $0x400  }
0x59a: {  	s11 =	rddreg [dreg:$0x9]  }
0x59b: {  	s21 =	rddreg [dreg:$0x8];
	s11 =	sadd.s32 $0x1, s11  }
0x59c: {  	p0 =	sne.s32 s11, s21  }
.Ltmp3:
0x59d: {  	_ = 	snop;
	(pc) =	sbr.rel @p0 .LBB2_1-.Ltmp3, $3  }
0x59e: {  	_ =	sdelay $0x1  }
0x59f: {  	[sflag:s6] =	ssyncset.done $0x0  }
0x5a0: {  	[sflag:s6] =	ssyncadd.s32 $0xFFFFFC00  }
0x5a1: {  	_ =	sfence.sel $0x180000  }
0x5a2: {  	[bflag:$0x0] =	sbarrier.arrive $0xFFFF  }
0x5a3: {  	_ =	strace $0x90000047  }
0x5a4: {  	s0 =	stileid.u32;
	[bflag:$0x2] =	sbarrier.arrive $0xFFFF  }
0x5a5: {  	p0 =	sne.s32 s0, $0x0;
	s0 =	rddreg [dreg:$0x3]  }
0x5a6: {  	s0 =	sadd.s32 @!p0 $0x100000, s0  }
0x5a7: {  	[sflag:s0] =	ssyncadd.tile.s32 @!p0 $0x1;
	_ =	shalt  }
.Lfunc_end2:
_tile_overlayer_lowered:
.L_overlay_start_2:
0x5a8: {  	(tag) =	ssettag $0x2  }
0x5a9: {  	s0 =	rddreg [dreg:$0x0];
	s2 =	stileid.u32  }
0x5aa: {  	s1 =	rddreg [dreg:$0x1];
	p0 =	sne.s32 s2, $0x0  }
0x5ab: {  	s3 =	rddreg [dreg:$0x2];
	[bflag:$0x3] =	sbarrier.arrive $0xFFFF;
	s2 =	simm.s32 @!p0 $0x1C05  }
0x5ac: {  	[timem:s3], [sflag:s2] =	dma.local @!p0 [hbm:s0], s1  }
0x5ad: {  	s0 =	simm.s32 @!p0 $0x5  }
0x5ae: {  	_ =	swait.ge @!p0 [sflag:s0], s1  }
0x5af: {  	s1 =	ssub.s32 @!p0 $0x0, s1;
	[sflag:s0] =	ssyncset.done @!p0 $0x0  }
0x5b0: {  	[sflag:s0] =	ssyncadd.s32 @!p0 s1  }
0x5b1: {  	[bflag:$0x3] =	sbarrier.arrive $0xFFFF  }
0x5b2: {  	_ =	shalt  }

</sc_bundles>
